<compile_context>
chip_gen: v7x
topology: tpu7x:2x2x1
jax: 0.10.2.dev20260603
libtpu: 0.0.44.dev20260713+nightly
codegen_flags: <defaults>
</compile_context>

<pallas_src>
import functools

import jax
import jax.numpy as jnp
from jax import lax
from jax.experimental import pallas as pl
from jax.experimental.pallas import tpu as pltpu
from jax.experimental.pallas import tpu_sc as plsc

NUM_PIXELS = 1000 * 1000
C = 64
EMBED_DIM = 128
N_IDX = 16384

_info = plsc.get_sparse_core_info()
NC, NS = _info.num_cores, _info.num_subcores
NW = NC * NS
BPW = N_IDX // NW
HALF = BPW // 2


def _sc_gather(table3, o_idx, d_idx):
    mesh = plsc.VectorSubcoreMesh(core_axis_name="c", subcore_axis_name="s")

    @functools.partial(
        pl.kernel,
        mesh=mesh,
        compiler_params=pltpu.CompilerParams(use_tc_tiling_on_sc=False),
        out_type=[
            jax.ShapeDtypeStruct((N_IDX, C), jnp.float32),
            jax.ShapeDtypeStruct((N_IDX, C), jnp.float32),
        ],
        scratch_types=[
            pltpu.VMEM((BPW,), jnp.int32),
            pltpu.VMEM((BPW,), jnp.int32),
            pltpu.VMEM((HALF, C), jnp.float32),
            pltpu.VMEM((HALF, C), jnp.float32),
            pltpu.SemaphoreType.DMA,
            pltpu.SemaphoreType.DMA,
        ],
    )
    def k(table_h, o_idx_h, d_idx_h, o_out_h, d_out_h,
          o_idx_s, d_idx_s, buf0, buf1, sem0, sem1):
        wid = lax.axis_index("s") * NC + lax.axis_index("c")
        base = wid * BPW
        pltpu.sync_copy(o_idx_h.at[pl.ds(base, BPW)], o_idx_s)
        pltpu.sync_copy(d_idx_h.at[pl.ds(base, BPW)], d_idx_s)

        bufs = (buf0, buf1)
        sems = (sem0, sem1)
        jobs = [(o_idx_s, o_out_h, 0), (o_idx_s, o_out_h, HALF),
                (d_idx_s, d_out_h, 0), (d_idx_s, d_out_h, HALF)]

        def fire(j, slot):
            idx_s, _, off = jobs[j]
            buf, sem = bufs[slot], sems[slot]

            def body(g, carry):
                vec = idx_s[pl.ds(off + g * 16, 16)]
                for lane in range(16):
                    row = vec[lane]
                    pltpu.async_copy(
                        table_h.at[row // 8, pl.ds(row % 8, 1)],
                        buf.at[pl.ds(g * 16 + lane, 1)], sem)
                return carry

            lax.fori_loop(0, HALF // 16, body, 0)

        def drain(slot):
            pltpu.make_async_copy(o_out_h.at[pl.ds(0, HALF)],
                                  bufs[slot], sems[slot]).wait()

        fire(0, 0)
        fire(1, 1)
        for j in range(len(jobs)):
            slot = j % 2
            drain(slot)
            _, out_h, off = jobs[j]
            pltpu.sync_copy(bufs[slot], out_h.at[pl.ds(base + off, HALF)])
            if j + 2 < len(jobs):
                fire(j + 2, slot)

    return k(table3, o_idx, d_idx)


def _tc_mlp(o_rows, d_rows, W, b2):
    Br = 1024
    grid = (N_IDX // Br,)

    def body(o_ref, d_ref, w_ref, b_ref, oo_ref, do_ref):
        w = w_ref[...]
        bb = b_ref[...]
        oo_ref[...] = jnp.maximum(
            jnp.dot(o_ref[...], w, preferred_element_type=jnp.float32) + bb, 0.0)
        do_ref[...] = jnp.maximum(
            jnp.dot(d_ref[...], w, preferred_element_type=jnp.float32) + bb, 0.0)

    return pl.pallas_call(
        body,
        grid=grid,
        in_specs=[
            pl.BlockSpec((Br, C), lambda i: (i, 0)),
            pl.BlockSpec((Br, C), lambda i: (i, 0)),
            pl.BlockSpec((C, EMBED_DIM), lambda i: (0, 0)),
            pl.BlockSpec((1, EMBED_DIM), lambda i: (0, 0)),
        ],
        out_specs=[
            pl.BlockSpec((Br, EMBED_DIM), lambda i: (i, 0)),
            pl.BlockSpec((Br, EMBED_DIM), lambda i: (i, 0)),
        ],
        out_shape=[
            jax.ShapeDtypeStruct((N_IDX, EMBED_DIM), jnp.float32),
            jax.ShapeDtypeStruct((N_IDX, EMBED_DIM), jnp.float32),
        ],
    )(o_rows, d_rows, W, b2)


@jax.jit
def _impl(grid_features, W, b, o_indices, d_indices):
    table3 = grid_features.reshape(NUM_PIXELS // 8, 8, C)
    o_rows, d_rows = _sc_gather(table3, o_indices, d_indices)
    return _tc_mlp(o_rows, d_rows, W, b.reshape(1, EMBED_DIM))


def kernel(grid_features, W, b, o_indices, d_indices):
    return _impl(grid_features, W, b, o_indices, d_indices)

# --- scband reference (transcript-rebuilt; emitter-appended) ---
"""Pipeline reference for scband-pixel-embedding-40303973106204 (READ-ONLY COPY).

The authoritative reference and input builder live on the scoring server;
editing this copy changes nothing except your own understanding.
"""

import jax, jax.numpy as jnp
import numpy as np

NUM_PIXELS = 1000 * 1000  # H * W
C = 64
EMBED_DIM = 128
N_IDX = 16384


def setup_inputs(seed: int = 0) -> dict:
    key = jax.random.key(seed)
    k1, k2, k3, k4, k5 = jax.random.split(key, 5)
    grid_features = jax.random.normal(k1, (NUM_PIXELS, C), dtype=jnp.float32)
    o_indices = jax.random.randint(k2, (N_IDX,), 0, NUM_PIXELS, dtype=jnp.int64 if jax.config.jax_enable_x64 else jnp.int32).astype(jnp.int32)
    d_indices = jax.random.randint(k3, (N_IDX,), 0, NUM_PIXELS, dtype=jnp.int64 if jax.config.jax_enable_x64 else jnp.int32).astype(jnp.int32)
    W = jax.random.normal(k4, (C, EMBED_DIM), dtype=jnp.float32) * (1.0 / np.sqrt(C))
    b = jnp.zeros((EMBED_DIM,), dtype=jnp.float32)
    return {"grid_features": grid_features, "W": W, "b": b,
            "o_indices": o_indices, "d_indices": d_indices}


def reference(grid_features, W, b, o_indices, d_indices):
    # Faithful core computation of PixelEmbedding.call:
    #   raw_features = tf.gather(reshape(grid_features, [-1, C]), indices)
    #   pixel_embeddings = Dense(embedding_dim, relu)(raw_features)
    # Gathering union then selecting o/d positions is mathematically identical
    # to gathering o and d rows directly, then applying the shared Dense MLP.
    o_raw = jnp.take(grid_features, o_indices, axis=0)          # (N, C) gather
    d_raw = jnp.take(grid_features, d_indices, axis=0)          # (N, C) gather
    o_emb = jax.nn.relu(o_raw @ W + b)                          # (N, D)
    d_emb = jax.nn.relu(d_raw @ W + b)                          # (N, D)
    return (o_emb, d_emb)

if __name__ == "__main__":
    import jax
    _d = setup_inputs()
    print(jax.jit(kernel)(*tuple(_d.values())))

</pallas_src>

<mosaic_0001>
#map = affine_map<(d0, d1) -> (0, 0, 0)>
#map1 = affine_map<(d0, d1) -> (0)>
#map2 = affine_map<(d0, d1) -> (0, 0)>
module attributes {stable_mosaic.version = 14 : i64} {
  func.func @k(%arg0: i32, %arg1: i32, %arg2: memref<125000x8x64xf32, #tpu.memory_space<hbm>>, %arg3: memref<16384xi32, #tpu.memory_space<hbm>>, %arg4: memref<16384xi32, #tpu.memory_space<hbm>>, %arg5: memref<16384x64xf32, #tpu.memory_space<hbm>>, %arg6: memref<16384x64xf32, #tpu.memory_space<hbm>>, %arg7: memref<512xi32, #tpu.memory_space<vmem>>, %arg8: memref<512xi32, #tpu.memory_space<vmem>>, %arg9: memref<256x64xf32, #tpu.memory_space<vmem>>, %arg10: memref<256x64xf32, #tpu.memory_space<vmem>>, %arg11: memref<!tpu.dma_semaphore, #tpu.memory_space<semaphore_mem>>, %arg12: memref<!tpu.dma_semaphore, #tpu.memory_space<semaphore_mem>>) attributes {dimension_semantics = [#tpu.dimension_semantics<core_parallel>, #tpu.dimension_semantics<subcore_parallel>], iteration_bounds = array<i64: 2, 16>, scalar_prefetch = 0 : i64, scratch_operands = 6 : i64, tpu.core_type = #tpu.core_type<sc_vector_subcore>, window_params = [{transform_indices = #map}, {transform_indices = #map1}, {transform_indices = #map1}, {transform_indices = #map2}, {transform_indices = #map2}]} {
    %mul3A = arith.constant 2 : i32
    %mul3A_0 = arith.muli %arg1, %mul3A : i32
    %add3A = arith.addi %mul3A_0, %arg0 : i32
    %mul3A_1 = arith.constant 512 : i32
    %mul3A_2 = arith.muli %add3A, %mul3A_1 : i32
    "tpu.region"() ({
      %run_scoped3A = tpu.sem_alloc : memref<!tpu.dma_semaphore, #tpu.memory_space<semaphore_mem>>
      %dma_start3A = tpu.memref_slice %arg3[%mul3A_2] : memref<16384xi32, #tpu.memory_space<hbm>> -> memref<512xi32, #tpu.memory_space<hbm>>
      %dma_start3A_57 = tpu.memref_slice %arg3[%mul3A_2] : memref<16384xi32, #tpu.memory_space<hbm>> -> memref<512xi32, #tpu.memory_space<hbm>>
      tpu.enqueue_dma source(%dma_start3A_57 : memref<512xi32, #tpu.memory_space<hbm>>) target(%arg7 : memref<512xi32, #tpu.memory_space<vmem>>) target_semaphore(%run_scoped3A : memref<!tpu.dma_semaphore, #tpu.memory_space<semaphore_mem>>)
      %dma_wait3A_58 = tpu.memref_slice %arg3[%mul3A_2] : memref<16384xi32, #tpu.memory_space<hbm>> -> memref<512xi32, #tpu.memory_space<hbm>>
      %dma_wait3A_59 = tpu.memref_slice %arg3[%mul3A_2] : memref<16384xi32, #tpu.memory_space<hbm>> -> memref<512xi32, #tpu.memory_space<hbm>>
      tpu.wait_dma2 semaphore(%run_scoped3A : memref<!tpu.dma_semaphore, #tpu.memory_space<semaphore_mem>>) src(%dma_wait3A_59 : memref<512xi32, #tpu.memory_space<hbm>>) dst(%arg7 : memref<512xi32, #tpu.memory_space<vmem>>)
      tpu.yield
    }) : () -> ()
    "tpu.region"() ({
      %run_scoped3A = tpu.sem_alloc : memref<!tpu.dma_semaphore, #tpu.memory_space<semaphore_mem>>
      %dma_start3A = tpu.memref_slice %arg4[%mul3A_2] : memref<16384xi32, #tpu.memory_space<hbm>> -> memref<512xi32, #tpu.memory_space<hbm>>
      %dma_start3A_57 = tpu.memref_slice %arg4[%mul3A_2] : memref<16384xi32, #tpu.memory_space<hbm>> -> memref<512xi32, #tpu.memory_space<hbm>>
      tpu.enqueue_dma source(%dma_start3A_57 : memref<512xi32, #tpu.memory_space<hbm>>) target(%arg8 : memref<512xi32, #tpu.memory_space<vmem>>) target_semaphore(%run_scoped3A : memref<!tpu.dma_semaphore, #tpu.memory_space<semaphore_mem>>)
      %dma_wait3A_58 = tpu.memref_slice %arg4[%mul3A_2] : memref<16384xi32, #tpu.memory_space<hbm>> -> memref<512xi32, #tpu.memory_space<hbm>>
      %dma_wait3A_59 = tpu.memref_slice %arg4[%mul3A_2] : memref<16384xi32, #tpu.memory_space<hbm>> -> memref<512xi32, #tpu.memory_space<hbm>>
      tpu.wait_dma2 semaphore(%run_scoped3A : memref<!tpu.dma_semaphore, #tpu.memory_space<semaphore_mem>>) src(%dma_wait3A_59 : memref<512xi32, #tpu.memory_space<hbm>>) dst(%arg8 : memref<512xi32, #tpu.memory_space<vmem>>)
      tpu.yield
    }) : () -> ()
    %scan3A = arith.constant 0 : i32
    %scan3A_3 = arith.constant 0 : i32
    %scan3A_4 = arith.constant 16 : i32
    %scan3A_5 = arith.addi %scan3A_3, %scan3A_4 : i32
    %scan3A_6 = arith.constant 1 : i32
    scf.for %scan3A_57 = %scan3A_3 to %scan3A_5 step %scan3A_6  : i32 {
      %mul3A_58 = arith.constant 16 : i32
      %mul3A_59 = arith.muli %scan3A_57, %mul3A_58 : i32
      %add3A_60 = arith.constant 0 : i32
      %add3A_61 = arith.addi %add3A_60, %mul3A_59 : i32
      %get3A = arith.index_cast %add3A_61 : i32 to index
      %get3A_62 = tpu.vector_load %arg7[%get3A] {strides = array<i32>} : memref<512xi32, #tpu.memory_space<vmem>>, vector<16xi32>,
      %get3A_63 = vector.shape_cast %get3A_62 : vector<16xi32> to vector<16xi32>
      %slice3A = vector.extract_strided_slice %get3A_63 {offsets = [0], sizes = [1], strides = [1]} : vector<16xi32> to vector<1xi32>
      %squeeze3A = vector.extract %slice3A[0] : i32 from vector<1xi32>
      %jit3A = arith.constant 8 : i32
      %div3A = arith.divsi %squeeze3A, %jit3A : i32
      %sign3A = arith.constant 0 : i32
      %sign3A_64 = arith.cmpi sgt, %squeeze3A, %sign3A : i32
      %sign3A_65 = arith.extui %sign3A_64 : i1 to i32
      %sign3A_66 = arith.constant 0 : i32
      %sign3A_67 = arith.cmpi slt, %squeeze3A, %sign3A_66 : i32
      %sign3A_68 = arith.extui %sign3A_67 : i1 to i32
      %sign3A_69 = arith.subi %sign3A_65, %sign3A_68 : i32
      %sign3A_70 = arith.constant 0 : i32
      %sign3A_71 = arith.cmpi sgt, %jit3A, %sign3A_70 : i32
      %sign3A_72 = arith.extui %sign3A_71 : i1 to i32
      %sign3A_73 = arith.constant 0 : i32
      %sign3A_74 = arith.cmpi slt, %jit3A, %sign3A_73 : i32
      %sign3A_75 = arith.extui %sign3A_74 : i1 to i32
      %sign3A_76 = arith.subi %sign3A_72, %sign3A_75 : i32
      %ne3A = arith.cmpi ne, %sign3A_69, %sign3A_76 : i32
      %rem3A = arith.remsi %squeeze3A, %jit3A : i32
      %ne3A_77 = arith.constant 0 : i32
      %ne3A_78 = arith.cmpi ne, %rem3A, %ne3A_77 : i32
      %and3A = arith.andi %ne3A, %ne3A_78 : i1
      %sub3A = arith.constant 1 : i32
      %sub3A_79 = arith.subi %div3A, %sub3A : i32
      %select_n3A = arith.select %and3A, %sub3A_79, %div3A : i32
      %jit3A_80 = arith.constant 8 : i32
      %eq3A = arith.constant 0 : i32
      %eq3A_81 = arith.cmpi eq, %jit3A_80, %eq3A : i32
      %jit3A_82 = arith.constant 1 : i32
      %select_n3A_83 = arith.select %eq3A_81, %jit3A_82, %jit3A_80 : i32
      %rem3A_84 = arith.remsi %squeeze3A, %select_n3A_83 : i32
      %ne3A_85 = arith.constant 0 : i32
      %ne3A_86 = arith.cmpi ne, %rem3A_84, %ne3A_85 : i32
      %lt3A = arith.constant 0 : i32
      %lt3A_87 = arith.cmpi slt, %rem3A_84, %lt3A : i32
      %lt3A_88 = arith.constant 0 : i32
      %lt3A_89 = arith.cmpi slt, %select_n3A_83, %lt3A_88 : i32
      %ne3A_90 = arith.xori %lt3A_87, %lt3A_89 : i1
      %and3A_91 = arith.andi %ne3A_90, %ne3A_86 : i1
      %add3A_92 = arith.addi %rem3A_84, %select_n3A_83 : i32
      %select_n3A_93 = arith.select %and3A_91, %add3A_92, %rem3A_84 : i32
      %mul3A_94 = arith.constant 16 : i32
      %mul3A_95 = arith.muli %scan3A_57, %mul3A_94 : i32
      %add3A_96 = arith.constant 0 : i32
      %add3A_97 = arith.addi %mul3A_95, %add3A_96 : i32
      %dma_start3A = arith.constant 0 : i32
      %dma_start3A_98 = tpu.memref_slice %arg9[%add3A_97, %dma_start3A] : memref<256x64xf32, #tpu.memory_space<vmem>> -> memref<1x64xf32, #tpu.memory_space<vmem>>
      %dma_start3A_99 = arith.constant 0 : i32
      %dma_start3A_100 = tpu.memref_slice %arg2[%select_n3A, %select_n3A_93, %dma_start3A_99] : memref<125000x8x64xf32, #tpu.memory_space<hbm>> -> memref<1x1x64xf32, #tpu.memory_space<hbm>>
      %dma_start3A_101 = tpu.memref_squeeze %dma_start3A_100 : memref<1x1x64xf32, #tpu.memory_space<hbm>> -> memref<1x64xf32, #tpu.memory_space<hbm>>
      %dma_start3A_102 = arith.constant 0 : i32
      %dma_start3A_103 = tpu.memref_slice %arg9[%add3A_97, %dma_start3A_102] : memref<256x64xf32, #tpu.memory_space<vmem>> -> memref<1x64xf32, #tpu.memory_space<vmem>>
      %dma_start3A_104 = arith.constant 0 : i32
      %dma_start3A_105 = tpu.memref_slice %arg2[%select_n3A, %select_n3A_93, %dma_start3A_104] : memref<125000x8x64xf32, #tpu.memory_space<hbm>> -> memref<1x1x64xf32, #tpu.memory_space<hbm>>
      %dma_start3A_106 = tpu.memref_squeeze %dma_start3A_105 : memref<1x1x64xf32, #tpu.memory_space<hbm>> -> memref<1x64xf32, #tpu.memory_space<hbm>>
      tpu.enqueue_dma source(%dma_start3A_106 : memref<1x64xf32, #tpu.memory_space<hbm>>) target(%dma_start3A_103 : memref<1x64xf32, #tpu.memory_space<vmem>>) target_semaphore(%arg11 : memref<!tpu.dma_semaphore, #tpu.memory_space<semaphore_mem>>)
      %slice3A_107 = vector.extract_strided_slice %get3A_63 {offsets = [1], sizes = [1], strides = [1]} : vector<16xi32> to vector<1xi32>
      %squeeze3A_108 = vector.extract %slice3A_107[0] : i32 from vector<1xi32>
      %jit3A_109 = arith.constant 8 : i32
      %div3A_110 = arith.divsi %squeeze3A_108, %jit3A_109 : i32
      %sign3A_111 = arith.constant 0 : i32
      %sign3A_112 = arith.cmpi sgt, %squeeze3A_108, %sign3A_111 : i32
      %sign3A_113 = arith.extui %sign3A_112 : i1 to i32
      %sign3A_114 = arith.constant 0 : i32
      %sign3A_115 = arith.cmpi slt, %squeeze3A_108, %sign3A_114 : i32
      %sign3A_116 = arith.extui %sign3A_115 : i1 to i32
      %sign3A_117 = arith.subi %sign3A_113, %sign3A_116 : i32
      %sign3A_118 = arith.constant 0 : i32
      %sign3A_119 = arith.cmpi sgt, %jit3A_109, %sign3A_118 : i32
      %sign3A_120 = arith.extui %sign3A_119 : i1 to i32
      %sign3A_121 = arith.constant 0 : i32
      %sign3A_122 = arith.cmpi slt, %jit3A_109, %sign3A_121 : i32
      %sign3A_123 = arith.extui %sign3A_122 : i1 to i32
      %sign3A_124 = arith.subi %sign3A_120, %sign3A_123 : i32
      %ne3A_125 = arith.cmpi ne, %sign3A_117, %sign3A_124 : i32
      %rem3A_126 = arith.remsi %squeeze3A_108, %jit3A_109 : i32
      %ne3A_127 = arith.constant 0 : i32
      %ne3A_128 = arith.cmpi ne, %rem3A_126, %ne3A_127 : i32
      %and3A_129 = arith.andi %ne3A_125, %ne3A_128 : i1
      %sub3A_130 = arith.constant 1 : i32
      %sub3A_131 = arith.subi %div3A_110, %sub3A_130 : i32
      %select_n3A_132 = arith.select %and3A_129, %sub3A_131, %div3A_110 : i32
      %jit3A_133 = arith.constant 8 : i32
      %eq3A_134 = arith.constant 0 : i32
      %eq3A_135 = arith.cmpi eq, %jit3A_133, %eq3A_134 : i32
      %jit3A_136 = arith.constant 1 : i32
      %select_n3A_137 = arith.select %eq3A_135, %jit3A_136, %jit3A_133 : i32
      %rem3A_138 = arith.remsi %squeeze3A_108, %select_n3A_137 : i32
      %ne3A_139 = arith.constant 0 : i32
      %ne3A_140 = arith.cmpi ne, %rem3A_138, %ne3A_139 : i32
      %lt3A_141 = arith.constant 0 : i32
      %lt3A_142 = arith.cmpi slt, %rem3A_138, %lt3A_141 : i32
      %lt3A_143 = arith.constant 0 : i32
      %lt3A_144 = arith.cmpi slt, %select_n3A_137, %lt3A_143 : i32
      %ne3A_145 = arith.xori %lt3A_142, %lt3A_144 : i1
      %and3A_146 = arith.andi %ne3A_145, %ne3A_140 : i1
      %add3A_147 = arith.addi %rem3A_138, %select_n3A_137 : i32
      %select_n3A_148 = arith.select %and3A_146, %add3A_147, %rem3A_138 : i32
      %mul3A_149 = arith.constant 16 : i32
      %mul3A_150 = arith.muli %scan3A_57, %mul3A_149 : i32
      %add3A_151 = arith.constant 1 : i32
      %add3A_152 = arith.addi %mul3A_150, %add3A_151 : i32
      %dma_start3A_153 = arith.constant 0 : i32
      %dma_start3A_154 = tpu.memref_slice %arg9[%add3A_152, %dma_start3A_153] : memref<256x64xf32, #tpu.memory_space<vmem>> -> memref<1x64xf32, #tpu.memory_space<vmem>>
      %dma_start3A_155 = arith.constant 0 : i32
      %dma_start3A_156 = tpu.memref_slice %arg2[%select_n3A_132, %select_n3A_148, %dma_start3A_155] : memref<125000x8x64xf32, #tpu.memory_space<hbm>> -> memref<1x1x64xf32, #tpu.memory_space<hbm>>
      %dma_start3A_157 = tpu.memref_squeeze %dma_start3A_156 : memref<1x1x64xf32, #tpu.memory_space<hbm>> -> memref<1x64xf32, #tpu.memory_space<hbm>>
      %dma_start3A_158 = arith.constant 0 : i32
      %dma_start3A_159 = tpu.memref_slice %arg9[%add3A_152, %dma_start3A_158] : memref<256x64xf32, #tpu.memory_space<vmem>> -> memref<1x64xf32, #tpu.memory_space<vmem>>
      %dma_start3A_160 = arith.constant 0 : i32
      %dma_start3A_161 = tpu.memref_slice %arg2[%select_n3A_132, %select_n3A_148, %dma_start3A_160] : memref<125000x8x64xf32, #tpu.memory_space<hbm>> -> memref<1x1x64xf32, #tpu.memory_space<hbm>>
      %dma_start3A_162 = tpu.memref_squeeze %dma_start3A_161 : memref<1x1x64xf32, #tpu.memory_space<hbm>> -> memref<1x64xf32, #tpu.memory_space<hbm>>
      tpu.enqueue_dma source(%dma_start3A_162 : memref<1x64xf32, #tpu.memory_space<hbm>>) target(%dma_start3A_159 : memref<1x64xf32, #tpu.memory_space<vmem>>) target_semaphore(%arg11 : memref<!tpu.dma_semaphore, #tpu.memory_space<semaphore_mem>>)
      %slice3A_163 = vector.extract_strided_slice %get3A_63 {offsets = [2], sizes = [1], strides = [1]} : vector<16xi32> to vector<1xi32>
      %squeeze3A_164 = vector.extract %slice3A_163[0] : i32 from vector<1xi32>
      %jit3A_165 = arith.constant 8 : i32
      %div3A_166 = arith.divsi %squeeze3A_164, %jit3A_165 : i32
      %sign3A_167 = arith.constant 0 : i32
      %sign3A_168 = arith.cmpi sgt, %squeeze3A_164, %sign3A_167 : i32
      %sign3A_169 = arith.extui %sign3A_168 : i1 to i32
      %sign3A_170 = arith.constant 0 : i32
      %sign3A_171 = arith.cmpi slt, %squeeze3A_164, %sign3A_170 : i32
      %sign3A_172 = arith.extui %sign3A_171 : i1 to i32
      %sign3A_173 = arith.subi %sign3A_169, %sign3A_172 : i32
      %sign3A_174 = arith.constant 0 : i32
      %sign3A_175 = arith.cmpi sgt, %jit3A_165, %sign3A_174 : i32
      %sign3A_176 = arith.extui %sign3A_175 : i1 to i32
      %sign3A_177 = arith.constant 0 : i32
      %sign3A_178 = arith.cmpi slt, %jit3A_165, %sign3A_177 : i32
      %sign3A_179 = arith.extui %sign3A_178 : i1 to i32
      %sign3A_180 = arith.subi %sign3A_176, %sign3A_179 : i32
      %ne3A_181 = arith.cmpi ne, %sign3A_173, %sign3A_180 : i32
      %rem3A_182 = arith.remsi %squeeze3A_164, %jit3A_165 : i32
      %ne3A_183 = arith.constant 0 : i32
      %ne3A_184 = arith.cmpi ne, %rem3A_182, %ne3A_183 : i32
      %and3A_185 = arith.andi %ne3A_181, %ne3A_184 : i1
      %sub3A_186 = arith.constant 1 : i32
      %sub3A_187 = arith.subi %div3A_166, %sub3A_186 : i32
      %select_n3A_188 = arith.select %and3A_185, %sub3A_187, %div3A_166 : i32
      %jit3A_189 = arith.constant 8 : i32
      %eq3A_190 = arith.constant 0 : i32
      %eq3A_191 = arith.cmpi eq, %jit3A_189, %eq3A_190 : i32
      %jit3A_192 = arith.constant 1 : i32
      %select_n3A_193 = arith.select %eq3A_191, %jit3A_192, %jit3A_189 : i32
      %rem3A_194 = arith.remsi %squeeze3A_164, %select_n3A_193 : i32
      %ne3A_195 = arith.constant 0 : i32
      %ne3A_196 = arith.cmpi ne, %rem3A_194, %ne3A_195 : i32
      %lt3A_197 = arith.constant 0 : i32
      %lt3A_198 = arith.cmpi slt, %rem3A_194, %lt3A_197 : i32
      %lt3A_199 = arith.constant 0 : i32
      %lt3A_200 = arith.cmpi slt, %select_n3A_193, %lt3A_199 : i32
      %ne3A_201 = arith.xori %lt3A_198, %lt3A_200 : i1
      %and3A_202 = arith.andi %ne3A_201, %ne3A_196 : i1
      %add3A_203 = arith.addi %rem3A_194, %select_n3A_193 : i32
      %select_n3A_204 = arith.select %and3A_202, %add3A_203, %rem3A_194 : i32
      %mul3A_205 = arith.constant 16 : i32
      %mul3A_206 = arith.muli %scan3A_57, %mul3A_205 : i32
      %add3A_207 = arith.constant 2 : i32
      %add3A_208 = arith.addi %mul3A_206, %add3A_207 : i32
      %dma_start3A_209 = arith.constant 0 : i32
      %dma_start3A_210 = tpu.memref_slice %arg9[%add3A_208, %dma_start3A_209] : memref<256x64xf32, #tpu.memory_space<vmem>> -> memref<1x64xf32, #tpu.memory_space<vmem>>
      %dma_start3A_211 = arith.constant 0 : i32
      %dma_start3A_212 = tpu.memref_slice %arg2[%select_n3A_188, %select_n3A_204, %dma_start3A_211] : memref<125000x8x64xf32, #tpu.memory_space<hbm>> -> memref<1x1x64xf32, #tpu.memory_space<hbm>>
      %dma_start3A_213 = tpu.memref_squeeze %dma_start3A_212 : memref<1x1x64xf32, #tpu.memory_space<hbm>> -> memref<1x64xf32, #tpu.memory_space<hbm>>
      %dma_start3A_214 = arith.constant 0 : i32
      %dma_start3A_215 = tpu.memref_slice %arg9[%add3A_208, %dma_start3A_214] : memref<256x64xf32, #tpu.memory_space<vmem>> -> memref<1x64xf32, #tpu.memory_space<vmem>>
      %dma_start3A_216 = arith.constant 0 : i32
      %dma_start3A_217 = tpu.memref_slice %arg2[%select_n3A_188, %select_n3A_204, %dma_start3A_216] : memref<125000x8x64xf32, #tpu.memory_space<hbm>> -> memref<1x1x64xf32, #tpu.memory_space<hbm>>
      %dma_start3A_218 = tpu.memref_squeeze %dma_start3A_217 : memref<1x1x64xf32, #tpu.memory_space<hbm>> -> memref<1x64xf32, #tpu.memory_space<hbm>>
      tpu.enqueue_dma source(%dma_start3A_218 : memref<1x64xf32, #tpu.memory_space<hbm>>) target(%dma_start3A_215 : memref<1x64xf32, #tpu.memory_space<vmem>>) target_semaphore(%arg11 : memref<!tpu.dma_semaphore, #tpu.memory_space<semaphore_mem>>)
      %slice3A_219 = vector.extract_strided_slice %get3A_63 {offsets = [3], sizes = [1], strides = [1]} : vector<16xi32> to vector<1xi32>
      %squeeze3A_220 = vector.extract %slice3A_219[0] : i32 from vector<1xi32>
      %jit3A_221 = arith.constant 8 : i32
      %div3A_222 = arith.divsi %squeeze3A_220, %jit3A_221 : i32
      %sign3A_223 = arith.constant 0 : i32
      %sign3A_224 = arith.cmpi sgt, %squeeze3A_220, %sign3A_223 : i32
      %sign3A_225 = arith.extui %sign3A_224 : i1 to i32
      %sign3A_226 = arith.constant 0 : i32
      %sign3A_227 = arith.cmpi slt, %squeeze3A_220, %sign3A_226 : i32
      %sign3A_228 = arith.extui %sign3A_227 : i1 to i32
      %sign3A_229 = arith.subi %sign3A_225, %sign3A_228 : i32
      %sign3A_230 = arith.constant 0 : i32
      %sign3A_231 = arith.cmpi sgt, %jit3A_221, %sign3A_230 : i32
      %sign3A_232 = arith.extui %sign3A_231 : i1 to i32
      %sign3A_233 = arith.constant 0 : i32
      %sign3A_234 = arith.cmpi slt, %jit3A_221, %sign3A_233 : i32
      %sign3A_235 = arith.extui %sign3A_234 : i1 to i32
      %sign3A_236 = arith.subi %sign3A_232, %sign3A_235 : i32
      %ne3A_237 = arith.cmpi ne, %sign3A_229, %sign3A_236 : i32
      %rem3A_238 = arith.remsi %squeeze3A_220, %jit3A_221 : i32
      %ne3A_239 = arith.constant 0 : i32
      %ne3A_240 = arith.cmpi ne, %rem3A_238, %ne3A_239 : i32
      %and3A_241 = arith.andi %ne3A_237, %ne3A_240 : i1
      %sub3A_242 = arith.constant 1 : i32
      %sub3A_243 = arith.subi %div3A_222, %sub3A_242 : i32
      %select_n3A_244 = arith.select %and3A_241, %sub3A_243, %div3A_222 : i32
      %jit3A_245 = arith.constant 8 : i32
      %eq3A_246 = arith.constant 0 : i32
      %eq3A_247 = arith.cmpi eq, %jit3A_245, %eq3A_246 : i32
      %jit3A_248 = arith.constant 1 : i32
      %select_n3A_249 = arith.select %eq3A_247, %jit3A_248, %jit3A_245 : i32
      %rem3A_250 = arith.remsi %squeeze3A_220, %select_n3A_249 : i32
      %ne3A_251 = arith.constant 0 : i32
      %ne3A_252 = arith.cmpi ne, %rem3A_250, %ne3A_251 : i32
      %lt3A_253 = arith.constant 0 : i32
      %lt3A_254 = arith.cmpi slt, %rem3A_250, %lt3A_253 : i32
      %lt3A_255 = arith.constant 0 : i32
      %lt3A_256 = arith.cmpi slt, %select_n3A_249, %lt3A_255 : i32
      %ne3A_257 = arith.xori %lt3A_254, %lt3A_256 : i1
      %and3A_258 = arith.andi %ne3A_257, %ne3A_252 : i1
      %add3A_259 = arith.addi %rem3A_250, %select_n3A_249 : i32
      %select_n3A_260 = arith.select %and3A_258, %add3A_259, %rem3A_250 : i32
      %mul3A_261 = arith.constant 16 : i32
      %mul3A_262 = arith.muli %scan3A_57, %mul3A_261 : i32
      %add3A_263 = arith.constant 3 : i32
      %add3A_264 = arith.addi %mul3A_262, %add3A_263 : i32
      %dma_start3A_265 = arith.constant 0 : i32
      %dma_start3A_266 = tpu.memref_slice %arg9[%add3A_264, %dma_start3A_265] : memref<256x64xf32, #tpu.memory_space<vmem>> -> memref<1x64xf32, #tpu.memory_space<vmem>>
      %dma_start3A_267 = arith.constant 0 : i32
      %dma_start3A_268 = tpu.memref_slice %arg2[%select_n3A_244, %select_n3A_260, %dma_start3A_267] : memref<125000x8x64xf32, #tpu.memory_space<hbm>> -> memref<1x1x64xf32, #tpu.memory_space<hbm>>
      %dma_start3A_269 = tpu.memref_squeeze %dma_start3A_268 : memref<1x1x64xf32, #tpu.memory_space<hbm>> -> memref<1x64xf32, #tpu.memory_space<hbm>>
      %dma_start3A_270 = arith.constant 0 : i32
      %dma_start3A_271 = tpu.memref_slice %arg9[%add3A_264, %dma_start3A_270] : memref<256x64xf32, #tpu.memory_space<vmem>> -> memref<1x64xf32, #tpu.memory_space<vmem>>
      %dma_start3A_272 = arith.constant 0 : i32
      %dma_start3A_273 = tpu.memref_slice %arg2[%select_n3A_244, %select_n3A_260, %dma_start3A_272] : memref<125000x8x64xf32, #tpu.memory_space<hbm>> -> memref<1x1x64xf32, #tpu.memory_space<hbm>>
      %dma_start3A_274 = tpu.memref_squeeze %dma_start3A_273 : memref<1x1x64xf32, #tpu.memory_space<hbm>> -> memref<1x64xf32, #tpu.memory_space<hbm>>
      tpu.enqueue_dma source(%dma_start3A_274 : memref<1x64xf32, #tpu.memory_space<hbm>>) target(%dma_start3A_271 : memref<1x64xf32, #tpu.memory_space<vmem>>) target_semaphore(%arg11 : memref<!tpu.dma_semaphore, #tpu.memory_space<semaphore_mem>>)
      %slice3A_275 = vector.extract_strided_slice %get3A_63 {offsets = [4], sizes = [1], strides = [1]} : vector<16xi32> to vector<1xi32>
      %squeeze3A_276 = vector.extract %slice3A_275[0] : i32 from vector<1xi32>
      %jit3A_277 = arith.constant 8 : i32
      %div3A_278 = arith.divsi %squeeze3A_276, %jit3A_277 : i32
      %sign3A_279 = arith.constant 0 : i32
      %sign3A_280 = arith.cmpi sgt, %squeeze3A_276, %sign3A_279 : i32
      %sign3A_281 = arith.extui %sign3A_280 : i1 to i32
      %sign3A_282 = arith.constant 0 : i32
      %sign3A_283 = arith.cmpi slt, %squeeze3A_276, %sign3A_282 : i32
      %sign3A_284 = arith.extui %sign3A_283 : i1 to i32
      %sign3A_285 = arith.subi %sign3A_281, %sign3A_284 : i32
      %sign3A_286 = arith.constant 0 : i32
      %sign3A_287 = arith.cmpi sgt, %jit3A_277, %sign3A_286 : i32
      %sign3A_288 = arith.extui %sign3A_287 : i1 to i32
      %sign3A_289 = arith.constant 0 : i32
      %sign3A_290 = arith.cmpi slt, %jit3A_277, %sign3A_289 : i32
      %sign3A_291 = arith.extui %sign3A_290 : i1 to i32
      %sign3A_292 = arith.subi %sign3A_288, %sign3A_291 : i32
      %ne3A_293 = arith.cmpi ne, %sign3A_285, %sign3A_292 : i32
      %rem3A_294 = arith.remsi %squeeze3A_276, %jit3A_277 : i32
      %ne3A_295 = arith.constant 0 : i32
      %ne3A_296 = arith.cmpi ne, %rem3A_294, %ne3A_295 : i32
      %and3A_297 = arith.andi %ne3A_293, %ne3A_296 : i1
      %sub3A_298 = arith.constant 1 : i32
      %sub3A_299 = arith.subi %div3A_278, %sub3A_298 : i32
      %select_n3A_300 = arith.select %and3A_297, %sub3A_299, %div3A_278 : i32
      %jit3A_301 = arith.constant 8 : i32
      %eq3A_302 = arith.constant 0 : i32
      %eq3A_303 = arith.cmpi eq, %jit3A_301, %eq3A_302 : i32
      %jit3A_304 = arith.constant 1 : i32
      %select_n3A_305 = arith.select %eq3A_303, %jit3A_304, %jit3A_301 : i32
      %rem3A_306 = arith.remsi %squeeze3A_276, %select_n3A_305 : i32
      %ne3A_307 = arith.constant 0 : i32
      %ne3A_308 = arith.cmpi ne, %rem3A_306, %ne3A_307 : i32
      %lt3A_309 = arith.constant 0 : i32
      %lt3A_310 = arith.cmpi slt, %rem3A_306, %lt3A_309 : i32
      %lt3A_311 = arith.constant 0 : i32
      %lt3A_312 = arith.cmpi slt, %select_n3A_305, %lt3A_311 : i32
      %ne3A_313 = arith.xori %lt3A_310, %lt3A_312 : i1
      %and3A_314 = arith.andi %ne3A_313, %ne3A_308 : i1
      %add3A_315 = arith.addi %rem3A_306, %select_n3A_305 : i32
      %select_n3A_316 = arith.select %and3A_314, %add3A_315, %rem3A_306 : i32
      %mul3A_317 = arith.constant 16 : i32
      %mul3A_318 = arith.muli %scan3A_57, %mul3A_317 : i32
      %add3A_319 = arith.constant 4 : i32
      %add3A_320 = arith.addi %mul3A_318, %add3A_319 : i32
      %dma_start3A_321 = arith.constant 0 : i32
      %dma_start3A_322 = tpu.memref_slice %arg9[%add3A_320, %dma_start3A_321] : memref<256x64xf32, #tpu.memory_space<vmem>> -> memref<1x64xf32, #tpu.memory_space<vmem>>
      %dma_start3A_323 = arith.constant 0 : i32
      %dma_start3A_324 = tpu.memref_slice %arg2[%select_n3A_300, %select_n3A_316, %dma_start3A_323] : memref<125000x8x64xf32, #tpu.memory_space<hbm>> -> memref<1x1x64xf32, #tpu.memory_space<hbm>>
      %dma_start3A_325 = tpu.memref_squeeze %dma_start3A_324 : memref<1x1x64xf32, #tpu.memory_space<hbm>> -> memref<1x64xf32, #tpu.memory_space<hbm>>
      %dma_start3A_326 = arith.constant 0 : i32
      %dma_start3A_327 = tpu.memref_slice %arg9[%add3A_320, %dma_start3A_326] : memref<256x64xf32, #tpu.memory_space<vmem>> -> memref<1x64xf32, #tpu.memory_space<vmem>>
      %dma_start3A_328 = arith.constant 0 : i32
      %dma_start3A_329 = tpu.memref_slice %arg2[%select_n3A_300, %select_n3A_316, %dma_start3A_328] : memref<125000x8x64xf32, #tpu.memory_space<hbm>> -> memref<1x1x64xf32, #tpu.memory_space<hbm>>
      %dma_start3A_330 = tpu.memref_squeeze %dma_start3A_329 : memref<1x1x64xf32, #tpu.memory_space<hbm>> -> memref<1x64xf32, #tpu.memory_space<hbm>>
      tpu.enqueue_dma source(%dma_start3A_330 : memref<1x64xf32, #tpu.memory_space<hbm>>) target(%dma_start3A_327 : memref<1x64xf32, #tpu.memory_space<vmem>>) target_semaphore(%arg11 : memref<!tpu.dma_semaphore, #tpu.memory_space<semaphore_mem>>)
      %slice3A_331 = vector.extract_strided_slice %get3A_63 {offsets = [5], sizes = [1], strides = [1]} : vector<16xi32> to vector<1xi32>
      %squeeze3A_332 = vector.extract %slice3A_331[0] : i32 from vector<1xi32>
      %jit3A_333 = arith.constant 8 : i32
      %div3A_334 = arith.divsi %squeeze3A_332, %jit3A_333 : i32
      %sign3A_335 = arith.constant 0 : i32
      %sign3A_336 = arith.cmpi sgt, %squeeze3A_332, %sign3A_335 : i32
      %sign3A_337 = arith.extui %sign3A_336 : i1 to i32
      %sign3A_338 = arith.constant 0 : i32
      %sign3A_339 = arith.cmpi slt, %squeeze3A_332, %sign3A_338 : i32
      %sign3A_340 = arith.extui %sign3A_339 : i1 to i32
      %sign3A_341 = arith.subi %sign3A_337, %sign3A_340 : i32
      %sign3A_342 = arith.constant 0 : i32
      %sign3A_343 = arith.cmpi sgt, %jit3A_333, %sign3A_342 : i32
      %sign3A_344 = arith.extui %sign3A_343 : i1 to i32
      %sign3A_345 = arith.constant 0 : i32
      %sign3A_346 = arith.cmpi slt, %jit3A_333, %sign3A_345 : i32
      %sign3A_347 = arith.extui %sign3A_346 : i1 to i32
      %sign3A_348 = arith.subi %sign3A_344, %sign3A_347 : i32
      %ne3A_349 = arith.cmpi ne, %sign3A_341, %sign3A_348 : i32
      %rem3A_350 = arith.remsi %squeeze3A_332, %jit3A_333 : i32
      %ne3A_351 = arith.constant 0 : i32
      %ne3A_352 = arith.cmpi ne, %rem3A_350, %ne3A_351 : i32
      %and3A_353 = arith.andi %ne3A_349, %ne3A_352 : i1
      %sub3A_354 = arith.constant 1 : i32
      %sub3A_355 = arith.subi %div3A_334, %sub3A_354 : i32
      %select_n3A_356 = arith.select %and3A_353, %sub3A_355, %div3A_334 : i32
      %jit3A_357 = arith.constant 8 : i32
      %eq3A_358 = arith.constant 0 : i32
      %eq3A_359 = arith.cmpi eq, %jit3A_357, %eq3A_358 : i32
      %jit3A_360 = arith.constant 1 : i32
      %select_n3A_361 = arith.select %eq3A_359, %jit3A_360, %jit3A_357 : i32
      %rem3A_362 = arith.remsi %squeeze3A_332, %select_n3A_361 : i32
      %ne3A_363 = arith.constant 0 : i32
      %ne3A_364 = arith.cmpi ne, %rem3A_362, %ne3A_363 : i32
      %lt3A_365 = arith.constant 0 : i32
      %lt3A_366 = arith.cmpi slt, %rem3A_362, %lt3A_365 : i32
      %lt3A_367 = arith.constant 0 : i32
      %lt3A_368 = arith.cmpi slt, %select_n3A_361, %lt3A_367 : i32
      %ne3A_369 = arith.xori %lt3A_366, %lt3A_368 : i1
      %and3A_370 = arith.andi %ne3A_369, %ne3A_364 : i1
      %add3A_371 = arith.addi %rem3A_362, %select_n3A_361 : i32
      %select_n3A_372 = arith.select %and3A_370, %add3A_371, %rem3A_362 : i32
      %mul3A_373 = arith.constant 16 : i32
      %mul3A_374 = arith.muli %scan3A_57, %mul3A_373 : i32
      %add3A_375 = arith.constant 5 : i32
      %add3A_376 = arith.addi %mul3A_374, %add3A_375 : i32
      %dma_start3A_377 = arith.constant 0 : i32
      %dma_start3A_378 = tpu.memref_slice %arg9[%add3A_376, %dma_start3A_377] : memref<256x64xf32, #tpu.memory_space<vmem>> -> memref<1x64xf32, #tpu.memory_space<vmem>>
      %dma_start3A_379 = arith.constant 0 : i32
      %dma_start3A_380 = tpu.memref_slice %arg2[%select_n3A_356, %select_n3A_372, %dma_start3A_379] : memref<125000x8x64xf32, #tpu.memory_space<hbm>> -> memref<1x1x64xf32, #tpu.memory_space<hbm>>
      %dma_start3A_381 = tpu.memref_squeeze %dma_start3A_380 : memref<1x1x64xf32, #tpu.memory_space<hbm>> -> memref<1x64xf32, #tpu.memory_space<hbm>>
      %dma_start3A_382 = arith.constant 0 : i32
      %dma_start3A_383 = tpu.memref_slice %arg9[%add3A_376, %dma_start3A_382] : memref<256x64xf32, #tpu.memory_space<vmem>> -> memref<1x64xf32, #tpu.memory_space<vmem>>
      %dma_start3A_384 = arith.constant 0 : i32
      %dma_start3A_385 = tpu.memref_slice %arg2[%select_n3A_356, %select_n3A_372, %dma_start3A_384] : memref<125000x8x64xf32, #tpu.memory_space<hbm>> -> memref<1x1x64xf32, #tpu.memory_space<hbm>>
      %dma_start3A_386 = tpu.memref_squeeze %dma_start3A_385 : memref<1x1x64xf32, #tpu.memory_space<hbm>> -> memref<1x64xf32, #tpu.memory_space<hbm>>
      tpu.enqueue_dma source(%dma_start3A_386 : memref<1x64xf32, #tpu.memory_space<hbm>>) target(%dma_start3A_383 : memref<1x64xf32, #tpu.memory_space<vmem>>) target_semaphore(%arg11 : memref<!tpu.dma_semaphore, #tpu.memory_space<semaphore_mem>>)
      %slice3A_387 = vector.extract_strided_slice %get3A_63 {offsets = [6], sizes = [1], strides = [1]} : vector<16xi32> to vector<1xi32>
      %squeeze3A_388 = vector.extract %slice3A_387[0] : i32 from vector<1xi32>
      %jit3A_389 = arith.constant 8 : i32
      %div3A_390 = arith.divsi %squeeze3A_388, %jit3A_389 : i32
      %sign3A_391 = arith.constant 0 : i32
      %sign3A_392 = arith.cmpi sgt, %squeeze3A_388, %sign3A_391 : i32
      %sign3A_393 = arith.extui %sign3A_392 : i1 to i32
      %sign3A_394 = arith.constant 0 : i32
      %sign3A_395 = arith.cmpi slt, %squeeze3A_388, %sign3A_394 : i32
      %sign3A_396 = arith.extui %sign3A_395 : i1 to i32
      %sign3A_397 = arith.subi %sign3A_393, %sign3A_396 : i32
      %sign3A_398 = arith.constant 0 : i32
      %sign3A_399 = arith.cmpi sgt, %jit3A_389, %sign3A_398 : i32
      %sign3A_400 = arith.extui %sign3A_399 : i1 to i32
      %sign3A_401 = arith.constant 0 : i32
      %sign3A_402 = arith.cmpi slt, %jit3A_389, %sign3A_401 : i32
      %sign3A_403 = arith.extui %sign3A_402 : i1 to i32
      %sign3A_404 = arith.subi %sign3A_400, %sign3A_403 : i32
      %ne3A_405 = arith.cmpi ne, %sign3A_397, %sign3A_404 : i32
      %rem3A_406 = arith.remsi %squeeze3A_388, %jit3A_389 : i32
      %ne3A_407 = arith.constant 0 : i32
      %ne3A_408 = arith.cmpi ne, %rem3A_406, %ne3A_407 : i32
      %and3A_409 = arith.andi %ne3A_405, %ne3A_408 : i1
      %sub3A_410 = arith.constant 1 : i32
      %sub3A_411 = arith.subi %div3A_390, %sub3A_410 : i32
      %select_n3A_412 = arith.select %and3A_409, %sub3A_411, %div3A_390 : i32
      %jit3A_413 = arith.constant 8 : i32
      %eq3A_414 = arith.constant 0 : i32
      %eq3A_415 = arith.cmpi eq, %jit3A_413, %eq3A_414 : i32
      %jit3A_416 = arith.constant 1 : i32
      %select_n3A_417 = arith.select %eq3A_415, %jit3A_416, %jit3A_413 : i32
      %rem3A_418 = arith.remsi %squeeze3A_388, %select_n3A_417 : i32
      %ne3A_419 = arith.constant 0 : i32
      %ne3A_420 = arith.cmpi ne, %rem3A_418, %ne3A_419 : i32
      %lt3A_421 = arith.constant 0 : i32
      %lt3A_422 = arith.cmpi slt, %rem3A_418, %lt3A_421 : i32
      %lt3A_423 = arith.constant 0 : i32
      %lt3A_424 = arith.cmpi slt, %select_n3A_417, %lt3A_423 : i32
      %ne3A_425 = arith.xori %lt3A_422, %lt3A_424 : i1
      %and3A_426 = arith.andi %ne3A_425, %ne3A_420 : i1
      %add3A_427 = arith.addi %rem3A_418, %select_n3A_417 : i32
      %select_n3A_428 = arith.select %and3A_426, %add3A_427, %rem3A_418 : i32
      %mul3A_429 = arith.constant 16 : i32
      %mul3A_430 = arith.muli %scan3A_57, %mul3A_429 : i32
      %add3A_431 = arith.constant 6 : i32
      %add3A_432 = arith.addi %mul3A_430, %add3A_431 : i32
      %dma_start3A_433 = arith.constant 0 : i32
      %dma_start3A_434 = tpu.memref_slice %arg9[%add3A_432, %dma_start3A_433] : memref<256x64xf32, #tpu.memory_space<vmem>> -> memref<1x64xf32, #tpu.memory_space<vmem>>
      %dma_start3A_435 = arith.constant 0 : i32
      %dma_start3A_436 = tpu.memref_slice %arg2[%select_n3A_412, %select_n3A_428, %dma_start3A_435] : memref<125000x8x64xf32, #tpu.memory_space<hbm>> -> memref<1x1x64xf32, #tpu.memory_space<hbm>>
      %dma_start3A_437 = tpu.memref_squeeze %dma_start3A_436 : memref<1x1x64xf32, #tpu.memory_space<hbm>> -> memref<1x64xf32, #tpu.memory_space<hbm>>
      %dma_start3A_438 = arith.constant 0 : i32
      %dma_start3A_439 = tpu.memref_slice %arg9[%add3A_432, %dma_start3A_438] : memref<256x64xf32, #tpu.memory_space<vmem>> -> memref<1x64xf32, #tpu.memory_space<vmem>>
      %dma_start3A_440 = arith.constant 0 : i32
      %dma_start3A_441 = tpu.memref_slice %arg2[%select_n3A_412, %select_n3A_428, %dma_start3A_440] : memref<125000x8x64xf32, #tpu.memory_space<hbm>> -> memref<1x1x64xf32, #tpu.memory_space<hbm>>
      %dma_start3A_442 = tpu.memref_squeeze %dma_start3A_441 : memref<1x1x64xf32, #tpu.memory_space<hbm>> -> memref<1x64xf32, #tpu.memory_space<hbm>>
      tpu.enqueue_dma source(%dma_start3A_442 : memref<1x64xf32, #tpu.memory_space<hbm>>) target(%dma_start3A_439 : memref<1x64xf32, #tpu.memory_space<vmem>>) target_semaphore(%arg11 : memref<!tpu.dma_semaphore, #tpu.memory_space<semaphore_mem>>)
      %slice3A_443 = vector.extract_strided_slice %get3A_63 {offsets = [7], sizes = [1], strides = [1]} : vector<16xi32> to vector<1xi32>
      %squeeze3A_444 = vector.extract %slice3A_443[0] : i32 from vector<1xi32>
      %jit3A_445 = arith.constant 8 : i32
      %div3A_446 = arith.divsi %squeeze3A_444, %jit3A_445 : i32
      %sign3A_447 = arith.constant 0 : i32
      %sign3A_448 = arith.cmpi sgt, %squeeze3A_444, %sign3A_447 : i32
      %sign3A_449 = arith.extui %sign3A_448 : i1 to i32
      %sign3A_450 = arith.constant 0 : i32
      %sign3A_451 = arith.cmpi slt, %squeeze3A_444, %sign3A_450 : i32
      %sign3A_452 = arith.extui %sign3A_451 : i1 to i32
      %sign3A_453 = arith.subi %sign3A_449, %sign3A_452 : i32
      %sign3A_454 = arith.constant 0 : i32
      %sign3A_455 = arith.cmpi sgt, %jit3A_445, %sign3A_454 : i32
      %sign3A_456 = arith.extui %sign3A_455 : i1 to i32
      %sign3A_457 = arith.constant 0 : i32
      %sign3A_458 = arith.cmpi slt, %jit3A_445, %sign3A_457 : i32
      %sign3A_459 = arith.extui %sign3A_458 : i1 to i32
      %sign3A_460 = arith.subi %sign3A_456, %sign3A_459 : i32
      %ne3A_461 = arith.cmpi ne, %sign3A_453, %sign3A_460 : i32
      %rem3A_462 = arith.remsi %squeeze3A_444, %jit3A_445 : i32
      %ne3A_463 = arith.constant 0 : i32
      %ne3A_464 = arith.cmpi ne, %rem3A_462, %ne3A_463 : i32
      %and3A_465 = arith.andi %ne3A_461, %ne3A_464 : i1
      %sub3A_466 = arith.constant 1 : i32
      %sub3A_467 = arith.subi %div3A_446, %sub3A_466 : i32
      %select_n3A_468 = arith.select %and3A_465, %sub3A_467, %div3A_446 : i32
      %jit3A_469 = arith.constant 8 : i32
      %eq3A_470 = arith.constant 0 : i32
      %eq3A_471 = arith.cmpi eq, %jit3A_469, %eq3A_470 : i32
      %jit3A_472 = arith.constant 1 : i32
      %select_n3A_473 = arith.select %eq3A_471, %jit3A_472, %jit3A_469 : i32
      %rem3A_474 = arith.remsi %squeeze3A_444, %select_n3A_473 : i32
      %ne3A_475 = arith.constant 0 : i32
      %ne3A_476 = arith.cmpi ne, %rem3A_474, %ne3A_475 : i32
      %lt3A_477 = arith.constant 0 : i32
      %lt3A_478 = arith.cmpi slt, %rem3A_474, %lt3A_477 : i32
      %lt3A_479 = arith.constant 0 : i32
      %lt3A_480 = arith.cmpi slt, %select_n3A_473, %lt3A_479 : i32
      %ne3A_481 = arith.xori %lt3A_478, %lt3A_480 : i1
      %and3A_482 = arith.andi %ne3A_481, %ne3A_476 : i1
      %add3A_483 = arith.addi %rem3A_474, %select_n3A_473 : i32
      %select_n3A_484 = arith.select %and3A_482, %add3A_483, %rem3A_474 : i32
      %mul3A_485 = arith.constant 16 : i32
      %mul3A_486 = arith.muli %scan3A_57, %mul3A_485 : i32
      %add3A_487 = arith.constant 7 : i32
      %add3A_488 = arith.addi %mul3A_486, %add3A_487 : i32
      %dma_start3A_489 = arith.constant 0 : i32
      %dma_start3A_490 = tpu.memref_slice %arg9[%add3A_488, %dma_start3A_489] : memref<256x64xf32, #tpu.memory_space<vmem>> -> memref<1x64xf32, #tpu.memory_space<vmem>>
      %dma_start3A_491 = arith.constant 0 : i32
      %dma_start3A_492 = tpu.memref_slice %arg2[%select_n3A_468, %select_n3A_484, %dma_start3A_491] : memref<125000x8x64xf32, #tpu.memory_space<hbm>> -> memref<1x1x64xf32, #tpu.memory_space<hbm>>
      %dma_start3A_493 = tpu.memref_squeeze %dma_start3A_492 : memref<1x1x64xf32, #tpu.memory_space<hbm>> -> memref<1x64xf32, #tpu.memory_space<hbm>>
      %dma_start3A_494 = arith.constant 0 : i32
      %dma_start3A_495 = tpu.memref_slice %arg9[%add3A_488, %dma_start3A_494] : memref<256x64xf32, #tpu.memory_space<vmem>> -> memref<1x64xf32, #tpu.memory_space<vmem>>
      %dma_start3A_496 = arith.constant 0 : i32
      %dma_start3A_497 = tpu.memref_slice %arg2[%select_n3A_468, %select_n3A_484, %dma_start3A_496] : memref<125000x8x64xf32, #tpu.memory_space<hbm>> -> memref<1x1x64xf32, #tpu.memory_space<hbm>>
      %dma_start3A_498 = tpu.memref_squeeze %dma_start3A_497 : memref<1x1x64xf32, #tpu.memory_space<hbm>> -> memref<1x64xf32, #tpu.memory_space<hbm>>
      tpu.enqueue_dma source(%dma_start3A_498 : memref<1x64xf32, #tpu.memory_space<hbm>>) target(%dma_start3A_495 : memref<1x64xf32, #tpu.memory_space<vmem>>) target_semaphore(%arg11 : memref<!tpu.dma_semaphore, #tpu.memory_space<semaphore_mem>>)
      %slice3A_499 = vector.extract_strided_slice %get3A_63 {offsets = [8], sizes = [1], strides = [1]} : vector<16xi32> to vector<1xi32>
      %squeeze3A_500 = vector.extract %slice3A_499[0] : i32 from vector<1xi32>
      %jit3A_501 = arith.constant 8 : i32
      %div3A_502 = arith.divsi %squeeze3A_500, %jit3A_501 : i32
      %sign3A_503 = arith.constant 0 : i32
      %sign3A_504 = arith.cmpi sgt, %squeeze3A_500, %sign3A_503 : i32
      %sign3A_505 = arith.extui %sign3A_504 : i1 to i32
      %sign3A_506 = arith.constant 0 : i32
      %sign3A_507 = arith.cmpi slt, %squeeze3A_500, %sign3A_506 : i32
      %sign3A_508 = arith.extui %sign3A_507 : i1 to i32
      %sign3A_509 = arith.subi %sign3A_505, %sign3A_508 : i32
      %sign3A_510 = arith.constant 0 : i32
      %sign3A_511 = arith.cmpi sgt, %jit3A_501, %sign3A_510 : i32
      %sign3A_512 = arith.extui %sign3A_511 : i1 to i32
      %sign3A_513 = arith.constant 0 : i32
      %sign3A_514 = arith.cmpi slt, %jit3A_501, %sign3A_513 : i32
      %sign3A_515 = arith.extui %sign3A_514 : i1 to i32
      %sign3A_516 = arith.subi %sign3A_512, %sign3A_515 : i32
      %ne3A_517 = arith.cmpi ne, %sign3A_509, %sign3A_516 : i32
      %rem3A_518 = arith.remsi %squeeze3A_500, %jit3A_501 : i32
      %ne3A_519 = arith.constant 0 : i32
      %ne3A_520 = arith.cmpi ne, %rem3A_518, %ne3A_519 : i32
      %and3A_521 = arith.andi %ne3A_517, %ne3A_520 : i1
      %sub3A_522 = arith.constant 1 : i32
      %sub3A_523 = arith.subi %div3A_502, %sub3A_522 : i32
      %select_n3A_524 = arith.select %and3A_521, %sub3A_523, %div3A_502 : i32
      %jit3A_525 = arith.constant 8 : i32
      %eq3A_526 = arith.constant 0 : i32
      %eq3A_527 = arith.cmpi eq, %jit3A_525, %eq3A_526 : i32
      %jit3A_528 = arith.constant 1 : i32
      %select_n3A_529 = arith.select %eq3A_527, %jit3A_528, %jit3A_525 : i32
      %rem3A_530 = arith.remsi %squeeze3A_500, %select_n3A_529 : i32
      %ne3A_531 = arith.constant 0 : i32
      %ne3A_532 = arith.cmpi ne, %rem3A_530, %ne3A_531 : i32
      %lt3A_533 = arith.constant 0 : i32
      %lt3A_534 = arith.cmpi slt, %rem3A_530, %lt3A_533 : i32
      %lt3A_535 = arith.constant 0 : i32
      %lt3A_536 = arith.cmpi slt, %select_n3A_529, %lt3A_535 : i32
      %ne3A_537 = arith.xori %lt3A_534, %lt3A_536 : i1
      %and3A_538 = arith.andi %ne3A_537, %ne3A_532 : i1
      %add3A_539 = arith.addi %rem3A_530, %select_n3A_529 : i32
      %select_n3A_540 = arith.select %and3A_538, %add3A_539, %rem3A_530 : i32
      %mul3A_541 = arith.constant 16 : i32
      %mul3A_542 = arith.muli %scan3A_57, %mul3A_541 : i32
      %add3A_543 = arith.constant 8 : i32
      %add3A_544 = arith.addi %mul3A_542, %add3A_543 : i32
      %dma_start3A_545 = arith.constant 0 : i32
      %dma_start3A_546 = tpu.memref_slice %arg9[%add3A_544, %dma_start3A_545] : memref<256x64xf32, #tpu.memory_space<vmem>> -> memref<1x64xf32, #tpu.memory_space<vmem>>
      %dma_start3A_547 = arith.constant 0 : i32
      %dma_start3A_548 = tpu.memref_slice %arg2[%select_n3A_524, %select_n3A_540, %dma_start3A_547] : memref<125000x8x64xf32, #tpu.memory_space<hbm>> -> memref<1x1x64xf32, #tpu.memory_space<hbm>>
      %dma_start3A_549 = tpu.memref_squeeze %dma_start3A_548 : memref<1x1x64xf32, #tpu.memory_space<hbm>> -> memref<1x64xf32, #tpu.memory_space<hbm>>
      %dma_start3A_550 = arith.constant 0 : i32
      %dma_start3A_551 = tpu.memref_slice %arg9[%add3A_544, %dma_start3A_550] : memref<256x64xf32, #tpu.memory_space<vmem>> -> memref<1x64xf32, #tpu.memory_space<vmem>>
      %dma_start3A_552 = arith.constant 0 : i32
      %dma_start3A_553 = tpu.memref_slice %arg2[%select_n3A_524, %select_n3A_540, %dma_start3A_552] : memref<125000x8x64xf32, #tpu.memory_space<hbm>> -> memref<1x1x64xf32, #tpu.memory_space<hbm>>
      %dma_start3A_554 = tpu.memref_squeeze %dma_start3A_553 : memref<1x1x64xf32, #tpu.memory_space<hbm>> -> memref<1x64xf32, #tpu.memory_space<hbm>>
      tpu.enqueue_dma source(%dma_start3A_554 : memref<1x64xf32, #tpu.memory_space<hbm>>) target(%dma_start3A_551 : memref<1x64xf32, #tpu.memory_space<vmem>>) target_semaphore(%arg11 : memref<!tpu.dma_semaphore, #tpu.memory_space<semaphore_mem>>)
      %slice3A_555 = vector.extract_strided_slice %get3A_63 {offsets = [9], sizes = [1], strides = [1]} : vector<16xi32> to vector<1xi32>
      %squeeze3A_556 = vector.extract %slice3A_555[0] : i32 from vector<1xi32>
      %jit3A_557 = arith.constant 8 : i32
      %div3A_558 = arith.divsi %squeeze3A_556, %jit3A_557 : i32
      %sign3A_559 = arith.constant 0 : i32
      %sign3A_560 = arith.cmpi sgt, %squeeze3A_556, %sign3A_559 : i32
      %sign3A_561 = arith.extui %sign3A_560 : i1 to i32
      %sign3A_562 = arith.constant 0 : i32
      %sign3A_563 = arith.cmpi slt, %squeeze3A_556, %sign3A_562 : i32
      %sign3A_564 = arith.extui %sign3A_563 : i1 to i32
      %sign3A_565 = arith.subi %sign3A_561, %sign3A_564 : i32
      %sign3A_566 = arith.constant 0 : i32
      %sign3A_567 = arith.cmpi sgt, %jit3A_557, %sign3A_566 : i32
      %sign3A_568 = arith.extui %sign3A_567 : i1 to i32
      %sign3A_569 = arith.constant 0 : i32
      %sign3A_570 = arith.cmpi slt, %jit3A_557, %sign3A_569 : i32
      %sign3A_571 = arith.extui %sign3A_570 : i1 to i32
      %sign3A_572 = arith.subi %sign3A_568, %sign3A_571 : i32
      %ne3A_573 = arith.cmpi ne, %sign3A_565, %sign3A_572 : i32
      %rem3A_574 = arith.remsi %squeeze3A_556, %jit3A_557 : i32
      %ne3A_575 = arith.constant 0 : i32
      %ne3A_576 = arith.cmpi ne, %rem3A_574, %ne3A_575 : i32
      %and3A_577 = arith.andi %ne3A_573, %ne3A_576 : i1
      %sub3A_578 = arith.constant 1 : i32
      %sub3A_579 = arith.subi %div3A_558, %sub3A_578 : i32
      %select_n3A_580 = arith.select %and3A_577, %sub3A_579, %div3A_558 : i32
      %jit3A_581 = arith.constant 8 : i32
      %eq3A_582 = arith.constant 0 : i32
      %eq3A_583 = arith.cmpi eq, %jit3A_581, %eq3A_582 : i32
      %jit3A_584 = arith.constant 1 : i32
      %select_n3A_585 = arith.select %eq3A_583, %jit3A_584, %jit3A_581 : i32
      %rem3A_586 = arith.remsi %squeeze3A_556, %select_n3A_585 : i32
      %ne3A_587 = arith.constant 0 : i32
      %ne3A_588 = arith.cmpi ne, %rem3A_586, %ne3A_587 : i32
      %lt3A_589 = arith.constant 0 : i32
      %lt3A_590 = arith.cmpi slt, %rem3A_586, %lt3A_589 : i32
      %lt3A_591 = arith.constant 0 : i32
      %lt3A_592 = arith.cmpi slt, %select_n3A_585, %lt3A_591 : i32
      %ne3A_593 = arith.xori %lt3A_590, %lt3A_592 : i1
      %and3A_594 = arith.andi %ne3A_593, %ne3A_588 : i1
      %add3A_595 = arith.addi %rem3A_586, %select_n3A_585 : i32
      %select_n3A_596 = arith.select %and3A_594, %add3A_595, %rem3A_586 : i32
      %mul3A_597 = arith.constant 16 : i32
      %mul3A_598 = arith.muli %scan3A_57, %mul3A_597 : i32
      %add3A_599 = arith.constant 9 : i32
      %add3A_600 = arith.addi %mul3A_598, %add3A_599 : i32
      %dma_start3A_601 = arith.constant 0 : i32
      %dma_start3A_602 = tpu.memref_slice %arg9[%add3A_600, %dma_start3A_601] : memref<256x64xf32, #tpu.memory_space<vmem>> -> memref<1x64xf32, #tpu.memory_space<vmem>>
      %dma_start3A_603 = arith.constant 0 : i32
      %dma_start3A_604 = tpu.memref_slice %arg2[%select_n3A_580, %select_n3A_596, %dma_start3A_603] : memref<125000x8x64xf32, #tpu.memory_space<hbm>> -> memref<1x1x64xf32, #tpu.memory_space<hbm>>
      %dma_start3A_605 = tpu.memref_squeeze %dma_start3A_604 : memref<1x1x64xf32, #tpu.memory_space<hbm>> -> memref<1x64xf32, #tpu.memory_space<hbm>>
      %dma_start3A_606 = arith.constant 0 : i32
      %dma_start3A_607 = tpu.memref_slice %arg9[%add3A_600, %dma_start3A_606] : memref<256x64xf32, #tpu.memory_space<vmem>> -> memref<1x64xf32, #tpu.memory_space<vmem>>
      %dma_start3A_608 = arith.constant 0 : i32
      %dma_start3A_609 = tpu.memref_slice %arg2[%select_n3A_580, %select_n3A_596, %dma_start3A_608] : memref<125000x8x64xf32, #tpu.memory_space<hbm>> -> memref<1x1x64xf32, #tpu.memory_space<hbm>>
      %dma_start3A_610 = tpu.memref_squeeze %dma_start3A_609 : memref<1x1x64xf32, #tpu.memory_space<hbm>> -> memref<1x64xf32, #tpu.memory_space<hbm>>
      tpu.enqueue_dma source(%dma_start3A_610 : memref<1x64xf32, #tpu.memory_space<hbm>>) target(%dma_start3A_607 : memref<1x64xf32, #tpu.memory_space<vmem>>) target_semaphore(%arg11 : memref<!tpu.dma_semaphore, #tpu.memory_space<semaphore_mem>>)
      %slice3A_611 = vector.extract_strided_slice %get3A_63 {offsets = [10], sizes = [1], strides = [1]} : vector<16xi32> to vector<1xi32>
      %squeeze3A_612 = vector.extract %slice3A_611[0] : i32 from vector<1xi32>
      %jit3A_613 = arith.constant 8 : i32
      %div3A_614 = arith.divsi %squeeze3A_612, %jit3A_613 : i32
      %sign3A_615 = arith.constant 0 : i32
      %sign3A_616 = arith.cmpi sgt, %squeeze3A_612, %sign3A_615 : i32
      %sign3A_617 = arith.extui %sign3A_616 : i1 to i32
      %sign3A_618 = arith.constant 0 : i32
      %sign3A_619 = arith.cmpi slt, %squeeze3A_612, %sign3A_618 : i32
      %sign3A_620 = arith.extui %sign3A_619 : i1 to i32
      %sign3A_621 = arith.subi %sign3A_617, %sign3A_620 : i32
      %sign3A_622 = arith.constant 0 : i32
      %sign3A_623 = arith.cmpi sgt, %jit3A_613, %sign3A_622 : i32
      %sign3A_624 = arith.extui %sign3A_623 : i1 to i32
      %sign3A_625 = arith.constant 0 : i32
      %sign3A_626 = arith.cmpi slt, %jit3A_613, %sign3A_625 : i32
      %sign3A_627 = arith.extui %sign3A_626 : i1 to i32
      %sign3A_628 = arith.subi %sign3A_624, %sign3A_627 : i32
      %ne3A_629 = arith.cmpi ne, %sign3A_621, %sign3A_628 : i32
      %rem3A_630 = arith.remsi %squeeze3A_612, %jit3A_613 : i32
      %ne3A_631 = arith.constant 0 : i32
      %ne3A_632 = arith.cmpi ne, %rem3A_630, %ne3A_631 : i32
      %and3A_633 = arith.andi %ne3A_629, %ne3A_632 : i1
      %sub3A_634 = arith.constant 1 : i32
      %sub3A_635 = arith.subi %div3A_614, %sub3A_634 : i32
      %select_n3A_636 = arith.select %and3A_633, %sub3A_635, %div3A_614 : i32
      %jit3A_637 = arith.constant 8 : i32
      %eq3A_638 = arith.constant 0 : i32
      %eq3A_639 = arith.cmpi eq, %jit3A_637, %eq3A_638 : i32
      %jit3A_640 = arith.constant 1 : i32
      %select_n3A_641 = arith.select %eq3A_639, %jit3A_640, %jit3A_637 : i32
      %rem3A_642 = arith.remsi %squeeze3A_612, %select_n3A_641 : i32
      %ne3A_643 = arith.constant 0 : i32
      %ne3A_644 = arith.cmpi ne, %rem3A_642, %ne3A_643 : i32
      %lt3A_645 = arith.constant 0 : i32
      %lt3A_646 = arith.cmpi slt, %rem3A_642, %lt3A_645 : i32
      %lt3A_647 = arith.constant 0 : i32
      %lt3A_648 = arith.cmpi slt, %select_n3A_641, %lt3A_647 : i32
      %ne3A_649 = arith.xori %lt3A_646, %lt3A_648 : i1
      %and3A_650 = arith.andi %ne3A_649, %ne3A_644 : i1
      %add3A_651 = arith.addi %rem3A_642, %select_n3A_641 : i32
      %select_n3A_652 = arith.select %and3A_650, %add3A_651, %rem3A_642 : i32
      %mul3A_653 = arith.constant 16 : i32
      %mul3A_654 = arith.muli %scan3A_57, %mul3A_653 : i32
      %add3A_655 = arith.constant 10 : i32
      %add3A_656 = arith.addi %mul3A_654, %add3A_655 : i32
      %dma_start3A_657 = arith.constant 0 : i32
      %dma_start3A_658 = tpu.memref_slice %arg9[%add3A_656, %dma_start3A_657] : memref<256x64xf32, #tpu.memory_space<vmem>> -> memref<1x64xf32, #tpu.memory_space<vmem>>
      %dma_start3A_659 = arith.constant 0 : i32
      %dma_start3A_660 = tpu.memref_slice %arg2[%select_n3A_636, %select_n3A_652, %dma_start3A_659] : memref<125000x8x64xf32, #tpu.memory_space<hbm>> -> memref<1x1x64xf32, #tpu.memory_space<hbm>>
      %dma_start3A_661 = tpu.memref_squeeze %dma_start3A_660 : memref<1x1x64xf32, #tpu.memory_space<hbm>> -> memref<1x64xf32, #tpu.memory_space<hbm>>
      %dma_start3A_662 = arith.constant 0 : i32
      %dma_start3A_663 = tpu.memref_slice %arg9[%add3A_656, %dma_start3A_662] : memref<256x64xf32, #tpu.memory_space<vmem>> -> memref<1x64xf32, #tpu.memory_space<vmem>>
      %dma_start3A_664 = arith.constant 0 : i32
      %dma_start3A_665 = tpu.memref_slice %arg2[%select_n3A_636, %select_n3A_652, %dma_start3A_664] : memref<125000x8x64xf32, #tpu.memory_space<hbm>> -> memref<1x1x64xf32, #tpu.memory_space<hbm>>
      %dma_start3A_666 = tpu.memref_squeeze %dma_start3A_665 : memref<1x1x64xf32, #tpu.memory_space<hbm>> -> memref<1x64xf32, #tpu.memory_space<hbm>>
      tpu.enqueue_dma source(%dma_start3A_666 : memref<1x64xf32, #tpu.memory_space<hbm>>) target(%dma_start3A_663 : memref<1x64xf32, #tpu.memory_space<vmem>>) target_semaphore(%arg11 : memref<!tpu.dma_semaphore, #tpu.memory_space<semaphore_mem>>)
      %slice3A_667 = vector.extract_strided_slice %get3A_63 {offsets = [11], sizes = [1], strides = [1]} : vector<16xi32> to vector<1xi32>
      %squeeze3A_668 = vector.extract %slice3A_667[0] : i32 from vector<1xi32>
      %jit3A_669 = arith.constant 8 : i32
      %div3A_670 = arith.divsi %squeeze3A_668, %jit3A_669 : i32
      %sign3A_671 = arith.constant 0 : i32
      %sign3A_672 = arith.cmpi sgt, %squeeze3A_668, %sign3A_671 : i32
      %sign3A_673 = arith.extui %sign3A_672 : i1 to i32
      %sign3A_674 = arith.constant 0 : i32
      %sign3A_675 = arith.cmpi slt, %squeeze3A_668, %sign3A_674 : i32
      %sign3A_676 = arith.extui %sign3A_675 : i1 to i32
      %sign3A_677 = arith.subi %sign3A_673, %sign3A_676 : i32
      %sign3A_678 = arith.constant 0 : i32
      %sign3A_679 = arith.cmpi sgt, %jit3A_669, %sign3A_678 : i32
      %sign3A_680 = arith.extui %sign3A_679 : i1 to i32
      %sign3A_681 = arith.constant 0 : i32
      %sign3A_682 = arith.cmpi slt, %jit3A_669, %sign3A_681 : i32
      %sign3A_683 = arith.extui %sign3A_682 : i1 to i32
      %sign3A_684 = arith.subi %sign3A_680, %sign3A_683 : i32
      %ne3A_685 = arith.cmpi ne, %sign3A_677, %sign3A_684 : i32
      %rem3A_686 = arith.remsi %squeeze3A_668, %jit3A_669 : i32
      %ne3A_687 = arith.constant 0 : i32
      %ne3A_688 = arith.cmpi ne, %rem3A_686, %ne3A_687 : i32
      %and3A_689 = arith.andi %ne3A_685, %ne3A_688 : i1
      %sub3A_690 = arith.constant 1 : i32
      %sub3A_691 = arith.subi %div3A_670, %sub3A_690 : i32
      %select_n3A_692 = arith.select %and3A_689, %sub3A_691, %div3A_670 : i32
      %jit3A_693 = arith.constant 8 : i32
      %eq3A_694 = arith.constant 0 : i32
      %eq3A_695 = arith.cmpi eq, %jit3A_693, %eq3A_694 : i32
      %jit3A_696 = arith.constant 1 : i32
      %select_n3A_697 = arith.select %eq3A_695, %jit3A_696, %jit3A_693 : i32
      %rem3A_698 = arith.remsi %squeeze3A_668, %select_n3A_697 : i32
      %ne3A_699 = arith.constant 0 : i32
      %ne3A_700 = arith.cmpi ne, %rem3A_698, %ne3A_699 : i32
      %lt3A_701 = arith.constant 0 : i32
      %lt3A_702 = arith.cmpi slt, %rem3A_698, %lt3A_701 : i32
      %lt3A_703 = arith.constant 0 : i32
      %lt3A_704 = arith.cmpi slt, %select_n3A_697, %lt3A_703 : i32
      %ne3A_705 = arith.xori %lt3A_702, %lt3A_704 : i1
      %and3A_706 = arith.andi %ne3A_705, %ne3A_700 : i1
      %add3A_707 = arith.addi %rem3A_698, %select_n3A_697 : i32
      %select_n3A_708 = arith.select %and3A_706, %add3A_707, %rem3A_698 : i32
      %mul3A_709 = arith.constant 16 : i32
      %mul3A_710 = arith.muli %scan3A_57, %mul3A_709 : i32
      %add3A_711 = arith.constant 11 : i32
      %add3A_712 = arith.addi %mul3A_710, %add3A_711 : i32
      %dma_start3A_713 = arith.constant 0 : i32
      %dma_start3A_714 = tpu.memref_slice %arg9[%add3A_712, %dma_start3A_713] : memref<256x64xf32, #tpu.memory_space<vmem>> -> memref<1x64xf32, #tpu.memory_space<vmem>>
      %dma_start3A_715 = arith.constant 0 : i32
      %dma_start3A_716 = tpu.memref_slice %arg2[%select_n3A_692, %select_n3A_708, %dma_start3A_715] : memref<125000x8x64xf32, #tpu.memory_space<hbm>> -> memref<1x1x64xf32, #tpu.memory_space<hbm>>
      %dma_start3A_717 = tpu.memref_squeeze %dma_start3A_716 : memref<1x1x64xf32, #tpu.memory_space<hbm>> -> memref<1x64xf32, #tpu.memory_space<hbm>>
      %dma_start3A_718 = arith.constant 0 : i32
      %dma_start3A_719 = tpu.memref_slice %arg9[%add3A_712, %dma_start3A_718] : memref<256x64xf32, #tpu.memory_space<vmem>> -> memref<1x64xf32, #tpu.memory_space<vmem>>
      %dma_start3A_720 = arith.constant 0 : i32
      %dma_start3A_721 = tpu.memref_slice %arg2[%select_n3A_692, %select_n3A_708, %dma_start3A_720] : memref<125000x8x64xf32, #tpu.memory_space<hbm>> -> memref<1x1x64xf32, #tpu.memory_space<hbm>>
      %dma_start3A_722 = tpu.memref_squeeze %dma_start3A_721 : memref<1x1x64xf32, #tpu.memory_space<hbm>> -> memref<1x64xf32, #tpu.memory_space<hbm>>
      tpu.enqueue_dma source(%dma_start3A_722 : memref<1x64xf32, #tpu.memory_space<hbm>>) target(%dma_start3A_719 : memref<1x64xf32, #tpu.memory_space<vmem>>) target_semaphore(%arg11 : memref<!tpu.dma_semaphore, #tpu.memory_space<semaphore_mem>>)
      %slice3A_723 = vector.extract_strided_slice %get3A_63 {offsets = [12], sizes = [1], strides = [1]} : vector<16xi32> to vector<1xi32>
      %squeeze3A_724 = vector.extract %slice3A_723[0] : i32 from vector<1xi32>
      %jit3A_725 = arith.constant 8 : i32
      %div3A_726 = arith.divsi %squeeze3A_724, %jit3A_725 : i32
      %sign3A_727 = arith.constant 0 : i32
      %sign3A_728 = arith.cmpi sgt, %squeeze3A_724, %sign3A_727 : i32
      %sign3A_729 = arith.extui %sign3A_728 : i1 to i32
      %sign3A_730 = arith.constant 0 : i32
      %sign3A_731 = arith.cmpi slt, %squeeze3A_724, %sign3A_730 : i32
      %sign3A_732 = arith.extui %sign3A_731 : i1 to i32
      %sign3A_733 = arith.subi %sign3A_729, %sign3A_732 : i32
      %sign3A_734 = arith.constant 0 : i32
      %sign3A_735 = arith.cmpi sgt, %jit3A_725, %sign3A_734 : i32
      %sign3A_736 = arith.extui %sign3A_735 : i1 to i32
      %sign3A_737 = arith.constant 0 : i32
      %sign3A_738 = arith.cmpi slt, %jit3A_725, %sign3A_737 : i32
      %sign3A_739 = arith.extui %sign3A_738 : i1 to i32
      %sign3A_740 = arith.subi %sign3A_736, %sign3A_739 : i32
      %ne3A_741 = arith.cmpi ne, %sign3A_733, %sign3A_740 : i32
      %rem3A_742 = arith.remsi %squeeze3A_724, %jit3A_725 : i32
      %ne3A_743 = arith.constant 0 : i32
      %ne3A_744 = arith.cmpi ne, %rem3A_742, %ne3A_743 : i32
      %and3A_745 = arith.andi %ne3A_741, %ne3A_744 : i1
      %sub3A_746 = arith.constant 1 : i32
      %sub3A_747 = arith.subi %div3A_726, %sub3A_746 : i32
      %select_n3A_748 = arith.select %and3A_745, %sub3A_747, %div3A_726 : i32
      %jit3A_749 = arith.constant 8 : i32
      %eq3A_750 = arith.constant 0 : i32
      %eq3A_751 = arith.cmpi eq, %jit3A_749, %eq3A_750 : i32
      %jit3A_752 = arith.constant 1 : i32
      %select_n3A_753 = arith.select %eq3A_751, %jit3A_752, %jit3A_749 : i32
      %rem3A_754 = arith.remsi %squeeze3A_724, %select_n3A_753 : i32
      %ne3A_755 = arith.constant 0 : i32
      %ne3A_756 = arith.cmpi ne, %rem3A_754, %ne3A_755 : i32
      %lt3A_757 = arith.constant 0 : i32
      %lt3A_758 = arith.cmpi slt, %rem3A_754, %lt3A_757 : i32
      %lt3A_759 = arith.constant 0 : i32
      %lt3A_760 = arith.cmpi slt, %select_n3A_753, %lt3A_759 : i32
      %ne3A_761 = arith.xori %lt3A_758, %lt3A_760 : i1
      %and3A_762 = arith.andi %ne3A_761, %ne3A_756 : i1
      %add3A_763 = arith.addi %rem3A_754, %select_n3A_753 : i32
      %select_n3A_764 = arith.select %and3A_762, %add3A_763, %rem3A_754 : i32
      %mul3A_765 = arith.constant 16 : i32
      %mul3A_766 = arith.muli %scan3A_57, %mul3A_765 : i32
      %add3A_767 = arith.constant 12 : i32
      %add3A_768 = arith.addi %mul3A_766, %add3A_767 : i32
      %dma_start3A_769 = arith.constant 0 : i32
      %dma_start3A_770 = tpu.memref_slice %arg9[%add3A_768, %dma_start3A_769] : memref<256x64xf32, #tpu.memory_space<vmem>> -> memref<1x64xf32, #tpu.memory_space<vmem>>
      %dma_start3A_771 = arith.constant 0 : i32
      %dma_start3A_772 = tpu.memref_slice %arg2[%select_n3A_748, %select_n3A_764, %dma_start3A_771] : memref<125000x8x64xf32, #tpu.memory_space<hbm>> -> memref<1x1x64xf32, #tpu.memory_space<hbm>>
      %dma_start3A_773 = tpu.memref_squeeze %dma_start3A_772 : memref<1x1x64xf32, #tpu.memory_space<hbm>> -> memref<1x64xf32, #tpu.memory_space<hbm>>
      %dma_start3A_774 = arith.constant 0 : i32
      %dma_start3A_775 = tpu.memref_slice %arg9[%add3A_768, %dma_start3A_774] : memref<256x64xf32, #tpu.memory_space<vmem>> -> memref<1x64xf32, #tpu.memory_space<vmem>>
      %dma_start3A_776 = arith.constant 0 : i32
      %dma_start3A_777 = tpu.memref_slice %arg2[%select_n3A_748, %select_n3A_764, %dma_start3A_776] : memref<125000x8x64xf32, #tpu.memory_space<hbm>> -> memref<1x1x64xf32, #tpu.memory_space<hbm>>
      %dma_start3A_778 = tpu.memref_squeeze %dma_start3A_777 : memref<1x1x64xf32, #tpu.memory_space<hbm>> -> memref<1x64xf32, #tpu.memory_space<hbm>>
      tpu.enqueue_dma source(%dma_start3A_778 : memref<1x64xf32, #tpu.memory_space<hbm>>) target(%dma_start3A_775 : memref<1x64xf32, #tpu.memory_space<vmem>>) target_semaphore(%arg11 : memref<!tpu.dma_semaphore, #tpu.memory_space<semaphore_mem>>)
      %slice3A_779 = vector.extract_strided_slice %get3A_63 {offsets = [13], sizes = [1], strides = [1]} : vector<16xi32> to vector<1xi32>
      %squeeze3A_780 = vector.extract %slice3A_779[0] : i32 from vector<1xi32>
      %jit3A_781 = arith.constant 8 : i32
      %div3A_782 = arith.divsi %squeeze3A_780, %jit3A_781 : i32
      %sign3A_783 = arith.constant 0 : i32
      %sign3A_784 = arith.cmpi sgt, %squeeze3A_780, %sign3A_783 : i32
      %sign3A_785 = arith.extui %sign3A_784 : i1 to i32
      %sign3A_786 = arith.constant 0 : i32
      %sign3A_787 = arith.cmpi slt, %squeeze3A_780, %sign3A_786 : i32
      %sign3A_788 = arith.extui %sign3A_787 : i1 to i32
      %sign3A_789 = arith.subi %sign3A_785, %sign3A_788 : i32
      %sign3A_790 = arith.constant 0 : i32
      %sign3A_791 = arith.cmpi sgt, %jit3A_781, %sign3A_790 : i32
      %sign3A_792 = arith.extui %sign3A_791 : i1 to i32
      %sign3A_793 = arith.constant 0 : i32
      %sign3A_794 = arith.cmpi slt, %jit3A_781, %sign3A_793 : i32
      %sign3A_795 = arith.extui %sign3A_794 : i1 to i32
      %sign3A_796 = arith.subi %sign3A_792, %sign3A_795 : i32
      %ne3A_797 = arith.cmpi ne, %sign3A_789, %sign3A_796 : i32
      %rem3A_798 = arith.remsi %squeeze3A_780, %jit3A_781 : i32
      %ne3A_799 = arith.constant 0 : i32
      %ne3A_800 = arith.cmpi ne, %rem3A_798, %ne3A_799 : i32
      %and3A_801 = arith.andi %ne3A_797, %ne3A_800 : i1
      %sub3A_802 = arith.constant 1 : i32
      %sub3A_803 = arith.subi %div3A_782, %sub3A_802 : i32
      %select_n3A_804 = arith.select %and3A_801, %sub3A_803, %div3A_782 : i32
      %jit3A_805 = arith.constant 8 : i32
      %eq3A_806 = arith.constant 0 : i32
      %eq3A_807 = arith.cmpi eq, %jit3A_805, %eq3A_806 : i32
      %jit3A_808 = arith.constant 1 : i32
      %select_n3A_809 = arith.select %eq3A_807, %jit3A_808, %jit3A_805 : i32
      %rem3A_810 = arith.remsi %squeeze3A_780, %select_n3A_809 : i32
      %ne3A_811 = arith.constant 0 : i32
      %ne3A_812 = arith.cmpi ne, %rem3A_810, %ne3A_811 : i32
      %lt3A_813 = arith.constant 0 : i32
      %lt3A_814 = arith.cmpi slt, %rem3A_810, %lt3A_813 : i32
      %lt3A_815 = arith.constant 0 : i32
      %lt3A_816 = arith.cmpi slt, %select_n3A_809, %lt3A_815 : i32
      %ne3A_817 = arith.xori %lt3A_814, %lt3A_816 : i1
      %and3A_818 = arith.andi %ne3A_817, %ne3A_812 : i1
      %add3A_819 = arith.addi %rem3A_810, %select_n3A_809 : i32
      %select_n3A_820 = arith.select %and3A_818, %add3A_819, %rem3A_810 : i32
      %mul3A_821 = arith.constant 16 : i32
      %mul3A_822 = arith.muli %scan3A_57, %mul3A_821 : i32
      %add3A_823 = arith.constant 13 : i32
      %add3A_824 = arith.addi %mul3A_822, %add3A_823 : i32
      %dma_start3A_825 = arith.constant 0 : i32
      %dma_start3A_826 = tpu.memref_slice %arg9[%add3A_824, %dma_start3A_825] : memref<256x64xf32, #tpu.memory_space<vmem>> -> memref<1x64xf32, #tpu.memory_space<vmem>>
      %dma_start3A_827 = arith.constant 0 : i32
      %dma_start3A_828 = tpu.memref_slice %arg2[%select_n3A_804, %select_n3A_820, %dma_start3A_827] : memref<125000x8x64xf32, #tpu.memory_space<hbm>> -> memref<1x1x64xf32, #tpu.memory_space<hbm>>
      %dma_start3A_829 = tpu.memref_squeeze %dma_start3A_828 : memref<1x1x64xf32, #tpu.memory_space<hbm>> -> memref<1x64xf32, #tpu.memory_space<hbm>>
      %dma_start3A_830 = arith.constant 0 : i32
      %dma_start3A_831 = tpu.memref_slice %arg9[%add3A_824, %dma_start3A_830] : memref<256x64xf32, #tpu.memory_space<vmem>> -> memref<1x64xf32, #tpu.memory_space<vmem>>
      %dma_start3A_832 = arith.constant 0 : i32
      %dma_start3A_833 = tpu.memref_slice %arg2[%select_n3A_804, %select_n3A_820, %dma_start3A_832] : memref<125000x8x64xf32, #tpu.memory_space<hbm>> -> memref<1x1x64xf32, #tpu.memory_space<hbm>>
      %dma_start3A_834 = tpu.memref_squeeze %dma_start3A_833 : memref<1x1x64xf32, #tpu.memory_space<hbm>> -> memref<1x64xf32, #tpu.memory_space<hbm>>
      tpu.enqueue_dma source(%dma_start3A_834 : memref<1x64xf32, #tpu.memory_space<hbm>>) target(%dma_start3A_831 : memref<1x64xf32, #tpu.memory_space<vmem>>) target_semaphore(%arg11 : memref<!tpu.dma_semaphore, #tpu.memory_space<semaphore_mem>>)
      %slice3A_835 = vector.extract_strided_slice %get3A_63 {offsets = [14], sizes = [1], strides = [1]} : vector<16xi32> to vector<1xi32>
      %squeeze3A_836 = vector.extract %slice3A_835[0] : i32 from vector<1xi32>
      %jit3A_837 = arith.constant 8 : i32
      %div3A_838 = arith.divsi %squeeze3A_836, %jit3A_837 : i32
      %sign3A_839 = arith.constant 0 : i32
      %sign3A_840 = arith.cmpi sgt, %squeeze3A_836, %sign3A_839 : i32
      %sign3A_841 = arith.extui %sign3A_840 : i1 to i32
      %sign3A_842 = arith.constant 0 : i32
      %sign3A_843 = arith.cmpi slt, %squeeze3A_836, %sign3A_842 : i32
      %sign3A_844 = arith.extui %sign3A_843 : i1 to i32
      %sign3A_845 = arith.subi %sign3A_841, %sign3A_844 : i32
      %sign3A_846 = arith.constant 0 : i32
      %sign3A_847 = arith.cmpi sgt, %jit3A_837, %sign3A_846 : i32
      %sign3A_848 = arith.extui %sign3A_847 : i1 to i32
      %sign3A_849 = arith.constant 0 : i32
      %sign3A_850 = arith.cmpi slt, %jit3A_837, %sign3A_849 : i32
      %sign3A_851 = arith.extui %sign3A_850 : i1 to i32
      %sign3A_852 = arith.subi %sign3A_848, %sign3A_851 : i32
      %ne3A_853 = arith.cmpi ne, %sign3A_845, %sign3A_852 : i32
      %rem3A_854 = arith.remsi %squeeze3A_836, %jit3A_837 : i32
      %ne3A_855 = arith.constant 0 : i32
      %ne3A_856 = arith.cmpi ne, %rem3A_854, %ne3A_855 : i32
      %and3A_857 = arith.andi %ne3A_853, %ne3A_856 : i1
      %sub3A_858 = arith.constant 1 : i32
      %sub3A_859 = arith.subi %div3A_838, %sub3A_858 : i32
      %select_n3A_860 = arith.select %and3A_857, %sub3A_859, %div3A_838 : i32
      %jit3A_861 = arith.constant 8 : i32
      %eq3A_862 = arith.constant 0 : i32
      %eq3A_863 = arith.cmpi eq, %jit3A_861, %eq3A_862 : i32
      %jit3A_864 = arith.constant 1 : i32
      %select_n3A_865 = arith.select %eq3A_863, %jit3A_864, %jit3A_861 : i32
      %rem3A_866 = arith.remsi %squeeze3A_836, %select_n3A_865 : i32
      %ne3A_867 = arith.constant 0 : i32
      %ne3A_868 = arith.cmpi ne, %rem3A_866, %ne3A_867 : i32
      %lt3A_869 = arith.constant 0 : i32
      %lt3A_870 = arith.cmpi slt, %rem3A_866, %lt3A_869 : i32
      %lt3A_871 = arith.constant 0 : i32
      %lt3A_872 = arith.cmpi slt, %select_n3A_865, %lt3A_871 : i32
      %ne3A_873 = arith.xori %lt3A_870, %lt3A_872 : i1
      %and3A_874 = arith.andi %ne3A_873, %ne3A_868 : i1
      %add3A_875 = arith.addi %rem3A_866, %select_n3A_865 : i32
      %select_n3A_876 = arith.select %and3A_874, %add3A_875, %rem3A_866 : i32
      %mul3A_877 = arith.constant 16 : i32
      %mul3A_878 = arith.muli %scan3A_57, %mul3A_877 : i32
      %add3A_879 = arith.constant 14 : i32
      %add3A_880 = arith.addi %mul3A_878, %add3A_879 : i32
      %dma_start3A_881 = arith.constant 0 : i32
      %dma_start3A_882 = tpu.memref_slice %arg9[%add3A_880, %dma_start3A_881] : memref<256x64xf32, #tpu.memory_space<vmem>> -> memref<1x64xf32, #tpu.memory_space<vmem>>
      %dma_start3A_883 = arith.constant 0 : i32
      %dma_start3A_884 = tpu.memref_slice %arg2[%select_n3A_860, %select_n3A_876, %dma_start3A_883] : memref<125000x8x64xf32, #tpu.memory_space<hbm>> -> memref<1x1x64xf32, #tpu.memory_space<hbm>>
      %dma_start3A_885 = tpu.memref_squeeze %dma_start3A_884 : memref<1x1x64xf32, #tpu.memory_space<hbm>> -> memref<1x64xf32, #tpu.memory_space<hbm>>
      %dma_start3A_886 = arith.constant 0 : i32
      %dma_start3A_887 = tpu.memref_slice %arg9[%add3A_880, %dma_start3A_886] : memref<256x64xf32, #tpu.memory_space<vmem>> -> memref<1x64xf32, #tpu.memory_space<vmem>>
      %dma_start3A_888 = arith.constant 0 : i32
      %dma_start3A_889 = tpu.memref_slice %arg2[%select_n3A_860, %select_n3A_876, %dma_start3A_888] : memref<125000x8x64xf32, #tpu.memory_space<hbm>> -> memref<1x1x64xf32, #tpu.memory_space<hbm>>
      %dma_start3A_890 = tpu.memref_squeeze %dma_start3A_889 : memref<1x1x64xf32, #tpu.memory_space<hbm>> -> memref<1x64xf32, #tpu.memory_space<hbm>>
      tpu.enqueue_dma source(%dma_start3A_890 : memref<1x64xf32, #tpu.memory_space<hbm>>) target(%dma_start3A_887 : memref<1x64xf32, #tpu.memory_space<vmem>>) target_semaphore(%arg11 : memref<!tpu.dma_semaphore, #tpu.memory_space<semaphore_mem>>)
      %slice3A_891 = vector.extract_strided_slice %get3A_63 {offsets = [15], sizes = [1], strides = [1]} : vector<16xi32> to vector<1xi32>
      %squeeze3A_892 = vector.extract %slice3A_891[0] : i32 from vector<1xi32>
      %jit3A_893 = arith.constant 8 : i32
      %div3A_894 = arith.divsi %squeeze3A_892, %jit3A_893 : i32
      %sign3A_895 = arith.constant 0 : i32
      %sign3A_896 = arith.cmpi sgt, %squeeze3A_892, %sign3A_895 : i32
      %sign3A_897 = arith.extui %sign3A_896 : i1 to i32
      %sign3A_898 = arith.constant 0 : i32
      %sign3A_899 = arith.cmpi slt, %squeeze3A_892, %sign3A_898 : i32
      %sign3A_900 = arith.extui %sign3A_899 : i1 to i32
      %sign3A_901 = arith.subi %sign3A_897, %sign3A_900 : i32
      %sign3A_902 = arith.constant 0 : i32
      %sign3A_903 = arith.cmpi sgt, %jit3A_893, %sign3A_902 : i32
      %sign3A_904 = arith.extui %sign3A_903 : i1 to i32
      %sign3A_905 = arith.constant 0 : i32
      %sign3A_906 = arith.cmpi slt, %jit3A_893, %sign3A_905 : i32
      %sign3A_907 = arith.extui %sign3A_906 : i1 to i32
      %sign3A_908 = arith.subi %sign3A_904, %sign3A_907 : i32
      %ne3A_909 = arith.cmpi ne, %sign3A_901, %sign3A_908 : i32
      %rem3A_910 = arith.remsi %squeeze3A_892, %jit3A_893 : i32
      %ne3A_911 = arith.constant 0 : i32
      %ne3A_912 = arith.cmpi ne, %rem3A_910, %ne3A_911 : i32
      %and3A_913 = arith.andi %ne3A_909, %ne3A_912 : i1
      %sub3A_914 = arith.constant 1 : i32
      %sub3A_915 = arith.subi %div3A_894, %sub3A_914 : i32
      %select_n3A_916 = arith.select %and3A_913, %sub3A_915, %div3A_894 : i32
      %jit3A_917 = arith.constant 8 : i32
      %eq3A_918 = arith.constant 0 : i32
      %eq3A_919 = arith.cmpi eq, %jit3A_917, %eq3A_918 : i32
      %jit3A_920 = arith.constant 1 : i32
      %select_n3A_921 = arith.select %eq3A_919, %jit3A_920, %jit3A_917 : i32
      %rem3A_922 = arith.remsi %squeeze3A_892, %select_n3A_921 : i32
      %ne3A_923 = arith.constant 0 : i32
      %ne3A_924 = arith.cmpi ne, %rem3A_922, %ne3A_923 : i32
      %lt3A_925 = arith.constant 0 : i32
      %lt3A_926 = arith.cmpi slt, %rem3A_922, %lt3A_925 : i32
      %lt3A_927 = arith.constant 0 : i32
      %lt3A_928 = arith.cmpi slt, %select_n3A_921, %lt3A_927 : i32
      %ne3A_929 = arith.xori %lt3A_926, %lt3A_928 : i1
      %and3A_930 = arith.andi %ne3A_929, %ne3A_924 : i1
      %add3A_931 = arith.addi %rem3A_922, %select_n3A_921 : i32
      %select_n3A_932 = arith.select %and3A_930, %add3A_931, %rem3A_922 : i32
      %mul3A_933 = arith.constant 16 : i32
      %mul3A_934 = arith.muli %scan3A_57, %mul3A_933 : i32
      %add3A_935 = arith.constant 15 : i32
      %add3A_936 = arith.addi %mul3A_934, %add3A_935 : i32
      %dma_start3A_937 = arith.constant 0 : i32
      %dma_start3A_938 = tpu.memref_slice %arg9[%add3A_936, %dma_start3A_937] : memref<256x64xf32, #tpu.memory_space<vmem>> -> memref<1x64xf32, #tpu.memory_space<vmem>>
      %dma_start3A_939 = arith.constant 0 : i32
      %dma_start3A_940 = tpu.memref_slice %arg2[%select_n3A_916, %select_n3A_932, %dma_start3A_939] : memref<125000x8x64xf32, #tpu.memory_space<hbm>> -> memref<1x1x64xf32, #tpu.memory_space<hbm>>
      %dma_start3A_941 = tpu.memref_squeeze %dma_start3A_940 : memref<1x1x64xf32, #tpu.memory_space<hbm>> -> memref<1x64xf32, #tpu.memory_space<hbm>>
      %dma_start3A_942 = arith.constant 0 : i32
      %dma_start3A_943 = tpu.memref_slice %arg9[%add3A_936, %dma_start3A_942] : memref<256x64xf32, #tpu.memory_space<vmem>> -> memref<1x64xf32, #tpu.memory_space<vmem>>
      %dma_start3A_944 = arith.constant 0 : i32
      %dma_start3A_945 = tpu.memref_slice %arg2[%select_n3A_916, %select_n3A_932, %dma_start3A_944] : memref<125000x8x64xf32, #tpu.memory_space<hbm>> -> memref<1x1x64xf32, #tpu.memory_space<hbm>>
      %dma_start3A_946 = tpu.memref_squeeze %dma_start3A_945 : memref<1x1x64xf32, #tpu.memory_space<hbm>> -> memref<1x64xf32, #tpu.memory_space<hbm>>
      tpu.enqueue_dma source(%dma_start3A_946 : memref<1x64xf32, #tpu.memory_space<hbm>>) target(%dma_start3A_943 : memref<1x64xf32, #tpu.memory_space<vmem>>) target_semaphore(%arg11 : memref<!tpu.dma_semaphore, #tpu.memory_space<semaphore_mem>>)
    }
    %scan3A_7 = arith.constant 16 : i32
    %scan3A_8 = arith.constant 0 : i32
    %scan3A_9 = arith.constant 0 : i32
    %scan3A_10 = arith.constant 16 : i32
    %scan3A_11 = arith.addi %scan3A_9, %scan3A_10 : i32
    %scan3A_12 = arith.constant 1 : i32
    scf.for %scan3A_57 = %scan3A_9 to %scan3A_11 step %scan3A_12  : i32 {
      %mul3A_58 = arith.constant 16 : i32
      %mul3A_59 = arith.muli %scan3A_57, %mul3A_58 : i32
      %add3A_60 = arith.constant 256 : i32
      %add3A_61 = arith.addi %add3A_60, %mul3A_59 : i32
      %get3A = arith.index_cast %add3A_61 : i32 to index
      %get3A_62 = tpu.vector_load %arg7[%get3A] {strides = array<i32>} : memref<512xi32, #tpu.memory_space<vmem>>, vector<16xi32>,
      %get3A_63 = vector.shape_cast %get3A_62 : vector<16xi32> to vector<16xi32>
      %slice3A = vector.extract_strided_slice %get3A_63 {offsets = [0], sizes = [1], strides = [1]} : vector<16xi32> to vector<1xi32>
      %squeeze3A = vector.extract %slice3A[0] : i32 from vector<1xi32>
      %jit3A = arith.constant 8 : i32
      %div3A = arith.divsi %squeeze3A, %jit3A : i32
      %sign3A = arith.constant 0 : i32
      %sign3A_64 = arith.cmpi sgt, %squeeze3A, %sign3A : i32
      %sign3A_65 = arith.extui %sign3A_64 : i1 to i32
      %sign3A_66 = arith.constant 0 : i32
      %sign3A_67 = arith.cmpi slt, %squeeze3A, %sign3A_66 : i32
      %sign3A_68 = arith.extui %sign3A_67 : i1 to i32
      %sign3A_69 = arith.subi %sign3A_65, %sign3A_68 : i32
      %sign3A_70 = arith.constant 0 : i32
      %sign3A_71 = arith.cmpi sgt, %jit3A, %sign3A_70 : i32
      %sign3A_72 = arith.extui %sign3A_71 : i1 to i32
      %sign3A_73 = arith.constant 0 : i32
      %sign3A_74 = arith.cmpi slt, %jit3A, %sign3A_73 : i32
      %sign3A_75 = arith.extui %sign3A_74 : i1 to i32
      %sign3A_76 = arith.subi %sign3A_72, %sign3A_75 : i32
      %ne3A = arith.cmpi ne, %sign3A_69, %sign3A_76 : i32
      %rem3A = arith.remsi %squeeze3A, %jit3A : i32
      %ne3A_77 = arith.constant 0 : i32
      %ne3A_78 = arith.cmpi ne, %rem3A, %ne3A_77 : i32
      %and3A = arith.andi %ne3A, %ne3A_78 : i1
      %sub3A = arith.constant 1 : i32
      %sub3A_79 = arith.subi %div3A, %sub3A : i32
      %select_n3A = arith.select %and3A, %sub3A_79, %div3A : i32
      %jit3A_80 = arith.constant 8 : i32
      %eq3A = arith.constant 0 : i32
      %eq3A_81 = arith.cmpi eq, %jit3A_80, %eq3A : i32
      %jit3A_82 = arith.constant 1 : i32
      %select_n3A_83 = arith.select %eq3A_81, %jit3A_82, %jit3A_80 : i32
      %rem3A_84 = arith.remsi %squeeze3A, %select_n3A_83 : i32
      %ne3A_85 = arith.constant 0 : i32
      %ne3A_86 = arith.cmpi ne, %rem3A_84, %ne3A_85 : i32
      %lt3A = arith.constant 0 : i32
      %lt3A_87 = arith.cmpi slt, %rem3A_84, %lt3A : i32
      %lt3A_88 = arith.constant 0 : i32
      %lt3A_89 = arith.cmpi slt, %select_n3A_83, %lt3A_88 : i32
      %ne3A_90 = arith.xori %lt3A_87, %lt3A_89 : i1
      %and3A_91 = arith.andi %ne3A_90, %ne3A_86 : i1
      %add3A_92 = arith.addi %rem3A_84, %select_n3A_83 : i32
      %select_n3A_93 = arith.select %and3A_91, %add3A_92, %rem3A_84 : i32
      %mul3A_94 = arith.constant 16 : i32
      %mul3A_95 = arith.muli %scan3A_57, %mul3A_94 : i32
      %add3A_96 = arith.constant 0 : i32
      %add3A_97 = arith.addi %mul3A_95, %add3A_96 : i32
      %dma_start3A = arith.constant 0 : i32
      %dma_start3A_98 = tpu.memref_slice %arg10[%add3A_97, %dma_start3A] : memref<256x64xf32, #tpu.memory_space<vmem>> -> memref<1x64xf32, #tpu.memory_space<vmem>>
      %dma_start3A_99 = arith.constant 0 : i32
      %dma_start3A_100 = tpu.memref_slice %arg2[%select_n3A, %select_n3A_93, %dma_start3A_99] : memref<125000x8x64xf32, #tpu.memory_space<hbm>> -> memref<1x1x64xf32, #tpu.memory_space<hbm>>
      %dma_start3A_101 = tpu.memref_squeeze %dma_start3A_100 : memref<1x1x64xf32, #tpu.memory_space<hbm>> -> memref<1x64xf32, #tpu.memory_space<hbm>>
      %dma_start3A_102 = arith.constant 0 : i32
      %dma_start3A_103 = tpu.memref_slice %arg10[%add3A_97, %dma_start3A_102] : memref<256x64xf32, #tpu.memory_space<vmem>> -> memref<1x64xf32, #tpu.memory_space<vmem>>
      %dma_start3A_104 = arith.constant 0 : i32
      %dma_start3A_105 = tpu.memref_slice %arg2[%select_n3A, %select_n3A_93, %dma_start3A_104] : memref<125000x8x64xf32, #tpu.memory_space<hbm>> -> memref<1x1x64xf32, #tpu.memory_space<hbm>>
      %dma_start3A_106 = tpu.memref_squeeze %dma_start3A_105 : memref<1x1x64xf32, #tpu.memory_space<hbm>> -> memref<1x64xf32, #tpu.memory_space<hbm>>
      tpu.enqueue_dma source(%dma_start3A_106 : memref<1x64xf32, #tpu.memory_space<hbm>>) target(%dma_start3A_103 : memref<1x64xf32, #tpu.memory_space<vmem>>) target_semaphore(%arg12 : memref<!tpu.dma_semaphore, #tpu.memory_space<semaphore_mem>>)
      %slice3A_107 = vector.extract_strided_slice %get3A_63 {offsets = [1], sizes = [1], strides = [1]} : vector<16xi32> to vector<1xi32>
      %squeeze3A_108 = vector.extract %slice3A_107[0] : i32 from vector<1xi32>
      %jit3A_109 = arith.constant 8 : i32
      %div3A_110 = arith.divsi %squeeze3A_108, %jit3A_109 : i32
      %sign3A_111 = arith.constant 0 : i32
      %sign3A_112 = arith.cmpi sgt, %squeeze3A_108, %sign3A_111 : i32
      %sign3A_113 = arith.extui %sign3A_112 : i1 to i32
      %sign3A_114 = arith.constant 0 : i32
      %sign3A_115 = arith.cmpi slt, %squeeze3A_108, %sign3A_114 : i32
      %sign3A_116 = arith.extui %sign3A_115 : i1 to i32
      %sign3A_117 = arith.subi %sign3A_113, %sign3A_116 : i32
      %sign3A_118 = arith.constant 0 : i32
      %sign3A_119 = arith.cmpi sgt, %jit3A_109, %sign3A_118 : i32
      %sign3A_120 = arith.extui %sign3A_119 : i1 to i32
      %sign3A_121 = arith.constant 0 : i32
      %sign3A_122 = arith.cmpi slt, %jit3A_109, %sign3A_121 : i32
      %sign3A_123 = arith.extui %sign3A_122 : i1 to i32
      %sign3A_124 = arith.subi %sign3A_120, %sign3A_123 : i32
      %ne3A_125 = arith.cmpi ne, %sign3A_117, %sign3A_124 : i32
      %rem3A_126 = arith.remsi %squeeze3A_108, %jit3A_109 : i32
      %ne3A_127 = arith.constant 0 : i32
      %ne3A_128 = arith.cmpi ne, %rem3A_126, %ne3A_127 : i32
      %and3A_129 = arith.andi %ne3A_125, %ne3A_128 : i1
      %sub3A_130 = arith.constant 1 : i32
      %sub3A_131 = arith.subi %div3A_110, %sub3A_130 : i32
      %select_n3A_132 = arith.select %and3A_129, %sub3A_131, %div3A_110 : i32
      %jit3A_133 = arith.constant 8 : i32
      %eq3A_134 = arith.constant 0 : i32
      %eq3A_135 = arith.cmpi eq, %jit3A_133, %eq3A_134 : i32
      %jit3A_136 = arith.constant 1 : i32
      %select_n3A_137 = arith.select %eq3A_135, %jit3A_136, %jit3A_133 : i32
      %rem3A_138 = arith.remsi %squeeze3A_108, %select_n3A_137 : i32
      %ne3A_139 = arith.constant 0 : i32
      %ne3A_140 = arith.cmpi ne, %rem3A_138, %ne3A_139 : i32
      %lt3A_141 = arith.constant 0 : i32
      %lt3A_142 = arith.cmpi slt, %rem3A_138, %lt3A_141 : i32
      %lt3A_143 = arith.constant 0 : i32
      %lt3A_144 = arith.cmpi slt, %select_n3A_137, %lt3A_143 : i32
      %ne3A_145 = arith.xori %lt3A_142, %lt3A_144 : i1
      %and3A_146 = arith.andi %ne3A_145, %ne3A_140 : i1
      %add3A_147 = arith.addi %rem3A_138, %select_n3A_137 : i32
      %select_n3A_148 = arith.select %and3A_146, %add3A_147, %rem3A_138 : i32
      %mul3A_149 = arith.constant 16 : i32
      %mul3A_150 = arith.muli %scan3A_57, %mul3A_149 : i32
      %add3A_151 = arith.constant 1 : i32
      %add3A_152 = arith.addi %mul3A_150, %add3A_151 : i32
      %dma_start3A_153 = arith.constant 0 : i32
      %dma_start3A_154 = tpu.memref_slice %arg10[%add3A_152, %dma_start3A_153] : memref<256x64xf32, #tpu.memory_space<vmem>> -> memref<1x64xf32, #tpu.memory_space<vmem>>
      %dma_start3A_155 = arith.constant 0 : i32
      %dma_start3A_156 = tpu.memref_slice %arg2[%select_n3A_132, %select_n3A_148, %dma_start3A_155] : memref<125000x8x64xf32, #tpu.memory_space<hbm>> -> memref<1x1x64xf32, #tpu.memory_space<hbm>>
      %dma_start3A_157 = tpu.memref_squeeze %dma_start3A_156 : memref<1x1x64xf32, #tpu.memory_space<hbm>> -> memref<1x64xf32, #tpu.memory_space<hbm>>
      %dma_start3A_158 = arith.constant 0 : i32
      %dma_start3A_159 = tpu.memref_slice %arg10[%add3A_152, %dma_start3A_158] : memref<256x64xf32, #tpu.memory_space<vmem>> -> memref<1x64xf32, #tpu.memory_space<vmem>>
      %dma_start3A_160 = arith.constant 0 : i32
      %dma_start3A_161 = tpu.memref_slice %arg2[%select_n3A_132, %select_n3A_148, %dma_start3A_160] : memref<125000x8x64xf32, #tpu.memory_space<hbm>> -> memref<1x1x64xf32, #tpu.memory_space<hbm>>
      %dma_start3A_162 = tpu.memref_squeeze %dma_start3A_161 : memref<1x1x64xf32, #tpu.memory_space<hbm>> -> memref<1x64xf32, #tpu.memory_space<hbm>>
      tpu.enqueue_dma source(%dma_start3A_162 : memref<1x64xf32, #tpu.memory_space<hbm>>) target(%dma_start3A_159 : memref<1x64xf32, #tpu.memory_space<vmem>>) target_semaphore(%arg12 : memref<!tpu.dma_semaphore, #tpu.memory_space<semaphore_mem>>)
      %slice3A_163 = vector.extract_strided_slice %get3A_63 {offsets = [2], sizes = [1], strides = [1]} : vector<16xi32> to vector<1xi32>
      %squeeze3A_164 = vector.extract %slice3A_163[0] : i32 from vector<1xi32>
      %jit3A_165 = arith.constant 8 : i32
      %div3A_166 = arith.divsi %squeeze3A_164, %jit3A_165 : i32
      %sign3A_167 = arith.constant 0 : i32
      %sign3A_168 = arith.cmpi sgt, %squeeze3A_164, %sign3A_167 : i32
      %sign3A_169 = arith.extui %sign3A_168 : i1 to i32
      %sign3A_170 = arith.constant 0 : i32
      %sign3A_171 = arith.cmpi slt, %squeeze3A_164, %sign3A_170 : i32
      %sign3A_172 = arith.extui %sign3A_171 : i1 to i32
      %sign3A_173 = arith.subi %sign3A_169, %sign3A_172 : i32
      %sign3A_174 = arith.constant 0 : i32
      %sign3A_175 = arith.cmpi sgt, %jit3A_165, %sign3A_174 : i32
      %sign3A_176 = arith.extui %sign3A_175 : i1 to i32
      %sign3A_177 = arith.constant 0 : i32
      %sign3A_178 = arith.cmpi slt, %jit3A_165, %sign3A_177 : i32
      %sign3A_179 = arith.extui %sign3A_178 : i1 to i32
      %sign3A_180 = arith.subi %sign3A_176, %sign3A_179 : i32
      %ne3A_181 = arith.cmpi ne, %sign3A_173, %sign3A_180 : i32
      %rem3A_182 = arith.remsi %squeeze3A_164, %jit3A_165 : i32
      %ne3A_183 = arith.constant 0 : i32
      %ne3A_184 = arith.cmpi ne, %rem3A_182, %ne3A_183 : i32
      %and3A_185 = arith.andi %ne3A_181, %ne3A_184 : i1
      %sub3A_186 = arith.constant 1 : i32
      %sub3A_187 = arith.subi %div3A_166, %sub3A_186 : i32
      %select_n3A_188 = arith.select %and3A_185, %sub3A_187, %div3A_166 : i32
      %jit3A_189 = arith.constant 8 : i32
      %eq3A_190 = arith.constant 0 : i32
      %eq3A_191 = arith.cmpi eq, %jit3A_189, %eq3A_190 : i32
      %jit3A_192 = arith.constant 1 : i32
      %select_n3A_193 = arith.select %eq3A_191, %jit3A_192, %jit3A_189 : i32
      %rem3A_194 = arith.remsi %squeeze3A_164, %select_n3A_193 : i32
      %ne3A_195 = arith.constant 0 : i32
      %ne3A_196 = arith.cmpi ne, %rem3A_194, %ne3A_195 : i32
      %lt3A_197 = arith.constant 0 : i32
      %lt3A_198 = arith.cmpi slt, %rem3A_194, %lt3A_197 : i32
      %lt3A_199 = arith.constant 0 : i32
      %lt3A_200 = arith.cmpi slt, %select_n3A_193, %lt3A_199 : i32
      %ne3A_201 = arith.xori %lt3A_198, %lt3A_200 : i1
      %and3A_202 = arith.andi %ne3A_201, %ne3A_196 : i1
      %add3A_203 = arith.addi %rem3A_194, %select_n3A_193 : i32
      %select_n3A_204 = arith.select %and3A_202, %add3A_203, %rem3A_194 : i32
      %mul3A_205 = arith.constant 16 : i32
      %mul3A_206 = arith.muli %scan3A_57, %mul3A_205 : i32
      %add3A_207 = arith.constant 2 : i32
      %add3A_208 = arith.addi %mul3A_206, %add3A_207 : i32
      %dma_start3A_209 = arith.constant 0 : i32
      %dma_start3A_210 = tpu.memref_slice %arg10[%add3A_208, %dma_start3A_209] : memref<256x64xf32, #tpu.memory_space<vmem>> -> memref<1x64xf32, #tpu.memory_space<vmem>>
      %dma_start3A_211 = arith.constant 0 : i32
      %dma_start3A_212 = tpu.memref_slice %arg2[%select_n3A_188, %select_n3A_204, %dma_start3A_211] : memref<125000x8x64xf32, #tpu.memory_space<hbm>> -> memref<1x1x64xf32, #tpu.memory_space<hbm>>
      %dma_start3A_213 = tpu.memref_squeeze %dma_start3A_212 : memref<1x1x64xf32, #tpu.memory_space<hbm>> -> memref<1x64xf32, #tpu.memory_space<hbm>>
      %dma_start3A_214 = arith.constant 0 : i32
      %dma_start3A_215 = tpu.memref_slice %arg10[%add3A_208, %dma_start3A_214] : memref<256x64xf32, #tpu.memory_space<vmem>> -> memref<1x64xf32, #tpu.memory_space<vmem>>
      %dma_start3A_216 = arith.constant 0 : i32
      %dma_start3A_217 = tpu.memref_slice %arg2[%select_n3A_188, %select_n3A_204, %dma_start3A_216] : memref<125000x8x64xf32, #tpu.memory_space<hbm>> -> memref<1x1x64xf32, #tpu.memory_space<hbm>>
      %dma_start3A_218 = tpu.memref_squeeze %dma_start3A_217 : memref<1x1x64xf32, #tpu.memory_space<hbm>> -> memref<1x64xf32, #tpu.memory_space<hbm>>
      tpu.enqueue_dma source(%dma_start3A_218 : memref<1x64xf32, #tpu.memory_space<hbm>>) target(%dma_start3A_215 : memref<1x64xf32, #tpu.memory_space<vmem>>) target_semaphore(%arg12 : memref<!tpu.dma_semaphore, #tpu.memory_space<semaphore_mem>>)
      %slice3A_219 = vector.extract_strided_slice %get3A_63 {offsets = [3], sizes = [1], strides = [1]} : vector<16xi32> to vector<1xi32>
      %squeeze3A_220 = vector.extract %slice3A_219[0] : i32 from vector<1xi32>
      %jit3A_221 = arith.constant 8 : i32
      %div3A_222 = arith.divsi %squeeze3A_220, %jit3A_221 : i32
      %sign3A_223 = arith.constant 0 : i32
      %sign3A_224 = arith.cmpi sgt, %squeeze3A_220, %sign3A_223 : i32
      %sign3A_225 = arith.extui %sign3A_224 : i1 to i32
      %sign3A_226 = arith.constant 0 : i32
      %sign3A_227 = arith.cmpi slt, %squeeze3A_220, %sign3A_226 : i32
      %sign3A_228 = arith.extui %sign3A_227 : i1 to i32
      %sign3A_229 = arith.subi %sign3A_225, %sign3A_228 : i32
      %sign3A_230 = arith.constant 0 : i32
      %sign3A_231 = arith.cmpi sgt, %jit3A_221, %sign3A_230 : i32
      %sign3A_232 = arith.extui %sign3A_231 : i1 to i32
      %sign3A_233 = arith.constant 0 : i32
      %sign3A_234 = arith.cmpi slt, %jit3A_221, %sign3A_233 : i32
      %sign3A_235 = arith.extui %sign3A_234 : i1 to i32
      %sign3A_236 = arith.subi %sign3A_232, %sign3A_235 : i32
      %ne3A_237 = arith.cmpi ne, %sign3A_229, %sign3A_236 : i32
      %rem3A_238 = arith.remsi %squeeze3A_220, %jit3A_221 : i32
      %ne3A_239 = arith.constant 0 : i32
      %ne3A_240 = arith.cmpi ne, %rem3A_238, %ne3A_239 : i32
      %and3A_241 = arith.andi %ne3A_237, %ne3A_240 : i1
      %sub3A_242 = arith.constant 1 : i32
      %sub3A_243 = arith.subi %div3A_222, %sub3A_242 : i32
      %select_n3A_244 = arith.select %and3A_241, %sub3A_243, %div3A_222 : i32
      %jit3A_245 = arith.constant 8 : i32
      %eq3A_246 = arith.constant 0 : i32
      %eq3A_247 = arith.cmpi eq, %jit3A_245, %eq3A_246 : i32
      %jit3A_248 = arith.constant 1 : i32
      %select_n3A_249 = arith.select %eq3A_247, %jit3A_248, %jit3A_245 : i32
      %rem3A_250 = arith.remsi %squeeze3A_220, %select_n3A_249 : i32
      %ne3A_251 = arith.constant 0 : i32
      %ne3A_252 = arith.cmpi ne, %rem3A_250, %ne3A_251 : i32
      %lt3A_253 = arith.constant 0 : i32
      %lt3A_254 = arith.cmpi slt, %rem3A_250, %lt3A_253 : i32
      %lt3A_255 = arith.constant 0 : i32
      %lt3A_256 = arith.cmpi slt, %select_n3A_249, %lt3A_255 : i32
      %ne3A_257 = arith.xori %lt3A_254, %lt3A_256 : i1
      %and3A_258 = arith.andi %ne3A_257, %ne3A_252 : i1
      %add3A_259 = arith.addi %rem3A_250, %select_n3A_249 : i32
      %select_n3A_260 = arith.select %and3A_258, %add3A_259, %rem3A_250 : i32
      %mul3A_261 = arith.constant 16 : i32
      %mul3A_262 = arith.muli %scan3A_57, %mul3A_261 : i32
      %add3A_263 = arith.constant 3 : i32
      %add3A_264 = arith.addi %mul3A_262, %add3A_263 : i32
      %dma_start3A_265 = arith.constant 0 : i32
      %dma_start3A_266 = tpu.memref_slice %arg10[%add3A_264, %dma_start3A_265] : memref<256x64xf32, #tpu.memory_space<vmem>> -> memref<1x64xf32, #tpu.memory_space<vmem>>
      %dma_start3A_267 = arith.constant 0 : i32
      %dma_start3A_268 = tpu.memref_slice %arg2[%select_n3A_244, %select_n3A_260, %dma_start3A_267] : memref<125000x8x64xf32, #tpu.memory_space<hbm>> -> memref<1x1x64xf32, #tpu.memory_space<hbm>>
      %dma_start3A_269 = tpu.memref_squeeze %dma_start3A_268 : memref<1x1x64xf32, #tpu.memory_space<hbm>> -> memref<1x64xf32, #tpu.memory_space<hbm>>
      %dma_start3A_270 = arith.constant 0 : i32
      %dma_start3A_271 = tpu.memref_slice %arg10[%add3A_264, %dma_start3A_270] : memref<256x64xf32, #tpu.memory_space<vmem>> -> memref<1x64xf32, #tpu.memory_space<vmem>>
      %dma_start3A_272 = arith.constant 0 : i32
      %dma_start3A_273 = tpu.memref_slice %arg2[%select_n3A_244, %select_n3A_260, %dma_start3A_272] : memref<125000x8x64xf32, #tpu.memory_space<hbm>> -> memref<1x1x64xf32, #tpu.memory_space<hbm>>
      %dma_start3A_274 = tpu.memref_squeeze %dma_start3A_273 : memref<1x1x64xf32, #tpu.memory_space<hbm>> -> memref<1x64xf32, #tpu.memory_space<hbm>>
      tpu.enqueue_dma source(%dma_start3A_274 : memref<1x64xf32, #tpu.memory_space<hbm>>) target(%dma_start3A_271 : memref<1x64xf32, #tpu.memory_space<vmem>>) target_semaphore(%arg12 : memref<!tpu.dma_semaphore, #tpu.memory_space<semaphore_mem>>)
      %slice3A_275 = vector.extract_strided_slice %get3A_63 {offsets = [4], sizes = [1], strides = [1]} : vector<16xi32> to vector<1xi32>
      %squeeze3A_276 = vector.extract %slice3A_275[0] : i32 from vector<1xi32>
      %jit3A_277 = arith.constant 8 : i32
      %div3A_278 = arith.divsi %squeeze3A_276, %jit3A_277 : i32
      %sign3A_279 = arith.constant 0 : i32
      %sign3A_280 = arith.cmpi sgt, %squeeze3A_276, %sign3A_279 : i32
      %sign3A_281 = arith.extui %sign3A_280 : i1 to i32
      %sign3A_282 = arith.constant 0 : i32
      %sign3A_283 = arith.cmpi slt, %squeeze3A_276, %sign3A_282 : i32
      %sign3A_284 = arith.extui %sign3A_283 : i1 to i32
      %sign3A_285 = arith.subi %sign3A_281, %sign3A_284 : i32
      %sign3A_286 = arith.constant 0 : i32
      %sign3A_287 = arith.cmpi sgt, %jit3A_277, %sign3A_286 : i32
      %sign3A_288 = arith.extui %sign3A_287 : i1 to i32
      %sign3A_289 = arith.constant 0 : i32
      %sign3A_290 = arith.cmpi slt, %jit3A_277, %sign3A_289 : i32
      %sign3A_291 = arith.extui %sign3A_290 : i1 to i32
      %sign3A_292 = arith.subi %sign3A_288, %sign3A_291 : i32
      %ne3A_293 = arith.cmpi ne, %sign3A_285, %sign3A_292 : i32
      %rem3A_294 = arith.remsi %squeeze3A_276, %jit3A_277 : i32
      %ne3A_295 = arith.constant 0 : i32
      %ne3A_296 = arith.cmpi ne, %rem3A_294, %ne3A_295 : i32
      %and3A_297 = arith.andi %ne3A_293, %ne3A_296 : i1
      %sub3A_298 = arith.constant 1 : i32
      %sub3A_299 = arith.subi %div3A_278, %sub3A_298 : i32
      %select_n3A_300 = arith.select %and3A_297, %sub3A_299, %div3A_278 : i32
      %jit3A_301 = arith.constant 8 : i32
      %eq3A_302 = arith.constant 0 : i32
      %eq3A_303 = arith.cmpi eq, %jit3A_301, %eq3A_302 : i32
      %jit3A_304 = arith.constant 1 : i32
      %select_n3A_305 = arith.select %eq3A_303, %jit3A_304, %jit3A_301 : i32
      %rem3A_306 = arith.remsi %squeeze3A_276, %select_n3A_305 : i32
      %ne3A_307 = arith.constant 0 : i32
      %ne3A_308 = arith.cmpi ne, %rem3A_306, %ne3A_307 : i32
      %lt3A_309 = arith.constant 0 : i32
      %lt3A_310 = arith.cmpi slt, %rem3A_306, %lt3A_309 : i32
      %lt3A_311 = arith.constant 0 : i32
      %lt3A_312 = arith.cmpi slt, %select_n3A_305, %lt3A_311 : i32
      %ne3A_313 = arith.xori %lt3A_310, %lt3A_312 : i1
      %and3A_314 = arith.andi %ne3A_313, %ne3A_308 : i1
      %add3A_315 = arith.addi %rem3A_306, %select_n3A_305 : i32
      %select_n3A_316 = arith.select %and3A_314, %add3A_315, %rem3A_306 : i32
      %mul3A_317 = arith.constant 16 : i32
      %mul3A_318 = arith.muli %scan3A_57, %mul3A_317 : i32
      %add3A_319 = arith.constant 4 : i32
      %add3A_320 = arith.addi %mul3A_318, %add3A_319 : i32
      %dma_start3A_321 = arith.constant 0 : i32
      %dma_start3A_322 = tpu.memref_slice %arg10[%add3A_320, %dma_start3A_321] : memref<256x64xf32, #tpu.memory_space<vmem>> -> memref<1x64xf32, #tpu.memory_space<vmem>>
      %dma_start3A_323 = arith.constant 0 : i32
      %dma_start3A_324 = tpu.memref_slice %arg2[%select_n3A_300, %select_n3A_316, %dma_start3A_323] : memref<125000x8x64xf32, #tpu.memory_space<hbm>> -> memref<1x1x64xf32, #tpu.memory_space<hbm>>
      %dma_start3A_325 = tpu.memref_squeeze %dma_start3A_324 : memref<1x1x64xf32, #tpu.memory_space<hbm>> -> memref<1x64xf32, #tpu.memory_space<hbm>>
      %dma_start3A_326 = arith.constant 0 : i32
      %dma_start3A_327 = tpu.memref_slice %arg10[%add3A_320, %dma_start3A_326] : memref<256x64xf32, #tpu.memory_space<vmem>> -> memref<1x64xf32, #tpu.memory_space<vmem>>
      %dma_start3A_328 = arith.constant 0 : i32
      %dma_start3A_329 = tpu.memref_slice %arg2[%select_n3A_300, %select_n3A_316, %dma_start3A_328] : memref<125000x8x64xf32, #tpu.memory_space<hbm>> -> memref<1x1x64xf32, #tpu.memory_space<hbm>>
      %dma_start3A_330 = tpu.memref_squeeze %dma_start3A_329 : memref<1x1x64xf32, #tpu.memory_space<hbm>> -> memref<1x64xf32, #tpu.memory_space<hbm>>
      tpu.enqueue_dma source(%dma_start3A_330 : memref<1x64xf32, #tpu.memory_space<hbm>>) target(%dma_start3A_327 : memref<1x64xf32, #tpu.memory_space<vmem>>) target_semaphore(%arg12 : memref<!tpu.dma_semaphore, #tpu.memory_space<semaphore_mem>>)
      %slice3A_331 = vector.extract_strided_slice %get3A_63 {offsets = [5], sizes = [1], strides = [1]} : vector<16xi32> to vector<1xi32>
      %squeeze3A_332 = vector.extract %slice3A_331[0] : i32 from vector<1xi32>
      %jit3A_333 = arith.constant 8 : i32
      %div3A_334 = arith.divsi %squeeze3A_332, %jit3A_333 : i32
      %sign3A_335 = arith.constant 0 : i32
      %sign3A_336 = arith.cmpi sgt, %squeeze3A_332, %sign3A_335 : i32
      %sign3A_337 = arith.extui %sign3A_336 : i1 to i32
      %sign3A_338 = arith.constant 0 : i32
      %sign3A_339 = arith.cmpi slt, %squeeze3A_332, %sign3A_338 : i32
      %sign3A_340 = arith.extui %sign3A_339 : i1 to i32
      %sign3A_341 = arith.subi %sign3A_337, %sign3A_340 : i32
      %sign3A_342 = arith.constant 0 : i32
      %sign3A_343 = arith.cmpi sgt, %jit3A_333, %sign3A_342 : i32
      %sign3A_344 = arith.extui %sign3A_343 : i1 to i32
      %sign3A_345 = arith.constant 0 : i32
      %sign3A_346 = arith.cmpi slt, %jit3A_333, %sign3A_345 : i32
      %sign3A_347 = arith.extui %sign3A_346 : i1 to i32
      %sign3A_348 = arith.subi %sign3A_344, %sign3A_347 : i32
      %ne3A_349 = arith.cmpi ne, %sign3A_341, %sign3A_348 : i32
      %rem3A_350 = arith.remsi %squeeze3A_332, %jit3A_333 : i32
      %ne3A_351 = arith.constant 0 : i32
      %ne3A_352 = arith.cmpi ne, %rem3A_350, %ne3A_351 : i32
      %and3A_353 = arith.andi %ne3A_349, %ne3A_352 : i1
      %sub3A_354 = arith.constant 1 : i32
      %sub3A_355 = arith.subi %div3A_334, %sub3A_354 : i32
      %select_n3A_356 = arith.select %and3A_353, %sub3A_355, %div3A_334 : i32
      %jit3A_357 = arith.constant 8 : i32
      %eq3A_358 = arith.constant 0 : i32
      %eq3A_359 = arith.cmpi eq, %jit3A_357, %eq3A_358 : i32
      %jit3A_360 = arith.constant 1 : i32
      %select_n3A_361 = arith.select %eq3A_359, %jit3A_360, %jit3A_357 : i32
      %rem3A_362 = arith.remsi %squeeze3A_332, %select_n3A_361 : i32
      %ne3A_363 = arith.constant 0 : i32
      %ne3A_364 = arith.cmpi ne, %rem3A_362, %ne3A_363 : i32
      %lt3A_365 = arith.constant 0 : i32
      %lt3A_366 = arith.cmpi slt, %rem3A_362, %lt3A_365 : i32
      %lt3A_367 = arith.constant 0 : i32
      %lt3A_368 = arith.cmpi slt, %select_n3A_361, %lt3A_367 : i32
      %ne3A_369 = arith.xori %lt3A_366, %lt3A_368 : i1
      %and3A_370 = arith.andi %ne3A_369, %ne3A_364 : i1
      %add3A_371 = arith.addi %rem3A_362, %select_n3A_361 : i32
      %select_n3A_372 = arith.select %and3A_370, %add3A_371, %rem3A_362 : i32
      %mul3A_373 = arith.constant 16 : i32
      %mul3A_374 = arith.muli %scan3A_57, %mul3A_373 : i32
      %add3A_375 = arith.constant 5 : i32
      %add3A_376 = arith.addi %mul3A_374, %add3A_375 : i32
      %dma_start3A_377 = arith.constant 0 : i32
      %dma_start3A_378 = tpu.memref_slice %arg10[%add3A_376, %dma_start3A_377] : memref<256x64xf32, #tpu.memory_space<vmem>> -> memref<1x64xf32, #tpu.memory_space<vmem>>
      %dma_start3A_379 = arith.constant 0 : i32
      %dma_start3A_380 = tpu.memref_slice %arg2[%select_n3A_356, %select_n3A_372, %dma_start3A_379] : memref<125000x8x64xf32, #tpu.memory_space<hbm>> -> memref<1x1x64xf32, #tpu.memory_space<hbm>>
      %dma_start3A_381 = tpu.memref_squeeze %dma_start3A_380 : memref<1x1x64xf32, #tpu.memory_space<hbm>> -> memref<1x64xf32, #tpu.memory_space<hbm>>
      %dma_start3A_382 = arith.constant 0 : i32
      %dma_start3A_383 = tpu.memref_slice %arg10[%add3A_376, %dma_start3A_382] : memref<256x64xf32, #tpu.memory_space<vmem>> -> memref<1x64xf32, #tpu.memory_space<vmem>>
      %dma_start3A_384 = arith.constant 0 : i32
      %dma_start3A_385 = tpu.memref_slice %arg2[%select_n3A_356, %select_n3A_372, %dma_start3A_384] : memref<125000x8x64xf32, #tpu.memory_space<hbm>> -> memref<1x1x64xf32, #tpu.memory_space<hbm>>
      %dma_start3A_386 = tpu.memref_squeeze %dma_start3A_385 : memref<1x1x64xf32, #tpu.memory_space<hbm>> -> memref<1x64xf32, #tpu.memory_space<hbm>>
      tpu.enqueue_dma source(%dma_start3A_386 : memref<1x64xf32, #tpu.memory_space<hbm>>) target(%dma_start3A_383 : memref<1x64xf32, #tpu.memory_space<vmem>>) target_semaphore(%arg12 : memref<!tpu.dma_semaphore, #tpu.memory_space<semaphore_mem>>)
      %slice3A_387 = vector.extract_strided_slice %get3A_63 {offsets = [6], sizes = [1], strides = [1]} : vector<16xi32> to vector<1xi32>
      %squeeze3A_388 = vector.extract %slice3A_387[0] : i32 from vector<1xi32>
      %jit3A_389 = arith.constant 8 : i32
      %div3A_390 = arith.divsi %squeeze3A_388, %jit3A_389 : i32
      %sign3A_391 = arith.constant 0 : i32
      %sign3A_392 = arith.cmpi sgt, %squeeze3A_388, %sign3A_391 : i32
      %sign3A_393 = arith.extui %sign3A_392 : i1 to i32
      %sign3A_394 = arith.constant 0 : i32
      %sign3A_395 = arith.cmpi slt, %squeeze3A_388, %sign3A_394 : i32
      %sign3A_396 = arith.extui %sign3A_395 : i1 to i32
      %sign3A_397 = arith.subi %sign3A_393, %sign3A_396 : i32
      %sign3A_398 = arith.constant 0 : i32
      %sign3A_399 = arith.cmpi sgt, %jit3A_389, %sign3A_398 : i32
      %sign3A_400 = arith.extui %sign3A_399 : i1 to i32
      %sign3A_401 = arith.constant 0 : i32
      %sign3A_402 = arith.cmpi slt, %jit3A_389, %sign3A_401 : i32
      %sign3A_403 = arith.extui %sign3A_402 : i1 to i32
      %sign3A_404 = arith.subi %sign3A_400, %sign3A_403 : i32
      %ne3A_405 = arith.cmpi ne, %sign3A_397, %sign3A_404 : i32
      %rem3A_406 = arith.remsi %squeeze3A_388, %jit3A_389 : i32
      %ne3A_407 = arith.constant 0 : i32
      %ne3A_408 = arith.cmpi ne, %rem3A_406, %ne3A_407 : i32
      %and3A_409 = arith.andi %ne3A_405, %ne3A_408 : i1
      %sub3A_410 = arith.constant 1 : i32
      %sub3A_411 = arith.subi %div3A_390, %sub3A_410 : i32
      %select_n3A_412 = arith.select %and3A_409, %sub3A_411, %div3A_390 : i32
      %jit3A_413 = arith.constant 8 : i32
      %eq3A_414 = arith.constant 0 : i32
      %eq3A_415 = arith.cmpi eq, %jit3A_413, %eq3A_414 : i32
      %jit3A_416 = arith.constant 1 : i32
      %select_n3A_417 = arith.select %eq3A_415, %jit3A_416, %jit3A_413 : i32
      %rem3A_418 = arith.remsi %squeeze3A_388, %select_n3A_417 : i32
      %ne3A_419 = arith.constant 0 : i32
      %ne3A_420 = arith.cmpi ne, %rem3A_418, %ne3A_419 : i32
      %lt3A_421 = arith.constant 0 : i32
      %lt3A_422 = arith.cmpi slt, %rem3A_418, %lt3A_421 : i32
      %lt3A_423 = arith.constant 0 : i32
      %lt3A_424 = arith.cmpi slt, %select_n3A_417, %lt3A_423 : i32
      %ne3A_425 = arith.xori %lt3A_422, %lt3A_424 : i1
      %and3A_426 = arith.andi %ne3A_425, %ne3A_420 : i1
      %add3A_427 = arith.addi %rem3A_418, %select_n3A_417 : i32
      %select_n3A_428 = arith.select %and3A_426, %add3A_427, %rem3A_418 : i32
      %mul3A_429 = arith.constant 16 : i32
      %mul3A_430 = arith.muli %scan3A_57, %mul3A_429 : i32
      %add3A_431 = arith.constant 6 : i32
      %add3A_432 = arith.addi %mul3A_430, %add3A_431 : i32
      %dma_start3A_433 = arith.constant 0 : i32
      %dma_start3A_434 = tpu.memref_slice %arg10[%add3A_432, %dma_start3A_433] : memref<256x64xf32, #tpu.memory_space<vmem>> -> memref<1x64xf32, #tpu.memory_space<vmem>>
      %dma_start3A_435 = arith.constant 0 : i32
      %dma_start3A_436 = tpu.memref_slice %arg2[%select_n3A_412, %select_n3A_428, %dma_start3A_435] : memref<125000x8x64xf32, #tpu.memory_space<hbm>> -> memref<1x1x64xf32, #tpu.memory_space<hbm>>
      %dma_start3A_437 = tpu.memref_squeeze %dma_start3A_436 : memref<1x1x64xf32, #tpu.memory_space<hbm>> -> memref<1x64xf32, #tpu.memory_space<hbm>>
      %dma_start3A_438 = arith.constant 0 : i32
      %dma_start3A_439 = tpu.memref_slice %arg10[%add3A_432, %dma_start3A_438] : memref<256x64xf32, #tpu.memory_space<vmem>> -> memref<1x64xf32, #tpu.memory_space<vmem>>
      %dma_start3A_440 = arith.constant 0 : i32
      %dma_start3A_441 = tpu.memref_slice %arg2[%select_n3A_412, %select_n3A_428, %dma_start3A_440] : memref<125000x8x64xf32, #tpu.memory_space<hbm>> -> memref<1x1x64xf32, #tpu.memory_space<hbm>>
      %dma_start3A_442 = tpu.memref_squeeze %dma_start3A_441 : memref<1x1x64xf32, #tpu.memory_space<hbm>> -> memref<1x64xf32, #tpu.memory_space<hbm>>
      tpu.enqueue_dma source(%dma_start3A_442 : memref<1x64xf32, #tpu.memory_space<hbm>>) target(%dma_start3A_439 : memref<1x64xf32, #tpu.memory_space<vmem>>) target_semaphore(%arg12 : memref<!tpu.dma_semaphore, #tpu.memory_space<semaphore_mem>>)
      %slice3A_443 = vector.extract_strided_slice %get3A_63 {offsets = [7], sizes = [1], strides = [1]} : vector<16xi32> to vector<1xi32>
      %squeeze3A_444 = vector.extract %slice3A_443[0] : i32 from vector<1xi32>
      %jit3A_445 = arith.constant 8 : i32
      %div3A_446 = arith.divsi %squeeze3A_444, %jit3A_445 : i32
      %sign3A_447 = arith.constant 0 : i32
      %sign3A_448 = arith.cmpi sgt, %squeeze3A_444, %sign3A_447 : i32
      %sign3A_449 = arith.extui %sign3A_448 : i1 to i32
      %sign3A_450 = arith.constant 0 : i32
      %sign3A_451 = arith.cmpi slt, %squeeze3A_444, %sign3A_450 : i32
      %sign3A_452 = arith.extui %sign3A_451 : i1 to i32
      %sign3A_453 = arith.subi %sign3A_449, %sign3A_452 : i32
      %sign3A_454 = arith.constant 0 : i32
      %sign3A_455 = arith.cmpi sgt, %jit3A_445, %sign3A_454 : i32
      %sign3A_456 = arith.extui %sign3A_455 : i1 to i32
      %sign3A_457 = arith.constant 0 : i32
      %sign3A_458 = arith.cmpi slt, %jit3A_445, %sign3A_457 : i32
      %sign3A_459 = arith.extui %sign3A_458 : i1 to i32
      %sign3A_460 = arith.subi %sign3A_456, %sign3A_459 : i32
      %ne3A_461 = arith.cmpi ne, %sign3A_453, %sign3A_460 : i32
      %rem3A_462 = arith.remsi %squeeze3A_444, %jit3A_445 : i32
      %ne3A_463 = arith.constant 0 : i32
      %ne3A_464 = arith.cmpi ne, %rem3A_462, %ne3A_463 : i32
      %and3A_465 = arith.andi %ne3A_461, %ne3A_464 : i1
      %sub3A_466 = arith.constant 1 : i32
      %sub3A_467 = arith.subi %div3A_446, %sub3A_466 : i32
      %select_n3A_468 = arith.select %and3A_465, %sub3A_467, %div3A_446 : i32
      %jit3A_469 = arith.constant 8 : i32
      %eq3A_470 = arith.constant 0 : i32
      %eq3A_471 = arith.cmpi eq, %jit3A_469, %eq3A_470 : i32
      %jit3A_472 = arith.constant 1 : i32
      %select_n3A_473 = arith.select %eq3A_471, %jit3A_472, %jit3A_469 : i32
      %rem3A_474 = arith.remsi %squeeze3A_444, %select_n3A_473 : i32
      %ne3A_475 = arith.constant 0 : i32
      %ne3A_476 = arith.cmpi ne, %rem3A_474, %ne3A_475 : i32
      %lt3A_477 = arith.constant 0 : i32
      %lt3A_478 = arith.cmpi slt, %rem3A_474, %lt3A_477 : i32
      %lt3A_479 = arith.constant 0 : i32
      %lt3A_480 = arith.cmpi slt, %select_n3A_473, %lt3A_479 : i32
      %ne3A_481 = arith.xori %lt3A_478, %lt3A_480 : i1
      %and3A_482 = arith.andi %ne3A_481, %ne3A_476 : i1
      %add3A_483 = arith.addi %rem3A_474, %select_n3A_473 : i32
      %select_n3A_484 = arith.select %and3A_482, %add3A_483, %rem3A_474 : i32
      %mul3A_485 = arith.constant 16 : i32
      %mul3A_486 = arith.muli %scan3A_57, %mul3A_485 : i32
      %add3A_487 = arith.constant 7 : i32
      %add3A_488 = arith.addi %mul3A_486, %add3A_487 : i32
      %dma_start3A_489 = arith.constant 0 : i32
      %dma_start3A_490 = tpu.memref_slice %arg10[%add3A_488, %dma_start3A_489] : memref<256x64xf32, #tpu.memory_space<vmem>> -> memref<1x64xf32, #tpu.memory_space<vmem>>
      %dma_start3A_491 = arith.constant 0 : i32
      %dma_start3A_492 = tpu.memref_slice %arg2[%select_n3A_468, %select_n3A_484, %dma_start3A_491] : memref<125000x8x64xf32, #tpu.memory_space<hbm>> -> memref<1x1x64xf32, #tpu.memory_space<hbm>>
      %dma_start3A_493 = tpu.memref_squeeze %dma_start3A_492 : memref<1x1x64xf32, #tpu.memory_space<hbm>> -> memref<1x64xf32, #tpu.memory_space<hbm>>
      %dma_start3A_494 = arith.constant 0 : i32
      %dma_start3A_495 = tpu.memref_slice %arg10[%add3A_488, %dma_start3A_494] : memref<256x64xf32, #tpu.memory_space<vmem>> -> memref<1x64xf32, #tpu.memory_space<vmem>>
      %dma_start3A_496 = arith.constant 0 : i32
      %dma_start3A_497 = tpu.memref_slice %arg2[%select_n3A_468, %select_n3A_484, %dma_start3A_496] : memref<125000x8x64xf32, #tpu.memory_space<hbm>> -> memref<1x1x64xf32, #tpu.memory_space<hbm>>
      %dma_start3A_498 = tpu.memref_squeeze %dma_start3A_497 : memref<1x1x64xf32, #tpu.memory_space<hbm>> -> memref<1x64xf32, #tpu.memory_space<hbm>>
      tpu.enqueue_dma source(%dma_start3A_498 : memref<1x64xf32, #tpu.memory_space<hbm>>) target(%dma_start3A_495 : memref<1x64xf32, #tpu.memory_space<vmem>>) target_semaphore(%arg12 : memref<!tpu.dma_semaphore, #tpu.memory_space<semaphore_mem>>)
      %slice3A_499 = vector.extract_strided_slice %get3A_63 {offsets = [8], sizes = [1], strides = [1]} : vector<16xi32> to vector<1xi32>
      %squeeze3A_500 = vector.extract %slice3A_499[0] : i32 from vector<1xi32>
      %jit3A_501 = arith.constant 8 : i32
      %div3A_502 = arith.divsi %squeeze3A_500, %jit3A_501 : i32
      %sign3A_503 = arith.constant 0 : i32
      %sign3A_504 = arith.cmpi sgt, %squeeze3A_500, %sign3A_503 : i32
      %sign3A_505 = arith.extui %sign3A_504 : i1 to i32
      %sign3A_506 = arith.constant 0 : i32
      %sign3A_507 = arith.cmpi slt, %squeeze3A_500, %sign3A_506 : i32
      %sign3A_508 = arith.extui %sign3A_507 : i1 to i32
      %sign3A_509 = arith.subi %sign3A_505, %sign3A_508 : i32
      %sign3A_510 = arith.constant 0 : i32
      %sign3A_511 = arith.cmpi sgt, %jit3A_501, %sign3A_510 : i32
      %sign3A_512 = arith.extui %sign3A_511 : i1 to i32
      %sign3A_513 = arith.constant 0 : i32
      %sign3A_514 = arith.cmpi slt, %jit3A_501, %sign3A_513 : i32
      %sign3A_515 = arith.extui %sign3A_514 : i1 to i32
      %sign3A_516 = arith.subi %sign3A_512, %sign3A_515 : i32
      %ne3A_517 = arith.cmpi ne, %sign3A_509, %sign3A_516 : i32
      %rem3A_518 = arith.remsi %squeeze3A_500, %jit3A_501 : i32
      %ne3A_519 = arith.constant 0 : i32
      %ne3A_520 = arith.cmpi ne, %rem3A_518, %ne3A_519 : i32
      %and3A_521 = arith.andi %ne3A_517, %ne3A_520 : i1
      %sub3A_522 = arith.constant 1 : i32
      %sub3A_523 = arith.subi %div3A_502, %sub3A_522 : i32
      %select_n3A_524 = arith.select %and3A_521, %sub3A_523, %div3A_502 : i32
      %jit3A_525 = arith.constant 8 : i32
      %eq3A_526 = arith.constant 0 : i32
      %eq3A_527 = arith.cmpi eq, %jit3A_525, %eq3A_526 : i32
      %jit3A_528 = arith.constant 1 : i32
      %select_n3A_529 = arith.select %eq3A_527, %jit3A_528, %jit3A_525 : i32
      %rem3A_530 = arith.remsi %squeeze3A_500, %select_n3A_529 : i32
      %ne3A_531 = arith.constant 0 : i32
      %ne3A_532 = arith.cmpi ne, %rem3A_530, %ne3A_531 : i32
      %lt3A_533 = arith.constant 0 : i32
      %lt3A_534 = arith.cmpi slt, %rem3A_530, %lt3A_533 : i32
      %lt3A_535 = arith.constant 0 : i32
      %lt3A_536 = arith.cmpi slt, %select_n3A_529, %lt3A_535 : i32
      %ne3A_537 = arith.xori %lt3A_534, %lt3A_536 : i1
      %and3A_538 = arith.andi %ne3A_537, %ne3A_532 : i1
      %add3A_539 = arith.addi %rem3A_530, %select_n3A_529 : i32
      %select_n3A_540 = arith.select %and3A_538, %add3A_539, %rem3A_530 : i32
      %mul3A_541 = arith.constant 16 : i32
      %mul3A_542 = arith.muli %scan3A_57, %mul3A_541 : i32
      %add3A_543 = arith.constant 8 : i32
      %add3A_544 = arith.addi %mul3A_542, %add3A_543 : i32
      %dma_start3A_545 = arith.constant 0 : i32
      %dma_start3A_546 = tpu.memref_slice %arg10[%add3A_544, %dma_start3A_545] : memref<256x64xf32, #tpu.memory_space<vmem>> -> memref<1x64xf32, #tpu.memory_space<vmem>>
      %dma_start3A_547 = arith.constant 0 : i32
      %dma_start3A_548 = tpu.memref_slice %arg2[%select_n3A_524, %select_n3A_540, %dma_start3A_547] : memref<125000x8x64xf32, #tpu.memory_space<hbm>> -> memref<1x1x64xf32, #tpu.memory_space<hbm>>
      %dma_start3A_549 = tpu.memref_squeeze %dma_start3A_548 : memref<1x1x64xf32, #tpu.memory_space<hbm>> -> memref<1x64xf32, #tpu.memory_space<hbm>>
      %dma_start3A_550 = arith.constant 0 : i32
      %dma_start3A_551 = tpu.memref_slice %arg10[%add3A_544, %dma_start3A_550] : memref<256x64xf32, #tpu.memory_space<vmem>> -> memref<1x64xf32, #tpu.memory_space<vmem>>
      %dma_start3A_552 = arith.constant 0 : i32
      %dma_start3A_553 = tpu.memref_slice %arg2[%select_n3A_524, %select_n3A_540, %dma_start3A_552] : memref<125000x8x64xf32, #tpu.memory_space<hbm>> -> memref<1x1x64xf32, #tpu.memory_space<hbm>>
      %dma_start3A_554 = tpu.memref_squeeze %dma_start3A_553 : memref<1x1x64xf32, #tpu.memory_space<hbm>> -> memref<1x64xf32, #tpu.memory_space<hbm>>
      tpu.enqueue_dma source(%dma_start3A_554 : memref<1x64xf32, #tpu.memory_space<hbm>>) target(%dma_start3A_551 : memref<1x64xf32, #tpu.memory_space<vmem>>) target_semaphore(%arg12 : memref<!tpu.dma_semaphore, #tpu.memory_space<semaphore_mem>>)
      %slice3A_555 = vector.extract_strided_slice %get3A_63 {offsets = [9], sizes = [1], strides = [1]} : vector<16xi32> to vector<1xi32>
      %squeeze3A_556 = vector.extract %slice3A_555[0] : i32 from vector<1xi32>
      %jit3A_557 = arith.constant 8 : i32
      %div3A_558 = arith.divsi %squeeze3A_556, %jit3A_557 : i32
      %sign3A_559 = arith.constant 0 : i32
      %sign3A_560 = arith.cmpi sgt, %squeeze3A_556, %sign3A_559 : i32
      %sign3A_561 = arith.extui %sign3A_560 : i1 to i32
      %sign3A_562 = arith.constant 0 : i32
      %sign3A_563 = arith.cmpi slt, %squeeze3A_556, %sign3A_562 : i32
      %sign3A_564 = arith.extui %sign3A_563 : i1 to i32
      %sign3A_565 = arith.subi %sign3A_561, %sign3A_564 : i32
      %sign3A_566 = arith.constant 0 : i32
      %sign3A_567 = arith.cmpi sgt, %jit3A_557, %sign3A_566 : i32
      %sign3A_568 = arith.extui %sign3A_567 : i1 to i32
      %sign3A_569 = arith.constant 0 : i32
      %sign3A_570 = arith.cmpi slt, %jit3A_557, %sign3A_569 : i32
      %sign3A_571 = arith.extui %sign3A_570 : i1 to i32
      %sign3A_572 = arith.subi %sign3A_568, %sign3A_571 : i32
      %ne3A_573 = arith.cmpi ne, %sign3A_565, %sign3A_572 : i32
      %rem3A_574 = arith.remsi %squeeze3A_556, %jit3A_557 : i32
      %ne3A_575 = arith.constant 0 : i32
      %ne3A_576 = arith.cmpi ne, %rem3A_574, %ne3A_575 : i32
      %and3A_577 = arith.andi %ne3A_573, %ne3A_576 : i1
      %sub3A_578 = arith.constant 1 : i32
      %sub3A_579 = arith.subi %div3A_558, %sub3A_578 : i32
      %select_n3A_580 = arith.select %and3A_577, %sub3A_579, %div3A_558 : i32
      %jit3A_581 = arith.constant 8 : i32
      %eq3A_582 = arith.constant 0 : i32
      %eq3A_583 = arith.cmpi eq, %jit3A_581, %eq3A_582 : i32
      %jit3A_584 = arith.constant 1 : i32
      %select_n3A_585 = arith.select %eq3A_583, %jit3A_584, %jit3A_581 : i32
      %rem3A_586 = arith.remsi %squeeze3A_556, %select_n3A_585 : i32
      %ne3A_587 = arith.constant 0 : i32
      %ne3A_588 = arith.cmpi ne, %rem3A_586, %ne3A_587 : i32
      %lt3A_589 = arith.constant 0 : i32
      %lt3A_590 = arith.cmpi slt, %rem3A_586, %lt3A_589 : i32
      %lt3A_591 = arith.constant 0 : i32
      %lt3A_592 = arith.cmpi slt, %select_n3A_585, %lt3A_591 : i32
      %ne3A_593 = arith.xori %lt3A_590, %lt3A_592 : i1
      %and3A_594 = arith.andi %ne3A_593, %ne3A_588 : i1
      %add3A_595 = arith.addi %rem3A_586, %select_n3A_585 : i32
      %select_n3A_596 = arith.select %and3A_594, %add3A_595, %rem3A_586 : i32
      %mul3A_597 = arith.constant 16 : i32
      %mul3A_598 = arith.muli %scan3A_57, %mul3A_597 : i32
      %add3A_599 = arith.constant 9 : i32
      %add3A_600 = arith.addi %mul3A_598, %add3A_599 : i32
      %dma_start3A_601 = arith.constant 0 : i32
      %dma_start3A_602 = tpu.memref_slice %arg10[%add3A_600, %dma_start3A_601] : memref<256x64xf32, #tpu.memory_space<vmem>> -> memref<1x64xf32, #tpu.memory_space<vmem>>
      %dma_start3A_603 = arith.constant 0 : i32
      %dma_start3A_604 = tpu.memref_slice %arg2[%select_n3A_580, %select_n3A_596, %dma_start3A_603] : memref<125000x8x64xf32, #tpu.memory_space<hbm>> -> memref<1x1x64xf32, #tpu.memory_space<hbm>>
      %dma_start3A_605 = tpu.memref_squeeze %dma_start3A_604 : memref<1x1x64xf32, #tpu.memory_space<hbm>> -> memref<1x64xf32, #tpu.memory_space<hbm>>
      %dma_start3A_606 = arith.constant 0 : i32
      %dma_start3A_607 = tpu.memref_slice %arg10[%add3A_600, %dma_start3A_606] : memref<256x64xf32, #tpu.memory_space<vmem>> -> memref<1x64xf32, #tpu.memory_space<vmem>>
      %dma_start3A_608 = arith.constant 0 : i32
      %dma_start3A_609 = tpu.memref_slice %arg2[%select_n3A_580, %select_n3A_596, %dma_start3A_608] : memref<125000x8x64xf32, #tpu.memory_space<hbm>> -> memref<1x1x64xf32, #tpu.memory_space<hbm>>
      %dma_start3A_610 = tpu.memref_squeeze %dma_start3A_609 : memref<1x1x64xf32, #tpu.memory_space<hbm>> -> memref<1x64xf32, #tpu.memory_space<hbm>>
      tpu.enqueue_dma source(%dma_start3A_610 : memref<1x64xf32, #tpu.memory_space<hbm>>) target(%dma_start3A_607 : memref<1x64xf32, #tpu.memory_space<vmem>>) target_semaphore(%arg12 : memref<!tpu.dma_semaphore, #tpu.memory_space<semaphore_mem>>)
      %slice3A_611 = vector.extract_strided_slice %get3A_63 {offsets = [10], sizes = [1], strides = [1]} : vector<16xi32> to vector<1xi32>
      %squeeze3A_612 = vector.extract %slice3A_611[0] : i32 from vector<1xi32>
      %jit3A_613 = arith.constant 8 : i32
      %div3A_614 = arith.divsi %squeeze3A_612, %jit3A_613 : i32
      %sign3A_615 = arith.constant 0 : i32
      %sign3A_616 = arith.cmpi sgt, %squeeze3A_612, %sign3A_615 : i32
      %sign3A_617 = arith.extui %sign3A_616 : i1 to i32
      %sign3A_618 = arith.constant 0 : i32
      %sign3A_619 = arith.cmpi slt, %squeeze3A_612, %sign3A_618 : i32
      %sign3A_620 = arith.extui %sign3A_619 : i1 to i32
      %sign3A_621 = arith.subi %sign3A_617, %sign3A_620 : i32
      %sign3A_622 = arith.constant 0 : i32
      %sign3A_623 = arith.cmpi sgt, %jit3A_613, %sign3A_622 : i32
      %sign3A_624 = arith.extui %sign3A_623 : i1 to i32
      %sign3A_625 = arith.constant 0 : i32
      %sign3A_626 = arith.cmpi slt, %jit3A_613, %sign3A_625 : i32
      %sign3A_627 = arith.extui %sign3A_626 : i1 to i32
      %sign3A_628 = arith.subi %sign3A_624, %sign3A_627 : i32
      %ne3A_629 = arith.cmpi ne, %sign3A_621, %sign3A_628 : i32
      %rem3A_630 = arith.remsi %squeeze3A_612, %jit3A_613 : i32
      %ne3A_631 = arith.constant 0 : i32
      %ne3A_632 = arith.cmpi ne, %rem3A_630, %ne3A_631 : i32
      %and3A_633 = arith.andi %ne3A_629, %ne3A_632 : i1
      %sub3A_634 = arith.constant 1 : i32
      %sub3A_635 = arith.subi %div3A_614, %sub3A_634 : i32
      %select_n3A_636 = arith.select %and3A_633, %sub3A_635, %div3A_614 : i32
      %jit3A_637 = arith.constant 8 : i32
      %eq3A_638 = arith.constant 0 : i32
      %eq3A_639 = arith.cmpi eq, %jit3A_637, %eq3A_638 : i32
      %jit3A_640 = arith.constant 1 : i32
      %select_n3A_641 = arith.select %eq3A_639, %jit3A_640, %jit3A_637 : i32
      %rem3A_642 = arith.remsi %squeeze3A_612, %select_n3A_641 : i32
      %ne3A_643 = arith.constant 0 : i32
      %ne3A_644 = arith.cmpi ne, %rem3A_642, %ne3A_643 : i32
      %lt3A_645 = arith.constant 0 : i32
      %lt3A_646 = arith.cmpi slt, %rem3A_642, %lt3A_645 : i32
      %lt3A_647 = arith.constant 0 : i32
      %lt3A_648 = arith.cmpi slt, %select_n3A_641, %lt3A_647 : i32
      %ne3A_649 = arith.xori %lt3A_646, %lt3A_648 : i1
      %and3A_650 = arith.andi %ne3A_649, %ne3A_644 : i1
      %add3A_651 = arith.addi %rem3A_642, %select_n3A_641 : i32
      %select_n3A_652 = arith.select %and3A_650, %add3A_651, %rem3A_642 : i32
      %mul3A_653 = arith.constant 16 : i32
      %mul3A_654 = arith.muli %scan3A_57, %mul3A_653 : i32
      %add3A_655 = arith.constant 10 : i32
      %add3A_656 = arith.addi %mul3A_654, %add3A_655 : i32
      %dma_start3A_657 = arith.constant 0 : i32
      %dma_start3A_658 = tpu.memref_slice %arg10[%add3A_656, %dma_start3A_657] : memref<256x64xf32, #tpu.memory_space<vmem>> -> memref<1x64xf32, #tpu.memory_space<vmem>>
      %dma_start3A_659 = arith.constant 0 : i32
      %dma_start3A_660 = tpu.memref_slice %arg2[%select_n3A_636, %select_n3A_652, %dma_start3A_659] : memref<125000x8x64xf32, #tpu.memory_space<hbm>> -> memref<1x1x64xf32, #tpu.memory_space<hbm>>
      %dma_start3A_661 = tpu.memref_squeeze %dma_start3A_660 : memref<1x1x64xf32, #tpu.memory_space<hbm>> -> memref<1x64xf32, #tpu.memory_space<hbm>>
      %dma_start3A_662 = arith.constant 0 : i32
      %dma_start3A_663 = tpu.memref_slice %arg10[%add3A_656, %dma_start3A_662] : memref<256x64xf32, #tpu.memory_space<vmem>> -> memref<1x64xf32, #tpu.memory_space<vmem>>
      %dma_start3A_664 = arith.constant 0 : i32
      %dma_start3A_665 = tpu.memref_slice %arg2[%select_n3A_636, %select_n3A_652, %dma_start3A_664] : memref<125000x8x64xf32, #tpu.memory_space<hbm>> -> memref<1x1x64xf32, #tpu.memory_space<hbm>>
      %dma_start3A_666 = tpu.memref_squeeze %dma_start3A_665 : memref<1x1x64xf32, #tpu.memory_space<hbm>> -> memref<1x64xf32, #tpu.memory_space<hbm>>
      tpu.enqueue_dma source(%dma_start3A_666 : memref<1x64xf32, #tpu.memory_space<hbm>>) target(%dma_start3A_663 : memref<1x64xf32, #tpu.memory_space<vmem>>) target_semaphore(%arg12 : memref<!tpu.dma_semaphore, #tpu.memory_space<semaphore_mem>>)
      %slice3A_667 = vector.extract_strided_slice %get3A_63 {offsets = [11], sizes = [1], strides = [1]} : vector<16xi32> to vector<1xi32>
      %squeeze3A_668 = vector.extract %slice3A_667[0] : i32 from vector<1xi32>
      %jit3A_669 = arith.constant 8 : i32
      %div3A_670 = arith.divsi %squeeze3A_668, %jit3A_669 : i32
      %sign3A_671 = arith.constant 0 : i32
      %sign3A_672 = arith.cmpi sgt, %squeeze3A_668, %sign3A_671 : i32
      %sign3A_673 = arith.extui %sign3A_672 : i1 to i32
      %sign3A_674 = arith.constant 0 : i32
      %sign3A_675 = arith.cmpi slt, %squeeze3A_668, %sign3A_674 : i32
      %sign3A_676 = arith.extui %sign3A_675 : i1 to i32
      %sign3A_677 = arith.subi %sign3A_673, %sign3A_676 : i32
      %sign3A_678 = arith.constant 0 : i32
      %sign3A_679 = arith.cmpi sgt, %jit3A_669, %sign3A_678 : i32
      %sign3A_680 = arith.extui %sign3A_679 : i1 to i32
      %sign3A_681 = arith.constant 0 : i32
      %sign3A_682 = arith.cmpi slt, %jit3A_669, %sign3A_681 : i32
      %sign3A_683 = arith.extui %sign3A_682 : i1 to i32
      %sign3A_684 = arith.subi %sign3A_680, %sign3A_683 : i32
      %ne3A_685 = arith.cmpi ne, %sign3A_677, %sign3A_684 : i32
      %rem3A_686 = arith.remsi %squeeze3A_668, %jit3A_669 : i32
      %ne3A_687 = arith.constant 0 : i32
      %ne3A_688 = arith.cmpi ne, %rem3A_686, %ne3A_687 : i32
      %and3A_689 = arith.andi %ne3A_685, %ne3A_688 : i1
      %sub3A_690 = arith.constant 1 : i32
      %sub3A_691 = arith.subi %div3A_670, %sub3A_690 : i32
      %select_n3A_692 = arith.select %and3A_689, %sub3A_691, %div3A_670 : i32
      %jit3A_693 = arith.constant 8 : i32
      %eq3A_694 = arith.constant 0 : i32
      %eq3A_695 = arith.cmpi eq, %jit3A_693, %eq3A_694 : i32
      %jit3A_696 = arith.constant 1 : i32
      %select_n3A_697 = arith.select %eq3A_695, %jit3A_696, %jit3A_693 : i32
      %rem3A_698 = arith.remsi %squeeze3A_668, %select_n3A_697 : i32
      %ne3A_699 = arith.constant 0 : i32
      %ne3A_700 = arith.cmpi ne, %rem3A_698, %ne3A_699 : i32
      %lt3A_701 = arith.constant 0 : i32
      %lt3A_702 = arith.cmpi slt, %rem3A_698, %lt3A_701 : i32
      %lt3A_703 = arith.constant 0 : i32
      %lt3A_704 = arith.cmpi slt, %select_n3A_697, %lt3A_703 : i32
      %ne3A_705 = arith.xori %lt3A_702, %lt3A_704 : i1
      %and3A_706 = arith.andi %ne3A_705, %ne3A_700 : i1
      %add3A_707 = arith.addi %rem3A_698, %select_n3A_697 : i32
      %select_n3A_708 = arith.select %and3A_706, %add3A_707, %rem3A_698 : i32
      %mul3A_709 = arith.constant 16 : i32
      %mul3A_710 = arith.muli %scan3A_57, %mul3A_709 : i32
      %add3A_711 = arith.constant 11 : i32
      %add3A_712 = arith.addi %mul3A_710, %add3A_711 : i32
      %dma_start3A_713 = arith.constant 0 : i32
      %dma_start3A_714 = tpu.memref_slice %arg10[%add3A_712, %dma_start3A_713] : memref<256x64xf32, #tpu.memory_space<vmem>> -> memref<1x64xf32, #tpu.memory_space<vmem>>
      %dma_start3A_715 = arith.constant 0 : i32
      %dma_start3A_716 = tpu.memref_slice %arg2[%select_n3A_692, %select_n3A_708, %dma_start3A_715] : memref<125000x8x64xf32, #tpu.memory_space<hbm>> -> memref<1x1x64xf32, #tpu.memory_space<hbm>>
      %dma_start3A_717 = tpu.memref_squeeze %dma_start3A_716 : memref<1x1x64xf32, #tpu.memory_space<hbm>> -> memref<1x64xf32, #tpu.memory_space<hbm>>
      %dma_start3A_718 = arith.constant 0 : i32
      %dma_start3A_719 = tpu.memref_slice %arg10[%add3A_712, %dma_start3A_718] : memref<256x64xf32, #tpu.memory_space<vmem>> -> memref<1x64xf32, #tpu.memory_space<vmem>>
      %dma_start3A_720 = arith.constant 0 : i32
      %dma_start3A_721 = tpu.memref_slice %arg2[%select_n3A_692, %select_n3A_708, %dma_start3A_720] : memref<125000x8x64xf32, #tpu.memory_space<hbm>> -> memref<1x1x64xf32, #tpu.memory_space<hbm>>
      %dma_start3A_722 = tpu.memref_squeeze %dma_start3A_721 : memref<1x1x64xf32, #tpu.memory_space<hbm>> -> memref<1x64xf32, #tpu.memory_space<hbm>>
      tpu.enqueue_dma source(%dma_start3A_722 : memref<1x64xf32, #tpu.memory_space<hbm>>) target(%dma_start3A_719 : memref<1x64xf32, #tpu.memory_space<vmem>>) target_semaphore(%arg12 : memref<!tpu.dma_semaphore, #tpu.memory_space<semaphore_mem>>)
      %slice3A_723 = vector.extract_strided_slice %get3A_63 {offsets = [12], sizes = [1], strides = [1]} : vector<16xi32> to vector<1xi32>
      %squeeze3A_724 = vector.extract %slice3A_723[0] : i32 from vector<1xi32>
      %jit3A_725 = arith.constant 8 : i32
      %div3A_726 = arith.divsi %squeeze3A_724, %jit3A_725 : i32
      %sign3A_727 = arith.constant 0 : i32
      %sign3A_728 = arith.cmpi sgt, %squeeze3A_724, %sign3A_727 : i32
      %sign3A_729 = arith.extui %sign3A_728 : i1 to i32
      %sign3A_730 = arith.constant 0 : i32
      %sign3A_731 = arith.cmpi slt, %squeeze3A_724, %sign3A_730 : i32
      %sign3A_732 = arith.extui %sign3A_731 : i1 to i32
      %sign3A_733 = arith.subi %sign3A_729, %sign3A_732 : i32
      %sign3A_734 = arith.constant 0 : i32
      %sign3A_735 = arith.cmpi sgt, %jit3A_725, %sign3A_734 : i32
      %sign3A_736 = arith.extui %sign3A_735 : i1 to i32
      %sign3A_737 = arith.constant 0 : i32
      %sign3A_738 = arith.cmpi slt, %jit3A_725, %sign3A_737 : i32
      %sign3A_739 = arith.extui %sign3A_738 : i1 to i32
      %sign3A_740 = arith.subi %sign3A_736, %sign3A_739 : i32
      %ne3A_741 = arith.cmpi ne, %sign3A_733, %sign3A_740 : i32
      %rem3A_742 = arith.remsi %squeeze3A_724, %jit3A_725 : i32
      %ne3A_743 = arith.constant 0 : i32
      %ne3A_744 = arith.cmpi ne, %rem3A_742, %ne3A_743 : i32
      %and3A_745 = arith.andi %ne3A_741, %ne3A_744 : i1
      %sub3A_746 = arith.constant 1 : i32
      %sub3A_747 = arith.subi %div3A_726, %sub3A_746 : i32
      %select_n3A_748 = arith.select %and3A_745, %sub3A_747, %div3A_726 : i32
      %jit3A_749 = arith.constant 8 : i32
      %eq3A_750 = arith.constant 0 : i32
      %eq3A_751 = arith.cmpi eq, %jit3A_749, %eq3A_750 : i32
      %jit3A_752 = arith.constant 1 : i32
      %select_n3A_753 = arith.select %eq3A_751, %jit3A_752, %jit3A_749 : i32
      %rem3A_754 = arith.remsi %squeeze3A_724, %select_n3A_753 : i32
      %ne3A_755 = arith.constant 0 : i32
      %ne3A_756 = arith.cmpi ne, %rem3A_754, %ne3A_755 : i32
      %lt3A_757 = arith.constant 0 : i32
      %lt3A_758 = arith.cmpi slt, %rem3A_754, %lt3A_757 : i32
      %lt3A_759 = arith.constant 0 : i32
      %lt3A_760 = arith.cmpi slt, %select_n3A_753, %lt3A_759 : i32
      %ne3A_761 = arith.xori %lt3A_758, %lt3A_760 : i1
      %and3A_762 = arith.andi %ne3A_761, %ne3A_756 : i1
      %add3A_763 = arith.addi %rem3A_754, %select_n3A_753 : i32
      %select_n3A_764 = arith.select %and3A_762, %add3A_763, %rem3A_754 : i32
      %mul3A_765 = arith.constant 16 : i32
      %mul3A_766 = arith.muli %scan3A_57, %mul3A_765 : i32
      %add3A_767 = arith.constant 12 : i32
      %add3A_768 = arith.addi %mul3A_766, %add3A_767 : i32
      %dma_start3A_769 = arith.constant 0 : i32
      %dma_start3A_770 = tpu.memref_slice %arg10[%add3A_768, %dma_start3A_769] : memref<256x64xf32, #tpu.memory_space<vmem>> -> memref<1x64xf32, #tpu.memory_space<vmem>>
      %dma_start3A_771 = arith.constant 0 : i32
      %dma_start3A_772 = tpu.memref_slice %arg2[%select_n3A_748, %select_n3A_764, %dma_start3A_771] : memref<125000x8x64xf32, #tpu.memory_space<hbm>> -> memref<1x1x64xf32, #tpu.memory_space<hbm>>
      %dma_start3A_773 = tpu.memref_squeeze %dma_start3A_772 : memref<1x1x64xf32, #tpu.memory_space<hbm>> -> memref<1x64xf32, #tpu.memory_space<hbm>>
      %dma_start3A_774 = arith.constant 0 : i32
      %dma_start3A_775 = tpu.memref_slice %arg10[%add3A_768, %dma_start3A_774] : memref<256x64xf32, #tpu.memory_space<vmem>> -> memref<1x64xf32, #tpu.memory_space<vmem>>
      %dma_start3A_776 = arith.constant 0 : i32
      %dma_start3A_777 = tpu.memref_slice %arg2[%select_n3A_748, %select_n3A_764, %dma_start3A_776] : memref<125000x8x64xf32, #tpu.memory_space<hbm>> -> memref<1x1x64xf32, #tpu.memory_space<hbm>>
      %dma_start3A_778 = tpu.memref_squeeze %dma_start3A_777 : memref<1x1x64xf32, #tpu.memory_space<hbm>> -> memref<1x64xf32, #tpu.memory_space<hbm>>
      tpu.enqueue_dma source(%dma_start3A_778 : memref<1x64xf32, #tpu.memory_space<hbm>>) target(%dma_start3A_775 : memref<1x64xf32, #tpu.memory_space<vmem>>) target_semaphore(%arg12 : memref<!tpu.dma_semaphore, #tpu.memory_space<semaphore_mem>>)
      %slice3A_779 = vector.extract_strided_slice %get3A_63 {offsets = [13], sizes = [1], strides = [1]} : vector<16xi32> to vector<1xi32>
      %squeeze3A_780 = vector.extract %slice3A_779[0] : i32 from vector<1xi32>
      %jit3A_781 = arith.constant 8 : i32
      %div3A_782 = arith.divsi %squeeze3A_780, %jit3A_781 : i32
      %sign3A_783 = arith.constant 0 : i32
      %sign3A_784 = arith.cmpi sgt, %squeeze3A_780, %sign3A_783 : i32
      %sign3A_785 = arith.extui %sign3A_784 : i1 to i32
      %sign3A_786 = arith.constant 0 : i32
      %sign3A_787 = arith.cmpi slt, %squeeze3A_780, %sign3A_786 : i32
      %sign3A_788 = arith.extui %sign3A_787 : i1 to i32
      %sign3A_789 = arith.subi %sign3A_785, %sign3A_788 : i32
      %sign3A_790 = arith.constant 0 : i32
      %sign3A_791 = arith.cmpi sgt, %jit3A_781, %sign3A_790 : i32
      %sign3A_792 = arith.extui %sign3A_791 : i1 to i32
      %sign3A_793 = arith.constant 0 : i32
      %sign3A_794 = arith.cmpi slt, %jit3A_781, %sign3A_793 : i32
      %sign3A_795 = arith.extui %sign3A_794 : i1 to i32
      %sign3A_796 = arith.subi %sign3A_792, %sign3A_795 : i32
      %ne3A_797 = arith.cmpi ne, %sign3A_789, %sign3A_796 : i32
      %rem3A_798 = arith.remsi %squeeze3A_780, %jit3A_781 : i32
      %ne3A_799 = arith.constant 0 : i32
      %ne3A_800 = arith.cmpi ne, %rem3A_798, %ne3A_799 : i32
      %and3A_801 = arith.andi %ne3A_797, %ne3A_800 : i1
      %sub3A_802 = arith.constant 1 : i32
      %sub3A_803 = arith.subi %div3A_782, %sub3A_802 : i32
      %select_n3A_804 = arith.select %and3A_801, %sub3A_803, %div3A_782 : i32
      %jit3A_805 = arith.constant 8 : i32
      %eq3A_806 = arith.constant 0 : i32
      %eq3A_807 = arith.cmpi eq, %jit3A_805, %eq3A_806 : i32
      %jit3A_808 = arith.constant 1 : i32
      %select_n3A_809 = arith.select %eq3A_807, %jit3A_808, %jit3A_805 : i32
      %rem3A_810 = arith.remsi %squeeze3A_780, %select_n3A_809 : i32
      %ne3A_811 = arith.constant 0 : i32
      %ne3A_812 = arith.cmpi ne, %rem3A_810, %ne3A_811 : i32
      %lt3A_813 = arith.constant 0 : i32
      %lt3A_814 = arith.cmpi slt, %rem3A_810, %lt3A_813 : i32
      %lt3A_815 = arith.constant 0 : i32
      %lt3A_816 = arith.cmpi slt, %select_n3A_809, %lt3A_815 : i32
      %ne3A_817 = arith.xori %lt3A_814, %lt3A_816 : i1
      %and3A_818 = arith.andi %ne3A_817, %ne3A_812 : i1
      %add3A_819 = arith.addi %rem3A_810, %select_n3A_809 : i32
      %select_n3A_820 = arith.select %and3A_818, %add3A_819, %rem3A_810 : i32
      %mul3A_821 = arith.constant 16 : i32
      %mul3A_822 = arith.muli %scan3A_57, %mul3A_821 : i32
      %add3A_823 = arith.constant 13 : i32
      %add3A_824 = arith.addi %mul3A_822, %add3A_823 : i32
      %dma_start3A_825 = arith.constant 0 : i32
      %dma_start3A_826 = tpu.memref_slice %arg10[%add3A_824, %dma_start3A_825] : memref<256x64xf32, #tpu.memory_space<vmem>> -> memref<1x64xf32, #tpu.memory_space<vmem>>
      %dma_start3A_827 = arith.constant 0 : i32
      %dma_start3A_828 = tpu.memref_slice %arg2[%select_n3A_804, %select_n3A_820, %dma_start3A_827] : memref<125000x8x64xf32, #tpu.memory_space<hbm>> -> memref<1x1x64xf32, #tpu.memory_space<hbm>>
      %dma_start3A_829 = tpu.memref_squeeze %dma_start3A_828 : memref<1x1x64xf32, #tpu.memory_space<hbm>> -> memref<1x64xf32, #tpu.memory_space<hbm>>
      %dma_start3A_830 = arith.constant 0 : i32
      %dma_start3A_831 = tpu.memref_slice %arg10[%add3A_824, %dma_start3A_830] : memref<256x64xf32, #tpu.memory_space<vmem>> -> memref<1x64xf32, #tpu.memory_space<vmem>>
      %dma_start3A_832 = arith.constant 0 : i32
      %dma_start3A_833 = tpu.memref_slice %arg2[%select_n3A_804, %select_n3A_820, %dma_start3A_832] : memref<125000x8x64xf32, #tpu.memory_space<hbm>> -> memref<1x1x64xf32, #tpu.memory_space<hbm>>
      %dma_start3A_834 = tpu.memref_squeeze %dma_start3A_833 : memref<1x1x64xf32, #tpu.memory_space<hbm>> -> memref<1x64xf32, #tpu.memory_space<hbm>>
      tpu.enqueue_dma source(%dma_start3A_834 : memref<1x64xf32, #tpu.memory_space<hbm>>) target(%dma_start3A_831 : memref<1x64xf32, #tpu.memory_space<vmem>>) target_semaphore(%arg12 : memref<!tpu.dma_semaphore, #tpu.memory_space<semaphore_mem>>)
      %slice3A_835 = vector.extract_strided_slice %get3A_63 {offsets = [14], sizes = [1], strides = [1]} : vector<16xi32> to vector<1xi32>
      %squeeze3A_836 = vector.extract %slice3A_835[0] : i32 from vector<1xi32>
      %jit3A_837 = arith.constant 8 : i32
      %div3A_838 = arith.divsi %squeeze3A_836, %jit3A_837 : i32
      %sign3A_839 = arith.constant 0 : i32
      %sign3A_840 = arith.cmpi sgt, %squeeze3A_836, %sign3A_839 : i32
      %sign3A_841 = arith.extui %sign3A_840 : i1 to i32
      %sign3A_842 = arith.constant 0 : i32
      %sign3A_843 = arith.cmpi slt, %squeeze3A_836, %sign3A_842 : i32
      %sign3A_844 = arith.extui %sign3A_843 : i1 to i32
      %sign3A_845 = arith.subi %sign3A_841, %sign3A_844 : i32
      %sign3A_846 = arith.constant 0 : i32
      %sign3A_847 = arith.cmpi sgt, %jit3A_837, %sign3A_846 : i32
      %sign3A_848 = arith.extui %sign3A_847 : i1 to i32
      %sign3A_849 = arith.constant 0 : i32
      %sign3A_850 = arith.cmpi slt, %jit3A_837, %sign3A_849 : i32
      %sign3A_851 = arith.extui %sign3A_850 : i1 to i32
      %sign3A_852 = arith.subi %sign3A_848, %sign3A_851 : i32
      %ne3A_853 = arith.cmpi ne, %sign3A_845, %sign3A_852 : i32
      %rem3A_854 = arith.remsi %squeeze3A_836, %jit3A_837 : i32
      %ne3A_855 = arith.constant 0 : i32
      %ne3A_856 = arith.cmpi ne, %rem3A_854, %ne3A_855 : i32
      %and3A_857 = arith.andi %ne3A_853, %ne3A_856 : i1
      %sub3A_858 = arith.constant 1 : i32
      %sub3A_859 = arith.subi %div3A_838, %sub3A_858 : i32
      %select_n3A_860 = arith.select %and3A_857, %sub3A_859, %div3A_838 : i32
      %jit3A_861 = arith.constant 8 : i32
      %eq3A_862 = arith.constant 0 : i32
      %eq3A_863 = arith.cmpi eq, %jit3A_861, %eq3A_862 : i32
      %jit3A_864 = arith.constant 1 : i32
      %select_n3A_865 = arith.select %eq3A_863, %jit3A_864, %jit3A_861 : i32
      %rem3A_866 = arith.remsi %squeeze3A_836, %select_n3A_865 : i32
      %ne3A_867 = arith.constant 0 : i32
      %ne3A_868 = arith.cmpi ne, %rem3A_866, %ne3A_867 : i32
      %lt3A_869 = arith.constant 0 : i32
      %lt3A_870 = arith.cmpi slt, %rem3A_866, %lt3A_869 : i32
      %lt3A_871 = arith.constant 0 : i32
      %lt3A_872 = arith.cmpi slt, %select_n3A_865, %lt3A_871 : i32
      %ne3A_873 = arith.xori %lt3A_870, %lt3A_872 : i1
      %and3A_874 = arith.andi %ne3A_873, %ne3A_868 : i1
      %add3A_875 = arith.addi %rem3A_866, %select_n3A_865 : i32
      %select_n3A_876 = arith.select %and3A_874, %add3A_875, %rem3A_866 : i32
      %mul3A_877 = arith.constant 16 : i32
      %mul3A_878 = arith.muli %scan3A_57, %mul3A_877 : i32
      %add3A_879 = arith.constant 14 : i32
      %add3A_880 = arith.addi %mul3A_878, %add3A_879 : i32
      %dma_start3A_881 = arith.constant 0 : i32
      %dma_start3A_882 = tpu.memref_slice %arg10[%add3A_880, %dma_start3A_881] : memref<256x64xf32, #tpu.memory_space<vmem>> -> memref<1x64xf32, #tpu.memory_space<vmem>>
      %dma_start3A_883 = arith.constant 0 : i32
      %dma_start3A_884 = tpu.memref_slice %arg2[%select_n3A_860, %select_n3A_876, %dma_start3A_883] : memref<125000x8x64xf32, #tpu.memory_space<hbm>> -> memref<1x1x64xf32, #tpu.memory_space<hbm>>
      %dma_start3A_885 = tpu.memref_squeeze %dma_start3A_884 : memref<1x1x64xf32, #tpu.memory_space<hbm>> -> memref<1x64xf32, #tpu.memory_space<hbm>>
      %dma_start3A_886 = arith.constant 0 : i32
      %dma_start3A_887 = tpu.memref_slice %arg10[%add3A_880, %dma_start3A_886] : memref<256x64xf32, #tpu.memory_space<vmem>> -> memref<1x64xf32, #tpu.memory_space<vmem>>
      %dma_start3A_888 = arith.constant 0 : i32
      %dma_start3A_889 = tpu.memref_slice %arg2[%select_n3A_860, %select_n3A_876, %dma_start3A_888] : memref<125000x8x64xf32, #tpu.memory_space<hbm>> -> memref<1x1x64xf32, #tpu.memory_space<hbm>>
      %dma_start3A_890 = tpu.memref_squeeze %dma_start3A_889 : memref<1x1x64xf32, #tpu.memory_space<hbm>> -> memref<1x64xf32, #tpu.memory_space<hbm>>
      tpu.enqueue_dma source(%dma_start3A_890 : memref<1x64xf32, #tpu.memory_space<hbm>>) target(%dma_start3A_887 : memref<1x64xf32, #tpu.memory_space<vmem>>) target_semaphore(%arg12 : memref<!tpu.dma_semaphore, #tpu.memory_space<semaphore_mem>>)
      %slice3A_891 = vector.extract_strided_slice %get3A_63 {offsets = [15], sizes = [1], strides = [1]} : vector<16xi32> to vector<1xi32>
      %squeeze3A_892 = vector.extract %slice3A_891[0] : i32 from vector<1xi32>
      %jit3A_893 = arith.constant 8 : i32
      %div3A_894 = arith.divsi %squeeze3A_892, %jit3A_893 : i32
      %sign3A_895 = arith.constant 0 : i32
      %sign3A_896 = arith.cmpi sgt, %squeeze3A_892, %sign3A_895 : i32
      %sign3A_897 = arith.extui %sign3A_896 : i1 to i32
      %sign3A_898 = arith.constant 0 : i32
      %sign3A_899 = arith.cmpi slt, %squeeze3A_892, %sign3A_898 : i32
      %sign3A_900 = arith.extui %sign3A_899 : i1 to i32
      %sign3A_901 = arith.subi %sign3A_897, %sign3A_900 : i32
      %sign3A_902 = arith.constant 0 : i32
      %sign3A_903 = arith.cmpi sgt, %jit3A_893, %sign3A_902 : i32
      %sign3A_904 = arith.extui %sign3A_903 : i1 to i32
      %sign3A_905 = arith.constant 0 : i32
      %sign3A_906 = arith.cmpi slt, %jit3A_893, %sign3A_905 : i32
      %sign3A_907 = arith.extui %sign3A_906 : i1 to i32
      %sign3A_908 = arith.subi %sign3A_904, %sign3A_907 : i32
      %ne3A_909 = arith.cmpi ne, %sign3A_901, %sign3A_908 : i32
      %rem3A_910 = arith.remsi %squeeze3A_892, %jit3A_893 : i32
      %ne3A_911 = arith.constant 0 : i32
      %ne3A_912 = arith.cmpi ne, %rem3A_910, %ne3A_911 : i32
      %and3A_913 = arith.andi %ne3A_909, %ne3A_912 : i1
      %sub3A_914 = arith.constant 1 : i32
      %sub3A_915 = arith.subi %div3A_894, %sub3A_914 : i32
      %select_n3A_916 = arith.select %and3A_913, %sub3A_915, %div3A_894 : i32
      %jit3A_917 = arith.constant 8 : i32
      %eq3A_918 = arith.constant 0 : i32
      %eq3A_919 = arith.cmpi eq, %jit3A_917, %eq3A_918 : i32
      %jit3A_920 = arith.constant 1 : i32
      %select_n3A_921 = arith.select %eq3A_919, %jit3A_920, %jit3A_917 : i32
      %rem3A_922 = arith.remsi %squeeze3A_892, %select_n3A_921 : i32
      %ne3A_923 = arith.constant 0 : i32
      %ne3A_924 = arith.cmpi ne, %rem3A_922, %ne3A_923 : i32
      %lt3A_925 = arith.constant 0 : i32
      %lt3A_926 = arith.cmpi slt, %rem3A_922, %lt3A_925 : i32
      %lt3A_927 = arith.constant 0 : i32
      %lt3A_928 = arith.cmpi slt, %select_n3A_921, %lt3A_927 : i32
      %ne3A_929 = arith.xori %lt3A_926, %lt3A_928 : i1
      %and3A_930 = arith.andi %ne3A_929, %ne3A_924 : i1
      %add3A_931 = arith.addi %rem3A_922, %select_n3A_921 : i32
      %select_n3A_932 = arith.select %and3A_930, %add3A_931, %rem3A_922 : i32
      %mul3A_933 = arith.constant 16 : i32
      %mul3A_934 = arith.muli %scan3A_57, %mul3A_933 : i32
      %add3A_935 = arith.constant 15 : i32
      %add3A_936 = arith.addi %mul3A_934, %add3A_935 : i32
      %dma_start3A_937 = arith.constant 0 : i32
      %dma_start3A_938 = tpu.memref_slice %arg10[%add3A_936, %dma_start3A_937] : memref<256x64xf32, #tpu.memory_space<vmem>> -> memref<1x64xf32, #tpu.memory_space<vmem>>
      %dma_start3A_939 = arith.constant 0 : i32
      %dma_start3A_940 = tpu.memref_slice %arg2[%select_n3A_916, %select_n3A_932, %dma_start3A_939] : memref<125000x8x64xf32, #tpu.memory_space<hbm>> -> memref<1x1x64xf32, #tpu.memory_space<hbm>>
      %dma_start3A_941 = tpu.memref_squeeze %dma_start3A_940 : memref<1x1x64xf32, #tpu.memory_space<hbm>> -> memref<1x64xf32, #tpu.memory_space<hbm>>
      %dma_start3A_942 = arith.constant 0 : i32
      %dma_start3A_943 = tpu.memref_slice %arg10[%add3A_936, %dma_start3A_942] : memref<256x64xf32, #tpu.memory_space<vmem>> -> memref<1x64xf32, #tpu.memory_space<vmem>>
      %dma_start3A_944 = arith.constant 0 : i32
      %dma_start3A_945 = tpu.memref_slice %arg2[%select_n3A_916, %select_n3A_932, %dma_start3A_944] : memref<125000x8x64xf32, #tpu.memory_space<hbm>> -> memref<1x1x64xf32, #tpu.memory_space<hbm>>
      %dma_start3A_946 = tpu.memref_squeeze %dma_start3A_945 : memref<1x1x64xf32, #tpu.memory_space<hbm>> -> memref<1x64xf32, #tpu.memory_space<hbm>>
      tpu.enqueue_dma source(%dma_start3A_946 : memref<1x64xf32, #tpu.memory_space<hbm>>) target(%dma_start3A_943 : memref<1x64xf32, #tpu.memory_space<vmem>>) target_semaphore(%arg12 : memref<!tpu.dma_semaphore, #tpu.memory_space<semaphore_mem>>)
    }
    %scan3A_13 = arith.constant 16 : i32
    %dma_wait3A = arith.constant 0 : i32
    %dma_wait3A_14 = arith.constant 0 : i32
    %dma_wait3A_15 = tpu.memref_slice %arg5[%dma_wait3A, %dma_wait3A_14] : memref<16384x64xf32, #tpu.memory_space<hbm>> -> memref<256x64xf32, #tpu.memory_space<hbm>>
    %dma_wait3A_16 = arith.constant 0 : i32
    %dma_wait3A_17 = arith.constant 0 : i32
    %dma_wait3A_18 = tpu.memref_slice %arg5[%dma_wait3A_16, %dma_wait3A_17] : memref<16384x64xf32, #tpu.memory_space<hbm>> -> memref<256x64xf32, #tpu.memory_space<hbm>>
    tpu.wait_dma2 semaphore(%arg11 : memref<!tpu.dma_semaphore, #tpu.memory_space<semaphore_mem>>) src(%dma_wait3A_18 : memref<256x64xf32, #tpu.memory_space<hbm>>) dst(%arg9 : memref<256x64xf32, #tpu.memory_space<vmem>>)
    %add3A_19 = arith.constant 0 : i32
    %add3A_20 = arith.addi %mul3A_2, %add3A_19 : i32
    "tpu.region"() ({
      %run_scoped3A = tpu.sem_alloc : memref<!tpu.dma_semaphore, #tpu.memory_space<semaphore_mem>>
      %dma_start3A = arith.constant 0 : i32
      %dma_start3A_57 = tpu.memref_slice %arg5[%add3A_20, %dma_start3A] : memref<16384x64xf32, #tpu.memory_space<hbm>> -> memref<256x64xf32, #tpu.memory_space<hbm>>
      %dma_start3A_58 = arith.constant 0 : i32
      %dma_start3A_59 = tpu.memref_slice %arg5[%add3A_20, %dma_start3A_58] : memref<16384x64xf32, #tpu.memory_space<hbm>> -> memref<256x64xf32, #tpu.memory_space<hbm>>
      tpu.enqueue_dma source(%arg9 : memref<256x64xf32, #tpu.memory_space<vmem>>) target(%dma_start3A_59 : memref<256x64xf32, #tpu.memory_space<hbm>>) target_semaphore(%run_scoped3A : memref<!tpu.dma_semaphore, #tpu.memory_space<semaphore_mem>>)
      %dma_wait3A_60 = arith.constant 0 : i32
      %dma_wait3A_61 = tpu.memref_slice %arg5[%add3A_20, %dma_wait3A_60] : memref<16384x64xf32, #tpu.memory_space<hbm>> -> memref<256x64xf32, #tpu.memory_space<hbm>>
      %dma_wait3A_62 = arith.constant 0 : i32
      %dma_wait3A_63 = tpu.memref_slice %arg5[%add3A_20, %dma_wait3A_62] : memref<16384x64xf32, #tpu.memory_space<hbm>> -> memref<256x64xf32, #tpu.memory_space<hbm>>
      tpu.wait_dma2 semaphore(%run_scoped3A : memref<!tpu.dma_semaphore, #tpu.memory_space<semaphore_mem>>) src(%arg9 : memref<256x64xf32, #tpu.memory_space<vmem>>) dst(%dma_wait3A_63 : memref<256x64xf32, #tpu.memory_space<hbm>>)
      tpu.yield
    }) : () -> ()
    %scan3A_21 = arith.constant 0 : i32
    %scan3A_22 = arith.constant 0 : i32
    %scan3A_23 = arith.constant 16 : i32
    %scan3A_24 = arith.addi %scan3A_22, %scan3A_23 : i32
    %scan3A_25 = arith.constant 1 : i32
    scf.for %scan3A_57 = %scan3A_22 to %scan3A_24 step %scan3A_25  : i32 {
      %mul3A_58 = arith.constant 16 : i32
      %mul3A_59 = arith.muli %scan3A_57, %mul3A_58 : i32
      %add3A_60 = arith.constant 0 : i32
      %add3A_61 = arith.addi %add3A_60, %mul3A_59 : i32
      %get3A = arith.index_cast %add3A_61 : i32 to index
      %get3A_62 = tpu.vector_load %arg8[%get3A] {strides = array<i32>} : memref<512xi32, #tpu.memory_space<vmem>>, vector<16xi32>,
      %get3A_63 = vector.shape_cast %get3A_62 : vector<16xi32> to vector<16xi32>
      %slice3A = vector.extract_strided_slice %get3A_63 {offsets = [0], sizes = [1], strides = [1]} : vector<16xi32> to vector<1xi32>
      %squeeze3A = vector.extract %slice3A[0] : i32 from vector<1xi32>
      %jit3A = arith.constant 8 : i32
      %div3A = arith.divsi %squeeze3A, %jit3A : i32
      %sign3A = arith.constant 0 : i32
      %sign3A_64 = arith.cmpi sgt, %squeeze3A, %sign3A : i32
      %sign3A_65 = arith.extui %sign3A_64 : i1 to i32
      %sign3A_66 = arith.constant 0 : i32
      %sign3A_67 = arith.cmpi slt, %squeeze3A, %sign3A_66 : i32
      %sign3A_68 = arith.extui %sign3A_67 : i1 to i32
      %sign3A_69 = arith.subi %sign3A_65, %sign3A_68 : i32
      %sign3A_70 = arith.constant 0 : i32
      %sign3A_71 = arith.cmpi sgt, %jit3A, %sign3A_70 : i32
      %sign3A_72 = arith.extui %sign3A_71 : i1 to i32
      %sign3A_73 = arith.constant 0 : i32
      %sign3A_74 = arith.cmpi slt, %jit3A, %sign3A_73 : i32
      %sign3A_75 = arith.extui %sign3A_74 : i1 to i32
      %sign3A_76 = arith.subi %sign3A_72, %sign3A_75 : i32
      %ne3A = arith.cmpi ne, %sign3A_69, %sign3A_76 : i32
      %rem3A = arith.remsi %squeeze3A, %jit3A : i32
      %ne3A_77 = arith.constant 0 : i32
      %ne3A_78 = arith.cmpi ne, %rem3A, %ne3A_77 : i32
      %and3A = arith.andi %ne3A, %ne3A_78 : i1
      %sub3A = arith.constant 1 : i32
      %sub3A_79 = arith.subi %div3A, %sub3A : i32
      %select_n3A = arith.select %and3A, %sub3A_79, %div3A : i32
      %jit3A_80 = arith.constant 8 : i32
      %eq3A = arith.constant 0 : i32
      %eq3A_81 = arith.cmpi eq, %jit3A_80, %eq3A : i32
      %jit3A_82 = arith.constant 1 : i32
      %select_n3A_83 = arith.select %eq3A_81, %jit3A_82, %jit3A_80 : i32
      %rem3A_84 = arith.remsi %squeeze3A, %select_n3A_83 : i32
      %ne3A_85 = arith.constant 0 : i32
      %ne3A_86 = arith.cmpi ne, %rem3A_84, %ne3A_85 : i32
      %lt3A = arith.constant 0 : i32
      %lt3A_87 = arith.cmpi slt, %rem3A_84, %lt3A : i32
      %lt3A_88 = arith.constant 0 : i32
      %lt3A_89 = arith.cmpi slt, %select_n3A_83, %lt3A_88 : i32
      %ne3A_90 = arith.xori %lt3A_87, %lt3A_89 : i1
      %and3A_91 = arith.andi %ne3A_90, %ne3A_86 : i1
      %add3A_92 = arith.addi %rem3A_84, %select_n3A_83 : i32
      %select_n3A_93 = arith.select %and3A_91, %add3A_92, %rem3A_84 : i32
      %mul3A_94 = arith.constant 16 : i32
      %mul3A_95 = arith.muli %scan3A_57, %mul3A_94 : i32
      %add3A_96 = arith.constant 0 : i32
      %add3A_97 = arith.addi %mul3A_95, %add3A_96 : i32
      %dma_start3A = arith.constant 0 : i32
      %dma_start3A_98 = tpu.memref_slice %arg9[%add3A_97, %dma_start3A] : memref<256x64xf32, #tpu.memory_space<vmem>> -> memref<1x64xf32, #tpu.memory_space<vmem>>
      %dma_start3A_99 = arith.constant 0 : i32
      %dma_start3A_100 = tpu.memref_slice %arg2[%select_n3A, %select_n3A_93, %dma_start3A_99] : memref<125000x8x64xf32, #tpu.memory_space<hbm>> -> memref<1x1x64xf32, #tpu.memory_space<hbm>>
      %dma_start3A_101 = tpu.memref_squeeze %dma_start3A_100 : memref<1x1x64xf32, #tpu.memory_space<hbm>> -> memref<1x64xf32, #tpu.memory_space<hbm>>
      %dma_start3A_102 = arith.constant 0 : i32
      %dma_start3A_103 = tpu.memref_slice %arg9[%add3A_97, %dma_start3A_102] : memref<256x64xf32, #tpu.memory_space<vmem>> -> memref<1x64xf32, #tpu.memory_space<vmem>>
      %dma_start3A_104 = arith.constant 0 : i32
      %dma_start3A_105 = tpu.memref_slice %arg2[%select_n3A, %select_n3A_93, %dma_start3A_104] : memref<125000x8x64xf32, #tpu.memory_space<hbm>> -> memref<1x1x64xf32, #tpu.memory_space<hbm>>
      %dma_start3A_106 = tpu.memref_squeeze %dma_start3A_105 : memref<1x1x64xf32, #tpu.memory_space<hbm>> -> memref<1x64xf32, #tpu.memory_space<hbm>>
      tpu.enqueue_dma source(%dma_start3A_106 : memref<1x64xf32, #tpu.memory_space<hbm>>) target(%dma_start3A_103 : memref<1x64xf32, #tpu.memory_space<vmem>>) target_semaphore(%arg11 : memref<!tpu.dma_semaphore, #tpu.memory_space<semaphore_mem>>)
      %slice3A_107 = vector.extract_strided_slice %get3A_63 {offsets = [1], sizes = [1], strides = [1]} : vector<16xi32> to vector<1xi32>
      %squeeze3A_108 = vector.extract %slice3A_107[0] : i32 from vector<1xi32>
      %jit3A_109 = arith.constant 8 : i32
      %div3A_110 = arith.divsi %squeeze3A_108, %jit3A_109 : i32
      %sign3A_111 = arith.constant 0 : i32
      %sign3A_112 = arith.cmpi sgt, %squeeze3A_108, %sign3A_111 : i32
      %sign3A_113 = arith.extui %sign3A_112 : i1 to i32
      %sign3A_114 = arith.constant 0 : i32
      %sign3A_115 = arith.cmpi slt, %squeeze3A_108, %sign3A_114 : i32
      %sign3A_116 = arith.extui %sign3A_115 : i1 to i32
      %sign3A_117 = arith.subi %sign3A_113, %sign3A_116 : i32
      %sign3A_118 = arith.constant 0 : i32
      %sign3A_119 = arith.cmpi sgt, %jit3A_109, %sign3A_118 : i32
      %sign3A_120 = arith.extui %sign3A_119 : i1 to i32
      %sign3A_121 = arith.constant 0 : i32
      %sign3A_122 = arith.cmpi slt, %jit3A_109, %sign3A_121 : i32
      %sign3A_123 = arith.extui %sign3A_122 : i1 to i32
      %sign3A_124 = arith.subi %sign3A_120, %sign3A_123 : i32
      %ne3A_125 = arith.cmpi ne, %sign3A_117, %sign3A_124 : i32
      %rem3A_126 = arith.remsi %squeeze3A_108, %jit3A_109 : i32
      %ne3A_127 = arith.constant 0 : i32
      %ne3A_128 = arith.cmpi ne, %rem3A_126, %ne3A_127 : i32
      %and3A_129 = arith.andi %ne3A_125, %ne3A_128 : i1
      %sub3A_130 = arith.constant 1 : i32
      %sub3A_131 = arith.subi %div3A_110, %sub3A_130 : i32
      %select_n3A_132 = arith.select %and3A_129, %sub3A_131, %div3A_110 : i32
      %jit3A_133 = arith.constant 8 : i32
      %eq3A_134 = arith.constant 0 : i32
      %eq3A_135 = arith.cmpi eq, %jit3A_133, %eq3A_134 : i32
      %jit3A_136 = arith.constant 1 : i32
      %select_n3A_137 = arith.select %eq3A_135, %jit3A_136, %jit3A_133 : i32
      %rem3A_138 = arith.remsi %squeeze3A_108, %select_n3A_137 : i32
      %ne3A_139 = arith.constant 0 : i32
      %ne3A_140 = arith.cmpi ne, %rem3A_138, %ne3A_139 : i32
      %lt3A_141 = arith.constant 0 : i32
      %lt3A_142 = arith.cmpi slt, %rem3A_138, %lt3A_141 : i32
      %lt3A_143 = arith.constant 0 : i32
      %lt3A_144 = arith.cmpi slt, %select_n3A_137, %lt3A_143 : i32
      %ne3A_145 = arith.xori %lt3A_142, %lt3A_144 : i1
      %and3A_146 = arith.andi %ne3A_145, %ne3A_140 : i1
      %add3A_147 = arith.addi %rem3A_138, %select_n3A_137 : i32
      %select_n3A_148 = arith.select %and3A_146, %add3A_147, %rem3A_138 : i32
      %mul3A_149 = arith.constant 16 : i32
      %mul3A_150 = arith.muli %scan3A_57, %mul3A_149 : i32
      %add3A_151 = arith.constant 1 : i32
      %add3A_152 = arith.addi %mul3A_150, %add3A_151 : i32
      %dma_start3A_153 = arith.constant 0 : i32
      %dma_start3A_154 = tpu.memref_slice %arg9[%add3A_152, %dma_start3A_153] : memref<256x64xf32, #tpu.memory_space<vmem>> -> memref<1x64xf32, #tpu.memory_space<vmem>>
      %dma_start3A_155 = arith.constant 0 : i32
      %dma_start3A_156 = tpu.memref_slice %arg2[%select_n3A_132, %select_n3A_148, %dma_start3A_155] : memref<125000x8x64xf32, #tpu.memory_space<hbm>> -> memref<1x1x64xf32, #tpu.memory_space<hbm>>
      %dma_start3A_157 = tpu.memref_squeeze %dma_start3A_156 : memref<1x1x64xf32, #tpu.memory_space<hbm>> -> memref<1x64xf32, #tpu.memory_space<hbm>>
      %dma_start3A_158 = arith.constant 0 : i32
      %dma_start3A_159 = tpu.memref_slice %arg9[%add3A_152, %dma_start3A_158] : memref<256x64xf32, #tpu.memory_space<vmem>> -> memref<1x64xf32, #tpu.memory_space<vmem>>
      %dma_start3A_160 = arith.constant 0 : i32
      %dma_start3A_161 = tpu.memref_slice %arg2[%select_n3A_132, %select_n3A_148, %dma_start3A_160] : memref<125000x8x64xf32, #tpu.memory_space<hbm>> -> memref<1x1x64xf32, #tpu.memory_space<hbm>>
      %dma_start3A_162 = tpu.memref_squeeze %dma_start3A_161 : memref<1x1x64xf32, #tpu.memory_space<hbm>> -> memref<1x64xf32, #tpu.memory_space<hbm>>
      tpu.enqueue_dma source(%dma_start3A_162 : memref<1x64xf32, #tpu.memory_space<hbm>>) target(%dma_start3A_159 : memref<1x64xf32, #tpu.memory_space<vmem>>) target_semaphore(%arg11 : memref<!tpu.dma_semaphore, #tpu.memory_space<semaphore_mem>>)
      %slice3A_163 = vector.extract_strided_slice %get3A_63 {offsets = [2], sizes = [1], strides = [1]} : vector<16xi32> to vector<1xi32>
      %squeeze3A_164 = vector.extract %slice3A_163[0] : i32 from vector<1xi32>
      %jit3A_165 = arith.constant 8 : i32
      %div3A_166 = arith.divsi %squeeze3A_164, %jit3A_165 : i32
      %sign3A_167 = arith.constant 0 : i32
      %sign3A_168 = arith.cmpi sgt, %squeeze3A_164, %sign3A_167 : i32
      %sign3A_169 = arith.extui %sign3A_168 : i1 to i32
      %sign3A_170 = arith.constant 0 : i32
      %sign3A_171 = arith.cmpi slt, %squeeze3A_164, %sign3A_170 : i32
      %sign3A_172 = arith.extui %sign3A_171 : i1 to i32
      %sign3A_173 = arith.subi %sign3A_169, %sign3A_172 : i32
      %sign3A_174 = arith.constant 0 : i32
      %sign3A_175 = arith.cmpi sgt, %jit3A_165, %sign3A_174 : i32
      %sign3A_176 = arith.extui %sign3A_175 : i1 to i32
      %sign3A_177 = arith.constant 0 : i32
      %sign3A_178 = arith.cmpi slt, %jit3A_165, %sign3A_177 : i32
      %sign3A_179 = arith.extui %sign3A_178 : i1 to i32
      %sign3A_180 = arith.subi %sign3A_176, %sign3A_179 : i32
      %ne3A_181 = arith.cmpi ne, %sign3A_173, %sign3A_180 : i32
      %rem3A_182 = arith.remsi %squeeze3A_164, %jit3A_165 : i32
      %ne3A_183 = arith.constant 0 : i32
      %ne3A_184 = arith.cmpi ne, %rem3A_182, %ne3A_183 : i32
      %and3A_185 = arith.andi %ne3A_181, %ne3A_184 : i1
      %sub3A_186 = arith.constant 1 : i32
      %sub3A_187 = arith.subi %div3A_166, %sub3A_186 : i32
      %select_n3A_188 = arith.select %and3A_185, %sub3A_187, %div3A_166 : i32
      %jit3A_189 = arith.constant 8 : i32
      %eq3A_190 = arith.constant 0 : i32
      %eq3A_191 = arith.cmpi eq, %jit3A_189, %eq3A_190 : i32
      %jit3A_192 = arith.constant 1 : i32
      %select_n3A_193 = arith.select %eq3A_191, %jit3A_192, %jit3A_189 : i32
      %rem3A_194 = arith.remsi %squeeze3A_164, %select_n3A_193 : i32
      %ne3A_195 = arith.constant 0 : i32
      %ne3A_196 = arith.cmpi ne, %rem3A_194, %ne3A_195 : i32
      %lt3A_197 = arith.constant 0 : i32
      %lt3A_198 = arith.cmpi slt, %rem3A_194, %lt3A_197 : i32
      %lt3A_199 = arith.constant 0 : i32
      %lt3A_200 = arith.cmpi slt, %select_n3A_193, %lt3A_199 : i32
      %ne3A_201 = arith.xori %lt3A_198, %lt3A_200 : i1
      %and3A_202 = arith.andi %ne3A_201, %ne3A_196 : i1
      %add3A_203 = arith.addi %rem3A_194, %select_n3A_193 : i32
      %select_n3A_204 = arith.select %and3A_202, %add3A_203, %rem3A_194 : i32
      %mul3A_205 = arith.constant 16 : i32
      %mul3A_206 = arith.muli %scan3A_57, %mul3A_205 : i32
      %add3A_207 = arith.constant 2 : i32
      %add3A_208 = arith.addi %mul3A_206, %add3A_207 : i32
      %dma_start3A_209 = arith.constant 0 : i32
      %dma_start3A_210 = tpu.memref_slice %arg9[%add3A_208, %dma_start3A_209] : memref<256x64xf32, #tpu.memory_space<vmem>> -> memref<1x64xf32, #tpu.memory_space<vmem>>
      %dma_start3A_211 = arith.constant 0 : i32
      %dma_start3A_212 = tpu.memref_slice %arg2[%select_n3A_188, %select_n3A_204, %dma_start3A_211] : memref<125000x8x64xf32, #tpu.memory_space<hbm>> -> memref<1x1x64xf32, #tpu.memory_space<hbm>>
      %dma_start3A_213 = tpu.memref_squeeze %dma_start3A_212 : memref<1x1x64xf32, #tpu.memory_space<hbm>> -> memref<1x64xf32, #tpu.memory_space<hbm>>
      %dma_start3A_214 = arith.constant 0 : i32
      %dma_start3A_215 = tpu.memref_slice %arg9[%add3A_208, %dma_start3A_214] : memref<256x64xf32, #tpu.memory_space<vmem>> -> memref<1x64xf32, #tpu.memory_space<vmem>>
      %dma_start3A_216 = arith.constant 0 : i32
      %dma_start3A_217 = tpu.memref_slice %arg2[%select_n3A_188, %select_n3A_204, %dma_start3A_216] : memref<125000x8x64xf32, #tpu.memory_space<hbm>> -> memref<1x1x64xf32, #tpu.memory_space<hbm>>
      %dma_start3A_218 = tpu.memref_squeeze %dma_start3A_217 : memref<1x1x64xf32, #tpu.memory_space<hbm>> -> memref<1x64xf32, #tpu.memory_space<hbm>>
      tpu.enqueue_dma source(%dma_start3A_218 : memref<1x64xf32, #tpu.memory_space<hbm>>) target(%dma_start3A_215 : memref<1x64xf32, #tpu.memory_space<vmem>>) target_semaphore(%arg11 : memref<!tpu.dma_semaphore, #tpu.memory_space<semaphore_mem>>)
      %slice3A_219 = vector.extract_strided_slice %get3A_63 {offsets = [3], sizes = [1], strides = [1]} : vector<16xi32> to vector<1xi32>
      %squeeze3A_220 = vector.extract %slice3A_219[0] : i32 from vector<1xi32>
      %jit3A_221 = arith.constant 8 : i32
      %div3A_222 = arith.divsi %squeeze3A_220, %jit3A_221 : i32
      %sign3A_223 = arith.constant 0 : i32
      %sign3A_224 = arith.cmpi sgt, %squeeze3A_220, %sign3A_223 : i32
      %sign3A_225 = arith.extui %sign3A_224 : i1 to i32
      %sign3A_226 = arith.constant 0 : i32
      %sign3A_227 = arith.cmpi slt, %squeeze3A_220, %sign3A_226 : i32
      %sign3A_228 = arith.extui %sign3A_227 : i1 to i32
      %sign3A_229 = arith.subi %sign3A_225, %sign3A_228 : i32
      %sign3A_230 = arith.constant 0 : i32
      %sign3A_231 = arith.cmpi sgt, %jit3A_221, %sign3A_230 : i32
      %sign3A_232 = arith.extui %sign3A_231 : i1 to i32
      %sign3A_233 = arith.constant 0 : i32
      %sign3A_234 = arith.cmpi slt, %jit3A_221, %sign3A_233 : i32
      %sign3A_235 = arith.extui %sign3A_234 : i1 to i32
      %sign3A_236 = arith.subi %sign3A_232, %sign3A_235 : i32
      %ne3A_237 = arith.cmpi ne, %sign3A_229, %sign3A_236 : i32
      %rem3A_238 = arith.remsi %squeeze3A_220, %jit3A_221 : i32
      %ne3A_239 = arith.constant 0 : i32
      %ne3A_240 = arith.cmpi ne, %rem3A_238, %ne3A_239 : i32
      %and3A_241 = arith.andi %ne3A_237, %ne3A_240 : i1
      %sub3A_242 = arith.constant 1 : i32
      %sub3A_243 = arith.subi %div3A_222, %sub3A_242 : i32
      %select_n3A_244 = arith.select %and3A_241, %sub3A_243, %div3A_222 : i32
      %jit3A_245 = arith.constant 8 : i32
      %eq3A_246 = arith.constant 0 : i32
      %eq3A_247 = arith.cmpi eq, %jit3A_245, %eq3A_246 : i32
      %jit3A_248 = arith.constant 1 : i32
      %select_n3A_249 = arith.select %eq3A_247, %jit3A_248, %jit3A_245 : i32
      %rem3A_250 = arith.remsi %squeeze3A_220, %select_n3A_249 : i32
      %ne3A_251 = arith.constant 0 : i32
      %ne3A_252 = arith.cmpi ne, %rem3A_250, %ne3A_251 : i32
      %lt3A_253 = arith.constant 0 : i32
      %lt3A_254 = arith.cmpi slt, %rem3A_250, %lt3A_253 : i32
      %lt3A_255 = arith.constant 0 : i32
      %lt3A_256 = arith.cmpi slt, %select_n3A_249, %lt3A_255 : i32
      %ne3A_257 = arith.xori %lt3A_254, %lt3A_256 : i1
      %and3A_258 = arith.andi %ne3A_257, %ne3A_252 : i1
      %add3A_259 = arith.addi %rem3A_250, %select_n3A_249 : i32
      %select_n3A_260 = arith.select %and3A_258, %add3A_259, %rem3A_250 : i32
      %mul3A_261 = arith.constant 16 : i32
      %mul3A_262 = arith.muli %scan3A_57, %mul3A_261 : i32
      %add3A_263 = arith.constant 3 : i32
      %add3A_264 = arith.addi %mul3A_262, %add3A_263 : i32
      %dma_start3A_265 = arith.constant 0 : i32
      %dma_start3A_266 = tpu.memref_slice %arg9[%add3A_264, %dma_start3A_265] : memref<256x64xf32, #tpu.memory_space<vmem>> -> memref<1x64xf32, #tpu.memory_space<vmem>>
      %dma_start3A_267 = arith.constant 0 : i32
      %dma_start3A_268 = tpu.memref_slice %arg2[%select_n3A_244, %select_n3A_260, %dma_start3A_267] : memref<125000x8x64xf32, #tpu.memory_space<hbm>> -> memref<1x1x64xf32, #tpu.memory_space<hbm>>
      %dma_start3A_269 = tpu.memref_squeeze %dma_start3A_268 : memref<1x1x64xf32, #tpu.memory_space<hbm>> -> memref<1x64xf32, #tpu.memory_space<hbm>>
      %dma_start3A_270 = arith.constant 0 : i32
      %dma_start3A_271 = tpu.memref_slice %arg9[%add3A_264, %dma_start3A_270] : memref<256x64xf32, #tpu.memory_space<vmem>> -> memref<1x64xf32, #tpu.memory_space<vmem>>
      %dma_start3A_272 = arith.constant 0 : i32
      %dma_start3A_273 = tpu.memref_slice %arg2[%select_n3A_244, %select_n3A_260, %dma_start3A_272] : memref<125000x8x64xf32, #tpu.memory_space<hbm>> -> memref<1x1x64xf32, #tpu.memory_space<hbm>>
      %dma_start3A_274 = tpu.memref_squeeze %dma_start3A_273 : memref<1x1x64xf32, #tpu.memory_space<hbm>> -> memref<1x64xf32, #tpu.memory_space<hbm>>
      tpu.enqueue_dma source(%dma_start3A_274 : memref<1x64xf32, #tpu.memory_space<hbm>>) target(%dma_start3A_271 : memref<1x64xf32, #tpu.memory_space<vmem>>) target_semaphore(%arg11 : memref<!tpu.dma_semaphore, #tpu.memory_space<semaphore_mem>>)
      %slice3A_275 = vector.extract_strided_slice %get3A_63 {offsets = [4], sizes = [1], strides = [1]} : vector<16xi32> to vector<1xi32>
      %squeeze3A_276 = vector.extract %slice3A_275[0] : i32 from vector<1xi32>
      %jit3A_277 = arith.constant 8 : i32
      %div3A_278 = arith.divsi %squeeze3A_276, %jit3A_277 : i32
      %sign3A_279 = arith.constant 0 : i32
      %sign3A_280 = arith.cmpi sgt, %squeeze3A_276, %sign3A_279 : i32
      %sign3A_281 = arith.extui %sign3A_280 : i1 to i32
      %sign3A_282 = arith.constant 0 : i32
      %sign3A_283 = arith.cmpi slt, %squeeze3A_276, %sign3A_282 : i32
      %sign3A_284 = arith.extui %sign3A_283 : i1 to i32
      %sign3A_285 = arith.subi %sign3A_281, %sign3A_284 : i32
      %sign3A_286 = arith.constant 0 : i32
      %sign3A_287 = arith.cmpi sgt, %jit3A_277, %sign3A_286 : i32
      %sign3A_288 = arith.extui %sign3A_287 : i1 to i32
      %sign3A_289 = arith.constant 0 : i32
      %sign3A_290 = arith.cmpi slt, %jit3A_277, %sign3A_289 : i32
      %sign3A_291 = arith.extui %sign3A_290 : i1 to i32
      %sign3A_292 = arith.subi %sign3A_288, %sign3A_291 : i32
      %ne3A_293 = arith.cmpi ne, %sign3A_285, %sign3A_292 : i32
      %rem3A_294 = arith.remsi %squeeze3A_276, %jit3A_277 : i32
      %ne3A_295 = arith.constant 0 : i32
      %ne3A_296 = arith.cmpi ne, %rem3A_294, %ne3A_295 : i32
      %and3A_297 = arith.andi %ne3A_293, %ne3A_296 : i1
      %sub3A_298 = arith.constant 1 : i32
      %sub3A_299 = arith.subi %div3A_278, %sub3A_298 : i32
      %select_n3A_300 = arith.select %and3A_297, %sub3A_299, %div3A_278 : i32
      %jit3A_301 = arith.constant 8 : i32
      %eq3A_302 = arith.constant 0 : i32
      %eq3A_303 = arith.cmpi eq, %jit3A_301, %eq3A_302 : i32
      %jit3A_304 = arith.constant 1 : i32
      %select_n3A_305 = arith.select %eq3A_303, %jit3A_304, %jit3A_301 : i32
      %rem3A_306 = arith.remsi %squeeze3A_276, %select_n3A_305 : i32
      %ne3A_307 = arith.constant 0 : i32
      %ne3A_308 = arith.cmpi ne, %rem3A_306, %ne3A_307 : i32
      %lt3A_309 = arith.constant 0 : i32
      %lt3A_310 = arith.cmpi slt, %rem3A_306, %lt3A_309 : i32
      %lt3A_311 = arith.constant 0 : i32
      %lt3A_312 = arith.cmpi slt, %select_n3A_305, %lt3A_311 : i32
      %ne3A_313 = arith.xori %lt3A_310, %lt3A_312 : i1
      %and3A_314 = arith.andi %ne3A_313, %ne3A_308 : i1
      %add3A_315 = arith.addi %rem3A_306, %select_n3A_305 : i32
      %select_n3A_316 = arith.select %and3A_314, %add3A_315, %rem3A_306 : i32
      %mul3A_317 = arith.constant 16 : i32
      %mul3A_318 = arith.muli %scan3A_57, %mul3A_317 : i32
      %add3A_319 = arith.constant 4 : i32
      %add3A_320 = arith.addi %mul3A_318, %add3A_319 : i32
      %dma_start3A_321 = arith.constant 0 : i32
      %dma_start3A_322 = tpu.memref_slice %arg9[%add3A_320, %dma_start3A_321] : memref<256x64xf32, #tpu.memory_space<vmem>> -> memref<1x64xf32, #tpu.memory_space<vmem>>
      %dma_start3A_323 = arith.constant 0 : i32
      %dma_start3A_324 = tpu.memref_slice %arg2[%select_n3A_300, %select_n3A_316, %dma_start3A_323] : memref<125000x8x64xf32, #tpu.memory_space<hbm>> -> memref<1x1x64xf32, #tpu.memory_space<hbm>>
      %dma_start3A_325 = tpu.memref_squeeze %dma_start3A_324 : memref<1x1x64xf32, #tpu.memory_space<hbm>> -> memref<1x64xf32, #tpu.memory_space<hbm>>
      %dma_start3A_326 = arith.constant 0 : i32
      %dma_start3A_327 = tpu.memref_slice %arg9[%add3A_320, %dma_start3A_326] : memref<256x64xf32, #tpu.memory_space<vmem>> -> memref<1x64xf32, #tpu.memory_space<vmem>>
      %dma_start3A_328 = arith.constant 0 : i32
      %dma_start3A_329 = tpu.memref_slice %arg2[%select_n3A_300, %select_n3A_316, %dma_start3A_328] : memref<125000x8x64xf32, #tpu.memory_space<hbm>> -> memref<1x1x64xf32, #tpu.memory_space<hbm>>
      %dma_start3A_330 = tpu.memref_squeeze %dma_start3A_329 : memref<1x1x64xf32, #tpu.memory_space<hbm>> -> memref<1x64xf32, #tpu.memory_space<hbm>>
      tpu.enqueue_dma source(%dma_start3A_330 : memref<1x64xf32, #tpu.memory_space<hbm>>) target(%dma_start3A_327 : memref<1x64xf32, #tpu.memory_space<vmem>>) target_semaphore(%arg11 : memref<!tpu.dma_semaphore, #tpu.memory_space<semaphore_mem>>)
      %slice3A_331 = vector.extract_strided_slice %get3A_63 {offsets = [5], sizes = [1], strides = [1]} : vector<16xi32> to vector<1xi32>
      %squeeze3A_332 = vector.extract %slice3A_331[0] : i32 from vector<1xi32>
      %jit3A_333 = arith.constant 8 : i32
      %div3A_334 = arith.divsi %squeeze3A_332, %jit3A_333 : i32
      %sign3A_335 = arith.constant 0 : i32
      %sign3A_336 = arith.cmpi sgt, %squeeze3A_332, %sign3A_335 : i32
      %sign3A_337 = arith.extui %sign3A_336 : i1 to i32
      %sign3A_338 = arith.constant 0 : i32
      %sign3A_339 = arith.cmpi slt, %squeeze3A_332, %sign3A_338 : i32
      %sign3A_340 = arith.extui %sign3A_339 : i1 to i32
      %sign3A_341 = arith.subi %sign3A_337, %sign3A_340 : i32
      %sign3A_342 = arith.constant 0 : i32
      %sign3A_343 = arith.cmpi sgt, %jit3A_333, %sign3A_342 : i32
      %sign3A_344 = arith.extui %sign3A_343 : i1 to i32
      %sign3A_345 = arith.constant 0 : i32
      %sign3A_346 = arith.cmpi slt, %jit3A_333, %sign3A_345 : i32
      %sign3A_347 = arith.extui %sign3A_346 : i1 to i32
      %sign3A_348 = arith.subi %sign3A_344, %sign3A_347 : i32
      %ne3A_349 = arith.cmpi ne, %sign3A_341, %sign3A_348 : i32
      %rem3A_350 = arith.remsi %squeeze3A_332, %jit3A_333 : i32
      %ne3A_351 = arith.constant 0 : i32
      %ne3A_352 = arith.cmpi ne, %rem3A_350, %ne3A_351 : i32
      %and3A_353 = arith.andi %ne3A_349, %ne3A_352 : i1
      %sub3A_354 = arith.constant 1 : i32
      %sub3A_355 = arith.subi %div3A_334, %sub3A_354 : i32
      %select_n3A_356 = arith.select %and3A_353, %sub3A_355, %div3A_334 : i32
      %jit3A_357 = arith.constant 8 : i32
      %eq3A_358 = arith.constant 0 : i32
      %eq3A_359 = arith.cmpi eq, %jit3A_357, %eq3A_358 : i32
      %jit3A_360 = arith.constant 1 : i32
      %select_n3A_361 = arith.select %eq3A_359, %jit3A_360, %jit3A_357 : i32
      %rem3A_362 = arith.remsi %squeeze3A_332, %select_n3A_361 : i32
      %ne3A_363 = arith.constant 0 : i32
      %ne3A_364 = arith.cmpi ne, %rem3A_362, %ne3A_363 : i32
      %lt3A_365 = arith.constant 0 : i32
      %lt3A_366 = arith.cmpi slt, %rem3A_362, %lt3A_365 : i32
      %lt3A_367 = arith.constant 0 : i32
      %lt3A_368 = arith.cmpi slt, %select_n3A_361, %lt3A_367 : i32
      %ne3A_369 = arith.xori %lt3A_366, %lt3A_368 : i1
      %and3A_370 = arith.andi %ne3A_369, %ne3A_364 : i1
      %add3A_371 = arith.addi %rem3A_362, %select_n3A_361 : i32
      %select_n3A_372 = arith.select %and3A_370, %add3A_371, %rem3A_362 : i32
      %mul3A_373 = arith.constant 16 : i32
      %mul3A_374 = arith.muli %scan3A_57, %mul3A_373 : i32
      %add3A_375 = arith.constant 5 : i32
      %add3A_376 = arith.addi %mul3A_374, %add3A_375 : i32
      %dma_start3A_377 = arith.constant 0 : i32
      %dma_start3A_378 = tpu.memref_slice %arg9[%add3A_376, %dma_start3A_377] : memref<256x64xf32, #tpu.memory_space<vmem>> -> memref<1x64xf32, #tpu.memory_space<vmem>>
      %dma_start3A_379 = arith.constant 0 : i32
      %dma_start3A_380 = tpu.memref_slice %arg2[%select_n3A_356, %select_n3A_372, %dma_start3A_379] : memref<125000x8x64xf32, #tpu.memory_space<hbm>> -> memref<1x1x64xf32, #tpu.memory_space<hbm>>
      %dma_start3A_381 = tpu.memref_squeeze %dma_start3A_380 : memref<1x1x64xf32, #tpu.memory_space<hbm>> -> memref<1x64xf32, #tpu.memory_space<hbm>>
      %dma_start3A_382 = arith.constant 0 : i32
      %dma_start3A_383 = tpu.memref_slice %arg9[%add3A_376, %dma_start3A_382] : memref<256x64xf32, #tpu.memory_space<vmem>> -> memref<1x64xf32, #tpu.memory_space<vmem>>
      %dma_start3A_384 = arith.constant 0 : i32
      %dma_start3A_385 = tpu.memref_slice %arg2[%select_n3A_356, %select_n3A_372, %dma_start3A_384] : memref<125000x8x64xf32, #tpu.memory_space<hbm>> -> memref<1x1x64xf32, #tpu.memory_space<hbm>>
      %dma_start3A_386 = tpu.memref_squeeze %dma_start3A_385 : memref<1x1x64xf32, #tpu.memory_space<hbm>> -> memref<1x64xf32, #tpu.memory_space<hbm>>
      tpu.enqueue_dma source(%dma_start3A_386 : memref<1x64xf32, #tpu.memory_space<hbm>>) target(%dma_start3A_383 : memref<1x64xf32, #tpu.memory_space<vmem>>) target_semaphore(%arg11 : memref<!tpu.dma_semaphore, #tpu.memory_space<semaphore_mem>>)
      %slice3A_387 = vector.extract_strided_slice %get3A_63 {offsets = [6], sizes = [1], strides = [1]} : vector<16xi32> to vector<1xi32>
      %squeeze3A_388 = vector.extract %slice3A_387[0] : i32 from vector<1xi32>
      %jit3A_389 = arith.constant 8 : i32
      %div3A_390 = arith.divsi %squeeze3A_388, %jit3A_389 : i32
      %sign3A_391 = arith.constant 0 : i32
      %sign3A_392 = arith.cmpi sgt, %squeeze3A_388, %sign3A_391 : i32
      %sign3A_393 = arith.extui %sign3A_392 : i1 to i32
      %sign3A_394 = arith.constant 0 : i32
      %sign3A_395 = arith.cmpi slt, %squeeze3A_388, %sign3A_394 : i32
      %sign3A_396 = arith.extui %sign3A_395 : i1 to i32
      %sign3A_397 = arith.subi %sign3A_393, %sign3A_396 : i32
      %sign3A_398 = arith.constant 0 : i32
      %sign3A_399 = arith.cmpi sgt, %jit3A_389, %sign3A_398 : i32
      %sign3A_400 = arith.extui %sign3A_399 : i1 to i32
      %sign3A_401 = arith.constant 0 : i32
      %sign3A_402 = arith.cmpi slt, %jit3A_389, %sign3A_401 : i32
      %sign3A_403 = arith.extui %sign3A_402 : i1 to i32
      %sign3A_404 = arith.subi %sign3A_400, %sign3A_403 : i32
      %ne3A_405 = arith.cmpi ne, %sign3A_397, %sign3A_404 : i32
      %rem3A_406 = arith.remsi %squeeze3A_388, %jit3A_389 : i32
      %ne3A_407 = arith.constant 0 : i32
      %ne3A_408 = arith.cmpi ne, %rem3A_406, %ne3A_407 : i32
      %and3A_409 = arith.andi %ne3A_405, %ne3A_408 : i1
      %sub3A_410 = arith.constant 1 : i32
      %sub3A_411 = arith.subi %div3A_390, %sub3A_410 : i32
      %select_n3A_412 = arith.select %and3A_409, %sub3A_411, %div3A_390 : i32
      %jit3A_413 = arith.constant 8 : i32
      %eq3A_414 = arith.constant 0 : i32
      %eq3A_415 = arith.cmpi eq, %jit3A_413, %eq3A_414 : i32
      %jit3A_416 = arith.constant 1 : i32
      %select_n3A_417 = arith.select %eq3A_415, %jit3A_416, %jit3A_413 : i32
      %rem3A_418 = arith.remsi %squeeze3A_388, %select_n3A_417 : i32
      %ne3A_419 = arith.constant 0 : i32
      %ne3A_420 = arith.cmpi ne, %rem3A_418, %ne3A_419 : i32
      %lt3A_421 = arith.constant 0 : i32
      %lt3A_422 = arith.cmpi slt, %rem3A_418, %lt3A_421 : i32
      %lt3A_423 = arith.constant 0 : i32
      %lt3A_424 = arith.cmpi slt, %select_n3A_417, %lt3A_423 : i32
      %ne3A_425 = arith.xori %lt3A_422, %lt3A_424 : i1
      %and3A_426 = arith.andi %ne3A_425, %ne3A_420 : i1
      %add3A_427 = arith.addi %rem3A_418, %select_n3A_417 : i32
      %select_n3A_428 = arith.select %and3A_426, %add3A_427, %rem3A_418 : i32
      %mul3A_429 = arith.constant 16 : i32
      %mul3A_430 = arith.muli %scan3A_57, %mul3A_429 : i32
      %add3A_431 = arith.constant 6 : i32
      %add3A_432 = arith.addi %mul3A_430, %add3A_431 : i32
      %dma_start3A_433 = arith.constant 0 : i32
      %dma_start3A_434 = tpu.memref_slice %arg9[%add3A_432, %dma_start3A_433] : memref<256x64xf32, #tpu.memory_space<vmem>> -> memref<1x64xf32, #tpu.memory_space<vmem>>
      %dma_start3A_435 = arith.constant 0 : i32
      %dma_start3A_436 = tpu.memref_slice %arg2[%select_n3A_412, %select_n3A_428, %dma_start3A_435] : memref<125000x8x64xf32, #tpu.memory_space<hbm>> -> memref<1x1x64xf32, #tpu.memory_space<hbm>>
      %dma_start3A_437 = tpu.memref_squeeze %dma_start3A_436 : memref<1x1x64xf32, #tpu.memory_space<hbm>> -> memref<1x64xf32, #tpu.memory_space<hbm>>
      %dma_start3A_438 = arith.constant 0 : i32
      %dma_start3A_439 = tpu.memref_slice %arg9[%add3A_432, %dma_start3A_438] : memref<256x64xf32, #tpu.memory_space<vmem>> -> memref<1x64xf32, #tpu.memory_space<vmem>>
      %dma_start3A_440 = arith.constant 0 : i32
      %dma_start3A_441 = tpu.memref_slice %arg2[%select_n3A_412, %select_n3A_428, %dma_start3A_440] : memref<125000x8x64xf32, #tpu.memory_space<hbm>> -> memref<1x1x64xf32, #tpu.memory_space<hbm>>
      %dma_start3A_442 = tpu.memref_squeeze %dma_start3A_441 : memref<1x1x64xf32, #tpu.memory_space<hbm>> -> memref<1x64xf32, #tpu.memory_space<hbm>>
      tpu.enqueue_dma source(%dma_start3A_442 : memref<1x64xf32, #tpu.memory_space<hbm>>) target(%dma_start3A_439 : memref<1x64xf32, #tpu.memory_space<vmem>>) target_semaphore(%arg11 : memref<!tpu.dma_semaphore, #tpu.memory_space<semaphore_mem>>)
      %slice3A_443 = vector.extract_strided_slice %get3A_63 {offsets = [7], sizes = [1], strides = [1]} : vector<16xi32> to vector<1xi32>
      %squeeze3A_444 = vector.extract %slice3A_443[0] : i32 from vector<1xi32>
      %jit3A_445 = arith.constant 8 : i32
      %div3A_446 = arith.divsi %squeeze3A_444, %jit3A_445 : i32
      %sign3A_447 = arith.constant 0 : i32
      %sign3A_448 = arith.cmpi sgt, %squeeze3A_444, %sign3A_447 : i32
      %sign3A_449 = arith.extui %sign3A_448 : i1 to i32
      %sign3A_450 = arith.constant 0 : i32
      %sign3A_451 = arith.cmpi slt, %squeeze3A_444, %sign3A_450 : i32
      %sign3A_452 = arith.extui %sign3A_451 : i1 to i32
      %sign3A_453 = arith.subi %sign3A_449, %sign3A_452 : i32
      %sign3A_454 = arith.constant 0 : i32
      %sign3A_455 = arith.cmpi sgt, %jit3A_445, %sign3A_454 : i32
      %sign3A_456 = arith.extui %sign3A_455 : i1 to i32
      %sign3A_457 = arith.constant 0 : i32
      %sign3A_458 = arith.cmpi slt, %jit3A_445, %sign3A_457 : i32
      %sign3A_459 = arith.extui %sign3A_458 : i1 to i32
      %sign3A_460 = arith.subi %sign3A_456, %sign3A_459 : i32
      %ne3A_461 = arith.cmpi ne, %sign3A_453, %sign3A_460 : i32
      %rem3A_462 = arith.remsi %squeeze3A_444, %jit3A_445 : i32
      %ne3A_463 = arith.constant 0 : i32
      %ne3A_464 = arith.cmpi ne, %rem3A_462, %ne3A_463 : i32
      %and3A_465 = arith.andi %ne3A_461, %ne3A_464 : i1
      %sub3A_466 = arith.constant 1 : i32
      %sub3A_467 = arith.subi %div3A_446, %sub3A_466 : i32
      %select_n3A_468 = arith.select %and3A_465, %sub3A_467, %div3A_446 : i32
      %jit3A_469 = arith.constant 8 : i32
      %eq3A_470 = arith.constant 0 : i32
      %eq3A_471 = arith.cmpi eq, %jit3A_469, %eq3A_470 : i32
      %jit3A_472 = arith.constant 1 : i32
      %select_n3A_473 = arith.select %eq3A_471, %jit3A_472, %jit3A_469 : i32
      %rem3A_474 = arith.remsi %squeeze3A_444, %select_n3A_473 : i32
      %ne3A_475 = arith.constant 0 : i32
      %ne3A_476 = arith.cmpi ne, %rem3A_474, %ne3A_475 : i32
      %lt3A_477 = arith.constant 0 : i32
      %lt3A_478 = arith.cmpi slt, %rem3A_474, %lt3A_477 : i32
      %lt3A_479 = arith.constant 0 : i32
      %lt3A_480 = arith.cmpi slt, %select_n3A_473, %lt3A_479 : i32
      %ne3A_481 = arith.xori %lt3A_478, %lt3A_480 : i1
      %and3A_482 = arith.andi %ne3A_481, %ne3A_476 : i1
      %add3A_483 = arith.addi %rem3A_474, %select_n3A_473 : i32
      %select_n3A_484 = arith.select %and3A_482, %add3A_483, %rem3A_474 : i32
      %mul3A_485 = arith.constant 16 : i32
      %mul3A_486 = arith.muli %scan3A_57, %mul3A_485 : i32
      %add3A_487 = arith.constant 7 : i32
      %add3A_488 = arith.addi %mul3A_486, %add3A_487 : i32
      %dma_start3A_489 = arith.constant 0 : i32
      %dma_start3A_490 = tpu.memref_slice %arg9[%add3A_488, %dma_start3A_489] : memref<256x64xf32, #tpu.memory_space<vmem>> -> memref<1x64xf32, #tpu.memory_space<vmem>>
      %dma_start3A_491 = arith.constant 0 : i32
      %dma_start3A_492 = tpu.memref_slice %arg2[%select_n3A_468, %select_n3A_484, %dma_start3A_491] : memref<125000x8x64xf32, #tpu.memory_space<hbm>> -> memref<1x1x64xf32, #tpu.memory_space<hbm>>
      %dma_start3A_493 = tpu.memref_squeeze %dma_start3A_492 : memref<1x1x64xf32, #tpu.memory_space<hbm>> -> memref<1x64xf32, #tpu.memory_space<hbm>>
      %dma_start3A_494 = arith.constant 0 : i32
      %dma_start3A_495 = tpu.memref_slice %arg9[%add3A_488, %dma_start3A_494] : memref<256x64xf32, #tpu.memory_space<vmem>> -> memref<1x64xf32, #tpu.memory_space<vmem>>
      %dma_start3A_496 = arith.constant 0 : i32
      %dma_start3A_497 = tpu.memref_slice %arg2[%select_n3A_468, %select_n3A_484, %dma_start3A_496] : memref<125000x8x64xf32, #tpu.memory_space<hbm>> -> memref<1x1x64xf32, #tpu.memory_space<hbm>>
      %dma_start3A_498 = tpu.memref_squeeze %dma_start3A_497 : memref<1x1x64xf32, #tpu.memory_space<hbm>> -> memref<1x64xf32, #tpu.memory_space<hbm>>
      tpu.enqueue_dma source(%dma_start3A_498 : memref<1x64xf32, #tpu.memory_space<hbm>>) target(%dma_start3A_495 : memref<1x64xf32, #tpu.memory_space<vmem>>) target_semaphore(%arg11 : memref<!tpu.dma_semaphore, #tpu.memory_space<semaphore_mem>>)
      %slice3A_499 = vector.extract_strided_slice %get3A_63 {offsets = [8], sizes = [1], strides = [1]} : vector<16xi32> to vector<1xi32>
      %squeeze3A_500 = vector.extract %slice3A_499[0] : i32 from vector<1xi32>
      %jit3A_501 = arith.constant 8 : i32
      %div3A_502 = arith.divsi %squeeze3A_500, %jit3A_501 : i32
      %sign3A_503 = arith.constant 0 : i32
      %sign3A_504 = arith.cmpi sgt, %squeeze3A_500, %sign3A_503 : i32
      %sign3A_505 = arith.extui %sign3A_504 : i1 to i32
      %sign3A_506 = arith.constant 0 : i32
      %sign3A_507 = arith.cmpi slt, %squeeze3A_500, %sign3A_506 : i32
      %sign3A_508 = arith.extui %sign3A_507 : i1 to i32
      %sign3A_509 = arith.subi %sign3A_505, %sign3A_508 : i32
      %sign3A_510 = arith.constant 0 : i32
      %sign3A_511 = arith.cmpi sgt, %jit3A_501, %sign3A_510 : i32
      %sign3A_512 = arith.extui %sign3A_511 : i1 to i32
      %sign3A_513 = arith.constant 0 : i32
      %sign3A_514 = arith.cmpi slt, %jit3A_501, %sign3A_513 : i32
      %sign3A_515 = arith.extui %sign3A_514 : i1 to i32
      %sign3A_516 = arith.subi %sign3A_512, %sign3A_515 : i32
      %ne3A_517 = arith.cmpi ne, %sign3A_509, %sign3A_516 : i32
      %rem3A_518 = arith.remsi %squeeze3A_500, %jit3A_501 : i32
      %ne3A_519 = arith.constant 0 : i32
      %ne3A_520 = arith.cmpi ne, %rem3A_518, %ne3A_519 : i32
      %and3A_521 = arith.andi %ne3A_517, %ne3A_520 : i1
      %sub3A_522 = arith.constant 1 : i32
      %sub3A_523 = arith.subi %div3A_502, %sub3A_522 : i32
      %select_n3A_524 = arith.select %and3A_521, %sub3A_523, %div3A_502 : i32
      %jit3A_525 = arith.constant 8 : i32
      %eq3A_526 = arith.constant 0 : i32
      %eq3A_527 = arith.cmpi eq, %jit3A_525, %eq3A_526 : i32
      %jit3A_528 = arith.constant 1 : i32
      %select_n3A_529 = arith.select %eq3A_527, %jit3A_528, %jit3A_525 : i32
      %rem3A_530 = arith.remsi %squeeze3A_500, %select_n3A_529 : i32
      %ne3A_531 = arith.constant 0 : i32
      %ne3A_532 = arith.cmpi ne, %rem3A_530, %ne3A_531 : i32
      %lt3A_533 = arith.constant 0 : i32
      %lt3A_534 = arith.cmpi slt, %rem3A_530, %lt3A_533 : i32
      %lt3A_535 = arith.constant 0 : i32
      %lt3A_536 = arith.cmpi slt, %select_n3A_529, %lt3A_535 : i32
      %ne3A_537 = arith.xori %lt3A_534, %lt3A_536 : i1
      %and3A_538 = arith.andi %ne3A_537, %ne3A_532 : i1
      %add3A_539 = arith.addi %rem3A_530, %select_n3A_529 : i32
      %select_n3A_540 = arith.select %and3A_538, %add3A_539, %rem3A_530 : i32
      %mul3A_541 = arith.constant 16 : i32
      %mul3A_542 = arith.muli %scan3A_57, %mul3A_541 : i32
      %add3A_543 = arith.constant 8 : i32
      %add3A_544 = arith.addi %mul3A_542, %add3A_543 : i32
      %dma_start3A_545 = arith.constant 0 : i32
      %dma_start3A_546 = tpu.memref_slice %arg9[%add3A_544, %dma_start3A_545] : memref<256x64xf32, #tpu.memory_space<vmem>> -> memref<1x64xf32, #tpu.memory_space<vmem>>
      %dma_start3A_547 = arith.constant 0 : i32
      %dma_start3A_548 = tpu.memref_slice %arg2[%select_n3A_524, %select_n3A_540, %dma_start3A_547] : memref<125000x8x64xf32, #tpu.memory_space<hbm>> -> memref<1x1x64xf32, #tpu.memory_space<hbm>>
      %dma_start3A_549 = tpu.memref_squeeze %dma_start3A_548 : memref<1x1x64xf32, #tpu.memory_space<hbm>> -> memref<1x64xf32, #tpu.memory_space<hbm>>
      %dma_start3A_550 = arith.constant 0 : i32
      %dma_start3A_551 = tpu.memref_slice %arg9[%add3A_544, %dma_start3A_550] : memref<256x64xf32, #tpu.memory_space<vmem>> -> memref<1x64xf32, #tpu.memory_space<vmem>>
      %dma_start3A_552 = arith.constant 0 : i32
      %dma_start3A_553 = tpu.memref_slice %arg2[%select_n3A_524, %select_n3A_540, %dma_start3A_552] : memref<125000x8x64xf32, #tpu.memory_space<hbm>> -> memref<1x1x64xf32, #tpu.memory_space<hbm>>
      %dma_start3A_554 = tpu.memref_squeeze %dma_start3A_553 : memref<1x1x64xf32, #tpu.memory_space<hbm>> -> memref<1x64xf32, #tpu.memory_space<hbm>>
      tpu.enqueue_dma source(%dma_start3A_554 : memref<1x64xf32, #tpu.memory_space<hbm>>) target(%dma_start3A_551 : memref<1x64xf32, #tpu.memory_space<vmem>>) target_semaphore(%arg11 : memref<!tpu.dma_semaphore, #tpu.memory_space<semaphore_mem>>)
      %slice3A_555 = vector.extract_strided_slice %get3A_63 {offsets = [9], sizes = [1], strides = [1]} : vector<16xi32> to vector<1xi32>
      %squeeze3A_556 = vector.extract %slice3A_555[0] : i32 from vector<1xi32>
      %jit3A_557 = arith.constant 8 : i32
      %div3A_558 = arith.divsi %squeeze3A_556, %jit3A_557 : i32
      %sign3A_559 = arith.constant 0 : i32
      %sign3A_560 = arith.cmpi sgt, %squeeze3A_556, %sign3A_559 : i32
      %sign3A_561 = arith.extui %sign3A_560 : i1 to i32
      %sign3A_562 = arith.constant 0 : i32
      %sign3A_563 = arith.cmpi slt, %squeeze3A_556, %sign3A_562 : i32
      %sign3A_564 = arith.extui %sign3A_563 : i1 to i32
      %sign3A_565 = arith.subi %sign3A_561, %sign3A_564 : i32
      %sign3A_566 = arith.constant 0 : i32
      %sign3A_567 = arith.cmpi sgt, %jit3A_557, %sign3A_566 : i32
      %sign3A_568 = arith.extui %sign3A_567 : i1 to i32
      %sign3A_569 = arith.constant 0 : i32
      %sign3A_570 = arith.cmpi slt, %jit3A_557, %sign3A_569 : i32
      %sign3A_571 = arith.extui %sign3A_570 : i1 to i32
      %sign3A_572 = arith.subi %sign3A_568, %sign3A_571 : i32
      %ne3A_573 = arith.cmpi ne, %sign3A_565, %sign3A_572 : i32
      %rem3A_574 = arith.remsi %squeeze3A_556, %jit3A_557 : i32
      %ne3A_575 = arith.constant 0 : i32
      %ne3A_576 = arith.cmpi ne, %rem3A_574, %ne3A_575 : i32
      %and3A_577 = arith.andi %ne3A_573, %ne3A_576 : i1
      %sub3A_578 = arith.constant 1 : i32
      %sub3A_579 = arith.subi %div3A_558, %sub3A_578 : i32
      %select_n3A_580 = arith.select %and3A_577, %sub3A_579, %div3A_558 : i32
      %jit3A_581 = arith.constant 8 : i32
      %eq3A_582 = arith.constant 0 : i32
      %eq3A_583 = arith.cmpi eq, %jit3A_581, %eq3A_582 : i32
      %jit3A_584 = arith.constant 1 : i32
      %select_n3A_585 = arith.select %eq3A_583, %jit3A_584, %jit3A_581 : i32
      %rem3A_586 = arith.remsi %squeeze3A_556, %select_n3A_585 : i32
      %ne3A_587 = arith.constant 0 : i32
      %ne3A_588 = arith.cmpi ne, %rem3A_586, %ne3A_587 : i32
      %lt3A_589 = arith.constant 0 : i32
      %lt3A_590 = arith.cmpi slt, %rem3A_586, %lt3A_589 : i32
      %lt3A_591 = arith.constant 0 : i32
      %lt3A_592 = arith.cmpi slt, %select_n3A_585, %lt3A_591 : i32
      %ne3A_593 = arith.xori %lt3A_590, %lt3A_592 : i1
      %and3A_594 = arith.andi %ne3A_593, %ne3A_588 : i1
      %add3A_595 = arith.addi %rem3A_586, %select_n3A_585 : i32
      %select_n3A_596 = arith.select %and3A_594, %add3A_595, %rem3A_586 : i32
      %mul3A_597 = arith.constant 16 : i32
      %mul3A_598 = arith.muli %scan3A_57, %mul3A_597 : i32
      %add3A_599 = arith.constant 9 : i32
      %add3A_600 = arith.addi %mul3A_598, %add3A_599 : i32
      %dma_start3A_601 = arith.constant 0 : i32
      %dma_start3A_602 = tpu.memref_slice %arg9[%add3A_600, %dma_start3A_601] : memref<256x64xf32, #tpu.memory_space<vmem>> -> memref<1x64xf32, #tpu.memory_space<vmem>>
      %dma_start3A_603 = arith.constant 0 : i32
      %dma_start3A_604 = tpu.memref_slice %arg2[%select_n3A_580, %select_n3A_596, %dma_start3A_603] : memref<125000x8x64xf32, #tpu.memory_space<hbm>> -> memref<1x1x64xf32, #tpu.memory_space<hbm>>
      %dma_start3A_605 = tpu.memref_squeeze %dma_start3A_604 : memref<1x1x64xf32, #tpu.memory_space<hbm>> -> memref<1x64xf32, #tpu.memory_space<hbm>>
      %dma_start3A_606 = arith.constant 0 : i32
      %dma_start3A_607 = tpu.memref_slice %arg9[%add3A_600, %dma_start3A_606] : memref<256x64xf32, #tpu.memory_space<vmem>> -> memref<1x64xf32, #tpu.memory_space<vmem>>
      %dma_start3A_608 = arith.constant 0 : i32
      %dma_start3A_609 = tpu.memref_slice %arg2[%select_n3A_580, %select_n3A_596, %dma_start3A_608] : memref<125000x8x64xf32, #tpu.memory_space<hbm>> -> memref<1x1x64xf32, #tpu.memory_space<hbm>>
      %dma_start3A_610 = tpu.memref_squeeze %dma_start3A_609 : memref<1x1x64xf32, #tpu.memory_space<hbm>> -> memref<1x64xf32, #tpu.memory_space<hbm>>
      tpu.enqueue_dma source(%dma_start3A_610 : memref<1x64xf32, #tpu.memory_space<hbm>>) target(%dma_start3A_607 : memref<1x64xf32, #tpu.memory_space<vmem>>) target_semaphore(%arg11 : memref<!tpu.dma_semaphore, #tpu.memory_space<semaphore_mem>>)
      %slice3A_611 = vector.extract_strided_slice %get3A_63 {offsets = [10], sizes = [1], strides = [1]} : vector<16xi32> to vector<1xi32>
      %squeeze3A_612 = vector.extract %slice3A_611[0] : i32 from vector<1xi32>
      %jit3A_613 = arith.constant 8 : i32
      %div3A_614 = arith.divsi %squeeze3A_612, %jit3A_613 : i32
      %sign3A_615 = arith.constant 0 : i32
      %sign3A_616 = arith.cmpi sgt, %squeeze3A_612, %sign3A_615 : i32
      %sign3A_617 = arith.extui %sign3A_616 : i1 to i32
      %sign3A_618 = arith.constant 0 : i32
      %sign3A_619 = arith.cmpi slt, %squeeze3A_612, %sign3A_618 : i32
      %sign3A_620 = arith.extui %sign3A_619 : i1 to i32
      %sign3A_621 = arith.subi %sign3A_617, %sign3A_620 : i32
      %sign3A_622 = arith.constant 0 : i32
      %sign3A_623 = arith.cmpi sgt, %jit3A_613, %sign3A_622 : i32
      %sign3A_624 = arith.extui %sign3A_623 : i1 to i32
      %sign3A_625 = arith.constant 0 : i32
      %sign3A_626 = arith.cmpi slt, %jit3A_613, %sign3A_625 : i32
      %sign3A_627 = arith.extui %sign3A_626 : i1 to i32
      %sign3A_628 = arith.subi %sign3A_624, %sign3A_627 : i32
      %ne3A_629 = arith.cmpi ne, %sign3A_621, %sign3A_628 : i32
      %rem3A_630 = arith.remsi %squeeze3A_612, %jit3A_613 : i32
      %ne3A_631 = arith.constant 0 : i32
      %ne3A_632 = arith.cmpi ne, %rem3A_630, %ne3A_631 : i32
      %and3A_633 = arith.andi %ne3A_629, %ne3A_632 : i1
      %sub3A_634 = arith.constant 1 : i32
      %sub3A_635 = arith.subi %div3A_614, %sub3A_634 : i32
      %select_n3A_636 = arith.select %and3A_633, %sub3A_635, %div3A_614 : i32
      %jit3A_637 = arith.constant 8 : i32
      %eq3A_638 = arith.constant 0 : i32
      %eq3A_639 = arith.cmpi eq, %jit3A_637, %eq3A_638 : i32
      %jit3A_640 = arith.constant 1 : i32
      %select_n3A_641 = arith.select %eq3A_639, %jit3A_640, %jit3A_637 : i32
      %rem3A_642 = arith.remsi %squeeze3A_612, %select_n3A_641 : i32
      %ne3A_643 = arith.constant 0 : i32
      %ne3A_644 = arith.cmpi ne, %rem3A_642, %ne3A_643 : i32
      %lt3A_645 = arith.constant 0 : i32
      %lt3A_646 = arith.cmpi slt, %rem3A_642, %lt3A_645 : i32
      %lt3A_647 = arith.constant 0 : i32
      %lt3A_648 = arith.cmpi slt, %select_n3A_641, %lt3A_647 : i32
      %ne3A_649 = arith.xori %lt3A_646, %lt3A_648 : i1
      %and3A_650 = arith.andi %ne3A_649, %ne3A_644 : i1
      %add3A_651 = arith.addi %rem3A_642, %select_n3A_641 : i32
      %select_n3A_652 = arith.select %and3A_650, %add3A_651, %rem3A_642 : i32
      %mul3A_653 = arith.constant 16 : i32
      %mul3A_654 = arith.muli %scan3A_57, %mul3A_653 : i32
      %add3A_655 = arith.constant 10 : i32
      %add3A_656 = arith.addi %mul3A_654, %add3A_655 : i32
      %dma_start3A_657 = arith.constant 0 : i32
      %dma_start3A_658 = tpu.memref_slice %arg9[%add3A_656, %dma_start3A_657] : memref<256x64xf32, #tpu.memory_space<vmem>> -> memref<1x64xf32, #tpu.memory_space<vmem>>
      %dma_start3A_659 = arith.constant 0 : i32
      %dma_start3A_660 = tpu.memref_slice %arg2[%select_n3A_636, %select_n3A_652, %dma_start3A_659] : memref<125000x8x64xf32, #tpu.memory_space<hbm>> -> memref<1x1x64xf32, #tpu.memory_space<hbm>>
      %dma_start3A_661 = tpu.memref_squeeze %dma_start3A_660 : memref<1x1x64xf32, #tpu.memory_space<hbm>> -> memref<1x64xf32, #tpu.memory_space<hbm>>
      %dma_start3A_662 = arith.constant 0 : i32
      %dma_start3A_663 = tpu.memref_slice %arg9[%add3A_656, %dma_start3A_662] : memref<256x64xf32, #tpu.memory_space<vmem>> -> memref<1x64xf32, #tpu.memory_space<vmem>>
      %dma_start3A_664 = arith.constant 0 : i32
      %dma_start3A_665 = tpu.memref_slice %arg2[%select_n3A_636, %select_n3A_652, %dma_start3A_664] : memref<125000x8x64xf32, #tpu.memory_space<hbm>> -> memref<1x1x64xf32, #tpu.memory_space<hbm>>
      %dma_start3A_666 = tpu.memref_squeeze %dma_start3A_665 : memref<1x1x64xf32, #tpu.memory_space<hbm>> -> memref<1x64xf32, #tpu.memory_space<hbm>>
      tpu.enqueue_dma source(%dma_start3A_666 : memref<1x64xf32, #tpu.memory_space<hbm>>) target(%dma_start3A_663 : memref<1x64xf32, #tpu.memory_space<vmem>>) target_semaphore(%arg11 : memref<!tpu.dma_semaphore, #tpu.memory_space<semaphore_mem>>)
      %slice3A_667 = vector.extract_strided_slice %get3A_63 {offsets = [11], sizes = [1], strides = [1]} : vector<16xi32> to vector<1xi32>
      %squeeze3A_668 = vector.extract %slice3A_667[0] : i32 from vector<1xi32>
      %jit3A_669 = arith.constant 8 : i32
      %div3A_670 = arith.divsi %squeeze3A_668, %jit3A_669 : i32
      %sign3A_671 = arith.constant 0 : i32
      %sign3A_672 = arith.cmpi sgt, %squeeze3A_668, %sign3A_671 : i32
      %sign3A_673 = arith.extui %sign3A_672 : i1 to i32
      %sign3A_674 = arith.constant 0 : i32
      %sign3A_675 = arith.cmpi slt, %squeeze3A_668, %sign3A_674 : i32
      %sign3A_676 = arith.extui %sign3A_675 : i1 to i32
      %sign3A_677 = arith.subi %sign3A_673, %sign3A_676 : i32
      %sign3A_678 = arith.constant 0 : i32
      %sign3A_679 = arith.cmpi sgt, %jit3A_669, %sign3A_678 : i32
      %sign3A_680 = arith.extui %sign3A_679 : i1 to i32
      %sign3A_681 = arith.constant 0 : i32
      %sign3A_682 = arith.cmpi slt, %jit3A_669, %sign3A_681 : i32
      %sign3A_683 = arith.extui %sign3A_682 : i1 to i32
      %sign3A_684 = arith.subi %sign3A_680, %sign3A_683 : i32
      %ne3A_685 = arith.cmpi ne, %sign3A_677, %sign3A_684 : i32
      %rem3A_686 = arith.remsi %squeeze3A_668, %jit3A_669 : i32
      %ne3A_687 = arith.constant 0 : i32
      %ne3A_688 = arith.cmpi ne, %rem3A_686, %ne3A_687 : i32
      %and3A_689 = arith.andi %ne3A_685, %ne3A_688 : i1
      %sub3A_690 = arith.constant 1 : i32
      %sub3A_691 = arith.subi %div3A_670, %sub3A_690 : i32
      %select_n3A_692 = arith.select %and3A_689, %sub3A_691, %div3A_670 : i32
      %jit3A_693 = arith.constant 8 : i32
      %eq3A_694 = arith.constant 0 : i32
      %eq3A_695 = arith.cmpi eq, %jit3A_693, %eq3A_694 : i32
      %jit3A_696 = arith.constant 1 : i32
      %select_n3A_697 = arith.select %eq3A_695, %jit3A_696, %jit3A_693 : i32
      %rem3A_698 = arith.remsi %squeeze3A_668, %select_n3A_697 : i32
      %ne3A_699 = arith.constant 0 : i32
      %ne3A_700 = arith.cmpi ne, %rem3A_698, %ne3A_699 : i32
      %lt3A_701 = arith.constant 0 : i32
      %lt3A_702 = arith.cmpi slt, %rem3A_698, %lt3A_701 : i32
      %lt3A_703 = arith.constant 0 : i32
      %lt3A_704 = arith.cmpi slt, %select_n3A_697, %lt3A_703 : i32
      %ne3A_705 = arith.xori %lt3A_702, %lt3A_704 : i1
      %and3A_706 = arith.andi %ne3A_705, %ne3A_700 : i1
      %add3A_707 = arith.addi %rem3A_698, %select_n3A_697 : i32
      %select_n3A_708 = arith.select %and3A_706, %add3A_707, %rem3A_698 : i32
      %mul3A_709 = arith.constant 16 : i32
      %mul3A_710 = arith.muli %scan3A_57, %mul3A_709 : i32
      %add3A_711 = arith.constant 11 : i32
      %add3A_712 = arith.addi %mul3A_710, %add3A_711 : i32
      %dma_start3A_713 = arith.constant 0 : i32
      %dma_start3A_714 = tpu.memref_slice %arg9[%add3A_712, %dma_start3A_713] : memref<256x64xf32, #tpu.memory_space<vmem>> -> memref<1x64xf32, #tpu.memory_space<vmem>>
      %dma_start3A_715 = arith.constant 0 : i32
      %dma_start3A_716 = tpu.memref_slice %arg2[%select_n3A_692, %select_n3A_708, %dma_start3A_715] : memref<125000x8x64xf32, #tpu.memory_space<hbm>> -> memref<1x1x64xf32, #tpu.memory_space<hbm>>
      %dma_start3A_717 = tpu.memref_squeeze %dma_start3A_716 : memref<1x1x64xf32, #tpu.memory_space<hbm>> -> memref<1x64xf32, #tpu.memory_space<hbm>>
      %dma_start3A_718 = arith.constant 0 : i32
      %dma_start3A_719 = tpu.memref_slice %arg9[%add3A_712, %dma_start3A_718] : memref<256x64xf32, #tpu.memory_space<vmem>> -> memref<1x64xf32, #tpu.memory_space<vmem>>
      %dma_start3A_720 = arith.constant 0 : i32
      %dma_start3A_721 = tpu.memref_slice %arg2[%select_n3A_692, %select_n3A_708, %dma_start3A_720] : memref<125000x8x64xf32, #tpu.memory_space<hbm>> -> memref<1x1x64xf32, #tpu.memory_space<hbm>>
      %dma_start3A_722 = tpu.memref_squeeze %dma_start3A_721 : memref<1x1x64xf32, #tpu.memory_space<hbm>> -> memref<1x64xf32, #tpu.memory_space<hbm>>
      tpu.enqueue_dma source(%dma_start3A_722 : memref<1x64xf32, #tpu.memory_space<hbm>>) target(%dma_start3A_719 : memref<1x64xf32, #tpu.memory_space<vmem>>) target_semaphore(%arg11 : memref<!tpu.dma_semaphore, #tpu.memory_space<semaphore_mem>>)
      %slice3A_723 = vector.extract_strided_slice %get3A_63 {offsets = [12], sizes = [1], strides = [1]} : vector<16xi32> to vector<1xi32>
      %squeeze3A_724 = vector.extract %slice3A_723[0] : i32 from vector<1xi32>
      %jit3A_725 = arith.constant 8 : i32
      %div3A_726 = arith.divsi %squeeze3A_724, %jit3A_725 : i32
      %sign3A_727 = arith.constant 0 : i32
      %sign3A_728 = arith.cmpi sgt, %squeeze3A_724, %sign3A_727 : i32
      %sign3A_729 = arith.extui %sign3A_728 : i1 to i32
      %sign3A_730 = arith.constant 0 : i32
      %sign3A_731 = arith.cmpi slt, %squeeze3A_724, %sign3A_730 : i32
      %sign3A_732 = arith.extui %sign3A_731 : i1 to i32
      %sign3A_733 = arith.subi %sign3A_729, %sign3A_732 : i32
      %sign3A_734 = arith.constant 0 : i32
      %sign3A_735 = arith.cmpi sgt, %jit3A_725, %sign3A_734 : i32
      %sign3A_736 = arith.extui %sign3A_735 : i1 to i32
      %sign3A_737 = arith.constant 0 : i32
      %sign3A_738 = arith.cmpi slt, %jit3A_725, %sign3A_737 : i32
      %sign3A_739 = arith.extui %sign3A_738 : i1 to i32
      %sign3A_740 = arith.subi %sign3A_736, %sign3A_739 : i32
      %ne3A_741 = arith.cmpi ne, %sign3A_733, %sign3A_740 : i32
      %rem3A_742 = arith.remsi %squeeze3A_724, %jit3A_725 : i32
      %ne3A_743 = arith.constant 0 : i32
      %ne3A_744 = arith.cmpi ne, %rem3A_742, %ne3A_743 : i32
      %and3A_745 = arith.andi %ne3A_741, %ne3A_744 : i1
      %sub3A_746 = arith.constant 1 : i32
      %sub3A_747 = arith.subi %div3A_726, %sub3A_746 : i32
      %select_n3A_748 = arith.select %and3A_745, %sub3A_747, %div3A_726 : i32
      %jit3A_749 = arith.constant 8 : i32
      %eq3A_750 = arith.constant 0 : i32
      %eq3A_751 = arith.cmpi eq, %jit3A_749, %eq3A_750 : i32
      %jit3A_752 = arith.constant 1 : i32
      %select_n3A_753 = arith.select %eq3A_751, %jit3A_752, %jit3A_749 : i32
      %rem3A_754 = arith.remsi %squeeze3A_724, %select_n3A_753 : i32
      %ne3A_755 = arith.constant 0 : i32
      %ne3A_756 = arith.cmpi ne, %rem3A_754, %ne3A_755 : i32
      %lt3A_757 = arith.constant 0 : i32
      %lt3A_758 = arith.cmpi slt, %rem3A_754, %lt3A_757 : i32
      %lt3A_759 = arith.constant 0 : i32
      %lt3A_760 = arith.cmpi slt, %select_n3A_753, %lt3A_759 : i32
      %ne3A_761 = arith.xori %lt3A_758, %lt3A_760 : i1
      %and3A_762 = arith.andi %ne3A_761, %ne3A_756 : i1
      %add3A_763 = arith.addi %rem3A_754, %select_n3A_753 : i32
      %select_n3A_764 = arith.select %and3A_762, %add3A_763, %rem3A_754 : i32
      %mul3A_765 = arith.constant 16 : i32
      %mul3A_766 = arith.muli %scan3A_57, %mul3A_765 : i32
      %add3A_767 = arith.constant 12 : i32
      %add3A_768 = arith.addi %mul3A_766, %add3A_767 : i32
      %dma_start3A_769 = arith.constant 0 : i32
      %dma_start3A_770 = tpu.memref_slice %arg9[%add3A_768, %dma_start3A_769] : memref<256x64xf32, #tpu.memory_space<vmem>> -> memref<1x64xf32, #tpu.memory_space<vmem>>
      %dma_start3A_771 = arith.constant 0 : i32
      %dma_start3A_772 = tpu.memref_slice %arg2[%select_n3A_748, %select_n3A_764, %dma_start3A_771] : memref<125000x8x64xf32, #tpu.memory_space<hbm>> -> memref<1x1x64xf32, #tpu.memory_space<hbm>>
      %dma_start3A_773 = tpu.memref_squeeze %dma_start3A_772 : memref<1x1x64xf32, #tpu.memory_space<hbm>> -> memref<1x64xf32, #tpu.memory_space<hbm>>
      %dma_start3A_774 = arith.constant 0 : i32
      %dma_start3A_775 = tpu.memref_slice %arg9[%add3A_768, %dma_start3A_774] : memref<256x64xf32, #tpu.memory_space<vmem>> -> memref<1x64xf32, #tpu.memory_space<vmem>>
      %dma_start3A_776 = arith.constant 0 : i32
      %dma_start3A_777 = tpu.memref_slice %arg2[%select_n3A_748, %select_n3A_764, %dma_start3A_776] : memref<125000x8x64xf32, #tpu.memory_space<hbm>> -> memref<1x1x64xf32, #tpu.memory_space<hbm>>
      %dma_start3A_778 = tpu.memref_squeeze %dma_start3A_777 : memref<1x1x64xf32, #tpu.memory_space<hbm>> -> memref<1x64xf32, #tpu.memory_space<hbm>>
      tpu.enqueue_dma source(%dma_start3A_778 : memref<1x64xf32, #tpu.memory_space<hbm>>) target(%dma_start3A_775 : memref<1x64xf32, #tpu.memory_space<vmem>>) target_semaphore(%arg11 : memref<!tpu.dma_semaphore, #tpu.memory_space<semaphore_mem>>)
      %slice3A_779 = vector.extract_strided_slice %get3A_63 {offsets = [13], sizes = [1], strides = [1]} : vector<16xi32> to vector<1xi32>
      %squeeze3A_780 = vector.extract %slice3A_779[0] : i32 from vector<1xi32>
      %jit3A_781 = arith.constant 8 : i32
      %div3A_782 = arith.divsi %squeeze3A_780, %jit3A_781 : i32
      %sign3A_783 = arith.constant 0 : i32
      %sign3A_784 = arith.cmpi sgt, %squeeze3A_780, %sign3A_783 : i32
      %sign3A_785 = arith.extui %sign3A_784 : i1 to i32
      %sign3A_786 = arith.constant 0 : i32
      %sign3A_787 = arith.cmpi slt, %squeeze3A_780, %sign3A_786 : i32
      %sign3A_788 = arith.extui %sign3A_787 : i1 to i32
      %sign3A_789 = arith.subi %sign3A_785, %sign3A_788 : i32
      %sign3A_790 = arith.constant 0 : i32
      %sign3A_791 = arith.cmpi sgt, %jit3A_781, %sign3A_790 : i32
      %sign3A_792 = arith.extui %sign3A_791 : i1 to i32
      %sign3A_793 = arith.constant 0 : i32
      %sign3A_794 = arith.cmpi slt, %jit3A_781, %sign3A_793 : i32
      %sign3A_795 = arith.extui %sign3A_794 : i1 to i32
      %sign3A_796 = arith.subi %sign3A_792, %sign3A_795 : i32
      %ne3A_797 = arith.cmpi ne, %sign3A_789, %sign3A_796 : i32
      %rem3A_798 = arith.remsi %squeeze3A_780, %jit3A_781 : i32
      %ne3A_799 = arith.constant 0 : i32
      %ne3A_800 = arith.cmpi ne, %rem3A_798, %ne3A_799 : i32
      %and3A_801 = arith.andi %ne3A_797, %ne3A_800 : i1
      %sub3A_802 = arith.constant 1 : i32
      %sub3A_803 = arith.subi %div3A_782, %sub3A_802 : i32
      %select_n3A_804 = arith.select %and3A_801, %sub3A_803, %div3A_782 : i32
      %jit3A_805 = arith.constant 8 : i32
      %eq3A_806 = arith.constant 0 : i32
      %eq3A_807 = arith.cmpi eq, %jit3A_805, %eq3A_806 : i32
      %jit3A_808 = arith.constant 1 : i32
      %select_n3A_809 = arith.select %eq3A_807, %jit3A_808, %jit3A_805 : i32
      %rem3A_810 = arith.remsi %squeeze3A_780, %select_n3A_809 : i32
      %ne3A_811 = arith.constant 0 : i32
      %ne3A_812 = arith.cmpi ne, %rem3A_810, %ne3A_811 : i32
      %lt3A_813 = arith.constant 0 : i32
      %lt3A_814 = arith.cmpi slt, %rem3A_810, %lt3A_813 : i32
      %lt3A_815 = arith.constant 0 : i32
      %lt3A_816 = arith.cmpi slt, %select_n3A_809, %lt3A_815 : i32
      %ne3A_817 = arith.xori %lt3A_814, %lt3A_816 : i1
      %and3A_818 = arith.andi %ne3A_817, %ne3A_812 : i1
      %add3A_819 = arith.addi %rem3A_810, %select_n3A_809 : i32
      %select_n3A_820 = arith.select %and3A_818, %add3A_819, %rem3A_810 : i32
      %mul3A_821 = arith.constant 16 : i32
      %mul3A_822 = arith.muli %scan3A_57, %mul3A_821 : i32
      %add3A_823 = arith.constant 13 : i32
      %add3A_824 = arith.addi %mul3A_822, %add3A_823 : i32
      %dma_start3A_825 = arith.constant 0 : i32
      %dma_start3A_826 = tpu.memref_slice %arg9[%add3A_824, %dma_start3A_825] : memref<256x64xf32, #tpu.memory_space<vmem>> -> memref<1x64xf32, #tpu.memory_space<vmem>>
      %dma_start3A_827 = arith.constant 0 : i32
      %dma_start3A_828 = tpu.memref_slice %arg2[%select_n3A_804, %select_n3A_820, %dma_start3A_827] : memref<125000x8x64xf32, #tpu.memory_space<hbm>> -> memref<1x1x64xf32, #tpu.memory_space<hbm>>
      %dma_start3A_829 = tpu.memref_squeeze %dma_start3A_828 : memref<1x1x64xf32, #tpu.memory_space<hbm>> -> memref<1x64xf32, #tpu.memory_space<hbm>>
      %dma_start3A_830 = arith.constant 0 : i32
      %dma_start3A_831 = tpu.memref_slice %arg9[%add3A_824, %dma_start3A_830] : memref<256x64xf32, #tpu.memory_space<vmem>> -> memref<1x64xf32, #tpu.memory_space<vmem>>
      %dma_start3A_832 = arith.constant 0 : i32
      %dma_start3A_833 = tpu.memref_slice %arg2[%select_n3A_804, %select_n3A_820, %dma_start3A_832] : memref<125000x8x64xf32, #tpu.memory_space<hbm>> -> memref<1x1x64xf32, #tpu.memory_space<hbm>>
      %dma_start3A_834 = tpu.memref_squeeze %dma_start3A_833 : memref<1x1x64xf32, #tpu.memory_space<hbm>> -> memref<1x64xf32, #tpu.memory_space<hbm>>
      tpu.enqueue_dma source(%dma_start3A_834 : memref<1x64xf32, #tpu.memory_space<hbm>>) target(%dma_start3A_831 : memref<1x64xf32, #tpu.memory_space<vmem>>) target_semaphore(%arg11 : memref<!tpu.dma_semaphore, #tpu.memory_space<semaphore_mem>>)
      %slice3A_835 = vector.extract_strided_slice %get3A_63 {offsets = [14], sizes = [1], strides = [1]} : vector<16xi32> to vector<1xi32>
      %squeeze3A_836 = vector.extract %slice3A_835[0] : i32 from vector<1xi32>
      %jit3A_837 = arith.constant 8 : i32
      %div3A_838 = arith.divsi %squeeze3A_836, %jit3A_837 : i32
      %sign3A_839 = arith.constant 0 : i32
      %sign3A_840 = arith.cmpi sgt, %squeeze3A_836, %sign3A_839 : i32
      %sign3A_841 = arith.extui %sign3A_840 : i1 to i32
      %sign3A_842 = arith.constant 0 : i32
      %sign3A_843 = arith.cmpi slt, %squeeze3A_836, %sign3A_842 : i32
      %sign3A_844 = arith.extui %sign3A_843 : i1 to i32
      %sign3A_845 = arith.subi %sign3A_841, %sign3A_844 : i32
      %sign3A_846 = arith.constant 0 : i32
      %sign3A_847 = arith.cmpi sgt, %jit3A_837, %sign3A_846 : i32
      %sign3A_848 = arith.extui %sign3A_847 : i1 to i32
      %sign3A_849 = arith.constant 0 : i32
      %sign3A_850 = arith.cmpi slt, %jit3A_837, %sign3A_849 : i32
      %sign3A_851 = arith.extui %sign3A_850 : i1 to i32
      %sign3A_852 = arith.subi %sign3A_848, %sign3A_851 : i32
      %ne3A_853 = arith.cmpi ne, %sign3A_845, %sign3A_852 : i32
      %rem3A_854 = arith.remsi %squeeze3A_836, %jit3A_837 : i32
      %ne3A_855 = arith.constant 0 : i32
      %ne3A_856 = arith.cmpi ne, %rem3A_854, %ne3A_855 : i32
      %and3A_857 = arith.andi %ne3A_853, %ne3A_856 : i1
      %sub3A_858 = arith.constant 1 : i32
      %sub3A_859 = arith.subi %div3A_838, %sub3A_858 : i32
      %select_n3A_860 = arith.select %and3A_857, %sub3A_859, %div3A_838 : i32
      %jit3A_861 = arith.constant 8 : i32
      %eq3A_862 = arith.constant 0 : i32
      %eq3A_863 = arith.cmpi eq, %jit3A_861, %eq3A_862 : i32
      %jit3A_864 = arith.constant 1 : i32
      %select_n3A_865 = arith.select %eq3A_863, %jit3A_864, %jit3A_861 : i32
      %rem3A_866 = arith.remsi %squeeze3A_836, %select_n3A_865 : i32
      %ne3A_867 = arith.constant 0 : i32
      %ne3A_868 = arith.cmpi ne, %rem3A_866, %ne3A_867 : i32
      %lt3A_869 = arith.constant 0 : i32
      %lt3A_870 = arith.cmpi slt, %rem3A_866, %lt3A_869 : i32
      %lt3A_871 = arith.constant 0 : i32
      %lt3A_872 = arith.cmpi slt, %select_n3A_865, %lt3A_871 : i32
      %ne3A_873 = arith.xori %lt3A_870, %lt3A_872 : i1
      %and3A_874 = arith.andi %ne3A_873, %ne3A_868 : i1
      %add3A_875 = arith.addi %rem3A_866, %select_n3A_865 : i32
      %select_n3A_876 = arith.select %and3A_874, %add3A_875, %rem3A_866 : i32
      %mul3A_877 = arith.constant 16 : i32
      %mul3A_878 = arith.muli %scan3A_57, %mul3A_877 : i32
      %add3A_879 = arith.constant 14 : i32
      %add3A_880 = arith.addi %mul3A_878, %add3A_879 : i32
      %dma_start3A_881 = arith.constant 0 : i32
      %dma_start3A_882 = tpu.memref_slice %arg9[%add3A_880, %dma_start3A_881] : memref<256x64xf32, #tpu.memory_space<vmem>> -> memref<1x64xf32, #tpu.memory_space<vmem>>
      %dma_start3A_883 = arith.constant 0 : i32
      %dma_start3A_884 = tpu.memref_slice %arg2[%select_n3A_860, %select_n3A_876, %dma_start3A_883] : memref<125000x8x64xf32, #tpu.memory_space<hbm>> -> memref<1x1x64xf32, #tpu.memory_space<hbm>>
      %dma_start3A_885 = tpu.memref_squeeze %dma_start3A_884 : memref<1x1x64xf32, #tpu.memory_space<hbm>> -> memref<1x64xf32, #tpu.memory_space<hbm>>
      %dma_start3A_886 = arith.constant 0 : i32
      %dma_start3A_887 = tpu.memref_slice %arg9[%add3A_880, %dma_start3A_886] : memref<256x64xf32, #tpu.memory_space<vmem>> -> memref<1x64xf32, #tpu.memory_space<vmem>>
      %dma_start3A_888 = arith.constant 0 : i32
      %dma_start3A_889 = tpu.memref_slice %arg2[%select_n3A_860, %select_n3A_876, %dma_start3A_888] : memref<125000x8x64xf32, #tpu.memory_space<hbm>> -> memref<1x1x64xf32, #tpu.memory_space<hbm>>
      %dma_start3A_890 = tpu.memref_squeeze %dma_start3A_889 : memref<1x1x64xf32, #tpu.memory_space<hbm>> -> memref<1x64xf32, #tpu.memory_space<hbm>>
      tpu.enqueue_dma source(%dma_start3A_890 : memref<1x64xf32, #tpu.memory_space<hbm>>) target(%dma_start3A_887 : memref<1x64xf32, #tpu.memory_space<vmem>>) target_semaphore(%arg11 : memref<!tpu.dma_semaphore, #tpu.memory_space<semaphore_mem>>)
      %slice3A_891 = vector.extract_strided_slice %get3A_63 {offsets = [15], sizes = [1], strides = [1]} : vector<16xi32> to vector<1xi32>
      %squeeze3A_892 = vector.extract %slice3A_891[0] : i32 from vector<1xi32>
      %jit3A_893 = arith.constant 8 : i32
      %div3A_894 = arith.divsi %squeeze3A_892, %jit3A_893 : i32
      %sign3A_895 = arith.constant 0 : i32
      %sign3A_896 = arith.cmpi sgt, %squeeze3A_892, %sign3A_895 : i32
      %sign3A_897 = arith.extui %sign3A_896 : i1 to i32
      %sign3A_898 = arith.constant 0 : i32
      %sign3A_899 = arith.cmpi slt, %squeeze3A_892, %sign3A_898 : i32
      %sign3A_900 = arith.extui %sign3A_899 : i1 to i32
      %sign3A_901 = arith.subi %sign3A_897, %sign3A_900 : i32
      %sign3A_902 = arith.constant 0 : i32
      %sign3A_903 = arith.cmpi sgt, %jit3A_893, %sign3A_902 : i32
      %sign3A_904 = arith.extui %sign3A_903 : i1 to i32
      %sign3A_905 = arith.constant 0 : i32
      %sign3A_906 = arith.cmpi slt, %jit3A_893, %sign3A_905 : i32
      %sign3A_907 = arith.extui %sign3A_906 : i1 to i32
      %sign3A_908 = arith.subi %sign3A_904, %sign3A_907 : i32
      %ne3A_909 = arith.cmpi ne, %sign3A_901, %sign3A_908 : i32
      %rem3A_910 = arith.remsi %squeeze3A_892, %jit3A_893 : i32
      %ne3A_911 = arith.constant 0 : i32
      %ne3A_912 = arith.cmpi ne, %rem3A_910, %ne3A_911 : i32
      %and3A_913 = arith.andi %ne3A_909, %ne3A_912 : i1
      %sub3A_914 = arith.constant 1 : i32
      %sub3A_915 = arith.subi %div3A_894, %sub3A_914 : i32
      %select_n3A_916 = arith.select %and3A_913, %sub3A_915, %div3A_894 : i32
      %jit3A_917 = arith.constant 8 : i32
      %eq3A_918 = arith.constant 0 : i32
      %eq3A_919 = arith.cmpi eq, %jit3A_917, %eq3A_918 : i32
      %jit3A_920 = arith.constant 1 : i32
      %select_n3A_921 = arith.select %eq3A_919, %jit3A_920, %jit3A_917 : i32
      %rem3A_922 = arith.remsi %squeeze3A_892, %select_n3A_921 : i32
      %ne3A_923 = arith.constant 0 : i32
      %ne3A_924 = arith.cmpi ne, %rem3A_922, %ne3A_923 : i32
      %lt3A_925 = arith.constant 0 : i32
      %lt3A_926 = arith.cmpi slt, %rem3A_922, %lt3A_925 : i32
      %lt3A_927 = arith.constant 0 : i32
      %lt3A_928 = arith.cmpi slt, %select_n3A_921, %lt3A_927 : i32
      %ne3A_929 = arith.xori %lt3A_926, %lt3A_928 : i1
      %and3A_930 = arith.andi %ne3A_929, %ne3A_924 : i1
      %add3A_931 = arith.addi %rem3A_922, %select_n3A_921 : i32
      %select_n3A_932 = arith.select %and3A_930, %add3A_931, %rem3A_922 : i32
      %mul3A_933 = arith.constant 16 : i32
      %mul3A_934 = arith.muli %scan3A_57, %mul3A_933 : i32
      %add3A_935 = arith.constant 15 : i32
      %add3A_936 = arith.addi %mul3A_934, %add3A_935 : i32
      %dma_start3A_937 = arith.constant 0 : i32
      %dma_start3A_938 = tpu.memref_slice %arg9[%add3A_936, %dma_start3A_937] : memref<256x64xf32, #tpu.memory_space<vmem>> -> memref<1x64xf32, #tpu.memory_space<vmem>>
      %dma_start3A_939 = arith.constant 0 : i32
      %dma_start3A_940 = tpu.memref_slice %arg2[%select_n3A_916, %select_n3A_932, %dma_start3A_939] : memref<125000x8x64xf32, #tpu.memory_space<hbm>> -> memref<1x1x64xf32, #tpu.memory_space<hbm>>
      %dma_start3A_941 = tpu.memref_squeeze %dma_start3A_940 : memref<1x1x64xf32, #tpu.memory_space<hbm>> -> memref<1x64xf32, #tpu.memory_space<hbm>>
      %dma_start3A_942 = arith.constant 0 : i32
      %dma_start3A_943 = tpu.memref_slice %arg9[%add3A_936, %dma_start3A_942] : memref<256x64xf32, #tpu.memory_space<vmem>> -> memref<1x64xf32, #tpu.memory_space<vmem>>
      %dma_start3A_944 = arith.constant 0 : i32
      %dma_start3A_945 = tpu.memref_slice %arg2[%select_n3A_916, %select_n3A_932, %dma_start3A_944] : memref<125000x8x64xf32, #tpu.memory_space<hbm>> -> memref<1x1x64xf32, #tpu.memory_space<hbm>>
      %dma_start3A_946 = tpu.memref_squeeze %dma_start3A_945 : memref<1x1x64xf32, #tpu.memory_space<hbm>> -> memref<1x64xf32, #tpu.memory_space<hbm>>
      tpu.enqueue_dma source(%dma_start3A_946 : memref<1x64xf32, #tpu.memory_space<hbm>>) target(%dma_start3A_943 : memref<1x64xf32, #tpu.memory_space<vmem>>) target_semaphore(%arg11 : memref<!tpu.dma_semaphore, #tpu.memory_space<semaphore_mem>>)
    }
    %scan3A_26 = arith.constant 16 : i32
    %dma_wait3A_27 = arith.constant 0 : i32
    %dma_wait3A_28 = arith.constant 0 : i32
    %dma_wait3A_29 = tpu.memref_slice %arg5[%dma_wait3A_27, %dma_wait3A_28] : memref<16384x64xf32, #tpu.memory_space<hbm>> -> memref<256x64xf32, #tpu.memory_space<hbm>>
    %dma_wait3A_30 = arith.constant 0 : i32
    %dma_wait3A_31 = arith.constant 0 : i32
    %dma_wait3A_32 = tpu.memref_slice %arg5[%dma_wait3A_30, %dma_wait3A_31] : memref<16384x64xf32, #tpu.memory_space<hbm>> -> memref<256x64xf32, #tpu.memory_space<hbm>>
    tpu.wait_dma2 semaphore(%arg12 : memref<!tpu.dma_semaphore, #tpu.memory_space<semaphore_mem>>) src(%dma_wait3A_32 : memref<256x64xf32, #tpu.memory_space<hbm>>) dst(%arg10 : memref<256x64xf32, #tpu.memory_space<vmem>>)
    %add3A_33 = arith.constant 256 : i32
    %add3A_34 = arith.addi %mul3A_2, %add3A_33 : i32
    "tpu.region"() ({
      %run_scoped3A = tpu.sem_alloc : memref<!tpu.dma_semaphore, #tpu.memory_space<semaphore_mem>>
      %dma_start3A = arith.constant 0 : i32
      %dma_start3A_57 = tpu.memref_slice %arg5[%add3A_34, %dma_start3A] : memref<16384x64xf32, #tpu.memory_space<hbm>> -> memref<256x64xf32, #tpu.memory_space<hbm>>
      %dma_start3A_58 = arith.constant 0 : i32
      %dma_start3A_59 = tpu.memref_slice %arg5[%add3A_34, %dma_start3A_58] : memref<16384x64xf32, #tpu.memory_space<hbm>> -> memref<256x64xf32, #tpu.memory_space<hbm>>
      tpu.enqueue_dma source(%arg10 : memref<256x64xf32, #tpu.memory_space<vmem>>) target(%dma_start3A_59 : memref<256x64xf32, #tpu.memory_space<hbm>>) target_semaphore(%run_scoped3A : memref<!tpu.dma_semaphore, #tpu.memory_space<semaphore_mem>>)
      %dma_wait3A_60 = arith.constant 0 : i32
      %dma_wait3A_61 = tpu.memref_slice %arg5[%add3A_34, %dma_wait3A_60] : memref<16384x64xf32, #tpu.memory_space<hbm>> -> memref<256x64xf32, #tpu.memory_space<hbm>>
      %dma_wait3A_62 = arith.constant 0 : i32
      %dma_wait3A_63 = tpu.memref_slice %arg5[%add3A_34, %dma_wait3A_62] : memref<16384x64xf32, #tpu.memory_space<hbm>> -> memref<256x64xf32, #tpu.memory_space<hbm>>
      tpu.wait_dma2 semaphore(%run_scoped3A : memref<!tpu.dma_semaphore, #tpu.memory_space<semaphore_mem>>) src(%arg10 : memref<256x64xf32, #tpu.memory_space<vmem>>) dst(%dma_wait3A_63 : memref<256x64xf32, #tpu.memory_space<hbm>>)
      tpu.yield
    }) : () -> ()
    %scan3A_35 = arith.constant 0 : i32
    %scan3A_36 = arith.constant 0 : i32
    %scan3A_37 = arith.constant 16 : i32
    %scan3A_38 = arith.addi %scan3A_36, %scan3A_37 : i32
    %scan3A_39 = arith.constant 1 : i32
    scf.for %scan3A_57 = %scan3A_36 to %scan3A_38 step %scan3A_39  : i32 {
      %mul3A_58 = arith.constant 16 : i32
      %mul3A_59 = arith.muli %scan3A_57, %mul3A_58 : i32
      %add3A_60 = arith.constant 256 : i32
      %add3A_61 = arith.addi %add3A_60, %mul3A_59 : i32
      %get3A = arith.index_cast %add3A_61 : i32 to index
      %get3A_62 = tpu.vector_load %arg8[%get3A] {strides = array<i32>} : memref<512xi32, #tpu.memory_space<vmem>>, vector<16xi32>,
      %get3A_63 = vector.shape_cast %get3A_62 : vector<16xi32> to vector<16xi32>
      %slice3A = vector.extract_strided_slice %get3A_63 {offsets = [0], sizes = [1], strides = [1]} : vector<16xi32> to vector<1xi32>
      %squeeze3A = vector.extract %slice3A[0] : i32 from vector<1xi32>
      %jit3A = arith.constant 8 : i32
      %div3A = arith.divsi %squeeze3A, %jit3A : i32
      %sign3A = arith.constant 0 : i32
      %sign3A_64 = arith.cmpi sgt, %squeeze3A, %sign3A : i32
      %sign3A_65 = arith.extui %sign3A_64 : i1 to i32
      %sign3A_66 = arith.constant 0 : i32
      %sign3A_67 = arith.cmpi slt, %squeeze3A, %sign3A_66 : i32
      %sign3A_68 = arith.extui %sign3A_67 : i1 to i32
      %sign3A_69 = arith.subi %sign3A_65, %sign3A_68 : i32
      %sign3A_70 = arith.constant 0 : i32
      %sign3A_71 = arith.cmpi sgt, %jit3A, %sign3A_70 : i32
      %sign3A_72 = arith.extui %sign3A_71 : i1 to i32
      %sign3A_73 = arith.constant 0 : i32
      %sign3A_74 = arith.cmpi slt, %jit3A, %sign3A_73 : i32
      %sign3A_75 = arith.extui %sign3A_74 : i1 to i32
      %sign3A_76 = arith.subi %sign3A_72, %sign3A_75 : i32
      %ne3A = arith.cmpi ne, %sign3A_69, %sign3A_76 : i32
      %rem3A = arith.remsi %squeeze3A, %jit3A : i32
      %ne3A_77 = arith.constant 0 : i32
      %ne3A_78 = arith.cmpi ne, %rem3A, %ne3A_77 : i32
      %and3A = arith.andi %ne3A, %ne3A_78 : i1
      %sub3A = arith.constant 1 : i32
      %sub3A_79 = arith.subi %div3A, %sub3A : i32
      %select_n3A = arith.select %and3A, %sub3A_79, %div3A : i32
      %jit3A_80 = arith.constant 8 : i32
      %eq3A = arith.constant 0 : i32
      %eq3A_81 = arith.cmpi eq, %jit3A_80, %eq3A : i32
      %jit3A_82 = arith.constant 1 : i32
      %select_n3A_83 = arith.select %eq3A_81, %jit3A_82, %jit3A_80 : i32
      %rem3A_84 = arith.remsi %squeeze3A, %select_n3A_83 : i32
      %ne3A_85 = arith.constant 0 : i32
      %ne3A_86 = arith.cmpi ne, %rem3A_84, %ne3A_85 : i32
      %lt3A = arith.constant 0 : i32
      %lt3A_87 = arith.cmpi slt, %rem3A_84, %lt3A : i32
      %lt3A_88 = arith.constant 0 : i32
      %lt3A_89 = arith.cmpi slt, %select_n3A_83, %lt3A_88 : i32
      %ne3A_90 = arith.xori %lt3A_87, %lt3A_89 : i1
      %and3A_91 = arith.andi %ne3A_90, %ne3A_86 : i1
      %add3A_92 = arith.addi %rem3A_84, %select_n3A_83 : i32
      %select_n3A_93 = arith.select %and3A_91, %add3A_92, %rem3A_84 : i32
      %mul3A_94 = arith.constant 16 : i32
      %mul3A_95 = arith.muli %scan3A_57, %mul3A_94 : i32
      %add3A_96 = arith.constant 0 : i32
      %add3A_97 = arith.addi %mul3A_95, %add3A_96 : i32
      %dma_start3A = arith.constant 0 : i32
      %dma_start3A_98 = tpu.memref_slice %arg10[%add3A_97, %dma_start3A] : memref<256x64xf32, #tpu.memory_space<vmem>> -> memref<1x64xf32, #tpu.memory_space<vmem>>
      %dma_start3A_99 = arith.constant 0 : i32
      %dma_start3A_100 = tpu.memref_slice %arg2[%select_n3A, %select_n3A_93, %dma_start3A_99] : memref<125000x8x64xf32, #tpu.memory_space<hbm>> -> memref<1x1x64xf32, #tpu.memory_space<hbm>>
      %dma_start3A_101 = tpu.memref_squeeze %dma_start3A_100 : memref<1x1x64xf32, #tpu.memory_space<hbm>> -> memref<1x64xf32, #tpu.memory_space<hbm>>
      %dma_start3A_102 = arith.constant 0 : i32
      %dma_start3A_103 = tpu.memref_slice %arg10[%add3A_97, %dma_start3A_102] : memref<256x64xf32, #tpu.memory_space<vmem>> -> memref<1x64xf32, #tpu.memory_space<vmem>>
      %dma_start3A_104 = arith.constant 0 : i32
      %dma_start3A_105 = tpu.memref_slice %arg2[%select_n3A, %select_n3A_93, %dma_start3A_104] : memref<125000x8x64xf32, #tpu.memory_space<hbm>> -> memref<1x1x64xf32, #tpu.memory_space<hbm>>
      %dma_start3A_106 = tpu.memref_squeeze %dma_start3A_105 : memref<1x1x64xf32, #tpu.memory_space<hbm>> -> memref<1x64xf32, #tpu.memory_space<hbm>>
      tpu.enqueue_dma source(%dma_start3A_106 : memref<1x64xf32, #tpu.memory_space<hbm>>) target(%dma_start3A_103 : memref<1x64xf32, #tpu.memory_space<vmem>>) target_semaphore(%arg12 : memref<!tpu.dma_semaphore, #tpu.memory_space<semaphore_mem>>)
      %slice3A_107 = vector.extract_strided_slice %get3A_63 {offsets = [1], sizes = [1], strides = [1]} : vector<16xi32> to vector<1xi32>
      %squeeze3A_108 = vector.extract %slice3A_107[0] : i32 from vector<1xi32>
      %jit3A_109 = arith.constant 8 : i32
      %div3A_110 = arith.divsi %squeeze3A_108, %jit3A_109 : i32
      %sign3A_111 = arith.constant 0 : i32
      %sign3A_112 = arith.cmpi sgt, %squeeze3A_108, %sign3A_111 : i32
      %sign3A_113 = arith.extui %sign3A_112 : i1 to i32
      %sign3A_114 = arith.constant 0 : i32
      %sign3A_115 = arith.cmpi slt, %squeeze3A_108, %sign3A_114 : i32
      %sign3A_116 = arith.extui %sign3A_115 : i1 to i32
      %sign3A_117 = arith.subi %sign3A_113, %sign3A_116 : i32
      %sign3A_118 = arith.constant 0 : i32
      %sign3A_119 = arith.cmpi sgt, %jit3A_109, %sign3A_118 : i32
      %sign3A_120 = arith.extui %sign3A_119 : i1 to i32
      %sign3A_121 = arith.constant 0 : i32
      %sign3A_122 = arith.cmpi slt, %jit3A_109, %sign3A_121 : i32
      %sign3A_123 = arith.extui %sign3A_122 : i1 to i32
      %sign3A_124 = arith.subi %sign3A_120, %sign3A_123 : i32
      %ne3A_125 = arith.cmpi ne, %sign3A_117, %sign3A_124 : i32
      %rem3A_126 = arith.remsi %squeeze3A_108, %jit3A_109 : i32
      %ne3A_127 = arith.constant 0 : i32
      %ne3A_128 = arith.cmpi ne, %rem3A_126, %ne3A_127 : i32
      %and3A_129 = arith.andi %ne3A_125, %ne3A_128 : i1
      %sub3A_130 = arith.constant 1 : i32
      %sub3A_131 = arith.subi %div3A_110, %sub3A_130 : i32
      %select_n3A_132 = arith.select %and3A_129, %sub3A_131, %div3A_110 : i32
      %jit3A_133 = arith.constant 8 : i32
      %eq3A_134 = arith.constant 0 : i32
      %eq3A_135 = arith.cmpi eq, %jit3A_133, %eq3A_134 : i32
      %jit3A_136 = arith.constant 1 : i32
      %select_n3A_137 = arith.select %eq3A_135, %jit3A_136, %jit3A_133 : i32
      %rem3A_138 = arith.remsi %squeeze3A_108, %select_n3A_137 : i32
      %ne3A_139 = arith.constant 0 : i32
      %ne3A_140 = arith.cmpi ne, %rem3A_138, %ne3A_139 : i32
      %lt3A_141 = arith.constant 0 : i32
      %lt3A_142 = arith.cmpi slt, %rem3A_138, %lt3A_141 : i32
      %lt3A_143 = arith.constant 0 : i32
      %lt3A_144 = arith.cmpi slt, %select_n3A_137, %lt3A_143 : i32
      %ne3A_145 = arith.xori %lt3A_142, %lt3A_144 : i1
      %and3A_146 = arith.andi %ne3A_145, %ne3A_140 : i1
      %add3A_147 = arith.addi %rem3A_138, %select_n3A_137 : i32
      %select_n3A_148 = arith.select %and3A_146, %add3A_147, %rem3A_138 : i32
      %mul3A_149 = arith.constant 16 : i32
      %mul3A_150 = arith.muli %scan3A_57, %mul3A_149 : i32
      %add3A_151 = arith.constant 1 : i32
      %add3A_152 = arith.addi %mul3A_150, %add3A_151 : i32
      %dma_start3A_153 = arith.constant 0 : i32
      %dma_start3A_154 = tpu.memref_slice %arg10[%add3A_152, %dma_start3A_153] : memref<256x64xf32, #tpu.memory_space<vmem>> -> memref<1x64xf32, #tpu.memory_space<vmem>>
      %dma_start3A_155 = arith.constant 0 : i32
      %dma_start3A_156 = tpu.memref_slice %arg2[%select_n3A_132, %select_n3A_148, %dma_start3A_155] : memref<125000x8x64xf32, #tpu.memory_space<hbm>> -> memref<1x1x64xf32, #tpu.memory_space<hbm>>
      %dma_start3A_157 = tpu.memref_squeeze %dma_start3A_156 : memref<1x1x64xf32, #tpu.memory_space<hbm>> -> memref<1x64xf32, #tpu.memory_space<hbm>>
      %dma_start3A_158 = arith.constant 0 : i32
      %dma_start3A_159 = tpu.memref_slice %arg10[%add3A_152, %dma_start3A_158] : memref<256x64xf32, #tpu.memory_space<vmem>> -> memref<1x64xf32, #tpu.memory_space<vmem>>
      %dma_start3A_160 = arith.constant 0 : i32
      %dma_start3A_161 = tpu.memref_slice %arg2[%select_n3A_132, %select_n3A_148, %dma_start3A_160] : memref<125000x8x64xf32, #tpu.memory_space<hbm>> -> memref<1x1x64xf32, #tpu.memory_space<hbm>>
      %dma_start3A_162 = tpu.memref_squeeze %dma_start3A_161 : memref<1x1x64xf32, #tpu.memory_space<hbm>> -> memref<1x64xf32, #tpu.memory_space<hbm>>
      tpu.enqueue_dma source(%dma_start3A_162 : memref<1x64xf32, #tpu.memory_space<hbm>>) target(%dma_start3A_159 : memref<1x64xf32, #tpu.memory_space<vmem>>) target_semaphore(%arg12 : memref<!tpu.dma_semaphore, #tpu.memory_space<semaphore_mem>>)
      %slice3A_163 = vector.extract_strided_slice %get3A_63 {offsets = [2], sizes = [1], strides = [1]} : vector<16xi32> to vector<1xi32>
      %squeeze3A_164 = vector.extract %slice3A_163[0] : i32 from vector<1xi32>
      %jit3A_165 = arith.constant 8 : i32
      %div3A_166 = arith.divsi %squeeze3A_164, %jit3A_165 : i32
      %sign3A_167 = arith.constant 0 : i32
      %sign3A_168 = arith.cmpi sgt, %squeeze3A_164, %sign3A_167 : i32
      %sign3A_169 = arith.extui %sign3A_168 : i1 to i32
      %sign3A_170 = arith.constant 0 : i32
      %sign3A_171 = arith.cmpi slt, %squeeze3A_164, %sign3A_170 : i32
      %sign3A_172 = arith.extui %sign3A_171 : i1 to i32
      %sign3A_173 = arith.subi %sign3A_169, %sign3A_172 : i32
      %sign3A_174 = arith.constant 0 : i32
      %sign3A_175 = arith.cmpi sgt, %jit3A_165, %sign3A_174 : i32
      %sign3A_176 = arith.extui %sign3A_175 : i1 to i32
      %sign3A_177 = arith.constant 0 : i32
      %sign3A_178 = arith.cmpi slt, %jit3A_165, %sign3A_177 : i32
      %sign3A_179 = arith.extui %sign3A_178 : i1 to i32
      %sign3A_180 = arith.subi %sign3A_176, %sign3A_179 : i32
      %ne3A_181 = arith.cmpi ne, %sign3A_173, %sign3A_180 : i32
      %rem3A_182 = arith.remsi %squeeze3A_164, %jit3A_165 : i32
      %ne3A_183 = arith.constant 0 : i32
      %ne3A_184 = arith.cmpi ne, %rem3A_182, %ne3A_183 : i32
      %and3A_185 = arith.andi %ne3A_181, %ne3A_184 : i1
      %sub3A_186 = arith.constant 1 : i32
      %sub3A_187 = arith.subi %div3A_166, %sub3A_186 : i32
      %select_n3A_188 = arith.select %and3A_185, %sub3A_187, %div3A_166 : i32
      %jit3A_189 = arith.constant 8 : i32
      %eq3A_190 = arith.constant 0 : i32
      %eq3A_191 = arith.cmpi eq, %jit3A_189, %eq3A_190 : i32
      %jit3A_192 = arith.constant 1 : i32
      %select_n3A_193 = arith.select %eq3A_191, %jit3A_192, %jit3A_189 : i32
      %rem3A_194 = arith.remsi %squeeze3A_164, %select_n3A_193 : i32
      %ne3A_195 = arith.constant 0 : i32
      %ne3A_196 = arith.cmpi ne, %rem3A_194, %ne3A_195 : i32
      %lt3A_197 = arith.constant 0 : i32
      %lt3A_198 = arith.cmpi slt, %rem3A_194, %lt3A_197 : i32
      %lt3A_199 = arith.constant 0 : i32
      %lt3A_200 = arith.cmpi slt, %select_n3A_193, %lt3A_199 : i32
      %ne3A_201 = arith.xori %lt3A_198, %lt3A_200 : i1
      %and3A_202 = arith.andi %ne3A_201, %ne3A_196 : i1
      %add3A_203 = arith.addi %rem3A_194, %select_n3A_193 : i32
      %select_n3A_204 = arith.select %and3A_202, %add3A_203, %rem3A_194 : i32
      %mul3A_205 = arith.constant 16 : i32
      %mul3A_206 = arith.muli %scan3A_57, %mul3A_205 : i32
      %add3A_207 = arith.constant 2 : i32
      %add3A_208 = arith.addi %mul3A_206, %add3A_207 : i32
      %dma_start3A_209 = arith.constant 0 : i32
      %dma_start3A_210 = tpu.memref_slice %arg10[%add3A_208, %dma_start3A_209] : memref<256x64xf32, #tpu.memory_space<vmem>> -> memref<1x64xf32, #tpu.memory_space<vmem>>
      %dma_start3A_211 = arith.constant 0 : i32
      %dma_start3A_212 = tpu.memref_slice %arg2[%select_n3A_188, %select_n3A_204, %dma_start3A_211] : memref<125000x8x64xf32, #tpu.memory_space<hbm>> -> memref<1x1x64xf32, #tpu.memory_space<hbm>>
      %dma_start3A_213 = tpu.memref_squeeze %dma_start3A_212 : memref<1x1x64xf32, #tpu.memory_space<hbm>> -> memref<1x64xf32, #tpu.memory_space<hbm>>
      %dma_start3A_214 = arith.constant 0 : i32
      %dma_start3A_215 = tpu.memref_slice %arg10[%add3A_208, %dma_start3A_214] : memref<256x64xf32, #tpu.memory_space<vmem>> -> memref<1x64xf32, #tpu.memory_space<vmem>>
      %dma_start3A_216 = arith.constant 0 : i32
      %dma_start3A_217 = tpu.memref_slice %arg2[%select_n3A_188, %select_n3A_204, %dma_start3A_216] : memref<125000x8x64xf32, #tpu.memory_space<hbm>> -> memref<1x1x64xf32, #tpu.memory_space<hbm>>
      %dma_start3A_218 = tpu.memref_squeeze %dma_start3A_217 : memref<1x1x64xf32, #tpu.memory_space<hbm>> -> memref<1x64xf32, #tpu.memory_space<hbm>>
      tpu.enqueue_dma source(%dma_start3A_218 : memref<1x64xf32, #tpu.memory_space<hbm>>) target(%dma_start3A_215 : memref<1x64xf32, #tpu.memory_space<vmem>>) target_semaphore(%arg12 : memref<!tpu.dma_semaphore, #tpu.memory_space<semaphore_mem>>)
      %slice3A_219 = vector.extract_strided_slice %get3A_63 {offsets = [3], sizes = [1], strides = [1]} : vector<16xi32> to vector<1xi32>
      %squeeze3A_220 = vector.extract %slice3A_219[0] : i32 from vector<1xi32>
      %jit3A_221 = arith.constant 8 : i32
      %div3A_222 = arith.divsi %squeeze3A_220, %jit3A_221 : i32
      %sign3A_223 = arith.constant 0 : i32
      %sign3A_224 = arith.cmpi sgt, %squeeze3A_220, %sign3A_223 : i32
      %sign3A_225 = arith.extui %sign3A_224 : i1 to i32
      %sign3A_226 = arith.constant 0 : i32
      %sign3A_227 = arith.cmpi slt, %squeeze3A_220, %sign3A_226 : i32
      %sign3A_228 = arith.extui %sign3A_227 : i1 to i32
      %sign3A_229 = arith.subi %sign3A_225, %sign3A_228 : i32
      %sign3A_230 = arith.constant 0 : i32
      %sign3A_231 = arith.cmpi sgt, %jit3A_221, %sign3A_230 : i32
      %sign3A_232 = arith.extui %sign3A_231 : i1 to i32
      %sign3A_233 = arith.constant 0 : i32
      %sign3A_234 = arith.cmpi slt, %jit3A_221, %sign3A_233 : i32
      %sign3A_235 = arith.extui %sign3A_234 : i1 to i32
      %sign3A_236 = arith.subi %sign3A_232, %sign3A_235 : i32
      %ne3A_237 = arith.cmpi ne, %sign3A_229, %sign3A_236 : i32
      %rem3A_238 = arith.remsi %squeeze3A_220, %jit3A_221 : i32
      %ne3A_239 = arith.constant 0 : i32
      %ne3A_240 = arith.cmpi ne, %rem3A_238, %ne3A_239 : i32
      %and3A_241 = arith.andi %ne3A_237, %ne3A_240 : i1
      %sub3A_242 = arith.constant 1 : i32
      %sub3A_243 = arith.subi %div3A_222, %sub3A_242 : i32
      %select_n3A_244 = arith.select %and3A_241, %sub3A_243, %div3A_222 : i32
      %jit3A_245 = arith.constant 8 : i32
      %eq3A_246 = arith.constant 0 : i32
      %eq3A_247 = arith.cmpi eq, %jit3A_245, %eq3A_246 : i32
      %jit3A_248 = arith.constant 1 : i32
      %select_n3A_249 = arith.select %eq3A_247, %jit3A_248, %jit3A_245 : i32
      %rem3A_250 = arith.remsi %squeeze3A_220, %select_n3A_249 : i32
      %ne3A_251 = arith.constant 0 : i32
      %ne3A_252 = arith.cmpi ne, %rem3A_250, %ne3A_251 : i32
      %lt3A_253 = arith.constant 0 : i32
      %lt3A_254 = arith.cmpi slt, %rem3A_250, %lt3A_253 : i32
      %lt3A_255 = arith.constant 0 : i32
      %lt3A_256 = arith.cmpi slt, %select_n3A_249, %lt3A_255 : i32
      %ne3A_257 = arith.xori %lt3A_254, %lt3A_256 : i1
      %and3A_258 = arith.andi %ne3A_257, %ne3A_252 : i1
      %add3A_259 = arith.addi %rem3A_250, %select_n3A_249 : i32
      %select_n3A_260 = arith.select %and3A_258, %add3A_259, %rem3A_250 : i32
      %mul3A_261 = arith.constant 16 : i32
      %mul3A_262 = arith.muli %scan3A_57, %mul3A_261 : i32
      %add3A_263 = arith.constant 3 : i32
      %add3A_264 = arith.addi %mul3A_262, %add3A_263 : i32
      %dma_start3A_265 = arith.constant 0 : i32
      %dma_start3A_266 = tpu.memref_slice %arg10[%add3A_264, %dma_start3A_265] : memref<256x64xf32, #tpu.memory_space<vmem>> -> memref<1x64xf32, #tpu.memory_space<vmem>>
      %dma_start3A_267 = arith.constant 0 : i32
      %dma_start3A_268 = tpu.memref_slice %arg2[%select_n3A_244, %select_n3A_260, %dma_start3A_267] : memref<125000x8x64xf32, #tpu.memory_space<hbm>> -> memref<1x1x64xf32, #tpu.memory_space<hbm>>
      %dma_start3A_269 = tpu.memref_squeeze %dma_start3A_268 : memref<1x1x64xf32, #tpu.memory_space<hbm>> -> memref<1x64xf32, #tpu.memory_space<hbm>>
      %dma_start3A_270 = arith.constant 0 : i32
      %dma_start3A_271 = tpu.memref_slice %arg10[%add3A_264, %dma_start3A_270] : memref<256x64xf32, #tpu.memory_space<vmem>> -> memref<1x64xf32, #tpu.memory_space<vmem>>
      %dma_start3A_272 = arith.constant 0 : i32
      %dma_start3A_273 = tpu.memref_slice %arg2[%select_n3A_244, %select_n3A_260, %dma_start3A_272] : memref<125000x8x64xf32, #tpu.memory_space<hbm>> -> memref<1x1x64xf32, #tpu.memory_space<hbm>>
      %dma_start3A_274 = tpu.memref_squeeze %dma_start3A_273 : memref<1x1x64xf32, #tpu.memory_space<hbm>> -> memref<1x64xf32, #tpu.memory_space<hbm>>
      tpu.enqueue_dma source(%dma_start3A_274 : memref<1x64xf32, #tpu.memory_space<hbm>>) target(%dma_start3A_271 : memref<1x64xf32, #tpu.memory_space<vmem>>) target_semaphore(%arg12 : memref<!tpu.dma_semaphore, #tpu.memory_space<semaphore_mem>>)
      %slice3A_275 = vector.extract_strided_slice %get3A_63 {offsets = [4], sizes = [1], strides = [1]} : vector<16xi32> to vector<1xi32>
      %squeeze3A_276 = vector.extract %slice3A_275[0] : i32 from vector<1xi32>
      %jit3A_277 = arith.constant 8 : i32
      %div3A_278 = arith.divsi %squeeze3A_276, %jit3A_277 : i32
      %sign3A_279 = arith.constant 0 : i32
      %sign3A_280 = arith.cmpi sgt, %squeeze3A_276, %sign3A_279 : i32
      %sign3A_281 = arith.extui %sign3A_280 : i1 to i32
      %sign3A_282 = arith.constant 0 : i32
      %sign3A_283 = arith.cmpi slt, %squeeze3A_276, %sign3A_282 : i32
      %sign3A_284 = arith.extui %sign3A_283 : i1 to i32
      %sign3A_285 = arith.subi %sign3A_281, %sign3A_284 : i32
      %sign3A_286 = arith.constant 0 : i32
      %sign3A_287 = arith.cmpi sgt, %jit3A_277, %sign3A_286 : i32
      %sign3A_288 = arith.extui %sign3A_287 : i1 to i32
      %sign3A_289 = arith.constant 0 : i32
      %sign3A_290 = arith.cmpi slt, %jit3A_277, %sign3A_289 : i32
      %sign3A_291 = arith.extui %sign3A_290 : i1 to i32
      %sign3A_292 = arith.subi %sign3A_288, %sign3A_291 : i32
      %ne3A_293 = arith.cmpi ne, %sign3A_285, %sign3A_292 : i32
      %rem3A_294 = arith.remsi %squeeze3A_276, %jit3A_277 : i32
      %ne3A_295 = arith.constant 0 : i32
      %ne3A_296 = arith.cmpi ne, %rem3A_294, %ne3A_295 : i32
      %and3A_297 = arith.andi %ne3A_293, %ne3A_296 : i1
      %sub3A_298 = arith.constant 1 : i32
      %sub3A_299 = arith.subi %div3A_278, %sub3A_298 : i32
      %select_n3A_300 = arith.select %and3A_297, %sub3A_299, %div3A_278 : i32
      %jit3A_301 = arith.constant 8 : i32
      %eq3A_302 = arith.constant 0 : i32
      %eq3A_303 = arith.cmpi eq, %jit3A_301, %eq3A_302 : i32
      %jit3A_304 = arith.constant 1 : i32
      %select_n3A_305 = arith.select %eq3A_303, %jit3A_304, %jit3A_301 : i32
      %rem3A_306 = arith.remsi %squeeze3A_276, %select_n3A_305 : i32
      %ne3A_307 = arith.constant 0 : i32
      %ne3A_308 = arith.cmpi ne, %rem3A_306, %ne3A_307 : i32
      %lt3A_309 = arith.constant 0 : i32
      %lt3A_310 = arith.cmpi slt, %rem3A_306, %lt3A_309 : i32
      %lt3A_311 = arith.constant 0 : i32
      %lt3A_312 = arith.cmpi slt, %select_n3A_305, %lt3A_311 : i32
      %ne3A_313 = arith.xori %lt3A_310, %lt3A_312 : i1
      %and3A_314 = arith.andi %ne3A_313, %ne3A_308 : i1
      %add3A_315 = arith.addi %rem3A_306, %select_n3A_305 : i32
      %select_n3A_316 = arith.select %and3A_314, %add3A_315, %rem3A_306 : i32
      %mul3A_317 = arith.constant 16 : i32
      %mul3A_318 = arith.muli %scan3A_57, %mul3A_317 : i32
      %add3A_319 = arith.constant 4 : i32
      %add3A_320 = arith.addi %mul3A_318, %add3A_319 : i32
      %dma_start3A_321 = arith.constant 0 : i32
      %dma_start3A_322 = tpu.memref_slice %arg10[%add3A_320, %dma_start3A_321] : memref<256x64xf32, #tpu.memory_space<vmem>> -> memref<1x64xf32, #tpu.memory_space<vmem>>
      %dma_start3A_323 = arith.constant 0 : i32
      %dma_start3A_324 = tpu.memref_slice %arg2[%select_n3A_300, %select_n3A_316, %dma_start3A_323] : memref<125000x8x64xf32, #tpu.memory_space<hbm>> -> memref<1x1x64xf32, #tpu.memory_space<hbm>>
      %dma_start3A_325 = tpu.memref_squeeze %dma_start3A_324 : memref<1x1x64xf32, #tpu.memory_space<hbm>> -> memref<1x64xf32, #tpu.memory_space<hbm>>
      %dma_start3A_326 = arith.constant 0 : i32
      %dma_start3A_327 = tpu.memref_slice %arg10[%add3A_320, %dma_start3A_326] : memref<256x64xf32, #tpu.memory_space<vmem>> -> memref<1x64xf32, #tpu.memory_space<vmem>>
      %dma_start3A_328 = arith.constant 0 : i32
      %dma_start3A_329 = tpu.memref_slice %arg2[%select_n3A_300, %select_n3A_316, %dma_start3A_328] : memref<125000x8x64xf32, #tpu.memory_space<hbm>> -> memref<1x1x64xf32, #tpu.memory_space<hbm>>
      %dma_start3A_330 = tpu.memref_squeeze %dma_start3A_329 : memref<1x1x64xf32, #tpu.memory_space<hbm>> -> memref<1x64xf32, #tpu.memory_space<hbm>>
      tpu.enqueue_dma source(%dma_start3A_330 : memref<1x64xf32, #tpu.memory_space<hbm>>) target(%dma_start3A_327 : memref<1x64xf32, #tpu.memory_space<vmem>>) target_semaphore(%arg12 : memref<!tpu.dma_semaphore, #tpu.memory_space<semaphore_mem>>)
      %slice3A_331 = vector.extract_strided_slice %get3A_63 {offsets = [5], sizes = [1], strides = [1]} : vector<16xi32> to vector<1xi32>
      %squeeze3A_332 = vector.extract %slice3A_331[0] : i32 from vector<1xi32>
      %jit3A_333 = arith.constant 8 : i32
      %div3A_334 = arith.divsi %squeeze3A_332, %jit3A_333 : i32
      %sign3A_335 = arith.constant 0 : i32
      %sign3A_336 = arith.cmpi sgt, %squeeze3A_332, %sign3A_335 : i32
      %sign3A_337 = arith.extui %sign3A_336 : i1 to i32
      %sign3A_338 = arith.constant 0 : i32
      %sign3A_339 = arith.cmpi slt, %squeeze3A_332, %sign3A_338 : i32
      %sign3A_340 = arith.extui %sign3A_339 : i1 to i32
      %sign3A_341 = arith.subi %sign3A_337, %sign3A_340 : i32
      %sign3A_342 = arith.constant 0 : i32
      %sign3A_343 = arith.cmpi sgt, %jit3A_333, %sign3A_342 : i32
      %sign3A_344 = arith.extui %sign3A_343 : i1 to i32
      %sign3A_345 = arith.constant 0 : i32
      %sign3A_346 = arith.cmpi slt, %jit3A_333, %sign3A_345 : i32
      %sign3A_347 = arith.extui %sign3A_346 : i1 to i32
      %sign3A_348 = arith.subi %sign3A_344, %sign3A_347 : i32
      %ne3A_349 = arith.cmpi ne, %sign3A_341, %sign3A_348 : i32
      %rem3A_350 = arith.remsi %squeeze3A_332, %jit3A_333 : i32
      %ne3A_351 = arith.constant 0 : i32
      %ne3A_352 = arith.cmpi ne, %rem3A_350, %ne3A_351 : i32
      %and3A_353 = arith.andi %ne3A_349, %ne3A_352 : i1
      %sub3A_354 = arith.constant 1 : i32
      %sub3A_355 = arith.subi %div3A_334, %sub3A_354 : i32
      %select_n3A_356 = arith.select %and3A_353, %sub3A_355, %div3A_334 : i32
      %jit3A_357 = arith.constant 8 : i32
      %eq3A_358 = arith.constant 0 : i32
      %eq3A_359 = arith.cmpi eq, %jit3A_357, %eq3A_358 : i32
      %jit3A_360 = arith.constant 1 : i32
      %select_n3A_361 = arith.select %eq3A_359, %jit3A_360, %jit3A_357 : i32
      %rem3A_362 = arith.remsi %squeeze3A_332, %select_n3A_361 : i32
      %ne3A_363 = arith.constant 0 : i32
      %ne3A_364 = arith.cmpi ne, %rem3A_362, %ne3A_363 : i32
      %lt3A_365 = arith.constant 0 : i32
      %lt3A_366 = arith.cmpi slt, %rem3A_362, %lt3A_365 : i32
      %lt3A_367 = arith.constant 0 : i32
      %lt3A_368 = arith.cmpi slt, %select_n3A_361, %lt3A_367 : i32
      %ne3A_369 = arith.xori %lt3A_366, %lt3A_368 : i1
      %and3A_370 = arith.andi %ne3A_369, %ne3A_364 : i1
      %add3A_371 = arith.addi %rem3A_362, %select_n3A_361 : i32
      %select_n3A_372 = arith.select %and3A_370, %add3A_371, %rem3A_362 : i32
      %mul3A_373 = arith.constant 16 : i32
      %mul3A_374 = arith.muli %scan3A_57, %mul3A_373 : i32
      %add3A_375 = arith.constant 5 : i32
      %add3A_376 = arith.addi %mul3A_374, %add3A_375 : i32
      %dma_start3A_377 = arith.constant 0 : i32
      %dma_start3A_378 = tpu.memref_slice %arg10[%add3A_376, %dma_start3A_377] : memref<256x64xf32, #tpu.memory_space<vmem>> -> memref<1x64xf32, #tpu.memory_space<vmem>>
      %dma_start3A_379 = arith.constant 0 : i32
      %dma_start3A_380 = tpu.memref_slice %arg2[%select_n3A_356, %select_n3A_372, %dma_start3A_379] : memref<125000x8x64xf32, #tpu.memory_space<hbm>> -> memref<1x1x64xf32, #tpu.memory_space<hbm>>
      %dma_start3A_381 = tpu.memref_squeeze %dma_start3A_380 : memref<1x1x64xf32, #tpu.memory_space<hbm>> -> memref<1x64xf32, #tpu.memory_space<hbm>>
      %dma_start3A_382 = arith.constant 0 : i32
      %dma_start3A_383 = tpu.memref_slice %arg10[%add3A_376, %dma_start3A_382] : memref<256x64xf32, #tpu.memory_space<vmem>> -> memref<1x64xf32, #tpu.memory_space<vmem>>
      %dma_start3A_384 = arith.constant 0 : i32
      %dma_start3A_385 = tpu.memref_slice %arg2[%select_n3A_356, %select_n3A_372, %dma_start3A_384] : memref<125000x8x64xf32, #tpu.memory_space<hbm>> -> memref<1x1x64xf32, #tpu.memory_space<hbm>>
      %dma_start3A_386 = tpu.memref_squeeze %dma_start3A_385 : memref<1x1x64xf32, #tpu.memory_space<hbm>> -> memref<1x64xf32, #tpu.memory_space<hbm>>
      tpu.enqueue_dma source(%dma_start3A_386 : memref<1x64xf32, #tpu.memory_space<hbm>>) target(%dma_start3A_383 : memref<1x64xf32, #tpu.memory_space<vmem>>) target_semaphore(%arg12 : memref<!tpu.dma_semaphore, #tpu.memory_space<semaphore_mem>>)
      %slice3A_387 = vector.extract_strided_slice %get3A_63 {offsets = [6], sizes = [1], strides = [1]} : vector<16xi32> to vector<1xi32>
      %squeeze3A_388 = vector.extract %slice3A_387[0] : i32 from vector<1xi32>
      %jit3A_389 = arith.constant 8 : i32
      %div3A_390 = arith.divsi %squeeze3A_388, %jit3A_389 : i32
      %sign3A_391 = arith.constant 0 : i32
      %sign3A_392 = arith.cmpi sgt, %squeeze3A_388, %sign3A_391 : i32
      %sign3A_393 = arith.extui %sign3A_392 : i1 to i32
      %sign3A_394 = arith.constant 0 : i32
      %sign3A_395 = arith.cmpi slt, %squeeze3A_388, %sign3A_394 : i32
      %sign3A_396 = arith.extui %sign3A_395 : i1 to i32
      %sign3A_397 = arith.subi %sign3A_393, %sign3A_396 : i32
      %sign3A_398 = arith.constant 0 : i32
      %sign3A_399 = arith.cmpi sgt, %jit3A_389, %sign3A_398 : i32
      %sign3A_400 = arith.extui %sign3A_399 : i1 to i32
      %sign3A_401 = arith.constant 0 : i32
      %sign3A_402 = arith.cmpi slt, %jit3A_389, %sign3A_401 : i32
      %sign3A_403 = arith.extui %sign3A_402 : i1 to i32
      %sign3A_404 = arith.subi %sign3A_400, %sign3A_403 : i32
      %ne3A_405 = arith.cmpi ne, %sign3A_397, %sign3A_404 : i32
      %rem3A_406 = arith.remsi %squeeze3A_388, %jit3A_389 : i32
      %ne3A_407 = arith.constant 0 : i32
      %ne3A_408 = arith.cmpi ne, %rem3A_406, %ne3A_407 : i32
      %and3A_409 = arith.andi %ne3A_405, %ne3A_408 : i1
      %sub3A_410 = arith.constant 1 : i32
      %sub3A_411 = arith.subi %div3A_390, %sub3A_410 : i32
      %select_n3A_412 = arith.select %and3A_409, %sub3A_411, %div3A_390 : i32
      %jit3A_413 = arith.constant 8 : i32
      %eq3A_414 = arith.constant 0 : i32
      %eq3A_415 = arith.cmpi eq, %jit3A_413, %eq3A_414 : i32
      %jit3A_416 = arith.constant 1 : i32
      %select_n3A_417 = arith.select %eq3A_415, %jit3A_416, %jit3A_413 : i32
      %rem3A_418 = arith.remsi %squeeze3A_388, %select_n3A_417 : i32
      %ne3A_419 = arith.constant 0 : i32
      %ne3A_420 = arith.cmpi ne, %rem3A_418, %ne3A_419 : i32
      %lt3A_421 = arith.constant 0 : i32
      %lt3A_422 = arith.cmpi slt, %rem3A_418, %lt3A_421 : i32
      %lt3A_423 = arith.constant 0 : i32
      %lt3A_424 = arith.cmpi slt, %select_n3A_417, %lt3A_423 : i32
      %ne3A_425 = arith.xori %lt3A_422, %lt3A_424 : i1
      %and3A_426 = arith.andi %ne3A_425, %ne3A_420 : i1
      %add3A_427 = arith.addi %rem3A_418, %select_n3A_417 : i32
      %select_n3A_428 = arith.select %and3A_426, %add3A_427, %rem3A_418 : i32
      %mul3A_429 = arith.constant 16 : i32
      %mul3A_430 = arith.muli %scan3A_57, %mul3A_429 : i32
      %add3A_431 = arith.constant 6 : i32
      %add3A_432 = arith.addi %mul3A_430, %add3A_431 : i32
      %dma_start3A_433 = arith.constant 0 : i32
      %dma_start3A_434 = tpu.memref_slice %arg10[%add3A_432, %dma_start3A_433] : memref<256x64xf32, #tpu.memory_space<vmem>> -> memref<1x64xf32, #tpu.memory_space<vmem>>
      %dma_start3A_435 = arith.constant 0 : i32
      %dma_start3A_436 = tpu.memref_slice %arg2[%select_n3A_412, %select_n3A_428, %dma_start3A_435] : memref<125000x8x64xf32, #tpu.memory_space<hbm>> -> memref<1x1x64xf32, #tpu.memory_space<hbm>>
      %dma_start3A_437 = tpu.memref_squeeze %dma_start3A_436 : memref<1x1x64xf32, #tpu.memory_space<hbm>> -> memref<1x64xf32, #tpu.memory_space<hbm>>
      %dma_start3A_438 = arith.constant 0 : i32
      %dma_start3A_439 = tpu.memref_slice %arg10[%add3A_432, %dma_start3A_438] : memref<256x64xf32, #tpu.memory_space<vmem>> -> memref<1x64xf32, #tpu.memory_space<vmem>>
      %dma_start3A_440 = arith.constant 0 : i32
      %dma_start3A_441 = tpu.memref_slice %arg2[%select_n3A_412, %select_n3A_428, %dma_start3A_440] : memref<125000x8x64xf32, #tpu.memory_space<hbm>> -> memref<1x1x64xf32, #tpu.memory_space<hbm>>
      %dma_start3A_442 = tpu.memref_squeeze %dma_start3A_441 : memref<1x1x64xf32, #tpu.memory_space<hbm>> -> memref<1x64xf32, #tpu.memory_space<hbm>>
      tpu.enqueue_dma source(%dma_start3A_442 : memref<1x64xf32, #tpu.memory_space<hbm>>) target(%dma_start3A_439 : memref<1x64xf32, #tpu.memory_space<vmem>>) target_semaphore(%arg12 : memref<!tpu.dma_semaphore, #tpu.memory_space<semaphore_mem>>)
      %slice3A_443 = vector.extract_strided_slice %get3A_63 {offsets = [7], sizes = [1], strides = [1]} : vector<16xi32> to vector<1xi32>
      %squeeze3A_444 = vector.extract %slice3A_443[0] : i32 from vector<1xi32>
      %jit3A_445 = arith.constant 8 : i32
      %div3A_446 = arith.divsi %squeeze3A_444, %jit3A_445 : i32
      %sign3A_447 = arith.constant 0 : i32
      %sign3A_448 = arith.cmpi sgt, %squeeze3A_444, %sign3A_447 : i32
      %sign3A_449 = arith.extui %sign3A_448 : i1 to i32
      %sign3A_450 = arith.constant 0 : i32
      %sign3A_451 = arith.cmpi slt, %squeeze3A_444, %sign3A_450 : i32
      %sign3A_452 = arith.extui %sign3A_451 : i1 to i32
      %sign3A_453 = arith.subi %sign3A_449, %sign3A_452 : i32
      %sign3A_454 = arith.constant 0 : i32
      %sign3A_455 = arith.cmpi sgt, %jit3A_445, %sign3A_454 : i32
      %sign3A_456 = arith.extui %sign3A_455 : i1 to i32
      %sign3A_457 = arith.constant 0 : i32
      %sign3A_458 = arith.cmpi slt, %jit3A_445, %sign3A_457 : i32
      %sign3A_459 = arith.extui %sign3A_458 : i1 to i32
      %sign3A_460 = arith.subi %sign3A_456, %sign3A_459 : i32
      %ne3A_461 = arith.cmpi ne, %sign3A_453, %sign3A_460 : i32
      %rem3A_462 = arith.remsi %squeeze3A_444, %jit3A_445 : i32
      %ne3A_463 = arith.constant 0 : i32
      %ne3A_464 = arith.cmpi ne, %rem3A_462, %ne3A_463 : i32
      %and3A_465 = arith.andi %ne3A_461, %ne3A_464 : i1
      %sub3A_466 = arith.constant 1 : i32
      %sub3A_467 = arith.subi %div3A_446, %sub3A_466 : i32
      %select_n3A_468 = arith.select %and3A_465, %sub3A_467, %div3A_446 : i32
      %jit3A_469 = arith.constant 8 : i32
      %eq3A_470 = arith.constant 0 : i32
      %eq3A_471 = arith.cmpi eq, %jit3A_469, %eq3A_470 : i32
      %jit3A_472 = arith.constant 1 : i32
      %select_n3A_473 = arith.select %eq3A_471, %jit3A_472, %jit3A_469 : i32
      %rem3A_474 = arith.remsi %squeeze3A_444, %select_n3A_473 : i32
      %ne3A_475 = arith.constant 0 : i32
      %ne3A_476 = arith.cmpi ne, %rem3A_474, %ne3A_475 : i32
      %lt3A_477 = arith.constant 0 : i32
      %lt3A_478 = arith.cmpi slt, %rem3A_474, %lt3A_477 : i32
      %lt3A_479 = arith.constant 0 : i32
      %lt3A_480 = arith.cmpi slt, %select_n3A_473, %lt3A_479 : i32
      %ne3A_481 = arith.xori %lt3A_478, %lt3A_480 : i1
      %and3A_482 = arith.andi %ne3A_481, %ne3A_476 : i1
      %add3A_483 = arith.addi %rem3A_474, %select_n3A_473 : i32
      %select_n3A_484 = arith.select %and3A_482, %add3A_483, %rem3A_474 : i32
      %mul3A_485 = arith.constant 16 : i32
      %mul3A_486 = arith.muli %scan3A_57, %mul3A_485 : i32
      %add3A_487 = arith.constant 7 : i32
      %add3A_488 = arith.addi %mul3A_486, %add3A_487 : i32
      %dma_start3A_489 = arith.constant 0 : i32
      %dma_start3A_490 = tpu.memref_slice %arg10[%add3A_488, %dma_start3A_489] : memref<256x64xf32, #tpu.memory_space<vmem>> -> memref<1x64xf32, #tpu.memory_space<vmem>>
      %dma_start3A_491 = arith.constant 0 : i32
      %dma_start3A_492 = tpu.memref_slice %arg2[%select_n3A_468, %select_n3A_484, %dma_start3A_491] : memref<125000x8x64xf32, #tpu.memory_space<hbm>> -> memref<1x1x64xf32, #tpu.memory_space<hbm>>
      %dma_start3A_493 = tpu.memref_squeeze %dma_start3A_492 : memref<1x1x64xf32, #tpu.memory_space<hbm>> -> memref<1x64xf32, #tpu.memory_space<hbm>>
      %dma_start3A_494 = arith.constant 0 : i32
      %dma_start3A_495 = tpu.memref_slice %arg10[%add3A_488, %dma_start3A_494] : memref<256x64xf32, #tpu.memory_space<vmem>> -> memref<1x64xf32, #tpu.memory_space<vmem>>
      %dma_start3A_496 = arith.constant 0 : i32
      %dma_start3A_497 = tpu.memref_slice %arg2[%select_n3A_468, %select_n3A_484, %dma_start3A_496] : memref<125000x8x64xf32, #tpu.memory_space<hbm>> -> memref<1x1x64xf32, #tpu.memory_space<hbm>>
      %dma_start3A_498 = tpu.memref_squeeze %dma_start3A_497 : memref<1x1x64xf32, #tpu.memory_space<hbm>> -> memref<1x64xf32, #tpu.memory_space<hbm>>
      tpu.enqueue_dma source(%dma_start3A_498 : memref<1x64xf32, #tpu.memory_space<hbm>>) target(%dma_start3A_495 : memref<1x64xf32, #tpu.memory_space<vmem>>) target_semaphore(%arg12 : memref<!tpu.dma_semaphore, #tpu.memory_space<semaphore_mem>>)
      %slice3A_499 = vector.extract_strided_slice %get3A_63 {offsets = [8], sizes = [1], strides = [1]} : vector<16xi32> to vector<1xi32>
      %squeeze3A_500 = vector.extract %slice3A_499[0] : i32 from vector<1xi32>
      %jit3A_501 = arith.constant 8 : i32
      %div3A_502 = arith.divsi %squeeze3A_500, %jit3A_501 : i32
      %sign3A_503 = arith.constant 0 : i32
      %sign3A_504 = arith.cmpi sgt, %squeeze3A_500, %sign3A_503 : i32
      %sign3A_505 = arith.extui %sign3A_504 : i1 to i32
      %sign3A_506 = arith.constant 0 : i32
      %sign3A_507 = arith.cmpi slt, %squeeze3A_500, %sign3A_506 : i32
      %sign3A_508 = arith.extui %sign3A_507 : i1 to i32
      %sign3A_509 = arith.subi %sign3A_505, %sign3A_508 : i32
      %sign3A_510 = arith.constant 0 : i32
      %sign3A_511 = arith.cmpi sgt, %jit3A_501, %sign3A_510 : i32
      %sign3A_512 = arith.extui %sign3A_511 : i1 to i32
      %sign3A_513 = arith.constant 0 : i32
      %sign3A_514 = arith.cmpi slt, %jit3A_501, %sign3A_513 : i32
      %sign3A_515 = arith.extui %sign3A_514 : i1 to i32
      %sign3A_516 = arith.subi %sign3A_512, %sign3A_515 : i32
      %ne3A_517 = arith.cmpi ne, %sign3A_509, %sign3A_516 : i32
      %rem3A_518 = arith.remsi %squeeze3A_500, %jit3A_501 : i32
      %ne3A_519 = arith.constant 0 : i32
      %ne3A_520 = arith.cmpi ne, %rem3A_518, %ne3A_519 : i32
      %and3A_521 = arith.andi %ne3A_517, %ne3A_520 : i1
      %sub3A_522 = arith.constant 1 : i32
      %sub3A_523 = arith.subi %div3A_502, %sub3A_522 : i32
      %select_n3A_524 = arith.select %and3A_521, %sub3A_523, %div3A_502 : i32
      %jit3A_525 = arith.constant 8 : i32
      %eq3A_526 = arith.constant 0 : i32
      %eq3A_527 = arith.cmpi eq, %jit3A_525, %eq3A_526 : i32
      %jit3A_528 = arith.constant 1 : i32
      %select_n3A_529 = arith.select %eq3A_527, %jit3A_528, %jit3A_525 : i32
      %rem3A_530 = arith.remsi %squeeze3A_500, %select_n3A_529 : i32
      %ne3A_531 = arith.constant 0 : i32
      %ne3A_532 = arith.cmpi ne, %rem3A_530, %ne3A_531 : i32
      %lt3A_533 = arith.constant 0 : i32
      %lt3A_534 = arith.cmpi slt, %rem3A_530, %lt3A_533 : i32
      %lt3A_535 = arith.constant 0 : i32
      %lt3A_536 = arith.cmpi slt, %select_n3A_529, %lt3A_535 : i32
      %ne3A_537 = arith.xori %lt3A_534, %lt3A_536 : i1
      %and3A_538 = arith.andi %ne3A_537, %ne3A_532 : i1
      %add3A_539 = arith.addi %rem3A_530, %select_n3A_529 : i32
      %select_n3A_540 = arith.select %and3A_538, %add3A_539, %rem3A_530 : i32
      %mul3A_541 = arith.constant 16 : i32
      %mul3A_542 = arith.muli %scan3A_57, %mul3A_541 : i32
      %add3A_543 = arith.constant 8 : i32
      %add3A_544 = arith.addi %mul3A_542, %add3A_543 : i32
      %dma_start3A_545 = arith.constant 0 : i32
      %dma_start3A_546 = tpu.memref_slice %arg10[%add3A_544, %dma_start3A_545] : memref<256x64xf32, #tpu.memory_space<vmem>> -> memref<1x64xf32, #tpu.memory_space<vmem>>
      %dma_start3A_547 = arith.constant 0 : i32
      %dma_start3A_548 = tpu.memref_slice %arg2[%select_n3A_524, %select_n3A_540, %dma_start3A_547] : memref<125000x8x64xf32, #tpu.memory_space<hbm>> -> memref<1x1x64xf32, #tpu.memory_space<hbm>>
      %dma_start3A_549 = tpu.memref_squeeze %dma_start3A_548 : memref<1x1x64xf32, #tpu.memory_space<hbm>> -> memref<1x64xf32, #tpu.memory_space<hbm>>
      %dma_start3A_550 = arith.constant 0 : i32
      %dma_start3A_551 = tpu.memref_slice %arg10[%add3A_544, %dma_start3A_550] : memref<256x64xf32, #tpu.memory_space<vmem>> -> memref<1x64xf32, #tpu.memory_space<vmem>>
      %dma_start3A_552 = arith.constant 0 : i32
      %dma_start3A_553 = tpu.memref_slice %arg2[%select_n3A_524, %select_n3A_540, %dma_start3A_552] : memref<125000x8x64xf32, #tpu.memory_space<hbm>> -> memref<1x1x64xf32, #tpu.memory_space<hbm>>
      %dma_start3A_554 = tpu.memref_squeeze %dma_start3A_553 : memref<1x1x64xf32, #tpu.memory_space<hbm>> -> memref<1x64xf32, #tpu.memory_space<hbm>>
      tpu.enqueue_dma source(%dma_start3A_554 : memref<1x64xf32, #tpu.memory_space<hbm>>) target(%dma_start3A_551 : memref<1x64xf32, #tpu.memory_space<vmem>>) target_semaphore(%arg12 : memref<!tpu.dma_semaphore, #tpu.memory_space<semaphore_mem>>)
      %slice3A_555 = vector.extract_strided_slice %get3A_63 {offsets = [9], sizes = [1], strides = [1]} : vector<16xi32> to vector<1xi32>
      %squeeze3A_556 = vector.extract %slice3A_555[0] : i32 from vector<1xi32>
      %jit3A_557 = arith.constant 8 : i32
      %div3A_558 = arith.divsi %squeeze3A_556, %jit3A_557 : i32
      %sign3A_559 = arith.constant 0 : i32
      %sign3A_560 = arith.cmpi sgt, %squeeze3A_556, %sign3A_559 : i32
      %sign3A_561 = arith.extui %sign3A_560 : i1 to i32
      %sign3A_562 = arith.constant 0 : i32
      %sign3A_563 = arith.cmpi slt, %squeeze3A_556, %sign3A_562 : i32
      %sign3A_564 = arith.extui %sign3A_563 : i1 to i32
      %sign3A_565 = arith.subi %sign3A_561, %sign3A_564 : i32
      %sign3A_566 = arith.constant 0 : i32
      %sign3A_567 = arith.cmpi sgt, %jit3A_557, %sign3A_566 : i32
      %sign3A_568 = arith.extui %sign3A_567 : i1 to i32
      %sign3A_569 = arith.constant 0 : i32
      %sign3A_570 = arith.cmpi slt, %jit3A_557, %sign3A_569 : i32
      %sign3A_571 = arith.extui %sign3A_570 : i1 to i32
      %sign3A_572 = arith.subi %sign3A_568, %sign3A_571 : i32
      %ne3A_573 = arith.cmpi ne, %sign3A_565, %sign3A_572 : i32
      %rem3A_574 = arith.remsi %squeeze3A_556, %jit3A_557 : i32
      %ne3A_575 = arith.constant 0 : i32
      %ne3A_576 = arith.cmpi ne, %rem3A_574, %ne3A_575 : i32
      %and3A_577 = arith.andi %ne3A_573, %ne3A_576 : i1
      %sub3A_578 = arith.constant 1 : i32
      %sub3A_579 = arith.subi %div3A_558, %sub3A_578 : i32
      %select_n3A_580 = arith.select %and3A_577, %sub3A_579, %div3A_558 : i32
      %jit3A_581 = arith.constant 8 : i32
      %eq3A_582 = arith.constant 0 : i32
      %eq3A_583 = arith.cmpi eq, %jit3A_581, %eq3A_582 : i32
      %jit3A_584 = arith.constant 1 : i32
      %select_n3A_585 = arith.select %eq3A_583, %jit3A_584, %jit3A_581 : i32
      %rem3A_586 = arith.remsi %squeeze3A_556, %select_n3A_585 : i32
      %ne3A_587 = arith.constant 0 : i32
      %ne3A_588 = arith.cmpi ne, %rem3A_586, %ne3A_587 : i32
      %lt3A_589 = arith.constant 0 : i32
      %lt3A_590 = arith.cmpi slt, %rem3A_586, %lt3A_589 : i32
      %lt3A_591 = arith.constant 0 : i32
      %lt3A_592 = arith.cmpi slt, %select_n3A_585, %lt3A_591 : i32
      %ne3A_593 = arith.xori %lt3A_590, %lt3A_592 : i1
      %and3A_594 = arith.andi %ne3A_593, %ne3A_588 : i1
      %add3A_595 = arith.addi %rem3A_586, %select_n3A_585 : i32
      %select_n3A_596 = arith.select %and3A_594, %add3A_595, %rem3A_586 : i32
      %mul3A_597 = arith.constant 16 : i32
      %mul3A_598 = arith.muli %scan3A_57, %mul3A_597 : i32
      %add3A_599 = arith.constant 9 : i32
      %add3A_600 = arith.addi %mul3A_598, %add3A_599 : i32
      %dma_start3A_601 = arith.constant 0 : i32
      %dma_start3A_602 = tpu.memref_slice %arg10[%add3A_600, %dma_start3A_601] : memref<256x64xf32, #tpu.memory_space<vmem>> -> memref<1x64xf32, #tpu.memory_space<vmem>>
      %dma_start3A_603 = arith.constant 0 : i32
      %dma_start3A_604 = tpu.memref_slice %arg2[%select_n3A_580, %select_n3A_596, %dma_start3A_603] : memref<125000x8x64xf32, #tpu.memory_space<hbm>> -> memref<1x1x64xf32, #tpu.memory_space<hbm>>
      %dma_start3A_605 = tpu.memref_squeeze %dma_start3A_604 : memref<1x1x64xf32, #tpu.memory_space<hbm>> -> memref<1x64xf32, #tpu.memory_space<hbm>>
      %dma_start3A_606 = arith.constant 0 : i32
      %dma_start3A_607 = tpu.memref_slice %arg10[%add3A_600, %dma_start3A_606] : memref<256x64xf32, #tpu.memory_space<vmem>> -> memref<1x64xf32, #tpu.memory_space<vmem>>
      %dma_start3A_608 = arith.constant 0 : i32
      %dma_start3A_609 = tpu.memref_slice %arg2[%select_n3A_580, %select_n3A_596, %dma_start3A_608] : memref<125000x8x64xf32, #tpu.memory_space<hbm>> -> memref<1x1x64xf32, #tpu.memory_space<hbm>>
      %dma_start3A_610 = tpu.memref_squeeze %dma_start3A_609 : memref<1x1x64xf32, #tpu.memory_space<hbm>> -> memref<1x64xf32, #tpu.memory_space<hbm>>
      tpu.enqueue_dma source(%dma_start3A_610 : memref<1x64xf32, #tpu.memory_space<hbm>>) target(%dma_start3A_607 : memref<1x64xf32, #tpu.memory_space<vmem>>) target_semaphore(%arg12 : memref<!tpu.dma_semaphore, #tpu.memory_space<semaphore_mem>>)
      %slice3A_611 = vector.extract_strided_slice %get3A_63 {offsets = [10], sizes = [1], strides = [1]} : vector<16xi32> to vector<1xi32>
      %squeeze3A_612 = vector.extract %slice3A_611[0] : i32 from vector<1xi32>
      %jit3A_613 = arith.constant 8 : i32
      %div3A_614 = arith.divsi %squeeze3A_612, %jit3A_613 : i32
      %sign3A_615 = arith.constant 0 : i32
      %sign3A_616 = arith.cmpi sgt, %squeeze3A_612, %sign3A_615 : i32
      %sign3A_617 = arith.extui %sign3A_616 : i1 to i32
      %sign3A_618 = arith.constant 0 : i32
      %sign3A_619 = arith.cmpi slt, %squeeze3A_612, %sign3A_618 : i32
      %sign3A_620 = arith.extui %sign3A_619 : i1 to i32
      %sign3A_621 = arith.subi %sign3A_617, %sign3A_620 : i32
      %sign3A_622 = arith.constant 0 : i32
      %sign3A_623 = arith.cmpi sgt, %jit3A_613, %sign3A_622 : i32
      %sign3A_624 = arith.extui %sign3A_623 : i1 to i32
      %sign3A_625 = arith.constant 0 : i32
      %sign3A_626 = arith.cmpi slt, %jit3A_613, %sign3A_625 : i32
      %sign3A_627 = arith.extui %sign3A_626 : i1 to i32
      %sign3A_628 = arith.subi %sign3A_624, %sign3A_627 : i32
      %ne3A_629 = arith.cmpi ne, %sign3A_621, %sign3A_628 : i32
      %rem3A_630 = arith.remsi %squeeze3A_612, %jit3A_613 : i32
      %ne3A_631 = arith.constant 0 : i32
      %ne3A_632 = arith.cmpi ne, %rem3A_630, %ne3A_631 : i32
      %and3A_633 = arith.andi %ne3A_629, %ne3A_632 : i1
      %sub3A_634 = arith.constant 1 : i32
      %sub3A_635 = arith.subi %div3A_614, %sub3A_634 : i32
      %select_n3A_636 = arith.select %and3A_633, %sub3A_635, %div3A_614 : i32
      %jit3A_637 = arith.constant 8 : i32
      %eq3A_638 = arith.constant 0 : i32
      %eq3A_639 = arith.cmpi eq, %jit3A_637, %eq3A_638 : i32
      %jit3A_640 = arith.constant 1 : i32
      %select_n3A_641 = arith.select %eq3A_639, %jit3A_640, %jit3A_637 : i32
      %rem3A_642 = arith.remsi %squeeze3A_612, %select_n3A_641 : i32
      %ne3A_643 = arith.constant 0 : i32
      %ne3A_644 = arith.cmpi ne, %rem3A_642, %ne3A_643 : i32
      %lt3A_645 = arith.constant 0 : i32
      %lt3A_646 = arith.cmpi slt, %rem3A_642, %lt3A_645 : i32
      %lt3A_647 = arith.constant 0 : i32
      %lt3A_648 = arith.cmpi slt, %select_n3A_641, %lt3A_647 : i32
      %ne3A_649 = arith.xori %lt3A_646, %lt3A_648 : i1
      %and3A_650 = arith.andi %ne3A_649, %ne3A_644 : i1
      %add3A_651 = arith.addi %rem3A_642, %select_n3A_641 : i32
      %select_n3A_652 = arith.select %and3A_650, %add3A_651, %rem3A_642 : i32
      %mul3A_653 = arith.constant 16 : i32
      %mul3A_654 = arith.muli %scan3A_57, %mul3A_653 : i32
      %add3A_655 = arith.constant 10 : i32
      %add3A_656 = arith.addi %mul3A_654, %add3A_655 : i32
      %dma_start3A_657 = arith.constant 0 : i32
      %dma_start3A_658 = tpu.memref_slice %arg10[%add3A_656, %dma_start3A_657] : memref<256x64xf32, #tpu.memory_space<vmem>> -> memref<1x64xf32, #tpu.memory_space<vmem>>
      %dma_start3A_659 = arith.constant 0 : i32
      %dma_start3A_660 = tpu.memref_slice %arg2[%select_n3A_636, %select_n3A_652, %dma_start3A_659] : memref<125000x8x64xf32, #tpu.memory_space<hbm>> -> memref<1x1x64xf32, #tpu.memory_space<hbm>>
      %dma_start3A_661 = tpu.memref_squeeze %dma_start3A_660 : memref<1x1x64xf32, #tpu.memory_space<hbm>> -> memref<1x64xf32, #tpu.memory_space<hbm>>
      %dma_start3A_662 = arith.constant 0 : i32
      %dma_start3A_663 = tpu.memref_slice %arg10[%add3A_656, %dma_start3A_662] : memref<256x64xf32, #tpu.memory_space<vmem>> -> memref<1x64xf32, #tpu.memory_space<vmem>>
      %dma_start3A_664 = arith.constant 0 : i32
      %dma_start3A_665 = tpu.memref_slice %arg2[%select_n3A_636, %select_n3A_652, %dma_start3A_664] : memref<125000x8x64xf32, #tpu.memory_space<hbm>> -> memref<1x1x64xf32, #tpu.memory_space<hbm>>
      %dma_start3A_666 = tpu.memref_squeeze %dma_start3A_665 : memref<1x1x64xf32, #tpu.memory_space<hbm>> -> memref<1x64xf32, #tpu.memory_space<hbm>>
      tpu.enqueue_dma source(%dma_start3A_666 : memref<1x64xf32, #tpu.memory_space<hbm>>) target(%dma_start3A_663 : memref<1x64xf32, #tpu.memory_space<vmem>>) target_semaphore(%arg12 : memref<!tpu.dma_semaphore, #tpu.memory_space<semaphore_mem>>)
      %slice3A_667 = vector.extract_strided_slice %get3A_63 {offsets = [11], sizes = [1], strides = [1]} : vector<16xi32> to vector<1xi32>
      %squeeze3A_668 = vector.extract %slice3A_667[0] : i32 from vector<1xi32>
      %jit3A_669 = arith.constant 8 : i32
      %div3A_670 = arith.divsi %squeeze3A_668, %jit3A_669 : i32
      %sign3A_671 = arith.constant 0 : i32
      %sign3A_672 = arith.cmpi sgt, %squeeze3A_668, %sign3A_671 : i32
      %sign3A_673 = arith.extui %sign3A_672 : i1 to i32
      %sign3A_674 = arith.constant 0 : i32
      %sign3A_675 = arith.cmpi slt, %squeeze3A_668, %sign3A_674 : i32
      %sign3A_676 = arith.extui %sign3A_675 : i1 to i32
      %sign3A_677 = arith.subi %sign3A_673, %sign3A_676 : i32
      %sign3A_678 = arith.constant 0 : i32
      %sign3A_679 = arith.cmpi sgt, %jit3A_669, %sign3A_678 : i32
      %sign3A_680 = arith.extui %sign3A_679 : i1 to i32
      %sign3A_681 = arith.constant 0 : i32
      %sign3A_682 = arith.cmpi slt, %jit3A_669, %sign3A_681 : i32
      %sign3A_683 = arith.extui %sign3A_682 : i1 to i32
      %sign3A_684 = arith.subi %sign3A_680, %sign3A_683 : i32
      %ne3A_685 = arith.cmpi ne, %sign3A_677, %sign3A_684 : i32
      %rem3A_686 = arith.remsi %squeeze3A_668, %jit3A_669 : i32
      %ne3A_687 = arith.constant 0 : i32
      %ne3A_688 = arith.cmpi ne, %rem3A_686, %ne3A_687 : i32
      %and3A_689 = arith.andi %ne3A_685, %ne3A_688 : i1
      %sub3A_690 = arith.constant 1 : i32
      %sub3A_691 = arith.subi %div3A_670, %sub3A_690 : i32
      %select_n3A_692 = arith.select %and3A_689, %sub3A_691, %div3A_670 : i32
      %jit3A_693 = arith.constant 8 : i32
      %eq3A_694 = arith.constant 0 : i32
      %eq3A_695 = arith.cmpi eq, %jit3A_693, %eq3A_694 : i32
      %jit3A_696 = arith.constant 1 : i32
      %select_n3A_697 = arith.select %eq3A_695, %jit3A_696, %jit3A_693 : i32
      %rem3A_698 = arith.remsi %squeeze3A_668, %select_n3A_697 : i32
      %ne3A_699 = arith.constant 0 : i32
      %ne3A_700 = arith.cmpi ne, %rem3A_698, %ne3A_699 : i32
      %lt3A_701 = arith.constant 0 : i32
      %lt3A_702 = arith.cmpi slt, %rem3A_698, %lt3A_701 : i32
      %lt3A_703 = arith.constant 0 : i32
      %lt3A_704 = arith.cmpi slt, %select_n3A_697, %lt3A_703 : i32
      %ne3A_705 = arith.xori %lt3A_702, %lt3A_704 : i1
      %and3A_706 = arith.andi %ne3A_705, %ne3A_700 : i1
      %add3A_707 = arith.addi %rem3A_698, %select_n3A_697 : i32
      %select_n3A_708 = arith.select %and3A_706, %add3A_707, %rem3A_698 : i32
      %mul3A_709 = arith.constant 16 : i32
      %mul3A_710 = arith.muli %scan3A_57, %mul3A_709 : i32
      %add3A_711 = arith.constant 11 : i32
      %add3A_712 = arith.addi %mul3A_710, %add3A_711 : i32
      %dma_start3A_713 = arith.constant 0 : i32
      %dma_start3A_714 = tpu.memref_slice %arg10[%add3A_712, %dma_start3A_713] : memref<256x64xf32, #tpu.memory_space<vmem>> -> memref<1x64xf32, #tpu.memory_space<vmem>>
      %dma_start3A_715 = arith.constant 0 : i32
      %dma_start3A_716 = tpu.memref_slice %arg2[%select_n3A_692, %select_n3A_708, %dma_start3A_715] : memref<125000x8x64xf32, #tpu.memory_space<hbm>> -> memref<1x1x64xf32, #tpu.memory_space<hbm>>
      %dma_start3A_717 = tpu.memref_squeeze %dma_start3A_716 : memref<1x1x64xf32, #tpu.memory_space<hbm>> -> memref<1x64xf32, #tpu.memory_space<hbm>>
      %dma_start3A_718 = arith.constant 0 : i32
      %dma_start3A_719 = tpu.memref_slice %arg10[%add3A_712, %dma_start3A_718] : memref<256x64xf32, #tpu.memory_space<vmem>> -> memref<1x64xf32, #tpu.memory_space<vmem>>
      %dma_start3A_720 = arith.constant 0 : i32
      %dma_start3A_721 = tpu.memref_slice %arg2[%select_n3A_692, %select_n3A_708, %dma_start3A_720] : memref<125000x8x64xf32, #tpu.memory_space<hbm>> -> memref<1x1x64xf32, #tpu.memory_space<hbm>>
      %dma_start3A_722 = tpu.memref_squeeze %dma_start3A_721 : memref<1x1x64xf32, #tpu.memory_space<hbm>> -> memref<1x64xf32, #tpu.memory_space<hbm>>
      tpu.enqueue_dma source(%dma_start3A_722 : memref<1x64xf32, #tpu.memory_space<hbm>>) target(%dma_start3A_719 : memref<1x64xf32, #tpu.memory_space<vmem>>) target_semaphore(%arg12 : memref<!tpu.dma_semaphore, #tpu.memory_space<semaphore_mem>>)
      %slice3A_723 = vector.extract_strided_slice %get3A_63 {offsets = [12], sizes = [1], strides = [1]} : vector<16xi32> to vector<1xi32>
      %squeeze3A_724 = vector.extract %slice3A_723[0] : i32 from vector<1xi32>
      %jit3A_725 = arith.constant 8 : i32
      %div3A_726 = arith.divsi %squeeze3A_724, %jit3A_725 : i32
      %sign3A_727 = arith.constant 0 : i32
      %sign3A_728 = arith.cmpi sgt, %squeeze3A_724, %sign3A_727 : i32
      %sign3A_729 = arith.extui %sign3A_728 : i1 to i32
      %sign3A_730 = arith.constant 0 : i32
      %sign3A_731 = arith.cmpi slt, %squeeze3A_724, %sign3A_730 : i32
      %sign3A_732 = arith.extui %sign3A_731 : i1 to i32
      %sign3A_733 = arith.subi %sign3A_729, %sign3A_732 : i32
      %sign3A_734 = arith.constant 0 : i32
      %sign3A_735 = arith.cmpi sgt, %jit3A_725, %sign3A_734 : i32
      %sign3A_736 = arith.extui %sign3A_735 : i1 to i32
      %sign3A_737 = arith.constant 0 : i32
      %sign3A_738 = arith.cmpi slt, %jit3A_725, %sign3A_737 : i32
      %sign3A_739 = arith.extui %sign3A_738 : i1 to i32
      %sign3A_740 = arith.subi %sign3A_736, %sign3A_739 : i32
      %ne3A_741 = arith.cmpi ne, %sign3A_733, %sign3A_740 : i32
      %rem3A_742 = arith.remsi %squeeze3A_724, %jit3A_725 : i32
      %ne3A_743 = arith.constant 0 : i32
      %ne3A_744 = arith.cmpi ne, %rem3A_742, %ne3A_743 : i32
      %and3A_745 = arith.andi %ne3A_741, %ne3A_744 : i1
      %sub3A_746 = arith.constant 1 : i32
      %sub3A_747 = arith.subi %div3A_726, %sub3A_746 : i32
      %select_n3A_748 = arith.select %and3A_745, %sub3A_747, %div3A_726 : i32
      %jit3A_749 = arith.constant 8 : i32
      %eq3A_750 = arith.constant 0 : i32
      %eq3A_751 = arith.cmpi eq, %jit3A_749, %eq3A_750 : i32
      %jit3A_752 = arith.constant 1 : i32
      %select_n3A_753 = arith.select %eq3A_751, %jit3A_752, %jit3A_749 : i32
      %rem3A_754 = arith.remsi %squeeze3A_724, %select_n3A_753 : i32
      %ne3A_755 = arith.constant 0 : i32
      %ne3A_756 = arith.cmpi ne, %rem3A_754, %ne3A_755 : i32
      %lt3A_757 = arith.constant 0 : i32
      %lt3A_758 = arith.cmpi slt, %rem3A_754, %lt3A_757 : i32
      %lt3A_759 = arith.constant 0 : i32
      %lt3A_760 = arith.cmpi slt, %select_n3A_753, %lt3A_759 : i32
      %ne3A_761 = arith.xori %lt3A_758, %lt3A_760 : i1
      %and3A_762 = arith.andi %ne3A_761, %ne3A_756 : i1
      %add3A_763 = arith.addi %rem3A_754, %select_n3A_753 : i32
      %select_n3A_764 = arith.select %and3A_762, %add3A_763, %rem3A_754 : i32
      %mul3A_765 = arith.constant 16 : i32
      %mul3A_766 = arith.muli %scan3A_57, %mul3A_765 : i32
      %add3A_767 = arith.constant 12 : i32
      %add3A_768 = arith.addi %mul3A_766, %add3A_767 : i32
      %dma_start3A_769 = arith.constant 0 : i32
      %dma_start3A_770 = tpu.memref_slice %arg10[%add3A_768, %dma_start3A_769] : memref<256x64xf32, #tpu.memory_space<vmem>> -> memref<1x64xf32, #tpu.memory_space<vmem>>
      %dma_start3A_771 = arith.constant 0 : i32
      %dma_start3A_772 = tpu.memref_slice %arg2[%select_n3A_748, %select_n3A_764, %dma_start3A_771] : memref<125000x8x64xf32, #tpu.memory_space<hbm>> -> memref<1x1x64xf32, #tpu.memory_space<hbm>>
      %dma_start3A_773 = tpu.memref_squeeze %dma_start3A_772 : memref<1x1x64xf32, #tpu.memory_space<hbm>> -> memref<1x64xf32, #tpu.memory_space<hbm>>
      %dma_start3A_774 = arith.constant 0 : i32
      %dma_start3A_775 = tpu.memref_slice %arg10[%add3A_768, %dma_start3A_774] : memref<256x64xf32, #tpu.memory_space<vmem>> -> memref<1x64xf32, #tpu.memory_space<vmem>>
      %dma_start3A_776 = arith.constant 0 : i32
      %dma_start3A_777 = tpu.memref_slice %arg2[%select_n3A_748, %select_n3A_764, %dma_start3A_776] : memref<125000x8x64xf32, #tpu.memory_space<hbm>> -> memref<1x1x64xf32, #tpu.memory_space<hbm>>
      %dma_start3A_778 = tpu.memref_squeeze %dma_start3A_777 : memref<1x1x64xf32, #tpu.memory_space<hbm>> -> memref<1x64xf32, #tpu.memory_space<hbm>>
      tpu.enqueue_dma source(%dma_start3A_778 : memref<1x64xf32, #tpu.memory_space<hbm>>) target(%dma_start3A_775 : memref<1x64xf32, #tpu.memory_space<vmem>>) target_semaphore(%arg12 : memref<!tpu.dma_semaphore, #tpu.memory_space<semaphore_mem>>)
      %slice3A_779 = vector.extract_strided_slice %get3A_63 {offsets = [13], sizes = [1], strides = [1]} : vector<16xi32> to vector<1xi32>
      %squeeze3A_780 = vector.extract %slice3A_779[0] : i32 from vector<1xi32>
      %jit3A_781 = arith.constant 8 : i32
      %div3A_782 = arith.divsi %squeeze3A_780, %jit3A_781 : i32
      %sign3A_783 = arith.constant 0 : i32
      %sign3A_784 = arith.cmpi sgt, %squeeze3A_780, %sign3A_783 : i32
      %sign3A_785 = arith.extui %sign3A_784 : i1 to i32
      %sign3A_786 = arith.constant 0 : i32
      %sign3A_787 = arith.cmpi slt, %squeeze3A_780, %sign3A_786 : i32
      %sign3A_788 = arith.extui %sign3A_787 : i1 to i32
      %sign3A_789 = arith.subi %sign3A_785, %sign3A_788 : i32
      %sign3A_790 = arith.constant 0 : i32
      %sign3A_791 = arith.cmpi sgt, %jit3A_781, %sign3A_790 : i32
      %sign3A_792 = arith.extui %sign3A_791 : i1 to i32
      %sign3A_793 = arith.constant 0 : i32
      %sign3A_794 = arith.cmpi slt, %jit3A_781, %sign3A_793 : i32
      %sign3A_795 = arith.extui %sign3A_794 : i1 to i32
      %sign3A_796 = arith.subi %sign3A_792, %sign3A_795 : i32
      %ne3A_797 = arith.cmpi ne, %sign3A_789, %sign3A_796 : i32
      %rem3A_798 = arith.remsi %squeeze3A_780, %jit3A_781 : i32
      %ne3A_799 = arith.constant 0 : i32
      %ne3A_800 = arith.cmpi ne, %rem3A_798, %ne3A_799 : i32
      %and3A_801 = arith.andi %ne3A_797, %ne3A_800 : i1
      %sub3A_802 = arith.constant 1 : i32
      %sub3A_803 = arith.subi %div3A_782, %sub3A_802 : i32
      %select_n3A_804 = arith.select %and3A_801, %sub3A_803, %div3A_782 : i32
      %jit3A_805 = arith.constant 8 : i32
      %eq3A_806 = arith.constant 0 : i32
      %eq3A_807 = arith.cmpi eq, %jit3A_805, %eq3A_806 : i32
      %jit3A_808 = arith.constant 1 : i32
      %select_n3A_809 = arith.select %eq3A_807, %jit3A_808, %jit3A_805 : i32
      %rem3A_810 = arith.remsi %squeeze3A_780, %select_n3A_809 : i32
      %ne3A_811 = arith.constant 0 : i32
      %ne3A_812 = arith.cmpi ne, %rem3A_810, %ne3A_811 : i32
      %lt3A_813 = arith.constant 0 : i32
      %lt3A_814 = arith.cmpi slt, %rem3A_810, %lt3A_813 : i32
      %lt3A_815 = arith.constant 0 : i32
      %lt3A_816 = arith.cmpi slt, %select_n3A_809, %lt3A_815 : i32
      %ne3A_817 = arith.xori %lt3A_814, %lt3A_816 : i1
      %and3A_818 = arith.andi %ne3A_817, %ne3A_812 : i1
      %add3A_819 = arith.addi %rem3A_810, %select_n3A_809 : i32
      %select_n3A_820 = arith.select %and3A_818, %add3A_819, %rem3A_810 : i32
      %mul3A_821 = arith.constant 16 : i32
      %mul3A_822 = arith.muli %scan3A_57, %mul3A_821 : i32
      %add3A_823 = arith.constant 13 : i32
      %add3A_824 = arith.addi %mul3A_822, %add3A_823 : i32
      %dma_start3A_825 = arith.constant 0 : i32
      %dma_start3A_826 = tpu.memref_slice %arg10[%add3A_824, %dma_start3A_825] : memref<256x64xf32, #tpu.memory_space<vmem>> -> memref<1x64xf32, #tpu.memory_space<vmem>>
      %dma_start3A_827 = arith.constant 0 : i32
      %dma_start3A_828 = tpu.memref_slice %arg2[%select_n3A_804, %select_n3A_820, %dma_start3A_827] : memref<125000x8x64xf32, #tpu.memory_space<hbm>> -> memref<1x1x64xf32, #tpu.memory_space<hbm>>
      %dma_start3A_829 = tpu.memref_squeeze %dma_start3A_828 : memref<1x1x64xf32, #tpu.memory_space<hbm>> -> memref<1x64xf32, #tpu.memory_space<hbm>>
      %dma_start3A_830 = arith.constant 0 : i32
      %dma_start3A_831 = tpu.memref_slice %arg10[%add3A_824, %dma_start3A_830] : memref<256x64xf32, #tpu.memory_space<vmem>> -> memref<1x64xf32, #tpu.memory_space<vmem>>
      %dma_start3A_832 = arith.constant 0 : i32
      %dma_start3A_833 = tpu.memref_slice %arg2[%select_n3A_804, %select_n3A_820, %dma_start3A_832] : memref<125000x8x64xf32, #tpu.memory_space<hbm>> -> memref<1x1x64xf32, #tpu.memory_space<hbm>>
      %dma_start3A_834 = tpu.memref_squeeze %dma_start3A_833 : memref<1x1x64xf32, #tpu.memory_space<hbm>> -> memref<1x64xf32, #tpu.memory_space<hbm>>
      tpu.enqueue_dma source(%dma_start3A_834 : memref<1x64xf32, #tpu.memory_space<hbm>>) target(%dma_start3A_831 : memref<1x64xf32, #tpu.memory_space<vmem>>) target_semaphore(%arg12 : memref<!tpu.dma_semaphore, #tpu.memory_space<semaphore_mem>>)
      %slice3A_835 = vector.extract_strided_slice %get3A_63 {offsets = [14], sizes = [1], strides = [1]} : vector<16xi32> to vector<1xi32>
      %squeeze3A_836 = vector.extract %slice3A_835[0] : i32 from vector<1xi32>
      %jit3A_837 = arith.constant 8 : i32
      %div3A_838 = arith.divsi %squeeze3A_836, %jit3A_837 : i32
      %sign3A_839 = arith.constant 0 : i32
      %sign3A_840 = arith.cmpi sgt, %squeeze3A_836, %sign3A_839 : i32
      %sign3A_841 = arith.extui %sign3A_840 : i1 to i32
      %sign3A_842 = arith.constant 0 : i32
      %sign3A_843 = arith.cmpi slt, %squeeze3A_836, %sign3A_842 : i32
      %sign3A_844 = arith.extui %sign3A_843 : i1 to i32
      %sign3A_845 = arith.subi %sign3A_841, %sign3A_844 : i32
      %sign3A_846 = arith.constant 0 : i32
      %sign3A_847 = arith.cmpi sgt, %jit3A_837, %sign3A_846 : i32
      %sign3A_848 = arith.extui %sign3A_847 : i1 to i32
      %sign3A_849 = arith.constant 0 : i32
      %sign3A_850 = arith.cmpi slt, %jit3A_837, %sign3A_849 : i32
      %sign3A_851 = arith.extui %sign3A_850 : i1 to i32
      %sign3A_852 = arith.subi %sign3A_848, %sign3A_851 : i32
      %ne3A_853 = arith.cmpi ne, %sign3A_845, %sign3A_852 : i32
      %rem3A_854 = arith.remsi %squeeze3A_836, %jit3A_837 : i32
      %ne3A_855 = arith.constant 0 : i32
      %ne3A_856 = arith.cmpi ne, %rem3A_854, %ne3A_855 : i32
      %and3A_857 = arith.andi %ne3A_853, %ne3A_856 : i1
      %sub3A_858 = arith.constant 1 : i32
      %sub3A_859 = arith.subi %div3A_838, %sub3A_858 : i32
      %select_n3A_860 = arith.select %and3A_857, %sub3A_859, %div3A_838 : i32
      %jit3A_861 = arith.constant 8 : i32
      %eq3A_862 = arith.constant 0 : i32
      %eq3A_863 = arith.cmpi eq, %jit3A_861, %eq3A_862 : i32
      %jit3A_864 = arith.constant 1 : i32
      %select_n3A_865 = arith.select %eq3A_863, %jit3A_864, %jit3A_861 : i32
      %rem3A_866 = arith.remsi %squeeze3A_836, %select_n3A_865 : i32
      %ne3A_867 = arith.constant 0 : i32
      %ne3A_868 = arith.cmpi ne, %rem3A_866, %ne3A_867 : i32
      %lt3A_869 = arith.constant 0 : i32
      %lt3A_870 = arith.cmpi slt, %rem3A_866, %lt3A_869 : i32
      %lt3A_871 = arith.constant 0 : i32
      %lt3A_872 = arith.cmpi slt, %select_n3A_865, %lt3A_871 : i32
      %ne3A_873 = arith.xori %lt3A_870, %lt3A_872 : i1
      %and3A_874 = arith.andi %ne3A_873, %ne3A_868 : i1
      %add3A_875 = arith.addi %rem3A_866, %select_n3A_865 : i32
      %select_n3A_876 = arith.select %and3A_874, %add3A_875, %rem3A_866 : i32
      %mul3A_877 = arith.constant 16 : i32
      %mul3A_878 = arith.muli %scan3A_57, %mul3A_877 : i32
      %add3A_879 = arith.constant 14 : i32
      %add3A_880 = arith.addi %mul3A_878, %add3A_879 : i32
      %dma_start3A_881 = arith.constant 0 : i32
      %dma_start3A_882 = tpu.memref_slice %arg10[%add3A_880, %dma_start3A_881] : memref<256x64xf32, #tpu.memory_space<vmem>> -> memref<1x64xf32, #tpu.memory_space<vmem>>
      %dma_start3A_883 = arith.constant 0 : i32
      %dma_start3A_884 = tpu.memref_slice %arg2[%select_n3A_860, %select_n3A_876, %dma_start3A_883] : memref<125000x8x64xf32, #tpu.memory_space<hbm>> -> memref<1x1x64xf32, #tpu.memory_space<hbm>>
      %dma_start3A_885 = tpu.memref_squeeze %dma_start3A_884 : memref<1x1x64xf32, #tpu.memory_space<hbm>> -> memref<1x64xf32, #tpu.memory_space<hbm>>
      %dma_start3A_886 = arith.constant 0 : i32
      %dma_start3A_887 = tpu.memref_slice %arg10[%add3A_880, %dma_start3A_886] : memref<256x64xf32, #tpu.memory_space<vmem>> -> memref<1x64xf32, #tpu.memory_space<vmem>>
      %dma_start3A_888 = arith.constant 0 : i32
      %dma_start3A_889 = tpu.memref_slice %arg2[%select_n3A_860, %select_n3A_876, %dma_start3A_888] : memref<125000x8x64xf32, #tpu.memory_space<hbm>> -> memref<1x1x64xf32, #tpu.memory_space<hbm>>
      %dma_start3A_890 = tpu.memref_squeeze %dma_start3A_889 : memref<1x1x64xf32, #tpu.memory_space<hbm>> -> memref<1x64xf32, #tpu.memory_space<hbm>>
      tpu.enqueue_dma source(%dma_start3A_890 : memref<1x64xf32, #tpu.memory_space<hbm>>) target(%dma_start3A_887 : memref<1x64xf32, #tpu.memory_space<vmem>>) target_semaphore(%arg12 : memref<!tpu.dma_semaphore, #tpu.memory_space<semaphore_mem>>)
      %slice3A_891 = vector.extract_strided_slice %get3A_63 {offsets = [15], sizes = [1], strides = [1]} : vector<16xi32> to vector<1xi32>
      %squeeze3A_892 = vector.extract %slice3A_891[0] : i32 from vector<1xi32>
      %jit3A_893 = arith.constant 8 : i32
      %div3A_894 = arith.divsi %squeeze3A_892, %jit3A_893 : i32
      %sign3A_895 = arith.constant 0 : i32
      %sign3A_896 = arith.cmpi sgt, %squeeze3A_892, %sign3A_895 : i32
      %sign3A_897 = arith.extui %sign3A_896 : i1 to i32
      %sign3A_898 = arith.constant 0 : i32
      %sign3A_899 = arith.cmpi slt, %squeeze3A_892, %sign3A_898 : i32
      %sign3A_900 = arith.extui %sign3A_899 : i1 to i32
      %sign3A_901 = arith.subi %sign3A_897, %sign3A_900 : i32
      %sign3A_902 = arith.constant 0 : i32
      %sign3A_903 = arith.cmpi sgt, %jit3A_893, %sign3A_902 : i32
      %sign3A_904 = arith.extui %sign3A_903 : i1 to i32
      %sign3A_905 = arith.constant 0 : i32
      %sign3A_906 = arith.cmpi slt, %jit3A_893, %sign3A_905 : i32
      %sign3A_907 = arith.extui %sign3A_906 : i1 to i32
      %sign3A_908 = arith.subi %sign3A_904, %sign3A_907 : i32
      %ne3A_909 = arith.cmpi ne, %sign3A_901, %sign3A_908 : i32
      %rem3A_910 = arith.remsi %squeeze3A_892, %jit3A_893 : i32
      %ne3A_911 = arith.constant 0 : i32
      %ne3A_912 = arith.cmpi ne, %rem3A_910, %ne3A_911 : i32
      %and3A_913 = arith.andi %ne3A_909, %ne3A_912 : i1
      %sub3A_914 = arith.constant 1 : i32
      %sub3A_915 = arith.subi %div3A_894, %sub3A_914 : i32
      %select_n3A_916 = arith.select %and3A_913, %sub3A_915, %div3A_894 : i32
      %jit3A_917 = arith.constant 8 : i32
      %eq3A_918 = arith.constant 0 : i32
      %eq3A_919 = arith.cmpi eq, %jit3A_917, %eq3A_918 : i32
      %jit3A_920 = arith.constant 1 : i32
      %select_n3A_921 = arith.select %eq3A_919, %jit3A_920, %jit3A_917 : i32
      %rem3A_922 = arith.remsi %squeeze3A_892, %select_n3A_921 : i32
      %ne3A_923 = arith.constant 0 : i32
      %ne3A_924 = arith.cmpi ne, %rem3A_922, %ne3A_923 : i32
      %lt3A_925 = arith.constant 0 : i32
      %lt3A_926 = arith.cmpi slt, %rem3A_922, %lt3A_925 : i32
      %lt3A_927 = arith.constant 0 : i32
      %lt3A_928 = arith.cmpi slt, %select_n3A_921, %lt3A_927 : i32
      %ne3A_929 = arith.xori %lt3A_926, %lt3A_928 : i1
      %and3A_930 = arith.andi %ne3A_929, %ne3A_924 : i1
      %add3A_931 = arith.addi %rem3A_922, %select_n3A_921 : i32
      %select_n3A_932 = arith.select %and3A_930, %add3A_931, %rem3A_922 : i32
      %mul3A_933 = arith.constant 16 : i32
      %mul3A_934 = arith.muli %scan3A_57, %mul3A_933 : i32
      %add3A_935 = arith.constant 15 : i32
      %add3A_936 = arith.addi %mul3A_934, %add3A_935 : i32
      %dma_start3A_937 = arith.constant 0 : i32
      %dma_start3A_938 = tpu.memref_slice %arg10[%add3A_936, %dma_start3A_937] : memref<256x64xf32, #tpu.memory_space<vmem>> -> memref<1x64xf32, #tpu.memory_space<vmem>>
      %dma_start3A_939 = arith.constant 0 : i32
      %dma_start3A_940 = tpu.memref_slice %arg2[%select_n3A_916, %select_n3A_932, %dma_start3A_939] : memref<125000x8x64xf32, #tpu.memory_space<hbm>> -> memref<1x1x64xf32, #tpu.memory_space<hbm>>
      %dma_start3A_941 = tpu.memref_squeeze %dma_start3A_940 : memref<1x1x64xf32, #tpu.memory_space<hbm>> -> memref<1x64xf32, #tpu.memory_space<hbm>>
      %dma_start3A_942 = arith.constant 0 : i32
      %dma_start3A_943 = tpu.memref_slice %arg10[%add3A_936, %dma_start3A_942] : memref<256x64xf32, #tpu.memory_space<vmem>> -> memref<1x64xf32, #tpu.memory_space<vmem>>
      %dma_start3A_944 = arith.constant 0 : i32
      %dma_start3A_945 = tpu.memref_slice %arg2[%select_n3A_916, %select_n3A_932, %dma_start3A_944] : memref<125000x8x64xf32, #tpu.memory_space<hbm>> -> memref<1x1x64xf32, #tpu.memory_space<hbm>>
      %dma_start3A_946 = tpu.memref_squeeze %dma_start3A_945 : memref<1x1x64xf32, #tpu.memory_space<hbm>> -> memref<1x64xf32, #tpu.memory_space<hbm>>
      tpu.enqueue_dma source(%dma_start3A_946 : memref<1x64xf32, #tpu.memory_space<hbm>>) target(%dma_start3A_943 : memref<1x64xf32, #tpu.memory_space<vmem>>) target_semaphore(%arg12 : memref<!tpu.dma_semaphore, #tpu.memory_space<semaphore_mem>>)
    }
    %scan3A_40 = arith.constant 16 : i32
    %dma_wait3A_41 = arith.constant 0 : i32
    %dma_wait3A_42 = arith.constant 0 : i32
    %dma_wait3A_43 = tpu.memref_slice %arg5[%dma_wait3A_41, %dma_wait3A_42] : memref<16384x64xf32, #tpu.memory_space<hbm>> -> memref<256x64xf32, #tpu.memory_space<hbm>>
    %dma_wait3A_44 = arith.constant 0 : i32
    %dma_wait3A_45 = arith.constant 0 : i32
    %dma_wait3A_46 = tpu.memref_slice %arg5[%dma_wait3A_44, %dma_wait3A_45] : memref<16384x64xf32, #tpu.memory_space<hbm>> -> memref<256x64xf32, #tpu.memory_space<hbm>>
    tpu.wait_dma2 semaphore(%arg11 : memref<!tpu.dma_semaphore, #tpu.memory_space<semaphore_mem>>) src(%dma_wait3A_46 : memref<256x64xf32, #tpu.memory_space<hbm>>) dst(%arg9 : memref<256x64xf32, #tpu.memory_space<vmem>>)
    %add3A_47 = arith.constant 0 : i32
    %add3A_48 = arith.addi %mul3A_2, %add3A_47 : i32
    "tpu.region"() ({
      %run_scoped3A = tpu.sem_alloc : memref<!tpu.dma_semaphore, #tpu.memory_space<semaphore_mem>>
      %dma_start3A = arith.constant 0 : i32
      %dma_start3A_57 = tpu.memref_slice %arg6[%add3A_48, %dma_start3A] : memref<16384x64xf32, #tpu.memory_space<hbm>> -> memref<256x64xf32, #tpu.memory_space<hbm>>
      %dma_start3A_58 = arith.constant 0 : i32
      %dma_start3A_59 = tpu.memref_slice %arg6[%add3A_48, %dma_start3A_58] : memref<16384x64xf32, #tpu.memory_space<hbm>> -> memref<256x64xf32, #tpu.memory_space<hbm>>
      tpu.enqueue_dma source(%arg9 : memref<256x64xf32, #tpu.memory_space<vmem>>) target(%dma_start3A_59 : memref<256x64xf32, #tpu.memory_space<hbm>>) target_semaphore(%run_scoped3A : memref<!tpu.dma_semaphore, #tpu.memory_space<semaphore_mem>>)
      %dma_wait3A_60 = arith.constant 0 : i32
      %dma_wait3A_61 = tpu.memref_slice %arg6[%add3A_48, %dma_wait3A_60] : memref<16384x64xf32, #tpu.memory_space<hbm>> -> memref<256x64xf32, #tpu.memory_space<hbm>>
      %dma_wait3A_62 = arith.constant 0 : i32
      %dma_wait3A_63 = tpu.memref_slice %arg6[%add3A_48, %dma_wait3A_62] : memref<16384x64xf32, #tpu.memory_space<hbm>> -> memref<256x64xf32, #tpu.memory_space<hbm>>
      tpu.wait_dma2 semaphore(%run_scoped3A : memref<!tpu.dma_semaphore, #tpu.memory_space<semaphore_mem>>) src(%arg9 : memref<256x64xf32, #tpu.memory_space<vmem>>) dst(%dma_wait3A_63 : memref<256x64xf32, #tpu.memory_space<hbm>>)
      tpu.yield
    }) : () -> ()
    %dma_wait3A_49 = arith.constant 0 : i32
    %dma_wait3A_50 = arith.constant 0 : i32
    %dma_wait3A_51 = tpu.memref_slice %arg5[%dma_wait3A_49, %dma_wait3A_50] : memref<16384x64xf32, #tpu.memory_space<hbm>> -> memref<256x64xf32, #tpu.memory_space<hbm>>
    %dma_wait3A_52 = arith.constant 0 : i32
    %dma_wait3A_53 = arith.constant 0 : i32
    %dma_wait3A_54 = tpu.memref_slice %arg5[%dma_wait3A_52, %dma_wait3A_53] : memref<16384x64xf32, #tpu.memory_space<hbm>> -> memref<256x64xf32, #tpu.memory_space<hbm>>
    tpu.wait_dma2 semaphore(%arg12 : memref<!tpu.dma_semaphore, #tpu.memory_space<semaphore_mem>>) src(%dma_wait3A_54 : memref<256x64xf32, #tpu.memory_space<hbm>>) dst(%arg10 : memref<256x64xf32, #tpu.memory_space<vmem>>)
    %add3A_55 = arith.constant 256 : i32
    %add3A_56 = arith.addi %mul3A_2, %add3A_55 : i32
    "tpu.region"() ({
      %run_scoped3A = tpu.sem_alloc : memref<!tpu.dma_semaphore, #tpu.memory_space<semaphore_mem>>
      %dma_start3A = arith.constant 0 : i32
      %dma_start3A_57 = tpu.memref_slice %arg6[%add3A_56, %dma_start3A] : memref<16384x64xf32, #tpu.memory_space<hbm>> -> memref<256x64xf32, #tpu.memory_space<hbm>>
      %dma_start3A_58 = arith.constant 0 : i32
      %dma_start3A_59 = tpu.memref_slice %arg6[%add3A_56, %dma_start3A_58] : memref<16384x64xf32, #tpu.memory_space<hbm>> -> memref<256x64xf32, #tpu.memory_space<hbm>>
      tpu.enqueue_dma source(%arg10 : memref<256x64xf32, #tpu.memory_space<vmem>>) target(%dma_start3A_59 : memref<256x64xf32, #tpu.memory_space<hbm>>) target_semaphore(%run_scoped3A : memref<!tpu.dma_semaphore, #tpu.memory_space<semaphore_mem>>)
      %dma_wait3A_60 = arith.constant 0 : i32
      %dma_wait3A_61 = tpu.memref_slice %arg6[%add3A_56, %dma_wait3A_60] : memref<16384x64xf32, #tpu.memory_space<hbm>> -> memref<256x64xf32, #tpu.memory_space<hbm>>
      %dma_wait3A_62 = arith.constant 0 : i32
      %dma_wait3A_63 = tpu.memref_slice %arg6[%add3A_56, %dma_wait3A_62] : memref<16384x64xf32, #tpu.memory_space<hbm>> -> memref<256x64xf32, #tpu.memory_space<hbm>>
      tpu.wait_dma2 semaphore(%run_scoped3A : memref<!tpu.dma_semaphore, #tpu.memory_space<semaphore_mem>>) src(%arg10 : memref<256x64xf32, #tpu.memory_space<vmem>>) dst(%dma_wait3A_63 : memref<256x64xf32, #tpu.memory_space<hbm>>)
      tpu.yield
    }) : () -> ()
    return
  }
}

module attributes {stable_mosaic.version = 14 : i64} {
  func.func @body(%arg0: i32, %arg1: memref<1024x64xf32, #tpu.memory_space<vmem>>, %arg2: memref<1024x64xf32, #tpu.memory_space<vmem>>, %arg3: memref<64x128xf32, #tpu.memory_space<vmem>>, %arg4: memref<1x128xf32, #tpu.memory_space<vmem>>, %arg5: memref<1024x128xf32, #tpu.memory_space<vmem>>, %arg6: memref<1024x128xf32, #tpu.memory_space<vmem>>) attributes {dimension_semantics = [#tpu.dimension_semantics<arbitrary>], iteration_bounds = array<i64: 16>, scalar_prefetch = 0 : i64, scratch_operands = 0 : i64, tpu.core_type = #tpu.core_type<tc>, window_params = [{transform_indices = @transform_0, window_bounds = array<i64: 1024, 64>}, {transform_indices = @transform_1, window_bounds = array<i64: 1024, 64>}, {pipeline_mode = #tpu.pipeline_mode<synchronous>, transform_indices = @transform_2, window_bounds = array<i64: 64, 128>}, {pipeline_mode = #tpu.pipeline_mode<synchronous>, transform_indices = @transform_3, window_bounds = array<i64: 1, 128>}, {transform_indices = @transform_4, window_bounds = array<i64: 1024, 128>}, {transform_indices = @transform_5, window_bounds = array<i64: 1024, 128>}]} {
    %get3A = arith.constant 0 : index
    %get3A_0 = arith.constant 0 : index
    %get3A_1 = vector.load %arg3[%get3A, %get3A_0] : memref<64x128xf32, #tpu.memory_space<vmem>>, vector<64x128xf32>
    %get3A_2 = arith.constant 0 : index
    %get3A_3 = arith.constant 0 : index
    %get3A_4 = vector.load %arg4[%get3A_2, %get3A_3] : memref<1x128xf32, #tpu.memory_space<vmem>>, vector<1x128xf32>
    %get3A_5 = arith.constant 0 : index
    %get3A_6 = arith.constant 0 : index
    %get3A_7 = vector.load %arg1[%get3A_5, %get3A_6] : memref<1024x64xf32, #tpu.memory_space<vmem>>, vector<1024x64xf32>
    %dot_general3A = arith.constant dense<0.000000e+00> : vector<1024x128xf32>
    %dot_general3A_8 = tpu.matmul %get3A_7, %get3A_1, %dot_general3A {dimension_numbers = #tpu.dot_dimension_numbers<[1], [0], [0], [1], [0, 0, 1, 1], [], []>, transpose_lhs_hint = false} : vector<1024x64xf32>, vector<64x128xf32>, vector<1024x128xf32> -> vector<1024x128xf32>
    %add3A = vector.broadcast %get3A_4 : vector<1x128xf32> to vector<1024x128xf32>
    %add3A_9 = arith.addf %dot_general3A_8, %add3A : vector<1024x128xf32>
    %max3A = arith.constant 0.000000e+00 : f32
    %max3A_10 = vector.broadcast %max3A : f32 to vector<1024x128xf32>
    %max3A_11 = arith.maximumf %add3A_9, %max3A_10 : vector<1024x128xf32>
    %swap3A = arith.constant 0 : index
    %swap3A_12 = arith.constant 0 : index
    %swap3A_13 = vector.load %arg5[%swap3A, %swap3A_12] : memref<1024x128xf32, #tpu.memory_space<vmem>>, vector<1024x128xf32>
    tpu.vector_store %arg5[%swap3A, %swap3A_12], %max3A_11 {strides = array<i32>} : memref<1024x128xf32, #tpu.memory_space<vmem>>, vector<1024x128xf32>,
    %get3A_14 = arith.constant 0 : index
    %get3A_15 = arith.constant 0 : index
    %get3A_16 = vector.load %arg2[%get3A_14, %get3A_15] : memref<1024x64xf32, #tpu.memory_space<vmem>>, vector<1024x64xf32>
    %dot_general3A_17 = arith.constant dense<0.000000e+00> : vector<1024x128xf32>
    %dot_general3A_18 = tpu.matmul %get3A_16, %get3A_1, %dot_general3A_17 {dimension_numbers = #tpu.dot_dimension_numbers<[1], [0], [0], [1], [0, 0, 1, 1], [], []>, transpose_lhs_hint = false} : vector<1024x64xf32>, vector<64x128xf32>, vector<1024x128xf32> -> vector<1024x128xf32>
    %add3A_19 = vector.broadcast %get3A_4 : vector<1x128xf32> to vector<1024x128xf32>
    %add3A_20 = arith.addf %dot_general3A_18, %add3A_19 : vector<1024x128xf32>
    %max3A_21 = arith.constant 0.000000e+00 : f32
    %max3A_22 = vector.broadcast %max3A_21 : f32 to vector<1024x128xf32>
    %max3A_23 = arith.maximumf %add3A_20, %max3A_22 : vector<1024x128xf32>
    %swap3A_24 = arith.constant 0 : index
    %swap3A_25 = arith.constant 0 : index
    %swap3A_26 = vector.load %arg6[%swap3A_24, %swap3A_25] : memref<1024x128xf32, #tpu.memory_space<vmem>>, vector<1024x128xf32>
    tpu.vector_store %arg6[%swap3A_24, %swap3A_25], %max3A_23 {strides = array<i32>} : memref<1024x128xf32, #tpu.memory_space<vmem>>, vector<1024x128xf32>,
    return
  }
  func.func @transform_0(%arg0: i32) -> (i32, i32) {
    %c0_i32 = arith.constant 0 : i32
    %c0_i32_0 = arith.constant 0 : i32
    return %arg0, %c0_i32 : i32, i32
  }
  func.func @transform_1(%arg0: i32) -> (i32, i32) {
    %c0_i32 = arith.constant 0 : i32
    %c0_i32_0 = arith.constant 0 : i32
    return %arg0, %c0_i32 : i32, i32
  }
  func.func @transform_2(%arg0: i32) -> (i32, i32) {
    %c0_i32 = arith.constant 0 : i32
    %c0_i32_0 = arith.constant 0 : i32
    %c0_i32_1 = arith.constant 0 : i32
    return %c0_i32, %c0_i32_0 : i32, i32
  }
  func.func @transform_3(%arg0: i32) -> (i32, i32) {
    %c0_i32 = arith.constant 0 : i32
    %c0_i32_0 = arith.constant 0 : i32
    %c0_i32_1 = arith.constant 0 : i32
    return %c0_i32, %c0_i32_0 : i32, i32
  }
  func.func @transform_4(%arg0: i32) -> (i32, i32) {
    %c0_i32 = arith.constant 0 : i32
    %c0_i32_0 = arith.constant 0 : i32
    return %arg0, %c0_i32 : i32, i32
  }
  func.func @transform_5(%arg0: i32) -> (i32, i32) {
    %c0_i32 = arith.constant 0 : i32
    %c0_i32_0 = arith.constant 0 : i32
    return %arg0, %c0_i32 : i32, i32
  }
}

</mosaic_0001>

<sc_bundles>
// kernel: _impl.4.cloned.1.call-start
scs
__scs_entry_jumppad:
0x0: {  	(pc) =	sbr.rel $0x88, $3  }
0x1: {  	(tag) =	ssettag $0x0;
	lr =	simm.s32 $0x1  }
0x2: {  	[smem:$0x3F9C] =	sst lr;
	_ =	strace $0xD0000000  }
0x3: {  	_ = 	snop  }
0x4: {  	_ = 	snop  }
0x5: {  	_ = 	snop  }
0x6: {  	_ = 	snop  }
0x7: {  	_ = 	snop  }
__scs_overlays_trampoline_lowered:
0x8: {  	[smem:$0x3FAB] =	sst s0  }
0x9: {  	[smem:$0x3FAC] =	sst s1  }
0xa: {  	[smem:$0x3FAD] =	sst s2  }
0xb: {  	[smem:$0x3FAE] =	sst s3  }
0xc: {  	[smem:$0x3FAF] =	sst s4  }
0xd: {  	[smem:$0x3FB0] =	sst s5  }
0xe: {  	[smem:$0x3FB1] =	sst s6  }
0xf: {  	[smem:$0x3FB2] =	sst s7  }
0x10: {  	[smem:$0x3FB3] =	sst s8  }
0x11: {  	[smem:$0x3FB4] =	sst s9;
	s0 =	simm.s32 @!p0 $0x0  }
0x12: {  	s1 =	sld [smem:$0x3F9A];
	s0 =	simm.s32 @p0 $0x1  }
0x13: {  	[smem:$0x3FB5] =	sst s0;
	s0 =	simm.s32 @!p1 $0x0  }
0x14: {  	s2 =	sld [smem:$0x3F99];
	s0 =	simm.s32 @p1 $0x1  }
0x15: {  	[smem:$0x3FB6] =	sst s0;
	s0 =	simm.s32 @!p2 $0x0  }
0x16: {  	s3 =	sld [smem:$0x3FDB];
	s0 =	simm.s32 @p2 $0x1  }
0x17: {  	s4 =	simm.s32 $0x1BF5;
	[smem:$0x3FB8] =	sst s0  }
0x18: {  	s0 =	sld [smem:$0x3F9B];
	_ =	swait.ge [sflag:s4], $0x0  }
0x19: {  	s7 =	sld [smem:$0x3F9C]  }
0x1a: {  	s8 =	sadd.s32 $0xFFFFE003, lr  }
0x1b: {  	s9 =	sadd.s32 $0xFFFFFEF7, lr;
	s5 =	simm.s32 $0xFFFFFFFF;
	p2 =	slt.u32 s8, $0xFFFFF086  }
0x1c: {  	p1 =	slt.u32 s9, $0xF7A;
	s5 =	simm.s32 @!p2 $0x0  }
0x1d: {  	s5 =	simm.s32 @p1 $0x1;
	p0 =	seq.s32 s7, s2  }
0x1e: {  	s7 =	smul.u32 @!p0 $0xF7A, s2;
	p2 =	seq.s32 @!p0 s5, $0x0  }
0x1f: {  	s9 =	smul.u32 $0xF7A, s1;
	s8 =	simm.s32 @!p0 $0x1BF5;
	p2 =	por !p2, p0  }
0x20: {  	[sflag:s8] =	ssyncset.s32 @!p0 $0xFFFFF086;
	s6 =	sadd.s32 @!p0 s3, s7;
	s7 =	simm.s32 @!p0 $0x108  }
0x21: {  	s3 =	sadd.s32 s3, s9;
	s6 =	sadd.s32 @!p0 $0x88, s6;
	s7 =	simm.s32 @p2 $0x1082  }
0x22: {  	[simem:s7], [sflag:s8] =	dma.local @!p0 [hbm:s6], $0xF7A  }
0x23: {  	s9 =	sor.u32 $0xD0000000, s2;
	s6 =	simm.s32 $0x108;
	_ =	swait.ge @!p0 [sflag:s8], $0x0  }
0x24: {  	s3 =	sadd.s32 $0x88, s3;
	s6 =	simm.s32 @!p1 $0x1082;
	[sflag:s4] =	ssyncset.s32 $0xFFFFF086  }
0x25: {  	[simem:s6], [sflag:s4] =	dma.local [hbm:s3], $0xF7A  }
0x26: {  	[smem:$0x3F9C] =	sst s1;
	(tag) =	ssettag s2;
	_ =	strace s9  }
0x27: {  	s1 =	sld [smem:$0x3FAC]  }
0x28: {  	s2 =	sld [smem:$0x3FAD]  }
0x29: {  	s4 =	sld [smem:$0x3FAF]  }
0x2a: {  	p0 =	seq.s32 s5, $0x0;
	s5 =	sld [smem:$0x3FB0]  }
0x2b: {  	s6 =	sld [smem:$0x3FB1]  }
0x2c: {  	s7 =	sld [smem:$0x3FB2]  }
0x2d: {  	s3 =	simm.s32 $0x108;
	s8 =	sld [smem:$0x3FB3]  }
0x2e: {  	s3 =	simm.s32 @!p0 $0x1082;
	s9 =	sld [smem:$0x3FB4]  }
0x2f: {  	lr =	sadd.s32 s0, s3;
	s0 =	sld [smem:$0x3FAB]  }
0x30: {  	s3 =	sld [smem:$0x3FAE]  }
0x31: {  	[smem:$0x3FB7] =	sst s10  }
0x32: {  	s10 =	sld [smem:$0x3FB5];
	_ =	sdelay $0x3  }
0x33: {  	p0 =	seq.s32 s10, $0x1;
	s10 =	sld [smem:$0x3FB7];
	_ =	sdelay $0x3  }
0x34: {  	[smem:$0x3FB7] =	sst s10  }
0x35: {  	s10 =	sld [smem:$0x3FB6];
	_ =	sdelay $0x3  }
0x36: {  	p1 =	seq.s32 s10, $0x1;
	s10 =	sld [smem:$0x3FB7];
	_ =	sdelay $0x3  }
0x37: {  	[smem:$0x3FB7] =	sst s10  }
0x38: {  	s10 =	sld [smem:$0x3FB8]  }
0x39: {  	_ = 	snop;
	(pc) =	sbr.ind lr, $3  }
0x3a: {  	_ = 	snop  }
0x3b: {  	_ = 	snop  }
0x3c: {  	p2 =	seq.s32 s10, $0x1;
	s10 =	sld [smem:$0x3FB7]  }
0x3d: {  	_ =	shalt  }
0x3e: {  	_ =	shalt  }
0x3f: {  	_ =	shalt  }
0x40: {  	_ =	shalt  }
0x41: {  	_ =	shalt  }
0x42: {  	_ =	shalt  }
0x43: {  	_ =	shalt  }
0x44: {  	_ =	shalt  }
0x45: {  	_ =	shalt  }
0x46: {  	_ =	shalt  }
0x47: {  	_ =	shalt  }
0x48: {  	_ =	shalt  }
0x49: {  	_ =	shalt  }
0x4a: {  	_ =	shalt  }
0x4b: {  	_ =	shalt  }
0x4c: {  	_ =	shalt  }
0x4d: {  	_ =	shalt  }
0x4e: {  	_ =	shalt  }
0x4f: {  	_ =	shalt  }
0x50: {  	_ =	shalt  }
0x51: {  	_ =	shalt  }
0x52: {  	_ =	shalt  }
0x53: {  	_ =	shalt  }
0x54: {  	_ =	shalt  }
0x55: {  	_ =	shalt  }
0x56: {  	_ =	shalt  }
0x57: {  	_ =	shalt  }
0x58: {  	_ =	shalt  }
0x59: {  	_ =	shalt  }
0x5a: {  	_ =	shalt  }
0x5b: {  	_ =	shalt  }
0x5c: {  	_ =	shalt  }
0x5d: {  	_ =	shalt  }
0x5e: {  	_ =	shalt  }
0x5f: {  	_ =	shalt  }
0x60: {  	_ =	shalt  }
0x61: {  	_ =	shalt  }
0x62: {  	_ =	shalt  }
0x63: {  	_ =	shalt  }
0x64: {  	_ =	shalt  }
0x65: {  	_ =	shalt  }
0x66: {  	_ =	shalt  }
0x67: {  	_ =	shalt  }
0x68: {  	_ =	shalt  }
0x69: {  	_ =	shalt  }
0x6a: {  	_ =	shalt  }
0x6b: {  	_ =	shalt  }
0x6c: {  	_ =	shalt  }
0x6d: {  	_ =	shalt  }
0x6e: {  	_ =	shalt  }
0x6f: {  	_ =	shalt  }
0x70: {  	_ =	shalt  }
0x71: {  	_ =	shalt  }
0x72: {  	_ =	shalt  }
0x73: {  	_ =	shalt  }
0x74: {  	_ =	shalt  }
0x75: {  	_ =	shalt  }
0x76: {  	_ =	shalt  }
0x77: {  	_ =	shalt  }
0x78: {  	_ =	shalt  }
0x79: {  	_ =	shalt  }
0x7a: {  	_ =	shalt  }
0x7b: {  	_ =	shalt  }
0x7c: {  	_ =	shalt  }
0x7d: {  	_ =	shalt  }
0x7e: {  	_ =	shalt  }
0x7f: {  	_ =	shalt  }
0x80: {  	_ =	shalt  }
0x81: {  	_ =	shalt  }
0x82: {  	_ =	shalt  }
0x83: {  	_ =	shalt  }
0x84: {  	_ =	shalt  }
0x85: {  	_ =	shalt  }
0x86: {  	_ =	shalt  }
0x87: {  	_ =	shalt  }
.Lfunc_end0:
.L_simem_size_0:
called_computation_lowered:
.L_overlay_start_0:
0x88: {  	s2 =	sld [smem:$0x3FD9]  }
0x89: {  	s3 =	sld [smem:$0x3FFE];
	_ =	sdelay $0x1  }
0x8a: {  	s1 =	srdreg.scid  }
0x8b: {  	s0 =	sand.u32 $0x1, s1  }
0x8c: {  	s14 =	sshll.u32 s0, $0xA;
	s2 =	sadd.s32 s3, s2  }
0x8d: {  	s2 =	sadd.s32 s2, s14  }
0x8e: {  	[smem:$0x3FC3] =	sst s2  }
0x8f: {  	_ = 	snop  }
0x90: {  	s2 =	sld [smem:$0x3FD0];
	_ =	sdelay $0x1  }
0x91: {  	s15 =	sld [smem:$0x3FC6]  }
0x92: {  	s5 =	simm.s32 $0xA;
	s6 =	simm.s32 $0x10;
	s4 =	sld [smem:$0x3FC5]  }
0x93: {  	[smem:s6], [sflag:s5] =	dma.local [hbm:s2], $0x1  }
0x94: {  	_ =	swait.eq [sflag:s5], $0x1  }
0x95: {  	[sflag:s5] =	ssyncset.done $0x0  }
0x96: {  	s16 =	sld [smem:$0x10];
	[sflag:s5] =	ssyncadd.s32 $0xFFFFFFFF  }
0x97: {  	s17 =	sld [smem:$0x11];
	(tm) =	ssettm $0x1  }
0x98: {  	s18 =	sld [smem:$0x3FFB];
	_ =	sdelay $0x3  }
0x99: {  	_ =	strace s18  }
0x9a: {  	s6 =	sld [smem:$0x3FFC];
	_ =	sdelay $0x3  }
0x9b: {  	_ =	strace s6  }
0x9c: {  	s6 =	sld [smem:$0x3FFD];
	_ =	sdelay $0x3  }
0x9d: {  	_ =	strace s6  }
0x9e: {  	_ =	strace $0x8FFFFFFF  }
0x9f: {  	s19 =	sld [smem:$0x3FDB];
	_ =	sdelay $0x1  }
0xa0: {  	s7 =	simm.s32 $_scs_section_size  }
0xa1: {  	s8 =	simm.s32 $_size__tile_overlayer_lowered;
	s9 =	simm.s32 $_tile_overlayer_lowered  }
0xa2: {  	s22 =	simm.s32 $0x1BFF;
	s21 =	sshll.u32 s9, $0x1;
	s6 =	sadd.s32 s7, s19  }
0xa3: {  	s10 =	simm.s32 $0x0;
	s20 =	sshll.u32 s8, $0x1;
	s8 =	sadd.s32 s21, s6  }
0xa4: {  	[timem:s10], [sflag:s22] =	dma.local [hbm:s8], s20  }
0xa5: {  	_ =	swait.ge [sflag:s22], s20  }
0xa6: {  	s7 =	ssub.s32 $0x0, s20;
	[sflag:s22] =	ssyncset.done $0x0  }
0xa7: {  	[sflag:s22] =	ssyncadd.s32 s7;
	_ =	sdelay $0x1  }
0xa8: {  	s23 =	simm.s32 $0x1B8B  }
0xa9: {  	_ =	swait.ge [sflag:s23], $0x1  }
0xaa: {  	[sflag:s23] =	ssyncset.done $0x0  }
0xab: {  	s25 =	simm.s32 $0x1B8E;
	s24 =	sld [smem:$0x3FFE];
	[sflag:s23] =	ssyncadd.s32 $0xFFFFFFFF  }
0xac: {  	s26 =	simm.s32 $execute0_lowered;
	[smem:$0x3FD2] =	sst s25  }
0xad: {  	s8 =	sshll.u32 s26, $0x1;
	_ =	strace $0x80000046;
	[dreg:$0x1] =	wrdreg $0xFFFFFFFF  }
0xae: {  	s28 =	simm.s32 $_size_execute0_lowered;
	s6 =	sadd.s32 s6, s8;
	[dreg:$0x0] =	wrdreg $0x0  }
0xaf: {  	s8 =	sshll.u32 s28, $0x1;
	[dreg:$0x2] =	wrdreg s6  }
0xb0: {  	[dreg:$0x3] =	wrdreg s8  }
0xb1: {  	[dreg:$0x4] =	wrdreg $0xC0  }
0xb2: {  	_ =	task [dreg:s10], $0x5FFFF  }
0xb3: {  	[dreg:$0x1] =	wrdreg $0xFFFFFFFF  }
0xb4: {  	[dreg:$0x0] =	wrdreg $0x60  }
0xb5: {  	[dreg:$0x2] =	wrdreg s24  }
0xb6: {  	[dreg:$0x3] =	wrdreg s15  }
0xb7: {  	[dreg:$0x4] =	wrdreg s4  }
0xb8: {  	[dreg:$0x5] =	wrdreg s17  }
0xb9: {  	[dreg:$0x6] =	wrdreg s16  }
0xba: {  	[dreg:$0x7] =	wrdreg $0x9  }
0xbb: {  	_ =	task.clear_ibuf [dreg:s10], $0x8FFFF;
	_ =	strace $0x90000046  }
0xbc: {  	s29 =	simm.s32 $0x9;
	_ =	strace $0x80000048  }
0xbd: {  	_ =	swait.ge [sflag:s29], $0x1  }
0xbe: {  	[sflag:s29] =	ssyncadd.s32 $0xFFFFFFFF  }
0xbf: {  	_ =	strace $0x90000048  }
0xc0: {  	_ =	sfence  }
0xc1: {  	s30 =	sld [smem:$0x0];
	_ =	sdelay $0x2  }
0xc2: {  	s31 =	sshll.u32 s1, $0xD;
	s1 =	sshrl.u32 s1, $0x2  }
0xc3: {  	s3 =	sand.u32 $0x4000, s31;
	s1 =	sadd.s32 s1, s30  }
0xc4: {  	s0 =	sor.u32 s3, s0;
	s1 =	sshll.u32 s1, $0x11  }
0xc5: {  	s0 =	sor.u32 s1, s0  }
0xc6: {  	s0 =	sadd.s32 $0x8F2B, s0  }
0xc7: {  	[sflag:s0] =	ssyncadd.remote.s32 $0x1  }
0xc8: {  	_ =	sfence.sel $0xFFFF  }
0xc9: {  	[dreg:$0x0] =	wrdreg $0xFFFFFFFF;
	(pc) =	sbr.abs _section_cstart, $3  }
0xca: {  	[dreg:$0x1] =	wrdreg $0xFFFFFFFF  }
0xcb: {  	_ =	task.clear_ibuf [dreg:s10], $0x2FFFF;
	_ =	strace $0x9FFFFFFF  }
0xcc: {  	(tm) =	ssettm $0x7FFFFFFF  }
0xcd: {  	_ =	shalt  }
tec
execute0_lowered:
.L_overlay_start_1:
0x0: {  	(tag) =	ssettag $0x1  }
0x1: {  	s3 =	rddreg [dreg:$0x0]  }
0x2: {  	s4 =	rddreg [dreg:$0x1]  }
0x3: {  	s5 =	rddreg [dreg:$0x2]  }
0x4: {  	s7 =	rddreg [dreg:$0x3]  }
0x5: {  	s9 =	rddreg [dreg:$0x4]  }
0x6: {  	s0 =	rddreg [dreg:$0x5]  }
0x7: {  	s2 =	simm.s32 $0x0;
	s6 =	srdreg.scid;
	s1 =	stileid.u32  }
0x8: {  	s13 =	simm.s32 $0x1;
	s14 =	simm.s32 $0x400;
	s15 =	simm.s32 $0x2  }
0x9: {  	s16 =	simm.s32 $0x4400;
	s17 =	simm.s32 $0x0;
	s6 =	sand.u32 $0x1, s6  }
0xa: {  	[smem:$0x7FF] =	sst s2;
	s10 =	sshll.u32 s1, $0xA;
	s8 =	ssub.s32 $0x2, s6  }
0xb: {  	s3 =	sadd.s32 $0xF43200, s3;
	s6 =	sshll.u32 s6, $0x9;
	s11 =	sshrl.u32 s8, $0x1  }
0xc: {  	_ =	strace $0x80000047;
	s6 =	sor.u32 s6, s10;
	s29 =	ssub.s32 s8, s11  }
0xd: {  	s30 =	sshrl.u32 s6, $0x3;
	s31 =	sshll.u32 s6, $0x3;
	s11 =	simm.s32 $0x3  }
0xe: {  	s4 =	sadd.s32 s4, s30;
	s5 =	sadd.s32 s5, s30;
	s12 =	sor.u32 $0x800, s31  }
0xf: {  	s6 =	sadd.s32 s7, s31;
	s8 =	sadd.s32 s9, s31;
	s10 =	smax.u32 s29, $0x1  }
0x10: {  	s7 =	sadd.s32 s7, s12;
	s9 =	sadd.s32 s9, s12;
	s12 =	simm.s32 $0x200  }
.LBB2_1:
0x11: {  	[tilespmem:s2], [sflag:$0x3] =	stream.linear.gather [hbm4b:s4+s2], $0x200, $0x38;
	[tilespmem:$0x8400] =	vst v63  }
0x12: {  	_ =	swait.ge [sflag:s11], $0x200  }
0x13: {  	[sflag:s11] =	ssyncset.done $0x0  }
0x14: {  	[sflag:s11] =	ssyncadd.s32 $0xFFFFFE00  }
0x15: {  	[tilespmem:s12], [sflag:$0x3] =	stream.linear.gather [hbm4b:s5+s2], $0x200, $0x38;
	[tilespmem:$0x8400] =	vst v63  }
0x16: {  	_ =	swait.ge [sflag:s11], $0x200  }
0x17: {  	[sflag:s11] =	ssyncset.done $0x0  }
0x18: {  	s19 =	simm.s32 $0x0;
	s20 =	simm.s32 $0x0;
	[sflag:s11] =	ssyncadd.s32 $0xFFFFFE00  }
.LBB2_2:
0x19: {  	v0 =	vld [tilespmem:s19+$0x0];
	_ =	sdelay $0x4  }
0x1a: {  	(v2sf) =	vpush v0, $0x0;
	_ =	sdelay $0xe  }
0x1b: {  	s18 =	spop (v2sf);
	(v2sf) =	vpush v0, $0x1  }
0x1c: {  	s21 =	sshra.s32 s18, $0x1F  }
0x1d: {  	s21 =	sshrl.u32 s21, $0x1D  }
0x1e: {  	s21 =	sadd.s32 s21, s18  }
0x1f: {  	s22 =	sand.u32 $0xFFFFFFF8, s21  }
0x20: {  	p0 =	slt.s32 s18, $0x1;
	p1 =	sne.s32 s18, s22  }
0x21: {  	p0 =	por !p0, !p1  }
0x22: {  	s22 =	simm.s32 $0x1;
	p0 =	por !p0, !p0  }
0x23: {  	s21 =	sshrl.u32 s21, $0x3;
	s18 =	sshll.u32 s18, $0x6;
	s22 =	simm.s32 @!p0 $0x0  }
0x24: {  	s18 =	sadd.s32 $0x200, s18;
	s21 =	ssub.s32 s21, s22  }
0x25: {  	s18 =	sand.u32 $0x1C0, s18;
	s21 =	sshll.u32 s21, $0x9  }
0x26: {  	s18 =	sor.u32 s18, s21  }
0x27: {  	s21 =	sshra.s32 s20, $0x2;
	s18 =	sshrl.u32 s18, $0x3  }
0x28: {  	s26 =	sadd.s32 $0x400, s21;
	s23 =	sadd.s32 s3, s18;
	s18 =	simm.s32 $0x0  }
0x29: {  	[tilespmem:s26], [sflag:$0x1] =	stream.linear.gather [hbm4b:s23+s18], $0x40, $0x38;
	[tilespmem:$0x8400] =	vst v63  }
0x2a: {  	s28 =	spop (v2sf);
	(v2sf) =	vpush v0, $0x2  }
0x2b: {  	s29 =	sshra.s32 s28, $0x1F  }
0x2c: {  	s23 =	sshrl.u32 s29, $0x1D  }
0x2d: {  	s23 =	sadd.s32 s23, s28  }
0x2e: {  	s24 =	sand.u32 $0xFFFFFFF8, s23  }
0x2f: {  	p1 =	slt.s32 s28, $0x1;
	p2 =	sne.s32 s28, s24  }
0x30: {  	p0 =	por !p1, !p2  }
0x31: {  	s24 =	simm.s32 $0x1;
	p0 =	por !p0, !p0  }
0x32: {  	s22 =	sshll.u32 s28, $0x6;
	s23 =	sshrl.u32 s23, $0x3;
	s24 =	simm.s32 @!p0 $0x0  }
0x33: {  	s22 =	sadd.s32 $0x200, s22;
	s23 =	ssub.s32 s23, s24  }
0x34: {  	s22 =	sand.u32 $0x1C0, s22;
	s23 =	sshll.u32 s23, $0x9  }
0x35: {  	s22 =	sor.u32 s22, s23  }
0x36: {  	s22 =	sshrl.u32 s22, $0x3  }
0x37: {  	s30 =	sadd.s32 $0x440, s21;
	s22 =	sadd.s32 s3, s22  }
0x38: {  	[tilespmem:s30], [sflag:$0x1] =	stream.linear.gather [hbm4b:s22+s18], $0x40, $0x38;
	[tilespmem:$0x8400] =	vst v63  }
0x39: {  	s31 =	spop (v2sf);
	(v2sf) =	vpush v0, $0x3  }
0x3a: {  	s25 =	sshra.s32 s31, $0x1F  }
0x3b: {  	s23 =	sshrl.u32 s25, $0x1D  }
0x3c: {  	s23 =	sadd.s32 s23, s31  }
0x3d: {  	s26 =	sand.u32 $0xFFFFFFF8, s23  }
0x3e: {  	p3 =	slt.s32 s31, $0x1;
	p4 =	sne.s32 s31, s26  }
0x3f: {  	p0 =	por !p3, !p4  }
0x40: {  	s24 =	simm.s32 $0x1;
	p0 =	por !p0, !p0  }
0x41: {  	s22 =	sshll.u32 s31, $0x6;
	s23 =	sshrl.u32 s23, $0x3;
	s24 =	simm.s32 @!p0 $0x0  }
0x42: {  	s22 =	sadd.s32 $0x200, s22;
	s23 =	ssub.s32 s23, s24  }
0x43: {  	s22 =	sand.u32 $0x1C0, s22;
	s23 =	sshll.u32 s23, $0x9  }
0x44: {  	s22 =	sor.u32 s22, s23  }
0x45: {  	s22 =	sshrl.u32 s22, $0x3  }
0x46: {  	s28 =	sadd.s32 $0x480, s21;
	s22 =	sadd.s32 s3, s22  }
0x47: {  	[tilespmem:s28], [sflag:$0x1] =	stream.linear.gather [hbm4b:s22+s18], $0x40, $0x38;
	[tilespmem:$0x8400] =	vst v63  }
0x48: {  	s29 =	spop (v2sf);
	(v2sf) =	vpush v0, $0x4  }
0x49: {  	s30 =	sshra.s32 s29, $0x1F  }
0x4a: {  	s23 =	sshrl.u32 s30, $0x1D  }
0x4b: {  	s23 =	sadd.s32 s23, s29  }
0x4c: {  	s31 =	sand.u32 $0xFFFFFFF8, s23  }
0x4d: {  	p5 =	slt.s32 s29, $0x1;
	p6 =	sne.s32 s29, s31  }
0x4e: {  	p0 =	por !p5, !p6  }
0x4f: {  	s24 =	simm.s32 $0x1;
	p0 =	por !p0, !p0  }
0x50: {  	s22 =	sshll.u32 s29, $0x6;
	s23 =	sshrl.u32 s23, $0x3;
	s24 =	simm.s32 @!p0 $0x0  }
0x51: {  	s22 =	sadd.s32 $0x200, s22;
	s23 =	ssub.s32 s23, s24  }
0x52: {  	s22 =	sand.u32 $0x1C0, s22;
	s23 =	sshll.u32 s23, $0x9  }
0x53: {  	s22 =	sor.u32 s22, s23  }
0x54: {  	s22 =	sshrl.u32 s22, $0x3  }
0x55: {  	s25 =	sadd.s32 $0x4C0, s21;
	s22 =	sadd.s32 s3, s22  }
0x56: {  	[tilespmem:s25], [sflag:$0x1] =	stream.linear.gather [hbm4b:s22+s18], $0x40, $0x38;
	[tilespmem:$0x8400] =	vst v63  }
0x57: {  	s26 =	spop (v2sf);
	(v2sf) =	vpush v0, $0x5  }
0x58: {  	s28 =	sshra.s32 s26, $0x1F  }
0x59: {  	s23 =	sshrl.u32 s28, $0x1D  }
0x5a: {  	s23 =	sadd.s32 s23, s26  }
0x5b: {  	s29 =	sand.u32 $0xFFFFFFF8, s23  }
0x5c: {  	p1 =	slt.s32 s26, $0x1;
	p2 =	sne.s32 s26, s29  }
0x5d: {  	p0 =	por !p1, !p2  }
0x5e: {  	s24 =	simm.s32 $0x1;
	p0 =	por !p0, !p0  }
0x5f: {  	s22 =	sshll.u32 s26, $0x6;
	s23 =	sshrl.u32 s23, $0x3;
	s24 =	simm.s32 @!p0 $0x0  }
0x60: {  	s22 =	sadd.s32 $0x200, s22;
	s23 =	ssub.s32 s23, s24  }
0x61: {  	s22 =	sand.u32 $0x1C0, s22;
	s23 =	sshll.u32 s23, $0x9  }
0x62: {  	s22 =	sor.u32 s22, s23  }
0x63: {  	s22 =	sshrl.u32 s22, $0x3  }
0x64: {  	s30 =	sadd.s32 $0x500, s21;
	s22 =	sadd.s32 s3, s22  }
0x65: {  	[tilespmem:s30], [sflag:$0x1] =	stream.linear.gather [hbm4b:s22+s18], $0x40, $0x38;
	[tilespmem:$0x8400] =	vst v63  }
0x66: {  	s31 =	spop (v2sf);
	(v2sf) =	vpush v0, $0x6  }
0x67: {  	s25 =	sshra.s32 s31, $0x1F  }
0x68: {  	s23 =	sshrl.u32 s25, $0x1D  }
0x69: {  	s23 =	sadd.s32 s23, s31  }
0x6a: {  	s26 =	sand.u32 $0xFFFFFFF8, s23  }
0x6b: {  	p3 =	slt.s32 s31, $0x1;
	p4 =	sne.s32 s31, s26  }
0x6c: {  	p0 =	por !p3, !p4  }
0x6d: {  	s24 =	simm.s32 $0x1;
	p0 =	por !p0, !p0  }
0x6e: {  	s22 =	sshll.u32 s31, $0x6;
	s23 =	sshrl.u32 s23, $0x3;
	s24 =	simm.s32 @!p0 $0x0  }
0x6f: {  	s22 =	sadd.s32 $0x200, s22;
	s23 =	ssub.s32 s23, s24  }
0x70: {  	s22 =	sand.u32 $0x1C0, s22;
	s23 =	sshll.u32 s23, $0x9  }
0x71: {  	s22 =	sor.u32 s22, s23  }
0x72: {  	s22 =	sshrl.u32 s22, $0x3  }
0x73: {  	s28 =	sadd.s32 $0x540, s21;
	s22 =	sadd.s32 s3, s22  }
0x74: {  	[tilespmem:s28], [sflag:$0x1] =	stream.linear.gather [hbm4b:s22+s18], $0x40, $0x38;
	[tilespmem:$0x8400] =	vst v63  }
0x75: {  	s29 =	spop (v2sf);
	(v2sf) =	vpush v0, $0x7  }
0x76: {  	s30 =	sshra.s32 s29, $0x1F  }
0x77: {  	s23 =	sshrl.u32 s30, $0x1D  }
0x78: {  	s23 =	sadd.s32 s23, s29  }
0x79: {  	s31 =	sand.u32 $0xFFFFFFF8, s23  }
0x7a: {  	p5 =	slt.s32 s29, $0x1;
	p6 =	sne.s32 s29, s31  }
0x7b: {  	p0 =	por !p5, !p6  }
0x7c: {  	s24 =	simm.s32 $0x1;
	p0 =	por !p0, !p0  }
0x7d: {  	s22 =	sshll.u32 s29, $0x6;
	s23 =	sshrl.u32 s23, $0x3;
	s24 =	simm.s32 @!p0 $0x0  }
0x7e: {  	s22 =	sadd.s32 $0x200, s22;
	s23 =	ssub.s32 s23, s24  }
0x7f: {  	s22 =	sand.u32 $0x1C0, s22;
	s23 =	sshll.u32 s23, $0x9  }
0x80: {  	s22 =	sor.u32 s22, s23  }
0x81: {  	s22 =	sshrl.u32 s22, $0x3  }
0x82: {  	s25 =	sadd.s32 $0x580, s21;
	s22 =	sadd.s32 s3, s22  }
0x83: {  	[tilespmem:s25], [sflag:$0x1] =	stream.linear.gather [hbm4b:s22+s18], $0x40, $0x38;
	[tilespmem:$0x8400] =	vst v63  }
0x84: {  	s26 =	spop (v2sf);
	(v2sf) =	vpush v0, $0x8  }
0x85: {  	s28 =	sshra.s32 s26, $0x1F  }
0x86: {  	s23 =	sshrl.u32 s28, $0x1D  }
0x87: {  	s23 =	sadd.s32 s23, s26  }
0x88: {  	s29 =	sand.u32 $0xFFFFFFF8, s23  }
0x89: {  	p1 =	slt.s32 s26, $0x1;
	p2 =	sne.s32 s26, s29  }
0x8a: {  	p0 =	por !p1, !p2  }
0x8b: {  	s24 =	simm.s32 $0x1;
	p0 =	por !p0, !p0  }
0x8c: {  	s22 =	sshll.u32 s26, $0x6;
	s23 =	sshrl.u32 s23, $0x3;
	s24 =	simm.s32 @!p0 $0x0  }
0x8d: {  	s22 =	sadd.s32 $0x200, s22;
	s23 =	ssub.s32 s23, s24  }
0x8e: {  	s22 =	sand.u32 $0x1C0, s22;
	s23 =	sshll.u32 s23, $0x9  }
0x8f: {  	s22 =	sor.u32 s22, s23  }
0x90: {  	s22 =	sshrl.u32 s22, $0x3  }
0x91: {  	s30 =	sadd.s32 $0x5C0, s21;
	s22 =	sadd.s32 s3, s22  }
0x92: {  	[tilespmem:s30], [sflag:$0x1] =	stream.linear.gather [hbm4b:s22+s18], $0x40, $0x38;
	[tilespmem:$0x8400] =	vst v63  }
0x93: {  	s31 =	spop (v2sf);
	(v2sf) =	vpush v0, $0x9  }
0x94: {  	s25 =	sshra.s32 s31, $0x1F  }
0x95: {  	s23 =	sshrl.u32 s25, $0x1D  }
0x96: {  	s23 =	sadd.s32 s23, s31  }
0x97: {  	s26 =	sand.u32 $0xFFFFFFF8, s23  }
0x98: {  	p3 =	slt.s32 s31, $0x1;
	p4 =	sne.s32 s31, s26  }
0x99: {  	p0 =	por !p3, !p4  }
0x9a: {  	s24 =	simm.s32 $0x1;
	p0 =	por !p0, !p0  }
0x9b: {  	s22 =	sshll.u32 s31, $0x6;
	s23 =	sshrl.u32 s23, $0x3;
	s24 =	simm.s32 @!p0 $0x0  }
0x9c: {  	s22 =	sadd.s32 $0x200, s22;
	s23 =	ssub.s32 s23, s24  }
0x9d: {  	s22 =	sand.u32 $0x1C0, s22;
	s23 =	sshll.u32 s23, $0x9  }
0x9e: {  	s22 =	sor.u32 s22, s23  }
0x9f: {  	s22 =	sshrl.u32 s22, $0x3  }
0xa0: {  	s28 =	sadd.s32 $0x600, s21;
	s22 =	sadd.s32 s3, s22  }
0xa1: {  	[tilespmem:s28], [sflag:$0x1] =	stream.linear.gather [hbm4b:s22+s18], $0x40, $0x38;
	[tilespmem:$0x8400] =	vst v63  }
0xa2: {  	s29 =	spop (v2sf);
	(v2sf) =	vpush v0, $0xA  }
0xa3: {  	s30 =	sshra.s32 s29, $0x1F  }
0xa4: {  	s23 =	sshrl.u32 s30, $0x1D  }
0xa5: {  	s23 =	sadd.s32 s23, s29  }
0xa6: {  	s31 =	sand.u32 $0xFFFFFFF8, s23  }
0xa7: {  	p5 =	slt.s32 s29, $0x1;
	p6 =	sne.s32 s29, s31  }
0xa8: {  	p0 =	por !p5, !p6  }
0xa9: {  	s24 =	simm.s32 $0x1;
	p0 =	por !p0, !p0  }
0xaa: {  	s22 =	sshll.u32 s29, $0x6;
	s23 =	sshrl.u32 s23, $0x3;
	s24 =	simm.s32 @!p0 $0x0  }
0xab: {  	s22 =	sadd.s32 $0x200, s22;
	s23 =	ssub.s32 s23, s24  }
0xac: {  	s22 =	sand.u32 $0x1C0, s22;
	s23 =	sshll.u32 s23, $0x9  }
0xad: {  	s22 =	sor.u32 s22, s23  }
0xae: {  	s22 =	sshrl.u32 s22, $0x3  }
0xaf: {  	s25 =	sadd.s32 $0x640, s21;
	s22 =	sadd.s32 s3, s22  }
0xb0: {  	[tilespmem:s25], [sflag:$0x1] =	stream.linear.gather [hbm4b:s22+s18], $0x40, $0x38;
	[tilespmem:$0x8400] =	vst v63  }
0xb1: {  	s26 =	spop (v2sf);
	(v2sf) =	vpush v0, $0xB  }
0xb2: {  	s28 =	sshra.s32 s26, $0x1F  }
0xb3: {  	s23 =	sshrl.u32 s28, $0x1D  }
0xb4: {  	s23 =	sadd.s32 s23, s26  }
0xb5: {  	s29 =	sand.u32 $0xFFFFFFF8, s23  }
0xb6: {  	p1 =	slt.s32 s26, $0x1;
	p2 =	sne.s32 s26, s29  }
0xb7: {  	p0 =	por !p1, !p2  }
0xb8: {  	s24 =	simm.s32 $0x1;
	p0 =	por !p0, !p0  }
0xb9: {  	s22 =	sshll.u32 s26, $0x6;
	s23 =	sshrl.u32 s23, $0x3;
	s24 =	simm.s32 @!p0 $0x0  }
0xba: {  	s22 =	sadd.s32 $0x200, s22;
	s23 =	ssub.s32 s23, s24  }
0xbb: {  	s22 =	sand.u32 $0x1C0, s22;
	s23 =	sshll.u32 s23, $0x9  }
0xbc: {  	s22 =	sor.u32 s22, s23  }
0xbd: {  	s22 =	sshrl.u32 s22, $0x3  }
0xbe: {  	s30 =	sadd.s32 $0x680, s21;
	s22 =	sadd.s32 s3, s22  }
0xbf: {  	[tilespmem:s30], [sflag:$0x1] =	stream.linear.gather [hbm4b:s22+s18], $0x40, $0x38;
	[tilespmem:$0x8400] =	vst v63  }
0xc0: {  	s31 =	spop (v2sf);
	(v2sf) =	vpush v0, $0xC  }
0xc1: {  	s25 =	sshra.s32 s31, $0x1F  }
0xc2: {  	s23 =	sshrl.u32 s25, $0x1D  }
0xc3: {  	s23 =	sadd.s32 s23, s31  }
0xc4: {  	s26 =	sand.u32 $0xFFFFFFF8, s23  }
0xc5: {  	p3 =	slt.s32 s31, $0x1;
	p4 =	sne.s32 s31, s26  }
0xc6: {  	p0 =	por !p3, !p4  }
0xc7: {  	s24 =	simm.s32 $0x1;
	p0 =	por !p0, !p0  }
0xc8: {  	s22 =	sshll.u32 s31, $0x6;
	s23 =	sshrl.u32 s23, $0x3;
	s24 =	simm.s32 @!p0 $0x0  }
0xc9: {  	s22 =	sadd.s32 $0x200, s22;
	s23 =	ssub.s32 s23, s24  }
0xca: {  	s22 =	sand.u32 $0x1C0, s22;
	s23 =	sshll.u32 s23, $0x9  }
0xcb: {  	s22 =	sor.u32 s22, s23  }
0xcc: {  	s22 =	sshrl.u32 s22, $0x3  }
0xcd: {  	s28 =	sadd.s32 $0x6C0, s21;
	s22 =	sadd.s32 s3, s22  }
0xce: {  	[tilespmem:s28], [sflag:$0x1] =	stream.linear.gather [hbm4b:s22+s18], $0x40, $0x38;
	[tilespmem:$0x8400] =	vst v63  }
0xcf: {  	s29 =	spop (v2sf);
	(v2sf) =	vpush v0, $0xD  }
0xd0: {  	s30 =	sshra.s32 s29, $0x1F  }
0xd1: {  	s23 =	sshrl.u32 s30, $0x1D  }
0xd2: {  	s23 =	sadd.s32 s23, s29  }
0xd3: {  	s31 =	sand.u32 $0xFFFFFFF8, s23  }
0xd4: {  	p5 =	slt.s32 s29, $0x1;
	p6 =	sne.s32 s29, s31  }
0xd5: {  	p0 =	por !p5, !p6  }
0xd6: {  	s24 =	simm.s32 $0x1;
	p0 =	por !p0, !p0  }
0xd7: {  	s22 =	sshll.u32 s29, $0x6;
	s23 =	sshrl.u32 s23, $0x3;
	s24 =	simm.s32 @!p0 $0x0  }
0xd8: {  	s22 =	sadd.s32 $0x200, s22;
	s23 =	ssub.s32 s23, s24  }
0xd9: {  	s22 =	sand.u32 $0x1C0, s22;
	s23 =	sshll.u32 s23, $0x9  }
0xda: {  	s22 =	sor.u32 s22, s23  }
0xdb: {  	s22 =	sshrl.u32 s22, $0x3  }
0xdc: {  	s25 =	sadd.s32 $0x700, s21;
	s22 =	sadd.s32 s3, s22  }
0xdd: {  	[tilespmem:s25], [sflag:$0x1] =	stream.linear.gather [hbm4b:s22+s18], $0x40, $0x38;
	[tilespmem:$0x8400] =	vst v63  }
0xde: {  	s26 =	spop (v2sf);
	(v2sf) =	vpush v0, $0xE  }
0xdf: {  	s28 =	sshra.s32 s26, $0x1F  }
0xe0: {  	s23 =	sshrl.u32 s28, $0x1D  }
0xe1: {  	s23 =	sadd.s32 s23, s26  }
0xe2: {  	s29 =	sand.u32 $0xFFFFFFF8, s23  }
0xe3: {  	p1 =	slt.s32 s26, $0x1;
	p2 =	sne.s32 s26, s29  }
0xe4: {  	p0 =	por !p1, !p2  }
0xe5: {  	s24 =	simm.s32 $0x1;
	p0 =	por !p0, !p0  }
0xe6: {  	s22 =	sshll.u32 s26, $0x6;
	s23 =	sshrl.u32 s23, $0x3;
	s24 =	simm.s32 @!p0 $0x0  }
0xe7: {  	s22 =	sadd.s32 $0x200, s22;
	s23 =	ssub.s32 s23, s24  }
0xe8: {  	s22 =	sand.u32 $0x1C0, s22;
	s23 =	sshll.u32 s23, $0x9  }
0xe9: {  	s22 =	sor.u32 s22, s23  }
0xea: {  	s22 =	sshrl.u32 s22, $0x3  }
0xeb: {  	s30 =	sadd.s32 $0x740, s21;
	s22 =	sadd.s32 s3, s22  }
0xec: {  	[tilespmem:s30], [sflag:$0x1] =	stream.linear.gather [hbm4b:s22+s18], $0x40, $0x38;
	[tilespmem:$0x8400] =	vst v63  }
0xed: {  	s31 =	spop (v2sf);
	(v2sf) =	vpush v0, $0xF  }
0xee: {  	s25 =	sshra.s32 s31, $0x1F  }
0xef: {  	s23 =	sshrl.u32 s25, $0x1D  }
0xf0: {  	s23 =	sadd.s32 s23, s31  }
0xf1: {  	s26 =	sand.u32 $0xFFFFFFF8, s23  }
0xf2: {  	p3 =	slt.s32 s31, $0x1;
	p4 =	sne.s32 s31, s26  }
0xf3: {  	p0 =	por !p3, !p4  }
0xf4: {  	s24 =	simm.s32 $0x1;
	p0 =	por !p0, !p0  }
0xf5: {  	s22 =	sshll.u32 s31, $0x6;
	s23 =	sshrl.u32 s23, $0x3;
	s24 =	simm.s32 @!p0 $0x0  }
0xf6: {  	s22 =	sadd.s32 $0x200, s22;
	s23 =	ssub.s32 s23, s24  }
0xf7: {  	s22 =	sand.u32 $0x1C0, s22;
	s23 =	sshll.u32 s23, $0x9  }
0xf8: {  	s22 =	sor.u32 s22, s23  }
0xf9: {  	s22 =	sshrl.u32 s22, $0x3  }
0xfa: {  	s28 =	sadd.s32 $0x780, s21;
	s22 =	sadd.s32 s3, s22  }
0xfb: {  	[tilespmem:s28], [sflag:$0x1] =	stream.linear.gather [hbm4b:s22+s18], $0x40, $0x38;
	[tilespmem:$0x8400] =	vst v63  }
0xfc: {  	s29 =	spop (v2sf)  }
0xfd: {  	s30 =	sshra.s32 s29, $0x1F  }
0xfe: {  	s23 =	sshrl.u32 s30, $0x1D  }
0xff: {  	s23 =	sadd.s32 s23, s29  }
0x100: {  	s31 =	sand.u32 $0xFFFFFFF8, s23  }
0x101: {  	p5 =	slt.s32 s29, $0x1;
	p6 =	sne.s32 s29, s31  }
0x102: {  	p0 =	por !p5, !p6  }
0x103: {  	s24 =	simm.s32 $0x1;
	p0 =	por !p0, !p0  }
0x104: {  	s22 =	sshll.u32 s29, $0x6;
	s23 =	sshrl.u32 s23, $0x3;
	s24 =	simm.s32 @!p0 $0x0  }
0x105: {  	s22 =	sadd.s32 $0x200, s22;
	p0 =	sne.s32 s20, $0xF000;
	s23 =	ssub.s32 s23, s24  }
.Ltmp0:
0x106: {  	s22 =	sand.u32 $0x1C0, s22;
	s23 =	sshll.u32 s23, $0x9;
	(pc) =	sbr.rel @p0 .LBB2_2-.Ltmp0, $4  }
0x107: {  	s22 =	sor.u32 s22, s23  }
0x108: {  	s19 =	sadd.s32 $0x10, s19;
	s22 =	sshrl.u32 s22, $0x3  }
0x109: {  	s21 =	sadd.s32 $0x7C0, s21;
	s20 =	sadd.s32 $0x1000, s20;
	s22 =	sadd.s32 s3, s22  }
0x10a: {  	[tilespmem:s21], [sflag:$0x1] =	stream.linear.gather [hbm4b:s22+s18], $0x40, $0x38;
	[tilespmem:$0x8400] =	vst v63  }
0x10b: {  	s19 =	simm.s32 $0x100  }
.LBB2_4:
0x10c: {  	v0 =	vld [tilespmem:s19+$0x0];
	_ =	sdelay $0x4  }
0x10d: {  	(v2sf) =	vpush v0, $0x0;
	_ =	sdelay $0xe  }
0x10e: {  	s20 =	spop (v2sf);
	(v2sf) =	vpush v0, $0x1  }
0x10f: {  	s21 =	sshra.s32 s20, $0x1F  }
0x110: {  	s21 =	sshrl.u32 s21, $0x1D  }
0x111: {  	s21 =	sadd.s32 s21, s20  }
0x112: {  	s22 =	sand.u32 $0xFFFFFFF8, s21  }
0x113: {  	p0 =	slt.s32 s20, $0x1;
	p1 =	sne.s32 s20, s22  }
0x114: {  	p0 =	por !p0, !p1  }
0x115: {  	s22 =	simm.s32 $0x1;
	p0 =	por !p0, !p0  }
0x116: {  	s21 =	sshrl.u32 s21, $0x3;
	s20 =	sshll.u32 s20, $0x6;
	s22 =	simm.s32 @!p0 $0x0  }
0x117: {  	s20 =	sadd.s32 $0x200, s20;
	s21 =	ssub.s32 s21, s22  }
0x118: {  	s20 =	sand.u32 $0x1C0, s20;
	s21 =	sshll.u32 s21, $0x9  }
0x119: {  	s21 =	sor.u32 s20, s21  }
0x11a: {  	s20 =	sshra.s32 s18, $0x2;
	s21 =	sshrl.u32 s21, $0x3  }
0x11b: {  	s29 =	sadd.s32 $0x4400, s20;
	s21 =	sadd.s32 s3, s21  }
0x11c: {  	[tilespmem:s29], [sflag:$0x2] =	stream.linear.gather [hbm4b:s21+s2], $0x40, $0x38;
	[tilespmem:$0x8400] =	vst v63  }
0x11d: {  	s30 =	spop (v2sf);
	(v2sf) =	vpush v0, $0x2  }
0x11e: {  	s31 =	sshra.s32 s30, $0x1F  }
0x11f: {  	s22 =	sshrl.u32 s31, $0x1D  }
0x120: {  	s22 =	sadd.s32 s22, s30  }
0x121: {  	s23 =	sand.u32 $0xFFFFFFF8, s22  }
0x122: {  	p1 =	slt.s32 s30, $0x1;
	p2 =	sne.s32 s30, s23  }
0x123: {  	p0 =	por !p1, !p2  }
0x124: {  	s23 =	simm.s32 $0x1;
	p0 =	por !p0, !p0  }
0x125: {  	s21 =	sshll.u32 s30, $0x6;
	s22 =	sshrl.u32 s22, $0x3;
	s23 =	simm.s32 @!p0 $0x0  }
0x126: {  	s21 =	sadd.s32 $0x200, s21;
	s22 =	ssub.s32 s22, s23  }
0x127: {  	s21 =	sand.u32 $0x1C0, s21;
	s22 =	sshll.u32 s22, $0x9  }
0x128: {  	s21 =	sor.u32 s21, s22  }
0x129: {  	s21 =	sshrl.u32 s21, $0x3  }
0x12a: {  	s23 =	sadd.s32 $0x4440, s20;
	s21 =	sadd.s32 s3, s21  }
0x12b: {  	[tilespmem:s23], [sflag:$0x2] =	stream.linear.gather [hbm4b:s21+s2], $0x40, $0x38;
	[tilespmem:$0x8400] =	vst v63  }
0x12c: {  	s24 =	spop (v2sf);
	(v2sf) =	vpush v0, $0x3  }
0x12d: {  	s25 =	sshra.s32 s24, $0x1F  }
0x12e: {  	s22 =	sshrl.u32 s25, $0x1D  }
0x12f: {  	s22 =	sadd.s32 s22, s24  }
0x130: {  	s26 =	sand.u32 $0xFFFFFFF8, s22  }
0x131: {  	p3 =	slt.s32 s24, $0x1;
	p4 =	sne.s32 s24, s26  }
0x132: {  	p0 =	por !p3, !p4  }
0x133: {  	s23 =	simm.s32 $0x1;
	p0 =	por !p0, !p0  }
0x134: {  	s21 =	sshll.u32 s24, $0x6;
	s22 =	sshrl.u32 s22, $0x3;
	s23 =	simm.s32 @!p0 $0x0  }
0x135: {  	s21 =	sadd.s32 $0x200, s21;
	s22 =	ssub.s32 s22, s23  }
0x136: {  	s21 =	sand.u32 $0x1C0, s21;
	s22 =	sshll.u32 s22, $0x9  }
0x137: {  	s21 =	sor.u32 s21, s22  }
0x138: {  	s21 =	sshrl.u32 s21, $0x3  }
0x139: {  	s28 =	sadd.s32 $0x4480, s20;
	s21 =	sadd.s32 s3, s21  }
0x13a: {  	[tilespmem:s28], [sflag:$0x2] =	stream.linear.gather [hbm4b:s21+s2], $0x40, $0x38;
	[tilespmem:$0x8400] =	vst v63  }
0x13b: {  	s29 =	spop (v2sf);
	(v2sf) =	vpush v0, $0x4  }
0x13c: {  	s30 =	sshra.s32 s29, $0x1F  }
0x13d: {  	s22 =	sshrl.u32 s30, $0x1D  }
0x13e: {  	s22 =	sadd.s32 s22, s29  }
0x13f: {  	s31 =	sand.u32 $0xFFFFFFF8, s22  }
0x140: {  	p5 =	slt.s32 s29, $0x1;
	p6 =	sne.s32 s29, s31  }
0x141: {  	p0 =	por !p5, !p6  }
0x142: {  	s23 =	simm.s32 $0x1;
	p0 =	por !p0, !p0  }
0x143: {  	s21 =	sshll.u32 s29, $0x6;
	s22 =	sshrl.u32 s22, $0x3;
	s23 =	simm.s32 @!p0 $0x0  }
0x144: {  	s21 =	sadd.s32 $0x200, s21;
	s22 =	ssub.s32 s22, s23  }
0x145: {  	s21 =	sand.u32 $0x1C0, s21;
	s22 =	sshll.u32 s22, $0x9  }
0x146: {  	s21 =	sor.u32 s21, s22  }
0x147: {  	s21 =	sshrl.u32 s21, $0x3  }
0x148: {  	s23 =	sadd.s32 $0x44C0, s20;
	s21 =	sadd.s32 s3, s21  }
0x149: {  	[tilespmem:s23], [sflag:$0x2] =	stream.linear.gather [hbm4b:s21+s2], $0x40, $0x38;
	[tilespmem:$0x8400] =	vst v63  }
0x14a: {  	s24 =	spop (v2sf);
	(v2sf) =	vpush v0, $0x5  }
0x14b: {  	s25 =	sshra.s32 s24, $0x1F  }
0x14c: {  	s22 =	sshrl.u32 s25, $0x1D  }
0x14d: {  	s22 =	sadd.s32 s22, s24  }
0x14e: {  	s26 =	sand.u32 $0xFFFFFFF8, s22  }
0x14f: {  	p1 =	slt.s32 s24, $0x1;
	p2 =	sne.s32 s24, s26  }
0x150: {  	p0 =	por !p1, !p2  }
0x151: {  	s23 =	simm.s32 $0x1;
	p0 =	por !p0, !p0  }
0x152: {  	s21 =	sshll.u32 s24, $0x6;
	s22 =	sshrl.u32 s22, $0x3;
	s23 =	simm.s32 @!p0 $0x0  }
0x153: {  	s21 =	sadd.s32 $0x200, s21;
	s22 =	ssub.s32 s22, s23  }
0x154: {  	s21 =	sand.u32 $0x1C0, s21;
	s22 =	sshll.u32 s22, $0x9  }
0x155: {  	s21 =	sor.u32 s21, s22  }
0x156: {  	s21 =	sshrl.u32 s21, $0x3  }
0x157: {  	s28 =	sadd.s32 $0x4500, s20;
	s21 =	sadd.s32 s3, s21  }
0x158: {  	[tilespmem:s28], [sflag:$0x2] =	stream.linear.gather [hbm4b:s21+s2], $0x40, $0x38;
	[tilespmem:$0x8400] =	vst v63  }
0x159: {  	s29 =	spop (v2sf);
	(v2sf) =	vpush v0, $0x6  }
0x15a: {  	s30 =	sshra.s32 s29, $0x1F  }
0x15b: {  	s22 =	sshrl.u32 s30, $0x1D  }
0x15c: {  	s22 =	sadd.s32 s22, s29  }
0x15d: {  	s31 =	sand.u32 $0xFFFFFFF8, s22  }
0x15e: {  	p3 =	slt.s32 s29, $0x1;
	p4 =	sne.s32 s29, s31  }
0x15f: {  	p0 =	por !p3, !p4  }
0x160: {  	s23 =	simm.s32 $0x1;
	p0 =	por !p0, !p0  }
0x161: {  	s21 =	sshll.u32 s29, $0x6;
	s22 =	sshrl.u32 s22, $0x3;
	s23 =	simm.s32 @!p0 $0x0  }
0x162: {  	s21 =	sadd.s32 $0x200, s21;
	s22 =	ssub.s32 s22, s23  }
0x163: {  	s21 =	sand.u32 $0x1C0, s21;
	s22 =	sshll.u32 s22, $0x9  }
0x164: {  	s21 =	sor.u32 s21, s22  }
0x165: {  	s21 =	sshrl.u32 s21, $0x3  }
0x166: {  	s23 =	sadd.s32 $0x4540, s20;
	s21 =	sadd.s32 s3, s21  }
0x167: {  	[tilespmem:s23], [sflag:$0x2] =	stream.linear.gather [hbm4b:s21+s2], $0x40, $0x38;
	[tilespmem:$0x8400] =	vst v63  }
0x168: {  	s24 =	spop (v2sf);
	(v2sf) =	vpush v0, $0x7  }
0x169: {  	s25 =	sshra.s32 s24, $0x1F  }
0x16a: {  	s22 =	sshrl.u32 s25, $0x1D  }
0x16b: {  	s22 =	sadd.s32 s22, s24  }
0x16c: {  	s26 =	sand.u32 $0xFFFFFFF8, s22  }
0x16d: {  	p5 =	slt.s32 s24, $0x1;
	p6 =	sne.s32 s24, s26  }
0x16e: {  	p0 =	por !p5, !p6  }
0x16f: {  	s23 =	simm.s32 $0x1;
	p0 =	por !p0, !p0  }
0x170: {  	s21 =	sshll.u32 s24, $0x6;
	s22 =	sshrl.u32 s22, $0x3;
	s23 =	simm.s32 @!p0 $0x0  }
0x171: {  	s21 =	sadd.s32 $0x200, s21;
	s22 =	ssub.s32 s22, s23  }
0x172: {  	s21 =	sand.u32 $0x1C0, s21;
	s22 =	sshll.u32 s22, $0x9  }
0x173: {  	s21 =	sor.u32 s21, s22  }
0x174: {  	s21 =	sshrl.u32 s21, $0x3  }
0x175: {  	s28 =	sadd.s32 $0x4580, s20;
	s21 =	sadd.s32 s3, s21  }
0x176: {  	[tilespmem:s28], [sflag:$0x2] =	stream.linear.gather [hbm4b:s21+s2], $0x40, $0x38;
	[tilespmem:$0x8400] =	vst v63  }
0x177: {  	s29 =	spop (v2sf);
	(v2sf) =	vpush v0, $0x8  }
0x178: {  	s30 =	sshra.s32 s29, $0x1F  }
0x179: {  	s22 =	sshrl.u32 s30, $0x1D  }
0x17a: {  	s22 =	sadd.s32 s22, s29  }
0x17b: {  	s31 =	sand.u32 $0xFFFFFFF8, s22  }
0x17c: {  	p1 =	slt.s32 s29, $0x1;
	p2 =	sne.s32 s29, s31  }
0x17d: {  	p0 =	por !p1, !p2  }
0x17e: {  	s23 =	simm.s32 $0x1;
	p0 =	por !p0, !p0  }
0x17f: {  	s21 =	sshll.u32 s29, $0x6;
	s22 =	sshrl.u32 s22, $0x3;
	s23 =	simm.s32 @!p0 $0x0  }
0x180: {  	s21 =	sadd.s32 $0x200, s21;
	s22 =	ssub.s32 s22, s23  }
0x181: {  	s21 =	sand.u32 $0x1C0, s21;
	s22 =	sshll.u32 s22, $0x9  }
0x182: {  	s21 =	sor.u32 s21, s22  }
0x183: {  	s21 =	sshrl.u32 s21, $0x3  }
0x184: {  	s23 =	sadd.s32 $0x45C0, s20;
	s21 =	sadd.s32 s3, s21  }
0x185: {  	[tilespmem:s23], [sflag:$0x2] =	stream.linear.gather [hbm4b:s21+s2], $0x40, $0x38;
	[tilespmem:$0x8400] =	vst v63  }
0x186: {  	s24 =	spop (v2sf);
	(v2sf) =	vpush v0, $0x9  }
0x187: {  	s25 =	sshra.s32 s24, $0x1F  }
0x188: {  	s22 =	sshrl.u32 s25, $0x1D  }
0x189: {  	s22 =	sadd.s32 s22, s24  }
0x18a: {  	s26 =	sand.u32 $0xFFFFFFF8, s22  }
0x18b: {  	p3 =	slt.s32 s24, $0x1;
	p4 =	sne.s32 s24, s26  }
0x18c: {  	p0 =	por !p3, !p4  }
0x18d: {  	s23 =	simm.s32 $0x1;
	p0 =	por !p0, !p0  }
0x18e: {  	s21 =	sshll.u32 s24, $0x6;
	s22 =	sshrl.u32 s22, $0x3;
	s23 =	simm.s32 @!p0 $0x0  }
0x18f: {  	s21 =	sadd.s32 $0x200, s21;
	s22 =	ssub.s32 s22, s23  }
0x190: {  	s21 =	sand.u32 $0x1C0, s21;
	s22 =	sshll.u32 s22, $0x9  }
0x191: {  	s21 =	sor.u32 s21, s22  }
0x192: {  	s21 =	sshrl.u32 s21, $0x3  }
0x193: {  	s28 =	sadd.s32 $0x4600, s20;
	s21 =	sadd.s32 s3, s21  }
0x194: {  	[tilespmem:s28], [sflag:$0x2] =	stream.linear.gather [hbm4b:s21+s2], $0x40, $0x38;
	[tilespmem:$0x8400] =	vst v63  }
0x195: {  	s29 =	spop (v2sf);
	(v2sf) =	vpush v0, $0xA  }
0x196: {  	s30 =	sshra.s32 s29, $0x1F  }
0x197: {  	s22 =	sshrl.u32 s30, $0x1D  }
0x198: {  	s22 =	sadd.s32 s22, s29  }
0x199: {  	s31 =	sand.u32 $0xFFFFFFF8, s22  }
0x19a: {  	p5 =	slt.s32 s29, $0x1;
	p6 =	sne.s32 s29, s31  }
0x19b: {  	p0 =	por !p5, !p6  }
0x19c: {  	s23 =	simm.s32 $0x1;
	p0 =	por !p0, !p0  }
0x19d: {  	s21 =	sshll.u32 s29, $0x6;
	s22 =	sshrl.u32 s22, $0x3;
	s23 =	simm.s32 @!p0 $0x0  }
0x19e: {  	s21 =	sadd.s32 $0x200, s21;
	s22 =	ssub.s32 s22, s23  }
0x19f: {  	s21 =	sand.u32 $0x1C0, s21;
	s22 =	sshll.u32 s22, $0x9  }
0x1a0: {  	s21 =	sor.u32 s21, s22  }
0x1a1: {  	s21 =	sshrl.u32 s21, $0x3  }
0x1a2: {  	s23 =	sadd.s32 $0x4640, s20;
	s21 =	sadd.s32 s3, s21  }
0x1a3: {  	[tilespmem:s23], [sflag:$0x2] =	stream.linear.gather [hbm4b:s21+s2], $0x40, $0x38;
	[tilespmem:$0x8400] =	vst v63  }
0x1a4: {  	s24 =	spop (v2sf);
	(v2sf) =	vpush v0, $0xB  }
0x1a5: {  	s25 =	sshra.s32 s24, $0x1F  }
0x1a6: {  	s22 =	sshrl.u32 s25, $0x1D  }
0x1a7: {  	s22 =	sadd.s32 s22, s24  }
0x1a8: {  	s26 =	sand.u32 $0xFFFFFFF8, s22  }
0x1a9: {  	p1 =	slt.s32 s24, $0x1;
	p2 =	sne.s32 s24, s26  }
0x1aa: {  	p0 =	por !p1, !p2  }
0x1ab: {  	s23 =	simm.s32 $0x1;
	p0 =	por !p0, !p0  }
0x1ac: {  	s21 =	sshll.u32 s24, $0x6;
	s22 =	sshrl.u32 s22, $0x3;
	s23 =	simm.s32 @!p0 $0x0  }
0x1ad: {  	s21 =	sadd.s32 $0x200, s21;
	s22 =	ssub.s32 s22, s23  }
0x1ae: {  	s21 =	sand.u32 $0x1C0, s21;
	s22 =	sshll.u32 s22, $0x9  }
0x1af: {  	s21 =	sor.u32 s21, s22  }
0x1b0: {  	s21 =	sshrl.u32 s21, $0x3  }
0x1b1: {  	s28 =	sadd.s32 $0x4680, s20;
	s21 =	sadd.s32 s3, s21  }
0x1b2: {  	[tilespmem:s28], [sflag:$0x2] =	stream.linear.gather [hbm4b:s21+s2], $0x40, $0x38;
	[tilespmem:$0x8400] =	vst v63  }
0x1b3: {  	s29 =	spop (v2sf);
	(v2sf) =	vpush v0, $0xC  }
0x1b4: {  	s30 =	sshra.s32 s29, $0x1F  }
0x1b5: {  	s22 =	sshrl.u32 s30, $0x1D  }
0x1b6: {  	s22 =	sadd.s32 s22, s29  }
0x1b7: {  	s31 =	sand.u32 $0xFFFFFFF8, s22  }
0x1b8: {  	p3 =	slt.s32 s29, $0x1;
	p4 =	sne.s32 s29, s31  }
0x1b9: {  	p0 =	por !p3, !p4  }
0x1ba: {  	s23 =	simm.s32 $0x1;
	p0 =	por !p0, !p0  }
0x1bb: {  	s21 =	sshll.u32 s29, $0x6;
	s22 =	sshrl.u32 s22, $0x3;
	s23 =	simm.s32 @!p0 $0x0  }
0x1bc: {  	s21 =	sadd.s32 $0x200, s21;
	s22 =	ssub.s32 s22, s23  }
0x1bd: {  	s21 =	sand.u32 $0x1C0, s21;
	s22 =	sshll.u32 s22, $0x9  }
0x1be: {  	s21 =	sor.u32 s21, s22  }
0x1bf: {  	s21 =	sshrl.u32 s21, $0x3  }
0x1c0: {  	s23 =	sadd.s32 $0x46C0, s20;
	s21 =	sadd.s32 s3, s21  }
0x1c1: {  	[tilespmem:s23], [sflag:$0x2] =	stream.linear.gather [hbm4b:s21+s2], $0x40, $0x38;
	[tilespmem:$0x8400] =	vst v63  }
0x1c2: {  	s24 =	spop (v2sf);
	(v2sf) =	vpush v0, $0xD  }
0x1c3: {  	s25 =	sshra.s32 s24, $0x1F  }
0x1c4: {  	s22 =	sshrl.u32 s25, $0x1D  }
0x1c5: {  	s22 =	sadd.s32 s22, s24  }
0x1c6: {  	s26 =	sand.u32 $0xFFFFFFF8, s22  }
0x1c7: {  	p5 =	slt.s32 s24, $0x1;
	p6 =	sne.s32 s24, s26  }
0x1c8: {  	p0 =	por !p5, !p6  }
0x1c9: {  	s23 =	simm.s32 $0x1;
	p0 =	por !p0, !p0  }
0x1ca: {  	s21 =	sshll.u32 s24, $0x6;
	s22 =	sshrl.u32 s22, $0x3;
	s23 =	simm.s32 @!p0 $0x0  }
0x1cb: {  	s21 =	sadd.s32 $0x200, s21;
	s22 =	ssub.s32 s22, s23  }
0x1cc: {  	s21 =	sand.u32 $0x1C0, s21;
	s22 =	sshll.u32 s22, $0x9  }
0x1cd: {  	s21 =	sor.u32 s21, s22  }
0x1ce: {  	s21 =	sshrl.u32 s21, $0x3  }
0x1cf: {  	s28 =	sadd.s32 $0x4700, s20;
	s21 =	sadd.s32 s3, s21  }
0x1d0: {  	[tilespmem:s28], [sflag:$0x2] =	stream.linear.gather [hbm4b:s21+s2], $0x40, $0x38;
	[tilespmem:$0x8400] =	vst v63  }
0x1d1: {  	s29 =	spop (v2sf);
	(v2sf) =	vpush v0, $0xE  }
0x1d2: {  	s30 =	sshra.s32 s29, $0x1F  }
0x1d3: {  	s22 =	sshrl.u32 s30, $0x1D  }
0x1d4: {  	s22 =	sadd.s32 s22, s29  }
0x1d5: {  	s31 =	sand.u32 $0xFFFFFFF8, s22  }
0x1d6: {  	p1 =	slt.s32 s29, $0x1;
	p2 =	sne.s32 s29, s31  }
0x1d7: {  	p0 =	por !p1, !p2  }
0x1d8: {  	s23 =	simm.s32 $0x1;
	p0 =	por !p0, !p0  }
0x1d9: {  	s21 =	sshll.u32 s29, $0x6;
	s22 =	sshrl.u32 s22, $0x3;
	s23 =	simm.s32 @!p0 $0x0  }
0x1da: {  	s21 =	sadd.s32 $0x200, s21;
	s22 =	ssub.s32 s22, s23  }
0x1db: {  	s21 =	sand.u32 $0x1C0, s21;
	s22 =	sshll.u32 s22, $0x9  }
0x1dc: {  	s21 =	sor.u32 s21, s22  }
0x1dd: {  	s21 =	sshrl.u32 s21, $0x3  }
0x1de: {  	s23 =	sadd.s32 $0x4740, s20;
	s21 =	sadd.s32 s3, s21  }
0x1df: {  	[tilespmem:s23], [sflag:$0x2] =	stream.linear.gather [hbm4b:s21+s2], $0x40, $0x38;
	[tilespmem:$0x8400] =	vst v63  }
0x1e0: {  	s24 =	spop (v2sf);
	(v2sf) =	vpush v0, $0xF  }
0x1e1: {  	s25 =	sshra.s32 s24, $0x1F  }
0x1e2: {  	s22 =	sshrl.u32 s25, $0x1D  }
0x1e3: {  	s22 =	sadd.s32 s22, s24  }
0x1e4: {  	s26 =	sand.u32 $0xFFFFFFF8, s22  }
0x1e5: {  	p3 =	slt.s32 s24, $0x1;
	p4 =	sne.s32 s24, s26  }
0x1e6: {  	p0 =	por !p3, !p4  }
0x1e7: {  	s23 =	simm.s32 $0x1;
	p0 =	por !p0, !p0  }
0x1e8: {  	s21 =	sshll.u32 s24, $0x6;
	s22 =	sshrl.u32 s22, $0x3;
	s23 =	simm.s32 @!p0 $0x0  }
0x1e9: {  	s21 =	sadd.s32 $0x200, s21;
	s22 =	ssub.s32 s22, s23  }
0x1ea: {  	s21 =	sand.u32 $0x1C0, s21;
	s22 =	sshll.u32 s22, $0x9  }
0x1eb: {  	s21 =	sor.u32 s21, s22  }
0x1ec: {  	s21 =	sshrl.u32 s21, $0x3  }
0x1ed: {  	s28 =	sadd.s32 $0x4780, s20;
	s21 =	sadd.s32 s3, s21  }
0x1ee: {  	[tilespmem:s28], [sflag:$0x2] =	stream.linear.gather [hbm4b:s21+s2], $0x40, $0x38;
	[tilespmem:$0x8400] =	vst v63  }
0x1ef: {  	s29 =	spop (v2sf)  }
0x1f0: {  	s30 =	sshra.s32 s29, $0x1F  }
0x1f1: {  	s22 =	sshrl.u32 s30, $0x1D  }
0x1f2: {  	s22 =	sadd.s32 s22, s29  }
0x1f3: {  	s31 =	sand.u32 $0xFFFFFFF8, s22  }
0x1f4: {  	p5 =	slt.s32 s29, $0x1;
	p6 =	sne.s32 s29, s31  }
0x1f5: {  	p0 =	por !p5, !p6  }
0x1f6: {  	s23 =	simm.s32 $0x1;
	p0 =	por !p0, !p0  }
0x1f7: {  	s21 =	sshll.u32 s29, $0x6;
	s22 =	sshrl.u32 s22, $0x3;
	s23 =	simm.s32 @!p0 $0x0  }
0x1f8: {  	s21 =	sadd.s32 $0x200, s21;
	p0 =	sne.s32 s18, $0xF000;
	s22 =	ssub.s32 s22, s23  }
.Ltmp1:
0x1f9: {  	s21 =	sand.u32 $0x1C0, s21;
	s22 =	sshll.u32 s22, $0x9;
	(pc) =	sbr.rel @p0 .LBB2_4-.Ltmp1, $4  }
0x1fa: {  	s21 =	sor.u32 s21, s22  }
0x1fb: {  	s19 =	sadd.s32 $0x10, s19;
	s21 =	sshrl.u32 s21, $0x3  }
0x1fc: {  	s20 =	sadd.s32 $0x47C0, s20;
	s18 =	sadd.s32 $0x1000, s18;
	s21 =	sadd.s32 s3, s21  }
0x1fd: {  	[tilespmem:s20], [sflag:$0x2] =	stream.linear.gather [hbm4b:s21+s2], $0x40, $0x38;
	[tilespmem:$0x8400] =	vst v63  }
0x1fe: {  	_ =	swait.ge [sflag:s13], $0x4000  }
0x1ff: {  	[sflag:s13] =	ssyncset.done $0x0  }
0x200: {  	s18 =	simm.s32 $0x0;
	[sflag:s13] =	ssyncadd.s32 $0xFFFFC000  }
0x201: {  	[hbm4b:s6+s18] =	stream.linear.scatter [tilespmem:s14], [sflag:$0x3], $0x4000, $0x38;
	[tilespmem:$0x8400] =	vst v63  }
0x202: {  	_ =	swait.ge [sflag:s11], $0x4000  }
0x203: {  	[sflag:s11] =	ssyncset.done $0x0  }
0x204: {  	s19 =	simm.s32 $0x200;
	[sflag:s11] =	ssyncadd.s32 $0xFFFFC000  }
.LBB2_6:
0x205: {  	v0 =	vld [tilespmem:s19+$0x0];
	_ =	sdelay $0x4  }
0x206: {  	(v2sf) =	vpush v0, $0x0;
	_ =	sdelay $0xe  }
0x207: {  	s20 =	spop (v2sf);
	(v2sf) =	vpush v0, $0x1  }
0x208: {  	s21 =	sshra.s32 s20, $0x1F  }
0x209: {  	s21 =	sshrl.u32 s21, $0x1D  }
0x20a: {  	s21 =	sadd.s32 s21, s20  }
0x20b: {  	s22 =	sand.u32 $0xFFFFFFF8, s21  }
0x20c: {  	p0 =	slt.s32 s20, $0x1;
	p1 =	sne.s32 s20, s22  }
0x20d: {  	p0 =	por !p0, !p1  }
0x20e: {  	s22 =	simm.s32 $0x1;
	p0 =	por !p0, !p0  }
0x20f: {  	s21 =	sshrl.u32 s21, $0x3;
	s20 =	sshll.u32 s20, $0x6;
	s22 =	simm.s32 @!p0 $0x0  }
0x210: {  	s20 =	sadd.s32 $0x200, s20;
	s21 =	ssub.s32 s21, s22  }
0x211: {  	s20 =	sand.u32 $0x1C0, s20;
	s21 =	sshll.u32 s21, $0x9  }
0x212: {  	s21 =	sor.u32 s20, s21  }
0x213: {  	s20 =	sshra.s32 s18, $0x2;
	s21 =	sshrl.u32 s21, $0x3  }
0x214: {  	s29 =	sadd.s32 $0x400, s20;
	s21 =	sadd.s32 s3, s21  }
0x215: {  	[tilespmem:s29], [sflag:$0x1] =	stream.linear.gather [hbm4b:s21+s2], $0x40, $0x38;
	[tilespmem:$0x8400] =	vst v63  }
0x216: {  	s30 =	spop (v2sf);
	(v2sf) =	vpush v0, $0x2  }
0x217: {  	s31 =	sshra.s32 s30, $0x1F  }
0x218: {  	s22 =	sshrl.u32 s31, $0x1D  }
0x219: {  	s22 =	sadd.s32 s22, s30  }
0x21a: {  	s23 =	sand.u32 $0xFFFFFFF8, s22  }
0x21b: {  	p1 =	slt.s32 s30, $0x1;
	p2 =	sne.s32 s30, s23  }
0x21c: {  	p0 =	por !p1, !p2  }
0x21d: {  	s23 =	simm.s32 $0x1;
	p0 =	por !p0, !p0  }
0x21e: {  	s21 =	sshll.u32 s30, $0x6;
	s22 =	sshrl.u32 s22, $0x3;
	s23 =	simm.s32 @!p0 $0x0  }
0x21f: {  	s21 =	sadd.s32 $0x200, s21;
	s22 =	ssub.s32 s22, s23  }
0x220: {  	s21 =	sand.u32 $0x1C0, s21;
	s22 =	sshll.u32 s22, $0x9  }
0x221: {  	s21 =	sor.u32 s21, s22  }
0x222: {  	s21 =	sshrl.u32 s21, $0x3  }
0x223: {  	s23 =	sadd.s32 $0x440, s20;
	s21 =	sadd.s32 s3, s21  }
0x224: {  	[tilespmem:s23], [sflag:$0x1] =	stream.linear.gather [hbm4b:s21+s2], $0x40, $0x38;
	[tilespmem:$0x8400] =	vst v63  }
0x225: {  	s24 =	spop (v2sf);
	(v2sf) =	vpush v0, $0x3  }
0x226: {  	s25 =	sshra.s32 s24, $0x1F  }
0x227: {  	s22 =	sshrl.u32 s25, $0x1D  }
0x228: {  	s22 =	sadd.s32 s22, s24  }
0x229: {  	s26 =	sand.u32 $0xFFFFFFF8, s22  }
0x22a: {  	p3 =	slt.s32 s24, $0x1;
	p4 =	sne.s32 s24, s26  }
0x22b: {  	p0 =	por !p3, !p4  }
0x22c: {  	s23 =	simm.s32 $0x1;
	p0 =	por !p0, !p0  }
0x22d: {  	s21 =	sshll.u32 s24, $0x6;
	s22 =	sshrl.u32 s22, $0x3;
	s23 =	simm.s32 @!p0 $0x0  }
0x22e: {  	s21 =	sadd.s32 $0x200, s21;
	s22 =	ssub.s32 s22, s23  }
0x22f: {  	s21 =	sand.u32 $0x1C0, s21;
	s22 =	sshll.u32 s22, $0x9  }
0x230: {  	s21 =	sor.u32 s21, s22  }
0x231: {  	s21 =	sshrl.u32 s21, $0x3  }
0x232: {  	s28 =	sadd.s32 $0x480, s20;
	s21 =	sadd.s32 s3, s21  }
0x233: {  	[tilespmem:s28], [sflag:$0x1] =	stream.linear.gather [hbm4b:s21+s2], $0x40, $0x38;
	[tilespmem:$0x8400] =	vst v63  }
0x234: {  	s29 =	spop (v2sf);
	(v2sf) =	vpush v0, $0x4  }
0x235: {  	s30 =	sshra.s32 s29, $0x1F  }
0x236: {  	s22 =	sshrl.u32 s30, $0x1D  }
0x237: {  	s22 =	sadd.s32 s22, s29  }
0x238: {  	s31 =	sand.u32 $0xFFFFFFF8, s22  }
0x239: {  	p5 =	slt.s32 s29, $0x1;
	p6 =	sne.s32 s29, s31  }
0x23a: {  	p0 =	por !p5, !p6  }
0x23b: {  	s23 =	simm.s32 $0x1;
	p0 =	por !p0, !p0  }
0x23c: {  	s21 =	sshll.u32 s29, $0x6;
	s22 =	sshrl.u32 s22, $0x3;
	s23 =	simm.s32 @!p0 $0x0  }
0x23d: {  	s21 =	sadd.s32 $0x200, s21;
	s22 =	ssub.s32 s22, s23  }
0x23e: {  	s21 =	sand.u32 $0x1C0, s21;
	s22 =	sshll.u32 s22, $0x9  }
0x23f: {  	s21 =	sor.u32 s21, s22  }
0x240: {  	s21 =	sshrl.u32 s21, $0x3  }
0x241: {  	s23 =	sadd.s32 $0x4C0, s20;
	s21 =	sadd.s32 s3, s21  }
0x242: {  	[tilespmem:s23], [sflag:$0x1] =	stream.linear.gather [hbm4b:s21+s2], $0x40, $0x38;
	[tilespmem:$0x8400] =	vst v63  }
0x243: {  	s24 =	spop (v2sf);
	(v2sf) =	vpush v0, $0x5  }
0x244: {  	s25 =	sshra.s32 s24, $0x1F  }
0x245: {  	s22 =	sshrl.u32 s25, $0x1D  }
0x246: {  	s22 =	sadd.s32 s22, s24  }
0x247: {  	s26 =	sand.u32 $0xFFFFFFF8, s22  }
0x248: {  	p1 =	slt.s32 s24, $0x1;
	p2 =	sne.s32 s24, s26  }
0x249: {  	p0 =	por !p1, !p2  }
0x24a: {  	s23 =	simm.s32 $0x1;
	p0 =	por !p0, !p0  }
0x24b: {  	s21 =	sshll.u32 s24, $0x6;
	s22 =	sshrl.u32 s22, $0x3;
	s23 =	simm.s32 @!p0 $0x0  }
0x24c: {  	s21 =	sadd.s32 $0x200, s21;
	s22 =	ssub.s32 s22, s23  }
0x24d: {  	s21 =	sand.u32 $0x1C0, s21;
	s22 =	sshll.u32 s22, $0x9  }
0x24e: {  	s21 =	sor.u32 s21, s22  }
0x24f: {  	s21 =	sshrl.u32 s21, $0x3  }
0x250: {  	s28 =	sadd.s32 $0x500, s20;
	s21 =	sadd.s32 s3, s21  }
0x251: {  	[tilespmem:s28], [sflag:$0x1] =	stream.linear.gather [hbm4b:s21+s2], $0x40, $0x38;
	[tilespmem:$0x8400] =	vst v63  }
0x252: {  	s29 =	spop (v2sf);
	(v2sf) =	vpush v0, $0x6  }
0x253: {  	s30 =	sshra.s32 s29, $0x1F  }
0x254: {  	s22 =	sshrl.u32 s30, $0x1D  }
0x255: {  	s22 =	sadd.s32 s22, s29  }
0x256: {  	s31 =	sand.u32 $0xFFFFFFF8, s22  }
0x257: {  	p3 =	slt.s32 s29, $0x1;
	p4 =	sne.s32 s29, s31  }
0x258: {  	p0 =	por !p3, !p4  }
0x259: {  	s23 =	simm.s32 $0x1;
	p0 =	por !p0, !p0  }
0x25a: {  	s21 =	sshll.u32 s29, $0x6;
	s22 =	sshrl.u32 s22, $0x3;
	s23 =	simm.s32 @!p0 $0x0  }
0x25b: {  	s21 =	sadd.s32 $0x200, s21;
	s22 =	ssub.s32 s22, s23  }
0x25c: {  	s21 =	sand.u32 $0x1C0, s21;
	s22 =	sshll.u32 s22, $0x9  }
0x25d: {  	s21 =	sor.u32 s21, s22  }
0x25e: {  	s21 =	sshrl.u32 s21, $0x3  }
0x25f: {  	s23 =	sadd.s32 $0x540, s20;
	s21 =	sadd.s32 s3, s21  }
0x260: {  	[tilespmem:s23], [sflag:$0x1] =	stream.linear.gather [hbm4b:s21+s2], $0x40, $0x38;
	[tilespmem:$0x8400] =	vst v63  }
0x261: {  	s24 =	spop (v2sf);
	(v2sf) =	vpush v0, $0x7  }
0x262: {  	s25 =	sshra.s32 s24, $0x1F  }
0x263: {  	s22 =	sshrl.u32 s25, $0x1D  }
0x264: {  	s22 =	sadd.s32 s22, s24  }
0x265: {  	s26 =	sand.u32 $0xFFFFFFF8, s22  }
0x266: {  	p5 =	slt.s32 s24, $0x1;
	p6 =	sne.s32 s24, s26  }
0x267: {  	p0 =	por !p5, !p6  }
0x268: {  	s23 =	simm.s32 $0x1;
	p0 =	por !p0, !p0  }
0x269: {  	s21 =	sshll.u32 s24, $0x6;
	s22 =	sshrl.u32 s22, $0x3;
	s23 =	simm.s32 @!p0 $0x0  }
0x26a: {  	s21 =	sadd.s32 $0x200, s21;
	s22 =	ssub.s32 s22, s23  }
0x26b: {  	s21 =	sand.u32 $0x1C0, s21;
	s22 =	sshll.u32 s22, $0x9  }
0x26c: {  	s21 =	sor.u32 s21, s22  }
0x26d: {  	s21 =	sshrl.u32 s21, $0x3  }
0x26e: {  	s28 =	sadd.s32 $0x580, s20;
	s21 =	sadd.s32 s3, s21  }
0x26f: {  	[tilespmem:s28], [sflag:$0x1] =	stream.linear.gather [hbm4b:s21+s2], $0x40, $0x38;
	[tilespmem:$0x8400] =	vst v63  }
0x270: {  	s29 =	spop (v2sf);
	(v2sf) =	vpush v0, $0x8  }
0x271: {  	s30 =	sshra.s32 s29, $0x1F  }
0x272: {  	s22 =	sshrl.u32 s30, $0x1D  }
0x273: {  	s22 =	sadd.s32 s22, s29  }
0x274: {  	s31 =	sand.u32 $0xFFFFFFF8, s22  }
0x275: {  	p1 =	slt.s32 s29, $0x1;
	p2 =	sne.s32 s29, s31  }
0x276: {  	p0 =	por !p1, !p2  }
0x277: {  	s23 =	simm.s32 $0x1;
	p0 =	por !p0, !p0  }
0x278: {  	s21 =	sshll.u32 s29, $0x6;
	s22 =	sshrl.u32 s22, $0x3;
	s23 =	simm.s32 @!p0 $0x0  }
0x279: {  	s21 =	sadd.s32 $0x200, s21;
	s22 =	ssub.s32 s22, s23  }
0x27a: {  	s21 =	sand.u32 $0x1C0, s21;
	s22 =	sshll.u32 s22, $0x9  }
0x27b: {  	s21 =	sor.u32 s21, s22  }
0x27c: {  	s21 =	sshrl.u32 s21, $0x3  }
0x27d: {  	s23 =	sadd.s32 $0x5C0, s20;
	s21 =	sadd.s32 s3, s21  }
0x27e: {  	[tilespmem:s23], [sflag:$0x1] =	stream.linear.gather [hbm4b:s21+s2], $0x40, $0x38;
	[tilespmem:$0x8400] =	vst v63  }
0x27f: {  	s24 =	spop (v2sf);
	(v2sf) =	vpush v0, $0x9  }
0x280: {  	s25 =	sshra.s32 s24, $0x1F  }
0x281: {  	s22 =	sshrl.u32 s25, $0x1D  }
0x282: {  	s22 =	sadd.s32 s22, s24  }
0x283: {  	s26 =	sand.u32 $0xFFFFFFF8, s22  }
0x284: {  	p3 =	slt.s32 s24, $0x1;
	p4 =	sne.s32 s24, s26  }
0x285: {  	p0 =	por !p3, !p4  }
0x286: {  	s23 =	simm.s32 $0x1;
	p0 =	por !p0, !p0  }
0x287: {  	s21 =	sshll.u32 s24, $0x6;
	s22 =	sshrl.u32 s22, $0x3;
	s23 =	simm.s32 @!p0 $0x0  }
0x288: {  	s21 =	sadd.s32 $0x200, s21;
	s22 =	ssub.s32 s22, s23  }
0x289: {  	s21 =	sand.u32 $0x1C0, s21;
	s22 =	sshll.u32 s22, $0x9  }
0x28a: {  	s21 =	sor.u32 s21, s22  }
0x28b: {  	s21 =	sshrl.u32 s21, $0x3  }
0x28c: {  	s28 =	sadd.s32 $0x600, s20;
	s21 =	sadd.s32 s3, s21  }
0x28d: {  	[tilespmem:s28], [sflag:$0x1] =	stream.linear.gather [hbm4b:s21+s2], $0x40, $0x38;
	[tilespmem:$0x8400] =	vst v63  }
0x28e: {  	s29 =	spop (v2sf);
	(v2sf) =	vpush v0, $0xA  }
0x28f: {  	s30 =	sshra.s32 s29, $0x1F  }
0x290: {  	s22 =	sshrl.u32 s30, $0x1D  }
0x291: {  	s22 =	sadd.s32 s22, s29  }
0x292: {  	s31 =	sand.u32 $0xFFFFFFF8, s22  }
0x293: {  	p5 =	slt.s32 s29, $0x1;
	p6 =	sne.s32 s29, s31  }
0x294: {  	p0 =	por !p5, !p6  }
0x295: {  	s23 =	simm.s32 $0x1;
	p0 =	por !p0, !p0  }
0x296: {  	s21 =	sshll.u32 s29, $0x6;
	s22 =	sshrl.u32 s22, $0x3;
	s23 =	simm.s32 @!p0 $0x0  }
0x297: {  	s21 =	sadd.s32 $0x200, s21;
	s22 =	ssub.s32 s22, s23  }
0x298: {  	s21 =	sand.u32 $0x1C0, s21;
	s22 =	sshll.u32 s22, $0x9  }
0x299: {  	s21 =	sor.u32 s21, s22  }
0x29a: {  	s21 =	sshrl.u32 s21, $0x3  }
0x29b: {  	s23 =	sadd.s32 $0x640, s20;
	s21 =	sadd.s32 s3, s21  }
0x29c: {  	[tilespmem:s23], [sflag:$0x1] =	stream.linear.gather [hbm4b:s21+s2], $0x40, $0x38;
	[tilespmem:$0x8400] =	vst v63  }
0x29d: {  	s24 =	spop (v2sf);
	(v2sf) =	vpush v0, $0xB  }
0x29e: {  	s25 =	sshra.s32 s24, $0x1F  }
0x29f: {  	s22 =	sshrl.u32 s25, $0x1D  }
0x2a0: {  	s22 =	sadd.s32 s22, s24  }
0x2a1: {  	s26 =	sand.u32 $0xFFFFFFF8, s22  }
0x2a2: {  	p1 =	slt.s32 s24, $0x1;
	p2 =	sne.s32 s24, s26  }
0x2a3: {  	p0 =	por !p1, !p2  }
0x2a4: {  	s23 =	simm.s32 $0x1;
	p0 =	por !p0, !p0  }
0x2a5: {  	s21 =	sshll.u32 s24, $0x6;
	s22 =	sshrl.u32 s22, $0x3;
	s23 =	simm.s32 @!p0 $0x0  }
0x2a6: {  	s21 =	sadd.s32 $0x200, s21;
	s22 =	ssub.s32 s22, s23  }
0x2a7: {  	s21 =	sand.u32 $0x1C0, s21;
	s22 =	sshll.u32 s22, $0x9  }
0x2a8: {  	s21 =	sor.u32 s21, s22  }
0x2a9: {  	s21 =	sshrl.u32 s21, $0x3  }
0x2aa: {  	s28 =	sadd.s32 $0x680, s20;
	s21 =	sadd.s32 s3, s21  }
0x2ab: {  	[tilespmem:s28], [sflag:$0x1] =	stream.linear.gather [hbm4b:s21+s2], $0x40, $0x38;
	[tilespmem:$0x8400] =	vst v63  }
0x2ac: {  	s29 =	spop (v2sf);
	(v2sf) =	vpush v0, $0xC  }
0x2ad: {  	s30 =	sshra.s32 s29, $0x1F  }
0x2ae: {  	s22 =	sshrl.u32 s30, $0x1D  }
0x2af: {  	s22 =	sadd.s32 s22, s29  }
0x2b0: {  	s31 =	sand.u32 $0xFFFFFFF8, s22  }
0x2b1: {  	p3 =	slt.s32 s29, $0x1;
	p4 =	sne.s32 s29, s31  }
0x2b2: {  	p0 =	por !p3, !p4  }
0x2b3: {  	s23 =	simm.s32 $0x1;
	p0 =	por !p0, !p0  }
0x2b4: {  	s21 =	sshll.u32 s29, $0x6;
	s22 =	sshrl.u32 s22, $0x3;
	s23 =	simm.s32 @!p0 $0x0  }
0x2b5: {  	s21 =	sadd.s32 $0x200, s21;
	s22 =	ssub.s32 s22, s23  }
0x2b6: {  	s21 =	sand.u32 $0x1C0, s21;
	s22 =	sshll.u32 s22, $0x9  }
0x2b7: {  	s21 =	sor.u32 s21, s22  }
0x2b8: {  	s21 =	sshrl.u32 s21, $0x3  }
0x2b9: {  	s23 =	sadd.s32 $0x6C0, s20;
	s21 =	sadd.s32 s3, s21  }
0x2ba: {  	[tilespmem:s23], [sflag:$0x1] =	stream.linear.gather [hbm4b:s21+s2], $0x40, $0x38;
	[tilespmem:$0x8400] =	vst v63  }
0x2bb: {  	s24 =	spop (v2sf);
	(v2sf) =	vpush v0, $0xD  }
0x2bc: {  	s25 =	sshra.s32 s24, $0x1F  }
0x2bd: {  	s22 =	sshrl.u32 s25, $0x1D  }
0x2be: {  	s22 =	sadd.s32 s22, s24  }
0x2bf: {  	s26 =	sand.u32 $0xFFFFFFF8, s22  }
0x2c0: {  	p5 =	slt.s32 s24, $0x1;
	p6 =	sne.s32 s24, s26  }
0x2c1: {  	p0 =	por !p5, !p6  }
0x2c2: {  	s23 =	simm.s32 $0x1;
	p0 =	por !p0, !p0  }
0x2c3: {  	s21 =	sshll.u32 s24, $0x6;
	s22 =	sshrl.u32 s22, $0x3;
	s23 =	simm.s32 @!p0 $0x0  }
0x2c4: {  	s21 =	sadd.s32 $0x200, s21;
	s22 =	ssub.s32 s22, s23  }
0x2c5: {  	s21 =	sand.u32 $0x1C0, s21;
	s22 =	sshll.u32 s22, $0x9  }
0x2c6: {  	s21 =	sor.u32 s21, s22  }
0x2c7: {  	s21 =	sshrl.u32 s21, $0x3  }
0x2c8: {  	s28 =	sadd.s32 $0x700, s20;
	s21 =	sadd.s32 s3, s21  }
0x2c9: {  	[tilespmem:s28], [sflag:$0x1] =	stream.linear.gather [hbm4b:s21+s2], $0x40, $0x38;
	[tilespmem:$0x8400] =	vst v63  }
0x2ca: {  	s29 =	spop (v2sf);
	(v2sf) =	vpush v0, $0xE  }
0x2cb: {  	s30 =	sshra.s32 s29, $0x1F  }
0x2cc: {  	s22 =	sshrl.u32 s30, $0x1D  }
0x2cd: {  	s22 =	sadd.s32 s22, s29  }
0x2ce: {  	s31 =	sand.u32 $0xFFFFFFF8, s22  }
0x2cf: {  	p1 =	slt.s32 s29, $0x1;
	p2 =	sne.s32 s29, s31  }
0x2d0: {  	p0 =	por !p1, !p2  }
0x2d1: {  	s23 =	simm.s32 $0x1;
	p0 =	por !p0, !p0  }
0x2d2: {  	s21 =	sshll.u32 s29, $0x6;
	s22 =	sshrl.u32 s22, $0x3;
	s23 =	simm.s32 @!p0 $0x0  }
0x2d3: {  	s21 =	sadd.s32 $0x200, s21;
	s22 =	ssub.s32 s22, s23  }
0x2d4: {  	s21 =	sand.u32 $0x1C0, s21;
	s22 =	sshll.u32 s22, $0x9  }
0x2d5: {  	s21 =	sor.u32 s21, s22  }
0x2d6: {  	s21 =	sshrl.u32 s21, $0x3  }
0x2d7: {  	s23 =	sadd.s32 $0x740, s20;
	s21 =	sadd.s32 s3, s21  }
0x2d8: {  	[tilespmem:s23], [sflag:$0x1] =	stream.linear.gather [hbm4b:s21+s2], $0x40, $0x38;
	[tilespmem:$0x8400] =	vst v63  }
0x2d9: {  	s24 =	spop (v2sf);
	(v2sf) =	vpush v0, $0xF  }
0x2da: {  	s25 =	sshra.s32 s24, $0x1F  }
0x2db: {  	s22 =	sshrl.u32 s25, $0x1D  }
0x2dc: {  	s22 =	sadd.s32 s22, s24  }
0x2dd: {  	s26 =	sand.u32 $0xFFFFFFF8, s22  }
0x2de: {  	p3 =	slt.s32 s24, $0x1;
	p4 =	sne.s32 s24, s26  }
0x2df: {  	p0 =	por !p3, !p4  }
0x2e0: {  	s23 =	simm.s32 $0x1;
	p0 =	por !p0, !p0  }
0x2e1: {  	s21 =	sshll.u32 s24, $0x6;
	s22 =	sshrl.u32 s22, $0x3;
	s23 =	simm.s32 @!p0 $0x0  }
0x2e2: {  	s21 =	sadd.s32 $0x200, s21;
	s22 =	ssub.s32 s22, s23  }
0x2e3: {  	s21 =	sand.u32 $0x1C0, s21;
	s22 =	sshll.u32 s22, $0x9  }
0x2e4: {  	s21 =	sor.u32 s21, s22  }
0x2e5: {  	s21 =	sshrl.u32 s21, $0x3  }
0x2e6: {  	s28 =	sadd.s32 $0x780, s20;
	s21 =	sadd.s32 s3, s21  }
0x2e7: {  	[tilespmem:s28], [sflag:$0x1] =	stream.linear.gather [hbm4b:s21+s2], $0x40, $0x38;
	[tilespmem:$0x8400] =	vst v63  }
0x2e8: {  	s29 =	spop (v2sf)  }
0x2e9: {  	s30 =	sshra.s32 s29, $0x1F  }
0x2ea: {  	s22 =	sshrl.u32 s30, $0x1D  }
0x2eb: {  	s22 =	sadd.s32 s22, s29  }
0x2ec: {  	s31 =	sand.u32 $0xFFFFFFF8, s22  }
0x2ed: {  	p5 =	slt.s32 s29, $0x1;
	p6 =	sne.s32 s29, s31  }
0x2ee: {  	p0 =	por !p5, !p6  }
0x2ef: {  	s23 =	simm.s32 $0x1;
	p0 =	por !p0, !p0  }
0x2f0: {  	s21 =	sshll.u32 s29, $0x6;
	s22 =	sshrl.u32 s22, $0x3;
	s23 =	simm.s32 @!p0 $0x0  }
0x2f1: {  	s21 =	sadd.s32 $0x200, s21;
	p0 =	sne.s32 s18, $0xF000;
	s22 =	ssub.s32 s22, s23  }
.Ltmp2:
0x2f2: {  	s21 =	sand.u32 $0x1C0, s21;
	s22 =	sshll.u32 s22, $0x9;
	(pc) =	sbr.rel @p0 .LBB2_6-.Ltmp2, $4  }
0x2f3: {  	s21 =	sor.u32 s21, s22  }
0x2f4: {  	s19 =	sadd.s32 $0x10, s19;
	s21 =	sshrl.u32 s21, $0x3  }
0x2f5: {  	s20 =	sadd.s32 $0x7C0, s20;
	s18 =	sadd.s32 $0x1000, s18;
	s21 =	sadd.s32 s3, s21  }
0x2f6: {  	[tilespmem:s20], [sflag:$0x1] =	stream.linear.gather [hbm4b:s21+s2], $0x40, $0x38;
	[tilespmem:$0x8400] =	vst v63  }
0x2f7: {  	_ =	swait.ge [sflag:s15], $0x4000  }
0x2f8: {  	[sflag:s15] =	ssyncset.done $0x0  }
0x2f9: {  	s18 =	simm.s32 $0x0;
	[sflag:s15] =	ssyncadd.s32 $0xFFFFC000  }
0x2fa: {  	[hbm4b:s7+s18] =	stream.linear.scatter [tilespmem:s16], [sflag:$0x3], $0x4000, $0x38;
	[tilespmem:$0x8400] =	vst v63  }
0x2fb: {  	_ =	swait.ge [sflag:s11], $0x4000  }
0x2fc: {  	[sflag:s11] =	ssyncset.done $0x0  }
0x2fd: {  	s19 =	simm.s32 $0x300;
	[sflag:s11] =	ssyncadd.s32 $0xFFFFC000  }
.LBB2_8:
0x2fe: {  	v0 =	vld [tilespmem:s19+$0x0];
	_ =	sdelay $0x4  }
0x2ff: {  	(v2sf) =	vpush v0, $0x0;
	_ =	sdelay $0xe  }
0x300: {  	s20 =	spop (v2sf);
	(v2sf) =	vpush v0, $0x1  }
0x301: {  	s21 =	sshra.s32 s20, $0x1F  }
0x302: {  	s21 =	sshrl.u32 s21, $0x1D  }
0x303: {  	s21 =	sadd.s32 s21, s20  }
0x304: {  	s22 =	sand.u32 $0xFFFFFFF8, s21  }
0x305: {  	p0 =	slt.s32 s20, $0x1;
	p1 =	sne.s32 s20, s22  }
0x306: {  	p0 =	por !p0, !p1  }
0x307: {  	s22 =	simm.s32 $0x1;
	p0 =	por !p0, !p0  }
0x308: {  	s21 =	sshrl.u32 s21, $0x3;
	s20 =	sshll.u32 s20, $0x6;
	s22 =	simm.s32 @!p0 $0x0  }
0x309: {  	s20 =	sadd.s32 $0x200, s20;
	s21 =	ssub.s32 s21, s22  }
0x30a: {  	s20 =	sand.u32 $0x1C0, s20;
	s21 =	sshll.u32 s21, $0x9  }
0x30b: {  	s21 =	sor.u32 s20, s21  }
0x30c: {  	s20 =	sshra.s32 s18, $0x2;
	s21 =	sshrl.u32 s21, $0x3  }
0x30d: {  	s29 =	sadd.s32 $0x4400, s20;
	s21 =	sadd.s32 s3, s21  }
0x30e: {  	[tilespmem:s29], [sflag:$0x2] =	stream.linear.gather [hbm4b:s21+s2], $0x40, $0x38;
	[tilespmem:$0x8400] =	vst v63  }
0x30f: {  	s30 =	spop (v2sf);
	(v2sf) =	vpush v0, $0x2  }
0x310: {  	s31 =	sshra.s32 s30, $0x1F  }
0x311: {  	s22 =	sshrl.u32 s31, $0x1D  }
0x312: {  	s22 =	sadd.s32 s22, s30  }
0x313: {  	s23 =	sand.u32 $0xFFFFFFF8, s22  }
0x314: {  	p1 =	slt.s32 s30, $0x1;
	p2 =	sne.s32 s30, s23  }
0x315: {  	p0 =	por !p1, !p2  }
0x316: {  	s23 =	simm.s32 $0x1;
	p0 =	por !p0, !p0  }
0x317: {  	s21 =	sshll.u32 s30, $0x6;
	s22 =	sshrl.u32 s22, $0x3;
	s23 =	simm.s32 @!p0 $0x0  }
0x318: {  	s21 =	sadd.s32 $0x200, s21;
	s22 =	ssub.s32 s22, s23  }
0x319: {  	s21 =	sand.u32 $0x1C0, s21;
	s22 =	sshll.u32 s22, $0x9  }
0x31a: {  	s21 =	sor.u32 s21, s22  }
0x31b: {  	s21 =	sshrl.u32 s21, $0x3  }
0x31c: {  	s23 =	sadd.s32 $0x4440, s20;
	s21 =	sadd.s32 s3, s21  }
0x31d: {  	[tilespmem:s23], [sflag:$0x2] =	stream.linear.gather [hbm4b:s21+s2], $0x40, $0x38;
	[tilespmem:$0x8400] =	vst v63  }
0x31e: {  	s24 =	spop (v2sf);
	(v2sf) =	vpush v0, $0x3  }
0x31f: {  	s25 =	sshra.s32 s24, $0x1F  }
0x320: {  	s22 =	sshrl.u32 s25, $0x1D  }
0x321: {  	s22 =	sadd.s32 s22, s24  }
0x322: {  	s26 =	sand.u32 $0xFFFFFFF8, s22  }
0x323: {  	p3 =	slt.s32 s24, $0x1;
	p4 =	sne.s32 s24, s26  }
0x324: {  	p0 =	por !p3, !p4  }
0x325: {  	s23 =	simm.s32 $0x1;
	p0 =	por !p0, !p0  }
0x326: {  	s21 =	sshll.u32 s24, $0x6;
	s22 =	sshrl.u32 s22, $0x3;
	s23 =	simm.s32 @!p0 $0x0  }
0x327: {  	s21 =	sadd.s32 $0x200, s21;
	s22 =	ssub.s32 s22, s23  }
0x328: {  	s21 =	sand.u32 $0x1C0, s21;
	s22 =	sshll.u32 s22, $0x9  }
0x329: {  	s21 =	sor.u32 s21, s22  }
0x32a: {  	s21 =	sshrl.u32 s21, $0x3  }
0x32b: {  	s28 =	sadd.s32 $0x4480, s20;
	s21 =	sadd.s32 s3, s21  }
0x32c: {  	[tilespmem:s28], [sflag:$0x2] =	stream.linear.gather [hbm4b:s21+s2], $0x40, $0x38;
	[tilespmem:$0x8400] =	vst v63  }
0x32d: {  	s29 =	spop (v2sf);
	(v2sf) =	vpush v0, $0x4  }
0x32e: {  	s30 =	sshra.s32 s29, $0x1F  }
0x32f: {  	s22 =	sshrl.u32 s30, $0x1D  }
0x330: {  	s22 =	sadd.s32 s22, s29  }
0x331: {  	s31 =	sand.u32 $0xFFFFFFF8, s22  }
0x332: {  	p5 =	slt.s32 s29, $0x1;
	p6 =	sne.s32 s29, s31  }
0x333: {  	p0 =	por !p5, !p6  }
0x334: {  	s23 =	simm.s32 $0x1;
	p0 =	por !p0, !p0  }
0x335: {  	s21 =	sshll.u32 s29, $0x6;
	s22 =	sshrl.u32 s22, $0x3;
	s23 =	simm.s32 @!p0 $0x0  }
0x336: {  	s21 =	sadd.s32 $0x200, s21;
	s22 =	ssub.s32 s22, s23  }
0x337: {  	s21 =	sand.u32 $0x1C0, s21;
	s22 =	sshll.u32 s22, $0x9  }
0x338: {  	s21 =	sor.u32 s21, s22  }
0x339: {  	s21 =	sshrl.u32 s21, $0x3  }
0x33a: {  	s23 =	sadd.s32 $0x44C0, s20;
	s21 =	sadd.s32 s3, s21  }
0x33b: {  	[tilespmem:s23], [sflag:$0x2] =	stream.linear.gather [hbm4b:s21+s2], $0x40, $0x38;
	[tilespmem:$0x8400] =	vst v63  }
0x33c: {  	s24 =	spop (v2sf);
	(v2sf) =	vpush v0, $0x5  }
0x33d: {  	s25 =	sshra.s32 s24, $0x1F  }
0x33e: {  	s22 =	sshrl.u32 s25, $0x1D  }
0x33f: {  	s22 =	sadd.s32 s22, s24  }
0x340: {  	s26 =	sand.u32 $0xFFFFFFF8, s22  }
0x341: {  	p1 =	slt.s32 s24, $0x1;
	p2 =	sne.s32 s24, s26  }
0x342: {  	p0 =	por !p1, !p2  }
0x343: {  	s23 =	simm.s32 $0x1;
	p0 =	por !p0, !p0  }
0x344: {  	s21 =	sshll.u32 s24, $0x6;
	s22 =	sshrl.u32 s22, $0x3;
	s23 =	simm.s32 @!p0 $0x0  }
0x345: {  	s21 =	sadd.s32 $0x200, s21;
	s22 =	ssub.s32 s22, s23  }
0x346: {  	s21 =	sand.u32 $0x1C0, s21;
	s22 =	sshll.u32 s22, $0x9  }
0x347: {  	s21 =	sor.u32 s21, s22  }
0x348: {  	s21 =	sshrl.u32 s21, $0x3  }
0x349: {  	s28 =	sadd.s32 $0x4500, s20;
	s21 =	sadd.s32 s3, s21  }
0x34a: {  	[tilespmem:s28], [sflag:$0x2] =	stream.linear.gather [hbm4b:s21+s2], $0x40, $0x38;
	[tilespmem:$0x8400] =	vst v63  }
0x34b: {  	s29 =	spop (v2sf);
	(v2sf) =	vpush v0, $0x6  }
0x34c: {  	s30 =	sshra.s32 s29, $0x1F  }
0x34d: {  	s22 =	sshrl.u32 s30, $0x1D  }
0x34e: {  	s22 =	sadd.s32 s22, s29  }
0x34f: {  	s31 =	sand.u32 $0xFFFFFFF8, s22  }
0x350: {  	p3 =	slt.s32 s29, $0x1;
	p4 =	sne.s32 s29, s31  }
0x351: {  	p0 =	por !p3, !p4  }
0x352: {  	s23 =	simm.s32 $0x1;
	p0 =	por !p0, !p0  }
0x353: {  	s21 =	sshll.u32 s29, $0x6;
	s22 =	sshrl.u32 s22, $0x3;
	s23 =	simm.s32 @!p0 $0x0  }
0x354: {  	s21 =	sadd.s32 $0x200, s21;
	s22 =	ssub.s32 s22, s23  }
0x355: {  	s21 =	sand.u32 $0x1C0, s21;
	s22 =	sshll.u32 s22, $0x9  }
0x356: {  	s21 =	sor.u32 s21, s22  }
0x357: {  	s21 =	sshrl.u32 s21, $0x3  }
0x358: {  	s23 =	sadd.s32 $0x4540, s20;
	s21 =	sadd.s32 s3, s21  }
0x359: {  	[tilespmem:s23], [sflag:$0x2] =	stream.linear.gather [hbm4b:s21+s2], $0x40, $0x38;
	[tilespmem:$0x8400] =	vst v63  }
0x35a: {  	s24 =	spop (v2sf);
	(v2sf) =	vpush v0, $0x7  }
0x35b: {  	s25 =	sshra.s32 s24, $0x1F  }
0x35c: {  	s22 =	sshrl.u32 s25, $0x1D  }
0x35d: {  	s22 =	sadd.s32 s22, s24  }
0x35e: {  	s26 =	sand.u32 $0xFFFFFFF8, s22  }
0x35f: {  	p5 =	slt.s32 s24, $0x1;
	p6 =	sne.s32 s24, s26  }
0x360: {  	p0 =	por !p5, !p6  }
0x361: {  	s23 =	simm.s32 $0x1;
	p0 =	por !p0, !p0  }
0x362: {  	s21 =	sshll.u32 s24, $0x6;
	s22 =	sshrl.u32 s22, $0x3;
	s23 =	simm.s32 @!p0 $0x0  }
0x363: {  	s21 =	sadd.s32 $0x200, s21;
	s22 =	ssub.s32 s22, s23  }
0x364: {  	s21 =	sand.u32 $0x1C0, s21;
	s22 =	sshll.u32 s22, $0x9  }
0x365: {  	s21 =	sor.u32 s21, s22  }
0x366: {  	s21 =	sshrl.u32 s21, $0x3  }
0x367: {  	s28 =	sadd.s32 $0x4580, s20;
	s21 =	sadd.s32 s3, s21  }
0x368: {  	[tilespmem:s28], [sflag:$0x2] =	stream.linear.gather [hbm4b:s21+s2], $0x40, $0x38;
	[tilespmem:$0x8400] =	vst v63  }
0x369: {  	s29 =	spop (v2sf);
	(v2sf) =	vpush v0, $0x8  }
0x36a: {  	s30 =	sshra.s32 s29, $0x1F  }
0x36b: {  	s22 =	sshrl.u32 s30, $0x1D  }
0x36c: {  	s22 =	sadd.s32 s22, s29  }
0x36d: {  	s31 =	sand.u32 $0xFFFFFFF8, s22  }
0x36e: {  	p1 =	slt.s32 s29, $0x1;
	p2 =	sne.s32 s29, s31  }
0x36f: {  	p0 =	por !p1, !p2  }
0x370: {  	s23 =	simm.s32 $0x1;
	p0 =	por !p0, !p0  }
0x371: {  	s21 =	sshll.u32 s29, $0x6;
	s22 =	sshrl.u32 s22, $0x3;
	s23 =	simm.s32 @!p0 $0x0  }
0x372: {  	s21 =	sadd.s32 $0x200, s21;
	s22 =	ssub.s32 s22, s23  }
0x373: {  	s21 =	sand.u32 $0x1C0, s21;
	s22 =	sshll.u32 s22, $0x9  }
0x374: {  	s21 =	sor.u32 s21, s22  }
0x375: {  	s21 =	sshrl.u32 s21, $0x3  }
0x376: {  	s23 =	sadd.s32 $0x45C0, s20;
	s21 =	sadd.s32 s3, s21  }
0x377: {  	[tilespmem:s23], [sflag:$0x2] =	stream.linear.gather [hbm4b:s21+s2], $0x40, $0x38;
	[tilespmem:$0x8400] =	vst v63  }
0x378: {  	s24 =	spop (v2sf);
	(v2sf) =	vpush v0, $0x9  }
0x379: {  	s25 =	sshra.s32 s24, $0x1F  }
0x37a: {  	s22 =	sshrl.u32 s25, $0x1D  }
0x37b: {  	s22 =	sadd.s32 s22, s24  }
0x37c: {  	s26 =	sand.u32 $0xFFFFFFF8, s22  }
0x37d: {  	p3 =	slt.s32 s24, $0x1;
	p4 =	sne.s32 s24, s26  }
0x37e: {  	p0 =	por !p3, !p4  }
0x37f: {  	s23 =	simm.s32 $0x1;
	p0 =	por !p0, !p0  }
0x380: {  	s21 =	sshll.u32 s24, $0x6;
	s22 =	sshrl.u32 s22, $0x3;
	s23 =	simm.s32 @!p0 $0x0  }
0x381: {  	s21 =	sadd.s32 $0x200, s21;
	s22 =	ssub.s32 s22, s23  }
0x382: {  	s21 =	sand.u32 $0x1C0, s21;
	s22 =	sshll.u32 s22, $0x9  }
0x383: {  	s21 =	sor.u32 s21, s22  }
0x384: {  	s21 =	sshrl.u32 s21, $0x3  }
0x385: {  	s28 =	sadd.s32 $0x4600, s20;
	s21 =	sadd.s32 s3, s21  }
0x386: {  	[tilespmem:s28], [sflag:$0x2] =	stream.linear.gather [hbm4b:s21+s2], $0x40, $0x38;
	[tilespmem:$0x8400] =	vst v63  }
0x387: {  	s29 =	spop (v2sf);
	(v2sf) =	vpush v0, $0xA  }
0x388: {  	s30 =	sshra.s32 s29, $0x1F  }
0x389: {  	s22 =	sshrl.u32 s30, $0x1D  }
0x38a: {  	s22 =	sadd.s32 s22, s29  }
0x38b: {  	s31 =	sand.u32 $0xFFFFFFF8, s22  }
0x38c: {  	p5 =	slt.s32 s29, $0x1;
	p6 =	sne.s32 s29, s31  }
0x38d: {  	p0 =	por !p5, !p6  }
0x38e: {  	s23 =	simm.s32 $0x1;
	p0 =	por !p0, !p0  }
0x38f: {  	s21 =	sshll.u32 s29, $0x6;
	s22 =	sshrl.u32 s22, $0x3;
	s23 =	simm.s32 @!p0 $0x0  }
0x390: {  	s21 =	sadd.s32 $0x200, s21;
	s22 =	ssub.s32 s22, s23  }
0x391: {  	s21 =	sand.u32 $0x1C0, s21;
	s22 =	sshll.u32 s22, $0x9  }
0x392: {  	s21 =	sor.u32 s21, s22  }
0x393: {  	s21 =	sshrl.u32 s21, $0x3  }
0x394: {  	s23 =	sadd.s32 $0x4640, s20;
	s21 =	sadd.s32 s3, s21  }
0x395: {  	[tilespmem:s23], [sflag:$0x2] =	stream.linear.gather [hbm4b:s21+s2], $0x40, $0x38;
	[tilespmem:$0x8400] =	vst v63  }
0x396: {  	s24 =	spop (v2sf);
	(v2sf) =	vpush v0, $0xB  }
0x397: {  	s25 =	sshra.s32 s24, $0x1F  }
0x398: {  	s22 =	sshrl.u32 s25, $0x1D  }
0x399: {  	s22 =	sadd.s32 s22, s24  }
0x39a: {  	s26 =	sand.u32 $0xFFFFFFF8, s22  }
0x39b: {  	p1 =	slt.s32 s24, $0x1;
	p2 =	sne.s32 s24, s26  }
0x39c: {  	p0 =	por !p1, !p2  }
0x39d: {  	s23 =	simm.s32 $0x1;
	p0 =	por !p0, !p0  }
0x39e: {  	s21 =	sshll.u32 s24, $0x6;
	s22 =	sshrl.u32 s22, $0x3;
	s23 =	simm.s32 @!p0 $0x0  }
0x39f: {  	s21 =	sadd.s32 $0x200, s21;
	s22 =	ssub.s32 s22, s23  }
0x3a0: {  	s21 =	sand.u32 $0x1C0, s21;
	s22 =	sshll.u32 s22, $0x9  }
0x3a1: {  	s21 =	sor.u32 s21, s22  }
0x3a2: {  	s21 =	sshrl.u32 s21, $0x3  }
0x3a3: {  	s28 =	sadd.s32 $0x4680, s20;
	s21 =	sadd.s32 s3, s21  }
0x3a4: {  	[tilespmem:s28], [sflag:$0x2] =	stream.linear.gather [hbm4b:s21+s2], $0x40, $0x38;
	[tilespmem:$0x8400] =	vst v63  }
0x3a5: {  	s29 =	spop (v2sf);
	(v2sf) =	vpush v0, $0xC  }
0x3a6: {  	s30 =	sshra.s32 s29, $0x1F  }
0x3a7: {  	s22 =	sshrl.u32 s30, $0x1D  }
0x3a8: {  	s22 =	sadd.s32 s22, s29  }
0x3a9: {  	s31 =	sand.u32 $0xFFFFFFF8, s22  }
0x3aa: {  	p3 =	slt.s32 s29, $0x1;
	p4 =	sne.s32 s29, s31  }
0x3ab: {  	p0 =	por !p3, !p4  }
0x3ac: {  	s23 =	simm.s32 $0x1;
	p0 =	por !p0, !p0  }
0x3ad: {  	s21 =	sshll.u32 s29, $0x6;
	s22 =	sshrl.u32 s22, $0x3;
	s23 =	simm.s32 @!p0 $0x0  }
0x3ae: {  	s21 =	sadd.s32 $0x200, s21;
	s22 =	ssub.s32 s22, s23  }
0x3af: {  	s21 =	sand.u32 $0x1C0, s21;
	s22 =	sshll.u32 s22, $0x9  }
0x3b0: {  	s21 =	sor.u32 s21, s22  }
0x3b1: {  	s21 =	sshrl.u32 s21, $0x3  }
0x3b2: {  	s23 =	sadd.s32 $0x46C0, s20;
	s21 =	sadd.s32 s3, s21  }
0x3b3: {  	[tilespmem:s23], [sflag:$0x2] =	stream.linear.gather [hbm4b:s21+s2], $0x40, $0x38;
	[tilespmem:$0x8400] =	vst v63  }
0x3b4: {  	s24 =	spop (v2sf);
	(v2sf) =	vpush v0, $0xD  }
0x3b5: {  	s25 =	sshra.s32 s24, $0x1F  }
0x3b6: {  	s22 =	sshrl.u32 s25, $0x1D  }
0x3b7: {  	s22 =	sadd.s32 s22, s24  }
0x3b8: {  	s26 =	sand.u32 $0xFFFFFFF8, s22  }
0x3b9: {  	p5 =	slt.s32 s24, $0x1;
	p6 =	sne.s32 s24, s26  }
0x3ba: {  	p0 =	por !p5, !p6  }
0x3bb: {  	s23 =	simm.s32 $0x1;
	p0 =	por !p0, !p0  }
0x3bc: {  	s21 =	sshll.u32 s24, $0x6;
	s22 =	sshrl.u32 s22, $0x3;
	s23 =	simm.s32 @!p0 $0x0  }
0x3bd: {  	s21 =	sadd.s32 $0x200, s21;
	s22 =	ssub.s32 s22, s23  }
0x3be: {  	s21 =	sand.u32 $0x1C0, s21;
	s22 =	sshll.u32 s22, $0x9  }
0x3bf: {  	s21 =	sor.u32 s21, s22  }
0x3c0: {  	s21 =	sshrl.u32 s21, $0x3  }
0x3c1: {  	s28 =	sadd.s32 $0x4700, s20;
	s21 =	sadd.s32 s3, s21  }
0x3c2: {  	[tilespmem:s28], [sflag:$0x2] =	stream.linear.gather [hbm4b:s21+s2], $0x40, $0x38;
	[tilespmem:$0x8400] =	vst v63  }
0x3c3: {  	s29 =	spop (v2sf);
	(v2sf) =	vpush v0, $0xE  }
0x3c4: {  	s30 =	sshra.s32 s29, $0x1F  }
0x3c5: {  	s22 =	sshrl.u32 s30, $0x1D  }
0x3c6: {  	s22 =	sadd.s32 s22, s29  }
0x3c7: {  	s31 =	sand.u32 $0xFFFFFFF8, s22  }
0x3c8: {  	p1 =	slt.s32 s29, $0x1;
	p2 =	sne.s32 s29, s31  }
0x3c9: {  	p0 =	por !p1, !p2  }
0x3ca: {  	s23 =	simm.s32 $0x1;
	p0 =	por !p0, !p0  }
0x3cb: {  	s21 =	sshll.u32 s29, $0x6;
	s22 =	sshrl.u32 s22, $0x3;
	s23 =	simm.s32 @!p0 $0x0  }
0x3cc: {  	s21 =	sadd.s32 $0x200, s21;
	s22 =	ssub.s32 s22, s23  }
0x3cd: {  	s21 =	sand.u32 $0x1C0, s21;
	s22 =	sshll.u32 s22, $0x9  }
0x3ce: {  	s21 =	sor.u32 s21, s22  }
0x3cf: {  	s21 =	sshrl.u32 s21, $0x3  }
0x3d0: {  	s23 =	sadd.s32 $0x4740, s20;
	s21 =	sadd.s32 s3, s21  }
0x3d1: {  	[tilespmem:s23], [sflag:$0x2] =	stream.linear.gather [hbm4b:s21+s2], $0x40, $0x38;
	[tilespmem:$0x8400] =	vst v63  }
0x3d2: {  	s24 =	spop (v2sf);
	(v2sf) =	vpush v0, $0xF  }
0x3d3: {  	s25 =	sshra.s32 s24, $0x1F  }
0x3d4: {  	s22 =	sshrl.u32 s25, $0x1D  }
0x3d5: {  	s22 =	sadd.s32 s22, s24  }
0x3d6: {  	s26 =	sand.u32 $0xFFFFFFF8, s22  }
0x3d7: {  	p3 =	slt.s32 s24, $0x1;
	p4 =	sne.s32 s24, s26  }
0x3d8: {  	p0 =	por !p3, !p4  }
0x3d9: {  	s23 =	simm.s32 $0x1;
	p0 =	por !p0, !p0  }
0x3da: {  	s21 =	sshll.u32 s24, $0x6;
	s22 =	sshrl.u32 s22, $0x3;
	s23 =	simm.s32 @!p0 $0x0  }
0x3db: {  	s21 =	sadd.s32 $0x200, s21;
	s22 =	ssub.s32 s22, s23  }
0x3dc: {  	s21 =	sand.u32 $0x1C0, s21;
	s22 =	sshll.u32 s22, $0x9  }
0x3dd: {  	s21 =	sor.u32 s21, s22  }
0x3de: {  	s21 =	sshrl.u32 s21, $0x3  }
0x3df: {  	s28 =	sadd.s32 $0x4780, s20;
	s21 =	sadd.s32 s3, s21  }
0x3e0: {  	[tilespmem:s28], [sflag:$0x2] =	stream.linear.gather [hbm4b:s21+s2], $0x40, $0x38;
	[tilespmem:$0x8400] =	vst v63  }
0x3e1: {  	s29 =	spop (v2sf)  }
0x3e2: {  	s30 =	sshra.s32 s29, $0x1F  }
0x3e3: {  	s22 =	sshrl.u32 s30, $0x1D  }
0x3e4: {  	s22 =	sadd.s32 s22, s29  }
0x3e5: {  	s31 =	sand.u32 $0xFFFFFFF8, s22  }
0x3e6: {  	p5 =	slt.s32 s29, $0x1;
	p6 =	sne.s32 s29, s31  }
0x3e7: {  	p0 =	por !p5, !p6  }
0x3e8: {  	s23 =	simm.s32 $0x1;
	p0 =	por !p0, !p0  }
0x3e9: {  	s21 =	sshll.u32 s29, $0x6;
	s22 =	sshrl.u32 s22, $0x3;
	s23 =	simm.s32 @!p0 $0x0  }
0x3ea: {  	s21 =	sadd.s32 $0x200, s21;
	p0 =	sne.s32 s18, $0xF000;
	s22 =	ssub.s32 s22, s23  }
.Ltmp3:
0x3eb: {  	s21 =	sand.u32 $0x1C0, s21;
	s22 =	sshll.u32 s22, $0x9;
	(pc) =	sbr.rel @p0 .LBB2_8-.Ltmp3, $4  }
0x3ec: {  	s21 =	sor.u32 s21, s22  }
0x3ed: {  	s19 =	sadd.s32 $0x10, s19;
	s21 =	sshrl.u32 s21, $0x3  }
0x3ee: {  	s20 =	sadd.s32 $0x47C0, s20;
	s18 =	sadd.s32 $0x1000, s18;
	s21 =	sadd.s32 s3, s21  }
0x3ef: {  	[tilespmem:s20], [sflag:$0x2] =	stream.linear.gather [hbm4b:s21+s2], $0x40, $0x38;
	[tilespmem:$0x8400] =	vst v63  }
0x3f0: {  	_ =	swait.ge [sflag:s13], $0x4000  }
0x3f1: {  	[sflag:s13] =	ssyncset.done $0x0  }
0x3f2: {  	[sflag:s13] =	ssyncadd.s32 $0xFFFFC000  }
0x3f3: {  	[hbm4b:s8+s2] =	stream.linear.scatter [tilespmem:s14], [sflag:$0x3], $0x4000, $0x38;
	[tilespmem:$0x8400] =	vst v63  }
0x3f4: {  	_ =	swait.ge [sflag:s11], $0x4000  }
0x3f5: {  	[sflag:s11] =	ssyncset.done $0x0  }
0x3f6: {  	[sflag:s11] =	ssyncadd.s32 $0xFFFFC000  }
0x3f7: {  	s17 =	sadd.s32 $0x1, s17;
	_ =	swait.ge [sflag:s15], $0x4000  }
0x3f8: {  	p0 =	sne.s32 s17, s10;
	[sflag:s15] =	ssyncset.done $0x0  }
.Ltmp4:
0x3f9: {  	[sflag:s15] =	ssyncadd.s32 $0xFFFFC000;
	(pc) =	sbr.rel @p0 .LBB2_1-.Ltmp4, $4  }
0x3fa: {  	[hbm4b:s9+s2] =	stream.linear.scatter [tilespmem:s16], [sflag:$0x3], $0x4000, $0x38;
	[tilespmem:$0x8400] =	vst v63  }
0x3fb: {  	_ =	swait.ge [sflag:s11], $0x4000  }
0x3fc: {  	[sflag:s11] =	ssyncset.done $0x0  }
0x3fd: {  	[sflag:s11] =	ssyncadd.s32 $0xFFFFC000  }
0x3fe: {  	_ =	sfence.sel $0x180000  }
0x3ff: {  	[bflag:$0x0] =	sbarrier.arrive $0xFFFF  }
0x400: {  	p0 =	sne.s32 s1, $0x0;
	_ =	strace $0x90000047  }
0x401: {  	s0 =	sadd.s32 @!p0 $0x100000, s0;
	[bflag:$0x2] =	sbarrier.arrive $0xFFFF  }
0x402: {  	[sflag:s0] =	ssyncadd.tile.s32 @!p0 $0x1;
	_ =	shalt  }
.Lfunc_end2:
_tile_overlayer_lowered:
.L_overlay_start_2:
0x403: {  	(tag) =	ssettag $0x2  }
0x404: {  	s0 =	rddreg [dreg:$0x0];
	s2 =	stileid.u32  }
0x405: {  	s1 =	rddreg [dreg:$0x1];
	p0 =	sne.s32 s2, $0x0  }
0x406: {  	s3 =	rddreg [dreg:$0x2];
	[bflag:$0x3] =	sbarrier.arrive $0xFFFF;
	s2 =	simm.s32 @!p0 $0x1C03  }
0x407: {  	[timem:s3], [sflag:s2] =	dma.local @!p0 [hbm:s0], s1  }
0x408: {  	s0 =	simm.s32 @!p0 $0x3  }
0x409: {  	_ =	swait.ge @!p0 [sflag:s0], s1  }
0x40a: {  	s1 =	ssub.s32 @!p0 $0x0, s1;
	[sflag:s0] =	ssyncset.done @!p0 $0x0  }
0x40b: {  	[sflag:s0] =	ssyncadd.s32 @!p0 s1  }
0x40c: {  	[bflag:$0x3] =	sbarrier.arrive $0xFFFF  }
0x40d: {  	_ =	shalt  }

</sc_bundles>
